<compile_context>
chip_gen: v7x
topology: tpu7x:2x2x1
jax: 0.10.2.dev20260603
libtpu: 0.0.44.dev20260713+nightly
codegen_flags: <defaults>
</compile_context>

<pallas_src>
import functools

import jax
import jax.numpy as jnp
from jax import lax
from jax.experimental import pallas as pl
from jax.experimental.pallas import tpu as pltpu
from jax.experimental.pallas import tpu_sc as plsc

BATCH = 32
MEM_SIZE = 4096
N_MEM = 128

ROWS = BATCH * MEM_SIZE
NW = 32
RPW = ROWS // NW
BLK = 128
NBLK = RPW // BLK
L = 16
NBUF = 7
BIG = 1 << 30


def _sc_body(mem_hbm, pos_hbm, new_hbm, out_hbm,
             pos_v, idx_new, idx_mem, buf,
             sg0, sg1, sg2, sg3, sg4, sg5, sg6,
             ss0, ss1, ss2, ss3, ss4, ss5, ss6):
    wid = lax.axis_index("s") * 2 + lax.axis_index("c")
    base = wid * RPW

    pltpu.sync_copy(pos_hbm.at[pl.ds(base, RPW)], pos_v)

    iota = lax.iota(jnp.int32, L)
    zero_v = jnp.broadcast_to(jnp.int32(0), (L,))
    big_v = jnp.broadcast_to(jnp.int32(BIG), (L,))

    def compact_step(j, carry):
        cnt_new_v, first_new_v, cnt_mem_v, first_mem_v = carry
        pos16 = pos_v[pl.ds(j * L, L)]
        rowvec = base + j * L + iota
        mask_new = pos16 == 1
        pc_new = plsc.cumsum(pos16)
        dest_new = cnt_new_v + pc_new - 1
        plsc.store_scatter(idx_new, [dest_new >> 7, dest_new & (BLK - 1)],
                           rowvec, mask=mask_new)
        mask_mem = pos16 == 0
        pc_mem = plsc.cumsum(1 - pos16)
        dest_mem = cnt_mem_v + pc_mem - 1
        plsc.store_scatter(idx_mem, [dest_mem >> 7, dest_mem & (BLK - 1)],
                           rowvec, mask=mask_mem)
        n_new_v = plsc.all_reduce_population_count(mask_new)
        first_new_v = jnp.minimum(first_new_v,
                                  jnp.where(mask_new, rowvec, big_v))
        first_mem_v = jnp.minimum(first_mem_v,
                                  jnp.where(mask_mem, rowvec, big_v))
        return (cnt_new_v + n_new_v, first_new_v,
                cnt_mem_v + (L - n_new_v), first_mem_v)

    cnt_new_v, first_new_v, cnt_mem_v, first_mem_v = lax.fori_loop(
        0, RPW // L, compact_step, (zero_v, big_v, zero_v, big_v))

    pad_new = jnp.broadcast_to(jnp.min(first_new_v), (L,))
    pad_mem = jnp.broadcast_to(jnp.min(first_mem_v), (L,))
    padend_new_v = (cnt_new_v + BLK - 1) & jnp.int32(-BLK)
    padend_mem_v = (cnt_mem_v + BLK - 1) & jnp.int32(-BLK)
    for t in range(BLK // L):
        d_new = cnt_new_v + t * L + iota
        plsc.store_scatter(idx_new, [d_new >> 7, d_new & (BLK - 1)],
                           pad_new, mask=d_new < padend_new_v)
        d_mem = cnt_mem_v + t * L + iota
        plsc.store_scatter(idx_mem, [d_mem >> 7, d_mem & (BLK - 1)],
                           pad_mem, mask=d_mem < padend_mem_v)

    cnt_new = jnp.max(cnt_new_v)
    nbn = ((cnt_new + BLK - 1) & jnp.int32(-BLK)) >> 7
    sg = (sg0, sg1, sg2, sg3, sg4, sg5, sg6)
    ss = (ss0, ss1, ss2, ss3, ss4, ss5, ss6)

    def start_gather(b, B):
        use_new = b < nbn

        @pl.when(use_new)
        def _():
            pltpu.make_async_copy(
                new_hbm.at[idx_new.at[jnp.minimum(b, NBLK - 1)]],
                buf.at[B], sg[B]).start()

        @pl.when(~use_new)
        def _():
            pltpu.make_async_copy(
                mem_hbm.at[idx_mem.at[b - nbn]], buf.at[B], sg[B]).start()

    def start_scatter(b, B):
        use_new = b < nbn

        @pl.when(use_new)
        def _():
            pltpu.make_async_copy(
                buf.at[B], out_hbm.at[idx_new.at[jnp.minimum(b, NBLK - 1)]],
                ss[B]).start()

        @pl.when(~use_new)
        def _():
            pltpu.make_async_copy(
                buf.at[B], out_hbm.at[idx_mem.at[b - nbn]], ss[B]).start()

    def drain(sem, B):
        pltpu.make_async_copy(new_hbm.at[idx_new.at[0]], buf.at[B], sem).wait()

    for b in range(4):
        start_gather(jnp.int32(b), b % NBUF)

    drained = []
    for b in range(NBLK):
        nb = b + 4
        if nb < NBLK:
            if nb >= NBUF:
                drain(ss[(nb - NBUF) % NBUF], (nb - NBUF) % NBUF)
                drained.append(nb - NBUF)
            start_gather(jnp.int32(nb), nb % NBUF)
        drain(sg[b % NBUF], b % NBUF)
        start_scatter(jnp.int32(b), b % NBUF)

    for b in range(NBLK):
        if b not in drained:
            drain(ss[b % NBUF], b % NBUF)

    @pl.when((cnt_new & (BLK - 1)) != 0)
    def _():
        bj = jnp.int32(NBLK)
        B = NBLK % NBUF
        start_gather(bj, B)
        drain(sg[B], B)
        start_scatter(bj, B)
        drain(ss[B], B)


@functools.partial(jax.jit, static_argnames=())
def _sc_call(mem2, pos1, new2):
    mesh = plsc.VectorSubcoreMesh(core_axis_name="c", subcore_axis_name="s")
    run = pl.kernel(
        _sc_body,
        out_type=jax.ShapeDtypeStruct((ROWS, N_MEM), jnp.float32),
        mesh=mesh,
        compiler_params=pltpu.CompilerParams(needs_layout_passes=False),
        scratch_types=(
            [pltpu.VMEM((RPW,), jnp.int32),
             pltpu.VMEM((NBLK, BLK), jnp.int32),
             pltpu.VMEM((NBLK, BLK), jnp.int32),
             pltpu.VMEM((NBUF, BLK, N_MEM), jnp.float32)]
            + [pltpu.SemaphoreType.DMA] * (2 * NBUF)
        ),
    )
    return run(mem2, pos1, new2)


def kernel(memory, positions, new_memory):
    mem2 = memory.reshape(ROWS, N_MEM)
    new2 = new_memory.reshape(ROWS, N_MEM)
    pos1 = positions.astype(jnp.int32).reshape(ROWS)
    out = _sc_call(mem2, pos1, new2)
    return out.reshape(BATCH, MEM_SIZE, N_MEM)

# --- scband reference (transcript-rebuilt; emitter-appended) ---
"""Pipeline reference for scband-memory-module-31533649887378 (READ-ONLY COPY).

The authoritative reference and input builder live on the scoring server;
editing this copy changes nothing except your own understanding.
"""

import jax, jax.numpy as jnp
import numpy as np

BATCH = 32
MEM_SIZE = 4096
N_MEM = 128


def setup_inputs(seed: int = 0) -> dict:
    key = jax.random.key(seed)
    k1, k2, k3 = jax.random.split(key, 3)
    memory = jax.random.normal(k1, (BATCH, MEM_SIZE, N_MEM), dtype=jnp.float32)
    positions = jax.random.randint(k2, (BATCH, MEM_SIZE), 0, 2, dtype=jnp.int64)
    new_memory = jax.random.normal(k3, (BATCH, MEM_SIZE, N_MEM), dtype=jnp.float32)
    return {"memory": memory, "positions": positions, "new_memory": new_memory}


def reference(memory, positions, new_memory):
    # mask = positions.unsqueeze(-1).expand_as(memory)
    mask = jnp.broadcast_to(positions[..., None], memory.shape)
    # torch.where(mask == 1, new_memory, memory)
    updated = jnp.where(mask == 1, new_memory, memory)
    return updated

if __name__ == "__main__":
    import jax
    _d = setup_inputs()
    print(jax.jit(kernel)(*tuple(_d.values())))

</pallas_src>

<mosaic_0001>
#map = affine_map<(d0, d1) -> (0, 0)>
#map1 = affine_map<(d0, d1) -> (0)>
module attributes {stable_mosaic.version = 14 : i64} {
  func.func @_sc_body(%arg0: i32, %arg1: i32, %arg2: memref<131072x128xf32, #tpu.memory_space<hbm>>, %arg3: memref<131072xi32, #tpu.memory_space<hbm>>, %arg4: memref<131072x128xf32, #tpu.memory_space<hbm>>, %arg5: memref<131072x128xf32, #tpu.memory_space<hbm>>, %arg6: memref<4096xi32, #tpu.memory_space<vmem>>, %arg7: memref<32x128xi32, #tpu.memory_space<vmem>>, %arg8: memref<32x128xi32, #tpu.memory_space<vmem>>, %arg9: memref<7x128x128xf32, #tpu.memory_space<vmem>>, %arg10: memref<!tpu.dma_semaphore, #tpu.memory_space<semaphore_mem>>, %arg11: memref<!tpu.dma_semaphore, #tpu.memory_space<semaphore_mem>>, %arg12: memref<!tpu.dma_semaphore, #tpu.memory_space<semaphore_mem>>, %arg13: memref<!tpu.dma_semaphore, #tpu.memory_space<semaphore_mem>>, %arg14: memref<!tpu.dma_semaphore, #tpu.memory_space<semaphore_mem>>, %arg15: memref<!tpu.dma_semaphore, #tpu.memory_space<semaphore_mem>>, %arg16: memref<!tpu.dma_semaphore, #tpu.memory_space<semaphore_mem>>, %arg17: memref<!tpu.dma_semaphore, #tpu.memory_space<semaphore_mem>>, %arg18: memref<!tpu.dma_semaphore, #tpu.memory_space<semaphore_mem>>, %arg19: memref<!tpu.dma_semaphore, #tpu.memory_space<semaphore_mem>>, %arg20: memref<!tpu.dma_semaphore, #tpu.memory_space<semaphore_mem>>, %arg21: memref<!tpu.dma_semaphore, #tpu.memory_space<semaphore_mem>>, %arg22: memref<!tpu.dma_semaphore, #tpu.memory_space<semaphore_mem>>, %arg23: memref<!tpu.dma_semaphore, #tpu.memory_space<semaphore_mem>>) attributes {dimension_semantics = [#tpu.dimension_semantics<core_parallel>, #tpu.dimension_semantics<subcore_parallel>], iteration_bounds = array<i64: 2, 16>, scalar_prefetch = 0 : i64, scratch_operands = 18 : i64, tpu.core_type = #tpu.core_type<sc_vector_subcore>, window_params = [{transform_indices = #map}, {transform_indices = #map1}, {transform_indices = #map}, {transform_indices = #map}]} {
    %mul3A = arith.constant 2 : i32
    %mul3A_0 = arith.muli %arg1, %mul3A : i32
    %add3A = arith.addi %mul3A_0, %arg0 : i32
    %mul3A_1 = arith.constant 4096 : i32
    %mul3A_2 = arith.muli %add3A, %mul3A_1 : i32
    "tpu.region"() ({
      %run_scoped3A = tpu.sem_alloc : memref<!tpu.dma_semaphore, #tpu.memory_space<semaphore_mem>>
      %dma_start3A = tpu.memref_slice %arg3[%mul3A_2] : memref<131072xi32, #tpu.memory_space<hbm>> -> memref<4096xi32, #tpu.memory_space<hbm>>
      %dma_start3A_1771 = tpu.memref_slice %arg3[%mul3A_2] : memref<131072xi32, #tpu.memory_space<hbm>> -> memref<4096xi32, #tpu.memory_space<hbm>>
      tpu.enqueue_dma source(%dma_start3A_1771 : memref<4096xi32, #tpu.memory_space<hbm>>) target(%arg6 : memref<4096xi32, #tpu.memory_space<vmem>>) target_semaphore(%run_scoped3A : memref<!tpu.dma_semaphore, #tpu.memory_space<semaphore_mem>>)
      %dma_wait3A_1772 = tpu.memref_slice %arg3[%mul3A_2] : memref<131072xi32, #tpu.memory_space<hbm>> -> memref<4096xi32, #tpu.memory_space<hbm>>
      %dma_wait3A_1773 = tpu.memref_slice %arg3[%mul3A_2] : memref<131072xi32, #tpu.memory_space<hbm>> -> memref<4096xi32, #tpu.memory_space<hbm>>
      tpu.wait_dma2 semaphore(%run_scoped3A : memref<!tpu.dma_semaphore, #tpu.memory_space<semaphore_mem>>) src(%dma_wait3A_1773 : memref<4096xi32, #tpu.memory_space<hbm>>) dst(%arg6 : memref<4096xi32, #tpu.memory_space<vmem>>)
      tpu.yield
    }) : () -> ()
    %iota3A = tpu.iota {dimensions = array<i32: 0>} : vector<16xi32>
    %broadcast_in_dim3A = arith.constant 0 : i32
    %broadcast_in_dim3A_3 = vector.broadcast %broadcast_in_dim3A : i32 to vector<16xi32>
    %broadcast_in_dim3A_4 = arith.constant 1073741824 : i32
    %broadcast_in_dim3A_5 = vector.broadcast %broadcast_in_dim3A_4 : i32 to vector<16xi32>
    %scan3A = arith.constant 0 : i32
    %scan3A_6 = arith.constant 256 : i32
    %scan3A_7 = arith.addi %scan3A, %scan3A_6 : i32
    %scan3A_8 = arith.constant 1 : i32
    %scan3A_9:4 = scf.for %scan3A_1771 = %scan3A to %scan3A_7 step %scan3A_8 iter_args(%scan3A_1772 = %broadcast_in_dim3A_3, %scan3A_1773 = %broadcast_in_dim3A_5, %scan3A_1774 = %broadcast_in_dim3A_3, %scan3A_1775 = %broadcast_in_dim3A_5) -> (vector<16xi32>, vector<16xi32>, vector<16xi32>, vector<16xi32>)  : i32 {
      %mul3A_1776 = arith.constant 16 : i32
      %mul3A_1777 = arith.muli %scan3A_1771, %mul3A_1776 : i32
      %get3A = arith.index_cast %mul3A_1777 : i32 to index
      %get3A_1778 = tpu.vector_load %arg6[%get3A] {strides = array<i32>} : memref<4096xi32, #tpu.memory_space<vmem>>, vector<16xi32>,
      %mul3A_1779 = arith.constant 16 : i32
      %mul3A_1780 = arith.muli %scan3A_1771, %mul3A_1779 : i32
      %add3A_1781 = arith.addi %mul3A_2, %mul3A_1780 : i32
      %add3A_1782 = vector.broadcast %add3A_1781 : i32 to vector<16xi32>
      %add3A_1783 = arith.addi %add3A_1782, %iota3A : vector<16xi32>
      %eq3A = arith.constant 1 : i32
      %eq3A_1784 = vector.broadcast %eq3A : i32 to vector<16xi32>
      %eq3A_1785 = arith.cmpi eq, %get3A_1778, %eq3A_1784 : vector<16xi32>
      %broadcast_in_dim3A_1786 = arith.constant true
      %broadcast_in_dim3A_1787 = vector.broadcast %broadcast_in_dim3A_1786 : i1 to vector<16xi1>
      %masked_cumsum3A = tpu.scan <sum>, %get3A_1778 masked %broadcast_in_dim3A_1787 : vector<16xi32>, vector<16xi1> -> vector<16xi32>
      %add3A_1788 = arith.addi %scan3A_1772, %masked_cumsum3A : vector<16xi32>
      %sub3A_1789 = arith.constant 1 : i32
      %sub3A_1790 = vector.broadcast %sub3A_1789 : i32 to vector<16xi32>
      %sub3A_1791 = arith.subi %add3A_1788, %sub3A_1790 : vector<16xi32>
      %shift_right_arithmetic3A_1792 = arith.constant 7 : i32
      %shift_right_arithmetic3A_1793 = vector.broadcast %shift_right_arithmetic3A_1792 : i32 to vector<16xi32>
      %shift_right_arithmetic3A_1794 = arith.shrsi %sub3A_1791, %shift_right_arithmetic3A_1793 : vector<16xi32>
      %and3A_1795 = arith.constant 127 : i32
      %and3A_1796 = vector.broadcast %and3A_1795 : i32 to vector<16xi32>
      %and3A_1797 = arith.andi %sub3A_1791, %and3A_1796 : vector<16xi32>
      tpu.vector_store_idx %arg7[%shift_right_arithmetic3A_1794, %and3A_1797], %add3A_1783 masked %eq3A_1785 : memref<32x128xi32, #tpu.memory_space<vmem>>[vector<16xi32>, vector<16xi32>], vector<16xi32>, vector<16xi1>
      %eq3A_1798 = arith.constant 0 : i32
      %eq3A_1799 = vector.broadcast %eq3A_1798 : i32 to vector<16xi32>
      %eq3A_1800 = arith.cmpi eq, %get3A_1778, %eq3A_1799 : vector<16xi32>
      %sub3A_1801 = arith.constant 1 : i32
      %sub3A_1802 = vector.broadcast %sub3A_1801 : i32 to vector<16xi32>
      %sub3A_1803 = arith.subi %sub3A_1802, %get3A_1778 : vector<16xi32>
      %broadcast_in_dim3A_1804 = arith.constant true
      %broadcast_in_dim3A_1805 = vector.broadcast %broadcast_in_dim3A_1804 : i1 to vector<16xi1>
      %masked_cumsum3A_1806 = tpu.scan <sum>, %sub3A_1803 masked %broadcast_in_dim3A_1805 : vector<16xi32>, vector<16xi1> -> vector<16xi32>
      %add3A_1807 = arith.addi %scan3A_1774, %masked_cumsum3A_1806 : vector<16xi32>
      %sub3A_1808 = arith.constant 1 : i32
      %sub3A_1809 = vector.broadcast %sub3A_1808 : i32 to vector<16xi32>
      %sub3A_1810 = arith.subi %add3A_1807, %sub3A_1809 : vector<16xi32>
      %shift_right_arithmetic3A_1811 = arith.constant 7 : i32
      %shift_right_arithmetic3A_1812 = vector.broadcast %shift_right_arithmetic3A_1811 : i32 to vector<16xi32>
      %shift_right_arithmetic3A_1813 = arith.shrsi %sub3A_1810, %shift_right_arithmetic3A_1812 : vector<16xi32>
      %and3A_1814 = arith.constant 127 : i32
      %and3A_1815 = vector.broadcast %and3A_1814 : i32 to vector<16xi32>
      %and3A_1816 = arith.andi %sub3A_1810, %and3A_1815 : vector<16xi32>
      tpu.vector_store_idx %arg8[%shift_right_arithmetic3A_1813, %and3A_1816], %add3A_1783 masked %eq3A_1800 : memref<32x128xi32, #tpu.memory_space<vmem>>[vector<16xi32>, vector<16xi32>], vector<16xi32>, vector<16xi1>
      %all_reduce_population_count3A = tpu.all_reduce %eq3A_1785 {dim = 0 : i64, kind = #tpu.reduction_kind<sum>} : vector<16xi1> -> vector<16xi32>
      %select_n3A = arith.select %eq3A_1785, %add3A_1783, %broadcast_in_dim3A_5 : vector<16xi1>, vector<16xi32>
      %min3A = arith.minsi %scan3A_1773, %select_n3A : vector<16xi32>
      %select_n3A_1817 = arith.select %eq3A_1800, %add3A_1783, %broadcast_in_dim3A_5 : vector<16xi1>, vector<16xi32>
      %min3A_1818 = arith.minsi %scan3A_1775, %select_n3A_1817 : vector<16xi32>
      %add3A_1819 = arith.addi %scan3A_1772, %all_reduce_population_count3A : vector<16xi32>
      %sub3A_1820 = arith.constant 16 : i32
      %sub3A_1821 = vector.broadcast %sub3A_1820 : i32 to vector<16xi32>
      %sub3A_1822 = arith.subi %sub3A_1821, %all_reduce_population_count3A : vector<16xi32>
      %add3A_1823 = arith.addi %scan3A_1774, %sub3A_1822 : vector<16xi32>
      scf.yield %add3A_1819, %min3A, %add3A_1823, %min3A_1818 : vector<16xi32>, vector<16xi32>, vector<16xi32>, vector<16xi32>
    }
    %scan3A_10 = arith.constant 256 : i32
    %reduce_min3A = arith.constant true
    %reduce_min3A_11 = vector.broadcast %reduce_min3A : i1 to vector<16xi1>
    %reduce_min3A_12 = arith.constant -2147483648 : i32
    %reduce_min3A_13 = vector.broadcast %reduce_min3A_12 : i32 to vector<16xi32>
    %reduce_min3A_14 = arith.xori %scan3A_9#1, %reduce_min3A_13 : vector<16xi32>
    %reduce_min3A_15 = tpu.scan <min>, %reduce_min3A_14 masked %reduce_min3A_11 : vector<16xi32>, vector<16xi1> -> vector<16xi32>
    %reduce_min3A_16 = arith.xori %reduce_min3A_15, %reduce_min3A_13 : vector<16xi32>
    %reduce_min3A_17 = vector.extract %reduce_min3A_16[15] : i32 from vector<16xi32>
    %broadcast_in_dim3A_18 = vector.broadcast %reduce_min3A_17 : i32 to vector<16xi32>
    %reduce_min3A_19 = arith.constant true
    %reduce_min3A_20 = vector.broadcast %reduce_min3A_19 : i1 to vector<16xi1>
    %reduce_min3A_21 = arith.constant -2147483648 : i32
    %reduce_min3A_22 = vector.broadcast %reduce_min3A_21 : i32 to vector<16xi32>
    %reduce_min3A_23 = arith.xori %scan3A_9#3, %reduce_min3A_22 : vector<16xi32>
    %reduce_min3A_24 = tpu.scan <min>, %reduce_min3A_23 masked %reduce_min3A_20 : vector<16xi32>, vector<16xi1> -> vector<16xi32>
    %reduce_min3A_25 = arith.xori %reduce_min3A_24, %reduce_min3A_22 : vector<16xi32>
    %reduce_min3A_26 = vector.extract %reduce_min3A_25[15] : i32 from vector<16xi32>
    %broadcast_in_dim3A_27 = vector.broadcast %reduce_min3A_26 : i32 to vector<16xi32>
    %add3A_28 = arith.constant 128 : i32
    %add3A_29 = vector.broadcast %add3A_28 : i32 to vector<16xi32>
    %add3A_30 = arith.addi %scan3A_9#0, %add3A_29 : vector<16xi32>
    %sub3A = arith.constant 1 : i32
    %sub3A_31 = vector.broadcast %sub3A : i32 to vector<16xi32>
    %sub3A_32 = arith.subi %add3A_30, %sub3A_31 : vector<16xi32>
    %and3A = arith.constant -128 : i32
    %and3A_33 = vector.broadcast %and3A : i32 to vector<16xi32>
    %and3A_34 = arith.andi %sub3A_32, %and3A_33 : vector<16xi32>
    %add3A_35 = arith.constant 128 : i32
    %add3A_36 = vector.broadcast %add3A_35 : i32 to vector<16xi32>
    %add3A_37 = arith.addi %scan3A_9#2, %add3A_36 : vector<16xi32>
    %sub3A_38 = arith.constant 1 : i32
    %sub3A_39 = vector.broadcast %sub3A_38 : i32 to vector<16xi32>
    %sub3A_40 = arith.subi %add3A_37, %sub3A_39 : vector<16xi32>
    %and3A_41 = arith.constant -128 : i32
    %and3A_42 = vector.broadcast %and3A_41 : i32 to vector<16xi32>
    %and3A_43 = arith.andi %sub3A_40, %and3A_42 : vector<16xi32>
    %add3A_44 = arith.constant 0 : i32
    %add3A_45 = vector.broadcast %add3A_44 : i32 to vector<16xi32>
    %add3A_46 = arith.addi %scan3A_9#0, %add3A_45 : vector<16xi32>
    %add3A_47 = arith.addi %add3A_46, %iota3A : vector<16xi32>
    %shift_right_arithmetic3A = arith.constant 7 : i32
    %shift_right_arithmetic3A_48 = vector.broadcast %shift_right_arithmetic3A : i32 to vector<16xi32>
    %shift_right_arithmetic3A_49 = arith.shrsi %add3A_47, %shift_right_arithmetic3A_48 : vector<16xi32>
    %and3A_50 = arith.constant 127 : i32
    %and3A_51 = vector.broadcast %and3A_50 : i32 to vector<16xi32>
    %and3A_52 = arith.andi %add3A_47, %and3A_51 : vector<16xi32>
    %lt3A = arith.cmpi slt, %add3A_47, %and3A_34 : vector<16xi32>
    tpu.vector_store_idx %arg7[%shift_right_arithmetic3A_49, %and3A_52], %broadcast_in_dim3A_18 masked %lt3A : memref<32x128xi32, #tpu.memory_space<vmem>>[vector<16xi32>, vector<16xi32>], vector<16xi32>, vector<16xi1>
    %add3A_53 = arith.constant 0 : i32
    %add3A_54 = vector.broadcast %add3A_53 : i32 to vector<16xi32>
    %add3A_55 = arith.addi %scan3A_9#2, %add3A_54 : vector<16xi32>
    %add3A_56 = arith.addi %add3A_55, %iota3A : vector<16xi32>
    %shift_right_arithmetic3A_57 = arith.constant 7 : i32
    %shift_right_arithmetic3A_58 = vector.broadcast %shift_right_arithmetic3A_57 : i32 to vector<16xi32>
    %shift_right_arithmetic3A_59 = arith.shrsi %add3A_56, %shift_right_arithmetic3A_58 : vector<16xi32>
    %and3A_60 = arith.constant 127 : i32
    %and3A_61 = vector.broadcast %and3A_60 : i32 to vector<16xi32>
    %and3A_62 = arith.andi %add3A_56, %and3A_61 : vector<16xi32>
    %lt3A_63 = arith.cmpi slt, %add3A_56, %and3A_43 : vector<16xi32>
    tpu.vector_store_idx %arg8[%shift_right_arithmetic3A_59, %and3A_62], %broadcast_in_dim3A_27 masked %lt3A_63 : memref<32x128xi32, #tpu.memory_space<vmem>>[vector<16xi32>, vector<16xi32>], vector<16xi32>, vector<16xi1>
    %add3A_64 = arith.constant 16 : i32
    %add3A_65 = vector.broadcast %add3A_64 : i32 to vector<16xi32>
    %add3A_66 = arith.addi %scan3A_9#0, %add3A_65 : vector<16xi32>
    %add3A_67 = arith.addi %add3A_66, %iota3A : vector<16xi32>
    %shift_right_arithmetic3A_68 = arith.constant 7 : i32
    %shift_right_arithmetic3A_69 = vector.broadcast %shift_right_arithmetic3A_68 : i32 to vector<16xi32>
    %shift_right_arithmetic3A_70 = arith.shrsi %add3A_67, %shift_right_arithmetic3A_69 : vector<16xi32>
    %and3A_71 = arith.constant 127 : i32
    %and3A_72 = vector.broadcast %and3A_71 : i32 to vector<16xi32>
    %and3A_73 = arith.andi %add3A_67, %and3A_72 : vector<16xi32>
    %lt3A_74 = arith.cmpi slt, %add3A_67, %and3A_34 : vector<16xi32>
    tpu.vector_store_idx %arg7[%shift_right_arithmetic3A_70, %and3A_73], %broadcast_in_dim3A_18 masked %lt3A_74 : memref<32x128xi32, #tpu.memory_space<vmem>>[vector<16xi32>, vector<16xi32>], vector<16xi32>, vector<16xi1>
    %add3A_75 = arith.constant 16 : i32
    %add3A_76 = vector.broadcast %add3A_75 : i32 to vector<16xi32>
    %add3A_77 = arith.addi %scan3A_9#2, %add3A_76 : vector<16xi32>
    %add3A_78 = arith.addi %add3A_77, %iota3A : vector<16xi32>
    %shift_right_arithmetic3A_79 = arith.constant 7 : i32
    %shift_right_arithmetic3A_80 = vector.broadcast %shift_right_arithmetic3A_79 : i32 to vector<16xi32>
    %shift_right_arithmetic3A_81 = arith.shrsi %add3A_78, %shift_right_arithmetic3A_80 : vector<16xi32>
    %and3A_82 = arith.constant 127 : i32
    %and3A_83 = vector.broadcast %and3A_82 : i32 to vector<16xi32>
    %and3A_84 = arith.andi %add3A_78, %and3A_83 : vector<16xi32>
    %lt3A_85 = arith.cmpi slt, %add3A_78, %and3A_43 : vector<16xi32>
    tpu.vector_store_idx %arg8[%shift_right_arithmetic3A_81, %and3A_84], %broadcast_in_dim3A_27 masked %lt3A_85 : memref<32x128xi32, #tpu.memory_space<vmem>>[vector<16xi32>, vector<16xi32>], vector<16xi32>, vector<16xi1>
    %add3A_86 = arith.constant 32 : i32
    %add3A_87 = vector.broadcast %add3A_86 : i32 to vector<16xi32>
    %add3A_88 = arith.addi %scan3A_9#0, %add3A_87 : vector<16xi32>
    %add3A_89 = arith.addi %add3A_88, %iota3A : vector<16xi32>
    %shift_right_arithmetic3A_90 = arith.constant 7 : i32
    %shift_right_arithmetic3A_91 = vector.broadcast %shift_right_arithmetic3A_90 : i32 to vector<16xi32>
    %shift_right_arithmetic3A_92 = arith.shrsi %add3A_89, %shift_right_arithmetic3A_91 : vector<16xi32>
    %and3A_93 = arith.constant 127 : i32
    %and3A_94 = vector.broadcast %and3A_93 : i32 to vector<16xi32>
    %and3A_95 = arith.andi %add3A_89, %and3A_94 : vector<16xi32>
    %lt3A_96 = arith.cmpi slt, %add3A_89, %and3A_34 : vector<16xi32>
    tpu.vector_store_idx %arg7[%shift_right_arithmetic3A_92, %and3A_95], %broadcast_in_dim3A_18 masked %lt3A_96 : memref<32x128xi32, #tpu.memory_space<vmem>>[vector<16xi32>, vector<16xi32>], vector<16xi32>, vector<16xi1>
    %add3A_97 = arith.constant 32 : i32
    %add3A_98 = vector.broadcast %add3A_97 : i32 to vector<16xi32>
    %add3A_99 = arith.addi %scan3A_9#2, %add3A_98 : vector<16xi32>
    %add3A_100 = arith.addi %add3A_99, %iota3A : vector<16xi32>
    %shift_right_arithmetic3A_101 = arith.constant 7 : i32
    %shift_right_arithmetic3A_102 = vector.broadcast %shift_right_arithmetic3A_101 : i32 to vector<16xi32>
    %shift_right_arithmetic3A_103 = arith.shrsi %add3A_100, %shift_right_arithmetic3A_102 : vector<16xi32>
    %and3A_104 = arith.constant 127 : i32
    %and3A_105 = vector.broadcast %and3A_104 : i32 to vector<16xi32>
    %and3A_106 = arith.andi %add3A_100, %and3A_105 : vector<16xi32>
    %lt3A_107 = arith.cmpi slt, %add3A_100, %and3A_43 : vector<16xi32>
    tpu.vector_store_idx %arg8[%shift_right_arithmetic3A_103, %and3A_106], %broadcast_in_dim3A_27 masked %lt3A_107 : memref<32x128xi32, #tpu.memory_space<vmem>>[vector<16xi32>, vector<16xi32>], vector<16xi32>, vector<16xi1>
    %add3A_108 = arith.constant 48 : i32
    %add3A_109 = vector.broadcast %add3A_108 : i32 to vector<16xi32>
    %add3A_110 = arith.addi %scan3A_9#0, %add3A_109 : vector<16xi32>
    %add3A_111 = arith.addi %add3A_110, %iota3A : vector<16xi32>
    %shift_right_arithmetic3A_112 = arith.constant 7 : i32
    %shift_right_arithmetic3A_113 = vector.broadcast %shift_right_arithmetic3A_112 : i32 to vector<16xi32>
    %shift_right_arithmetic3A_114 = arith.shrsi %add3A_111, %shift_right_arithmetic3A_113 : vector<16xi32>
    %and3A_115 = arith.constant 127 : i32
    %and3A_116 = vector.broadcast %and3A_115 : i32 to vector<16xi32>
    %and3A_117 = arith.andi %add3A_111, %and3A_116 : vector<16xi32>
    %lt3A_118 = arith.cmpi slt, %add3A_111, %and3A_34 : vector<16xi32>
    tpu.vector_store_idx %arg7[%shift_right_arithmetic3A_114, %and3A_117], %broadcast_in_dim3A_18 masked %lt3A_118 : memref<32x128xi32, #tpu.memory_space<vmem>>[vector<16xi32>, vector<16xi32>], vector<16xi32>, vector<16xi1>
    %add3A_119 = arith.constant 48 : i32
    %add3A_120 = vector.broadcast %add3A_119 : i32 to vector<16xi32>
    %add3A_121 = arith.addi %scan3A_9#2, %add3A_120 : vector<16xi32>
    %add3A_122 = arith.addi %add3A_121, %iota3A : vector<16xi32>
    %shift_right_arithmetic3A_123 = arith.constant 7 : i32
    %shift_right_arithmetic3A_124 = vector.broadcast %shift_right_arithmetic3A_123 : i32 to vector<16xi32>
    %shift_right_arithmetic3A_125 = arith.shrsi %add3A_122, %shift_right_arithmetic3A_124 : vector<16xi32>
    %and3A_126 = arith.constant 127 : i32
    %and3A_127 = vector.broadcast %and3A_126 : i32 to vector<16xi32>
    %and3A_128 = arith.andi %add3A_122, %and3A_127 : vector<16xi32>
    %lt3A_129 = arith.cmpi slt, %add3A_122, %and3A_43 : vector<16xi32>
    tpu.vector_store_idx %arg8[%shift_right_arithmetic3A_125, %and3A_128], %broadcast_in_dim3A_27 masked %lt3A_129 : memref<32x128xi32, #tpu.memory_space<vmem>>[vector<16xi32>, vector<16xi32>], vector<16xi32>, vector<16xi1>
    %add3A_130 = arith.constant 64 : i32
    %add3A_131 = vector.broadcast %add3A_130 : i32 to vector<16xi32>
    %add3A_132 = arith.addi %scan3A_9#0, %add3A_131 : vector<16xi32>
    %add3A_133 = arith.addi %add3A_132, %iota3A : vector<16xi32>
    %shift_right_arithmetic3A_134 = arith.constant 7 : i32
    %shift_right_arithmetic3A_135 = vector.broadcast %shift_right_arithmetic3A_134 : i32 to vector<16xi32>
    %shift_right_arithmetic3A_136 = arith.shrsi %add3A_133, %shift_right_arithmetic3A_135 : vector<16xi32>
    %and3A_137 = arith.constant 127 : i32
    %and3A_138 = vector.broadcast %and3A_137 : i32 to vector<16xi32>
    %and3A_139 = arith.andi %add3A_133, %and3A_138 : vector<16xi32>
    %lt3A_140 = arith.cmpi slt, %add3A_133, %and3A_34 : vector<16xi32>
    tpu.vector_store_idx %arg7[%shift_right_arithmetic3A_136, %and3A_139], %broadcast_in_dim3A_18 masked %lt3A_140 : memref<32x128xi32, #tpu.memory_space<vmem>>[vector<16xi32>, vector<16xi32>], vector<16xi32>, vector<16xi1>
    %add3A_141 = arith.constant 64 : i32
    %add3A_142 = vector.broadcast %add3A_141 : i32 to vector<16xi32>
    %add3A_143 = arith.addi %scan3A_9#2, %add3A_142 : vector<16xi32>
    %add3A_144 = arith.addi %add3A_143, %iota3A : vector<16xi32>
    %shift_right_arithmetic3A_145 = arith.constant 7 : i32
    %shift_right_arithmetic3A_146 = vector.broadcast %shift_right_arithmetic3A_145 : i32 to vector<16xi32>
    %shift_right_arithmetic3A_147 = arith.shrsi %add3A_144, %shift_right_arithmetic3A_146 : vector<16xi32>
    %and3A_148 = arith.constant 127 : i32
    %and3A_149 = vector.broadcast %and3A_148 : i32 to vector<16xi32>
    %and3A_150 = arith.andi %add3A_144, %and3A_149 : vector<16xi32>
    %lt3A_151 = arith.cmpi slt, %add3A_144, %and3A_43 : vector<16xi32>
    tpu.vector_store_idx %arg8[%shift_right_arithmetic3A_147, %and3A_150], %broadcast_in_dim3A_27 masked %lt3A_151 : memref<32x128xi32, #tpu.memory_space<vmem>>[vector<16xi32>, vector<16xi32>], vector<16xi32>, vector<16xi1>
    %add3A_152 = arith.constant 80 : i32
    %add3A_153 = vector.broadcast %add3A_152 : i32 to vector<16xi32>
    %add3A_154 = arith.addi %scan3A_9#0, %add3A_153 : vector<16xi32>
    %add3A_155 = arith.addi %add3A_154, %iota3A : vector<16xi32>
    %shift_right_arithmetic3A_156 = arith.constant 7 : i32
    %shift_right_arithmetic3A_157 = vector.broadcast %shift_right_arithmetic3A_156 : i32 to vector<16xi32>
    %shift_right_arithmetic3A_158 = arith.shrsi %add3A_155, %shift_right_arithmetic3A_157 : vector<16xi32>
    %and3A_159 = arith.constant 127 : i32
    %and3A_160 = vector.broadcast %and3A_159 : i32 to vector<16xi32>
    %and3A_161 = arith.andi %add3A_155, %and3A_160 : vector<16xi32>
    %lt3A_162 = arith.cmpi slt, %add3A_155, %and3A_34 : vector<16xi32>
    tpu.vector_store_idx %arg7[%shift_right_arithmetic3A_158, %and3A_161], %broadcast_in_dim3A_18 masked %lt3A_162 : memref<32x128xi32, #tpu.memory_space<vmem>>[vector<16xi32>, vector<16xi32>], vector<16xi32>, vector<16xi1>
    %add3A_163 = arith.constant 80 : i32
    %add3A_164 = vector.broadcast %add3A_163 : i32 to vector<16xi32>
    %add3A_165 = arith.addi %scan3A_9#2, %add3A_164 : vector<16xi32>
    %add3A_166 = arith.addi %add3A_165, %iota3A : vector<16xi32>
    %shift_right_arithmetic3A_167 = arith.constant 7 : i32
    %shift_right_arithmetic3A_168 = vector.broadcast %shift_right_arithmetic3A_167 : i32 to vector<16xi32>
    %shift_right_arithmetic3A_169 = arith.shrsi %add3A_166, %shift_right_arithmetic3A_168 : vector<16xi32>
    %and3A_170 = arith.constant 127 : i32
    %and3A_171 = vector.broadcast %and3A_170 : i32 to vector<16xi32>
    %and3A_172 = arith.andi %add3A_166, %and3A_171 : vector<16xi32>
    %lt3A_173 = arith.cmpi slt, %add3A_166, %and3A_43 : vector<16xi32>
    tpu.vector_store_idx %arg8[%shift_right_arithmetic3A_169, %and3A_172], %broadcast_in_dim3A_27 masked %lt3A_173 : memref<32x128xi32, #tpu.memory_space<vmem>>[vector<16xi32>, vector<16xi32>], vector<16xi32>, vector<16xi1>
    %add3A_174 = arith.constant 96 : i32
    %add3A_175 = vector.broadcast %add3A_174 : i32 to vector<16xi32>
    %add3A_176 = arith.addi %scan3A_9#0, %add3A_175 : vector<16xi32>
    %add3A_177 = arith.addi %add3A_176, %iota3A : vector<16xi32>
    %shift_right_arithmetic3A_178 = arith.constant 7 : i32
    %shift_right_arithmetic3A_179 = vector.broadcast %shift_right_arithmetic3A_178 : i32 to vector<16xi32>
    %shift_right_arithmetic3A_180 = arith.shrsi %add3A_177, %shift_right_arithmetic3A_179 : vector<16xi32>
    %and3A_181 = arith.constant 127 : i32
    %and3A_182 = vector.broadcast %and3A_181 : i32 to vector<16xi32>
    %and3A_183 = arith.andi %add3A_177, %and3A_182 : vector<16xi32>
    %lt3A_184 = arith.cmpi slt, %add3A_177, %and3A_34 : vector<16xi32>
    tpu.vector_store_idx %arg7[%shift_right_arithmetic3A_180, %and3A_183], %broadcast_in_dim3A_18 masked %lt3A_184 : memref<32x128xi32, #tpu.memory_space<vmem>>[vector<16xi32>, vector<16xi32>], vector<16xi32>, vector<16xi1>
    %add3A_185 = arith.constant 96 : i32
    %add3A_186 = vector.broadcast %add3A_185 : i32 to vector<16xi32>
    %add3A_187 = arith.addi %scan3A_9#2, %add3A_186 : vector<16xi32>
    %add3A_188 = arith.addi %add3A_187, %iota3A : vector<16xi32>
    %shift_right_arithmetic3A_189 = arith.constant 7 : i32
    %shift_right_arithmetic3A_190 = vector.broadcast %shift_right_arithmetic3A_189 : i32 to vector<16xi32>
    %shift_right_arithmetic3A_191 = arith.shrsi %add3A_188, %shift_right_arithmetic3A_190 : vector<16xi32>
    %and3A_192 = arith.constant 127 : i32
    %and3A_193 = vector.broadcast %and3A_192 : i32 to vector<16xi32>
    %and3A_194 = arith.andi %add3A_188, %and3A_193 : vector<16xi32>
    %lt3A_195 = arith.cmpi slt, %add3A_188, %and3A_43 : vector<16xi32>
    tpu.vector_store_idx %arg8[%shift_right_arithmetic3A_191, %and3A_194], %broadcast_in_dim3A_27 masked %lt3A_195 : memref<32x128xi32, #tpu.memory_space<vmem>>[vector<16xi32>, vector<16xi32>], vector<16xi32>, vector<16xi1>
    %add3A_196 = arith.constant 112 : i32
    %add3A_197 = vector.broadcast %add3A_196 : i32 to vector<16xi32>
    %add3A_198 = arith.addi %scan3A_9#0, %add3A_197 : vector<16xi32>
    %add3A_199 = arith.addi %add3A_198, %iota3A : vector<16xi32>
    %shift_right_arithmetic3A_200 = arith.constant 7 : i32
    %shift_right_arithmetic3A_201 = vector.broadcast %shift_right_arithmetic3A_200 : i32 to vector<16xi32>
    %shift_right_arithmetic3A_202 = arith.shrsi %add3A_199, %shift_right_arithmetic3A_201 : vector<16xi32>
    %and3A_203 = arith.constant 127 : i32
    %and3A_204 = vector.broadcast %and3A_203 : i32 to vector<16xi32>
    %and3A_205 = arith.andi %add3A_199, %and3A_204 : vector<16xi32>
    %lt3A_206 = arith.cmpi slt, %add3A_199, %and3A_34 : vector<16xi32>
    tpu.vector_store_idx %arg7[%shift_right_arithmetic3A_202, %and3A_205], %broadcast_in_dim3A_18 masked %lt3A_206 : memref<32x128xi32, #tpu.memory_space<vmem>>[vector<16xi32>, vector<16xi32>], vector<16xi32>, vector<16xi1>
    %add3A_207 = arith.constant 112 : i32
    %add3A_208 = vector.broadcast %add3A_207 : i32 to vector<16xi32>
    %add3A_209 = arith.addi %scan3A_9#2, %add3A_208 : vector<16xi32>
    %add3A_210 = arith.addi %add3A_209, %iota3A : vector<16xi32>
    %shift_right_arithmetic3A_211 = arith.constant 7 : i32
    %shift_right_arithmetic3A_212 = vector.broadcast %shift_right_arithmetic3A_211 : i32 to vector<16xi32>
    %shift_right_arithmetic3A_213 = arith.shrsi %add3A_210, %shift_right_arithmetic3A_212 : vector<16xi32>
    %and3A_214 = arith.constant 127 : i32
    %and3A_215 = vector.broadcast %and3A_214 : i32 to vector<16xi32>
    %and3A_216 = arith.andi %add3A_210, %and3A_215 : vector<16xi32>
    %lt3A_217 = arith.cmpi slt, %add3A_210, %and3A_43 : vector<16xi32>
    tpu.vector_store_idx %arg8[%shift_right_arithmetic3A_213, %and3A_216], %broadcast_in_dim3A_27 masked %lt3A_217 : memref<32x128xi32, #tpu.memory_space<vmem>>[vector<16xi32>, vector<16xi32>], vector<16xi32>, vector<16xi1>
    %reduce_max3A = arith.constant true
    %reduce_max3A_218 = vector.broadcast %reduce_max3A : i1 to vector<16xi1>
    %reduce_max3A_219 = arith.constant -2147483648 : i32
    %reduce_max3A_220 = vector.broadcast %reduce_max3A_219 : i32 to vector<16xi32>
    %reduce_max3A_221 = arith.xori %scan3A_9#0, %reduce_max3A_220 : vector<16xi32>
    %reduce_max3A_222 = tpu.scan <max>, %reduce_max3A_221 masked %reduce_max3A_218 : vector<16xi32>, vector<16xi1> -> vector<16xi32>
    %reduce_max3A_223 = arith.xori %reduce_max3A_222, %reduce_max3A_220 : vector<16xi32>
    %reduce_max3A_224 = vector.extract %reduce_max3A_223[15] : i32 from vector<16xi32>
    %add3A_225 = arith.constant 128 : i32
    %add3A_226 = arith.addi %reduce_max3A_224, %add3A_225 : i32
    %sub3A_227 = arith.constant 1 : i32
    %sub3A_228 = arith.subi %add3A_226, %sub3A_227 : i32
    %and3A_229 = arith.constant -128 : i32
    %and3A_230 = arith.andi %sub3A_228, %and3A_229 : i32
    %shift_right_arithmetic3A_231 = arith.constant 7 : i32
    %shift_right_arithmetic3A_232 = arith.shrsi %and3A_230, %shift_right_arithmetic3A_231 : i32
    %lt3A_233 = arith.constant 0 : i32
    %lt3A_234 = arith.cmpi slt, %lt3A_233, %shift_right_arithmetic3A_232 : i32
    %convert_element_type3A = arith.extui %lt3A_234 : i1 to i32
    %cond3A = arith.constant 0 : i32
    %cond3A_235 = arith.constant 0 : i32
    %cond3A_236 = arith.cmpi ne, %convert_element_type3A, %cond3A_235 : i32
    scf.if %cond3A_236 {
      %min3A = arith.constant 31 : i32
      %min3A_1771 = arith.minsi %cond3A, %min3A : i32
      %dma_start3A = arith.constant 0 : i32
      %dma_start3A_1772 = arith.constant 0 : i32
      %dma_start3A_1773 = arith.constant 0 : i32
      %dma_start3A_1774 = tpu.memref_slice %arg9[%dma_start3A, %dma_start3A_1772, %dma_start3A_1773] : memref<7x128x128xf32, #tpu.memory_space<vmem>> -> memref<1x128x128xf32, #tpu.memory_space<vmem>>
      %dma_start3A_1775 = tpu.memref_squeeze %dma_start3A_1774 : memref<1x128x128xf32, #tpu.memory_space<vmem>> -> memref<128x128xf32, #tpu.memory_space<vmem>>
      %dma_start3A_1776 = arith.constant 0 : i32
      %dma_start3A_1777 = tpu.memref_slice %arg7[%min3A_1771, %dma_start3A_1776] : memref<32x128xi32, #tpu.memory_space<vmem>> -> memref<1x128xi32, #tpu.memory_space<vmem>>
      %dma_start3A_1778 = tpu.memref_squeeze %dma_start3A_1777 : memref<1x128xi32, #tpu.memory_space<vmem>> -> memref<128xi32, #tpu.memory_space<vmem>>
      %dma_start3A_1779 = arith.constant 0 : i32
      %dma_start3A_1780 = arith.constant 0 : i32
      %dma_start3A_1781 = tpu.memref_slice %arg4[%dma_start3A_1779, %dma_start3A_1780] : memref<131072x128xf32, #tpu.memory_space<hbm>> -> memref<131072x128xf32, #tpu.memory_space<hbm>>
      tpu.enqueue_indirect_dma source(%dma_start3A_1781 : memref<131072x128xf32, #tpu.memory_space<hbm>>) target(%dma_start3A_1775 : memref<128x128xf32, #tpu.memory_space<vmem>>) offsets(%dma_start3A_1778 : memref<128xi32, #tpu.memory_space<vmem>>) semaphore(%arg10 : memref<!tpu.dma_semaphore, #tpu.memory_space<semaphore_mem>>)
    } else {
    }
    %not3A = arith.constant true
    %not3A_237 = arith.xori %lt3A_234, %not3A : i1
    %convert_element_type3A_238 = arith.extui %not3A_237 : i1 to i32
    %cond3A_239 = arith.constant 0 : i32
    %cond3A_240 = arith.constant 0 : i32
    %cond3A_241 = arith.cmpi ne, %convert_element_type3A_238, %cond3A_240 : i32
    scf.if %cond3A_241 {
      %sub3A_1771 = arith.subi %cond3A_239, %shift_right_arithmetic3A_232 : i32
      %dma_start3A = arith.constant 0 : i32
      %dma_start3A_1772 = arith.constant 0 : i32
      %dma_start3A_1773 = arith.constant 0 : i32
      %dma_start3A_1774 = tpu.memref_slice %arg9[%dma_start3A, %dma_start3A_1772, %dma_start3A_1773] : memref<7x128x128xf32, #tpu.memory_space<vmem>> -> memref<1x128x128xf32, #tpu.memory_space<vmem>>
      %dma_start3A_1775 = tpu.memref_squeeze %dma_start3A_1774 : memref<1x128x128xf32, #tpu.memory_space<vmem>> -> memref<128x128xf32, #tpu.memory_space<vmem>>
      %dma_start3A_1776 = arith.constant 0 : i32
      %dma_start3A_1777 = tpu.memref_slice %arg8[%sub3A_1771, %dma_start3A_1776] : memref<32x128xi32, #tpu.memory_space<vmem>> -> memref<1x128xi32, #tpu.memory_space<vmem>>
      %dma_start3A_1778 = tpu.memref_squeeze %dma_start3A_1777 : memref<1x128xi32, #tpu.memory_space<vmem>> -> memref<128xi32, #tpu.memory_space<vmem>>
      %dma_start3A_1779 = arith.constant 0 : i32
      %dma_start3A_1780 = arith.constant 0 : i32
      %dma_start3A_1781 = tpu.memref_slice %arg2[%dma_start3A_1779, %dma_start3A_1780] : memref<131072x128xf32, #tpu.memory_space<hbm>> -> memref<131072x128xf32, #tpu.memory_space<hbm>>
      tpu.enqueue_indirect_dma source(%dma_start3A_1781 : memref<131072x128xf32, #tpu.memory_space<hbm>>) target(%dma_start3A_1775 : memref<128x128xf32, #tpu.memory_space<vmem>>) offsets(%dma_start3A_1778 : memref<128xi32, #tpu.memory_space<vmem>>) semaphore(%arg10 : memref<!tpu.dma_semaphore, #tpu.memory_space<semaphore_mem>>)
    } else {
    }
    %lt3A_242 = arith.constant 1 : i32
    %lt3A_243 = arith.cmpi slt, %lt3A_242, %shift_right_arithmetic3A_232 : i32
    %convert_element_type3A_244 = arith.extui %lt3A_243 : i1 to i32
    %cond3A_245 = arith.constant 1 : i32
    %cond3A_246 = arith.constant 0 : i32
    %cond3A_247 = arith.cmpi ne, %convert_element_type3A_244, %cond3A_246 : i32
    scf.if %cond3A_247 {
      %min3A = arith.constant 31 : i32
      %min3A_1771 = arith.minsi %cond3A_245, %min3A : i32
      %dma_start3A = arith.constant 1 : i32
      %dma_start3A_1772 = arith.constant 0 : i32
      %dma_start3A_1773 = arith.constant 0 : i32
      %dma_start3A_1774 = tpu.memref_slice %arg9[%dma_start3A, %dma_start3A_1772, %dma_start3A_1773] : memref<7x128x128xf32, #tpu.memory_space<vmem>> -> memref<1x128x128xf32, #tpu.memory_space<vmem>>
      %dma_start3A_1775 = tpu.memref_squeeze %dma_start3A_1774 : memref<1x128x128xf32, #tpu.memory_space<vmem>> -> memref<128x128xf32, #tpu.memory_space<vmem>>
      %dma_start3A_1776 = arith.constant 0 : i32
      %dma_start3A_1777 = tpu.memref_slice %arg7[%min3A_1771, %dma_start3A_1776] : memref<32x128xi32, #tpu.memory_space<vmem>> -> memref<1x128xi32, #tpu.memory_space<vmem>>
      %dma_start3A_1778 = tpu.memref_squeeze %dma_start3A_1777 : memref<1x128xi32, #tpu.memory_space<vmem>> -> memref<128xi32, #tpu.memory_space<vmem>>
      %dma_start3A_1779 = arith.constant 0 : i32
      %dma_start3A_1780 = arith.constant 0 : i32
      %dma_start3A_1781 = tpu.memref_slice %arg4[%dma_start3A_1779, %dma_start3A_1780] : memref<131072x128xf32, #tpu.memory_space<hbm>> -> memref<131072x128xf32, #tpu.memory_space<hbm>>
      tpu.enqueue_indirect_dma source(%dma_start3A_1781 : memref<131072x128xf32, #tpu.memory_space<hbm>>) target(%dma_start3A_1775 : memref<128x128xf32, #tpu.memory_space<vmem>>) offsets(%dma_start3A_1778 : memref<128xi32, #tpu.memory_space<vmem>>) semaphore(%arg11 : memref<!tpu.dma_semaphore, #tpu.memory_space<semaphore_mem>>)
    } else {
    }
    %not3A_248 = arith.constant true
    %not3A_249 = arith.xori %lt3A_243, %not3A_248 : i1
    %convert_element_type3A_250 = arith.extui %not3A_249 : i1 to i32
    %cond3A_251 = arith.constant 1 : i32
    %cond3A_252 = arith.constant 0 : i32
    %cond3A_253 = arith.cmpi ne, %convert_element_type3A_250, %cond3A_252 : i32
    scf.if %cond3A_253 {
      %sub3A_1771 = arith.subi %cond3A_251, %shift_right_arithmetic3A_232 : i32
      %dma_start3A = arith.constant 1 : i32
      %dma_start3A_1772 = arith.constant 0 : i32
      %dma_start3A_1773 = arith.constant 0 : i32
      %dma_start3A_1774 = tpu.memref_slice %arg9[%dma_start3A, %dma_start3A_1772, %dma_start3A_1773] : memref<7x128x128xf32, #tpu.memory_space<vmem>> -> memref<1x128x128xf32, #tpu.memory_space<vmem>>
      %dma_start3A_1775 = tpu.memref_squeeze %dma_start3A_1774 : memref<1x128x128xf32, #tpu.memory_space<vmem>> -> memref<128x128xf32, #tpu.memory_space<vmem>>
      %dma_start3A_1776 = arith.constant 0 : i32
      %dma_start3A_1777 = tpu.memref_slice %arg8[%sub3A_1771, %dma_start3A_1776] : memref<32x128xi32, #tpu.memory_space<vmem>> -> memref<1x128xi32, #tpu.memory_space<vmem>>
      %dma_start3A_1778 = tpu.memref_squeeze %dma_start3A_1777 : memref<1x128xi32, #tpu.memory_space<vmem>> -> memref<128xi32, #tpu.memory_space<vmem>>
      %dma_start3A_1779 = arith.constant 0 : i32
      %dma_start3A_1780 = arith.constant 0 : i32
      %dma_start3A_1781 = tpu.memref_slice %arg2[%dma_start3A_1779, %dma_start3A_1780] : memref<131072x128xf32, #tpu.memory_space<hbm>> -> memref<131072x128xf32, #tpu.memory_space<hbm>>
      tpu.enqueue_indirect_dma source(%dma_start3A_1781 : memref<131072x128xf32, #tpu.memory_space<hbm>>) target(%dma_start3A_1775 : memref<128x128xf32, #tpu.memory_space<vmem>>) offsets(%dma_start3A_1778 : memref<128xi32, #tpu.memory_space<vmem>>) semaphore(%arg11 : memref<!tpu.dma_semaphore, #tpu.memory_space<semaphore_mem>>)
    } else {
    }
    %lt3A_254 = arith.constant 2 : i32
    %lt3A_255 = arith.cmpi slt, %lt3A_254, %shift_right_arithmetic3A_232 : i32
    %convert_element_type3A_256 = arith.extui %lt3A_255 : i1 to i32
    %cond3A_257 = arith.constant 2 : i32
    %cond3A_258 = arith.constant 0 : i32
    %cond3A_259 = arith.cmpi ne, %convert_element_type3A_256, %cond3A_258 : i32
    scf.if %cond3A_259 {
      %min3A = arith.constant 31 : i32
      %min3A_1771 = arith.minsi %cond3A_257, %min3A : i32
      %dma_start3A = arith.constant 2 : i32
      %dma_start3A_1772 = arith.constant 0 : i32
      %dma_start3A_1773 = arith.constant 0 : i32
      %dma_start3A_1774 = tpu.memref_slice %arg9[%dma_start3A, %dma_start3A_1772, %dma_start3A_1773] : memref<7x128x128xf32, #tpu.memory_space<vmem>> -> memref<1x128x128xf32, #tpu.memory_space<vmem>>
      %dma_start3A_1775 = tpu.memref_squeeze %dma_start3A_1774 : memref<1x128x128xf32, #tpu.memory_space<vmem>> -> memref<128x128xf32, #tpu.memory_space<vmem>>
      %dma_start3A_1776 = arith.constant 0 : i32
      %dma_start3A_1777 = tpu.memref_slice %arg7[%min3A_1771, %dma_start3A_1776] : memref<32x128xi32, #tpu.memory_space<vmem>> -> memref<1x128xi32, #tpu.memory_space<vmem>>
      %dma_start3A_1778 = tpu.memref_squeeze %dma_start3A_1777 : memref<1x128xi32, #tpu.memory_space<vmem>> -> memref<128xi32, #tpu.memory_space<vmem>>
      %dma_start3A_1779 = arith.constant 0 : i32
      %dma_start3A_1780 = arith.constant 0 : i32
      %dma_start3A_1781 = tpu.memref_slice %arg4[%dma_start3A_1779, %dma_start3A_1780] : memref<131072x128xf32, #tpu.memory_space<hbm>> -> memref<131072x128xf32, #tpu.memory_space<hbm>>
      tpu.enqueue_indirect_dma source(%dma_start3A_1781 : memref<131072x128xf32, #tpu.memory_space<hbm>>) target(%dma_start3A_1775 : memref<128x128xf32, #tpu.memory_space<vmem>>) offsets(%dma_start3A_1778 : memref<128xi32, #tpu.memory_space<vmem>>) semaphore(%arg12 : memref<!tpu.dma_semaphore, #tpu.memory_space<semaphore_mem>>)
    } else {
    }
    %not3A_260 = arith.constant true
    %not3A_261 = arith.xori %lt3A_255, %not3A_260 : i1
    %convert_element_type3A_262 = arith.extui %not3A_261 : i1 to i32
    %cond3A_263 = arith.constant 2 : i32
    %cond3A_264 = arith.constant 0 : i32
    %cond3A_265 = arith.cmpi ne, %convert_element_type3A_262, %cond3A_264 : i32
    scf.if %cond3A_265 {
      %sub3A_1771 = arith.subi %cond3A_263, %shift_right_arithmetic3A_232 : i32
      %dma_start3A = arith.constant 2 : i32
      %dma_start3A_1772 = arith.constant 0 : i32
      %dma_start3A_1773 = arith.constant 0 : i32
      %dma_start3A_1774 = tpu.memref_slice %arg9[%dma_start3A, %dma_start3A_1772, %dma_start3A_1773] : memref<7x128x128xf32, #tpu.memory_space<vmem>> -> memref<1x128x128xf32, #tpu.memory_space<vmem>>
      %dma_start3A_1775 = tpu.memref_squeeze %dma_start3A_1774 : memref<1x128x128xf32, #tpu.memory_space<vmem>> -> memref<128x128xf32, #tpu.memory_space<vmem>>
      %dma_start3A_1776 = arith.constant 0 : i32
      %dma_start3A_1777 = tpu.memref_slice %arg8[%sub3A_1771, %dma_start3A_1776] : memref<32x128xi32, #tpu.memory_space<vmem>> -> memref<1x128xi32, #tpu.memory_space<vmem>>
      %dma_start3A_1778 = tpu.memref_squeeze %dma_start3A_1777 : memref<1x128xi32, #tpu.memory_space<vmem>> -> memref<128xi32, #tpu.memory_space<vmem>>
      %dma_start3A_1779 = arith.constant 0 : i32
      %dma_start3A_1780 = arith.constant 0 : i32
      %dma_start3A_1781 = tpu.memref_slice %arg2[%dma_start3A_1779, %dma_start3A_1780] : memref<131072x128xf32, #tpu.memory_space<hbm>> -> memref<131072x128xf32, #tpu.memory_space<hbm>>
      tpu.enqueue_indirect_dma source(%dma_start3A_1781 : memref<131072x128xf32, #tpu.memory_space<hbm>>) target(%dma_start3A_1775 : memref<128x128xf32, #tpu.memory_space<vmem>>) offsets(%dma_start3A_1778 : memref<128xi32, #tpu.memory_space<vmem>>) semaphore(%arg12 : memref<!tpu.dma_semaphore, #tpu.memory_space<semaphore_mem>>)
    } else {
    }
    %lt3A_266 = arith.constant 3 : i32
    %lt3A_267 = arith.cmpi slt, %lt3A_266, %shift_right_arithmetic3A_232 : i32
    %convert_element_type3A_268 = arith.extui %lt3A_267 : i1 to i32
    %cond3A_269 = arith.constant 3 : i32
    %cond3A_270 = arith.constant 0 : i32
    %cond3A_271 = arith.cmpi ne, %convert_element_type3A_268, %cond3A_270 : i32
    scf.if %cond3A_271 {
      %min3A = arith.constant 31 : i32
      %min3A_1771 = arith.minsi %cond3A_269, %min3A : i32
      %dma_start3A = arith.constant 3 : i32
      %dma_start3A_1772 = arith.constant 0 : i32
      %dma_start3A_1773 = arith.constant 0 : i32
      %dma_start3A_1774 = tpu.memref_slice %arg9[%dma_start3A, %dma_start3A_1772, %dma_start3A_1773] : memref<7x128x128xf32, #tpu.memory_space<vmem>> -> memref<1x128x128xf32, #tpu.memory_space<vmem>>
      %dma_start3A_1775 = tpu.memref_squeeze %dma_start3A_1774 : memref<1x128x128xf32, #tpu.memory_space<vmem>> -> memref<128x128xf32, #tpu.memory_space<vmem>>
      %dma_start3A_1776 = arith.constant 0 : i32
      %dma_start3A_1777 = tpu.memref_slice %arg7[%min3A_1771, %dma_start3A_1776] : memref<32x128xi32, #tpu.memory_space<vmem>> -> memref<1x128xi32, #tpu.memory_space<vmem>>
      %dma_start3A_1778 = tpu.memref_squeeze %dma_start3A_1777 : memref<1x128xi32, #tpu.memory_space<vmem>> -> memref<128xi32, #tpu.memory_space<vmem>>
      %dma_start3A_1779 = arith.constant 0 : i32
      %dma_start3A_1780 = arith.constant 0 : i32
      %dma_start3A_1781 = tpu.memref_slice %arg4[%dma_start3A_1779, %dma_start3A_1780] : memref<131072x128xf32, #tpu.memory_space<hbm>> -> memref<131072x128xf32, #tpu.memory_space<hbm>>
      tpu.enqueue_indirect_dma source(%dma_start3A_1781 : memref<131072x128xf32, #tpu.memory_space<hbm>>) target(%dma_start3A_1775 : memref<128x128xf32, #tpu.memory_space<vmem>>) offsets(%dma_start3A_1778 : memref<128xi32, #tpu.memory_space<vmem>>) semaphore(%arg13 : memref<!tpu.dma_semaphore, #tpu.memory_space<semaphore_mem>>)
    } else {
    }
    %not3A_272 = arith.constant true
    %not3A_273 = arith.xori %lt3A_267, %not3A_272 : i1
    %convert_element_type3A_274 = arith.extui %not3A_273 : i1 to i32
    %cond3A_275 = arith.constant 3 : i32
    %cond3A_276 = arith.constant 0 : i32
    %cond3A_277 = arith.cmpi ne, %convert_element_type3A_274, %cond3A_276 : i32
    scf.if %cond3A_277 {
      %sub3A_1771 = arith.subi %cond3A_275, %shift_right_arithmetic3A_232 : i32
      %dma_start3A = arith.constant 3 : i32
      %dma_start3A_1772 = arith.constant 0 : i32
      %dma_start3A_1773 = arith.constant 0 : i32
      %dma_start3A_1774 = tpu.memref_slice %arg9[%dma_start3A, %dma_start3A_1772, %dma_start3A_1773] : memref<7x128x128xf32, #tpu.memory_space<vmem>> -> memref<1x128x128xf32, #tpu.memory_space<vmem>>
      %dma_start3A_1775 = tpu.memref_squeeze %dma_start3A_1774 : memref<1x128x128xf32, #tpu.memory_space<vmem>> -> memref<128x128xf32, #tpu.memory_space<vmem>>
      %dma_start3A_1776 = arith.constant 0 : i32
      %dma_start3A_1777 = tpu.memref_slice %arg8[%sub3A_1771, %dma_start3A_1776] : memref<32x128xi32, #tpu.memory_space<vmem>> -> memref<1x128xi32, #tpu.memory_space<vmem>>
      %dma_start3A_1778 = tpu.memref_squeeze %dma_start3A_1777 : memref<1x128xi32, #tpu.memory_space<vmem>> -> memref<128xi32, #tpu.memory_space<vmem>>
      %dma_start3A_1779 = arith.constant 0 : i32
      %dma_start3A_1780 = arith.constant 0 : i32
      %dma_start3A_1781 = tpu.memref_slice %arg2[%dma_start3A_1779, %dma_start3A_1780] : memref<131072x128xf32, #tpu.memory_space<hbm>> -> memref<131072x128xf32, #tpu.memory_space<hbm>>
      tpu.enqueue_indirect_dma source(%dma_start3A_1781 : memref<131072x128xf32, #tpu.memory_space<hbm>>) target(%dma_start3A_1775 : memref<128x128xf32, #tpu.memory_space<vmem>>) offsets(%dma_start3A_1778 : memref<128xi32, #tpu.memory_space<vmem>>) semaphore(%arg13 : memref<!tpu.dma_semaphore, #tpu.memory_space<semaphore_mem>>)
    } else {
    }
    %lt3A_278 = arith.constant 4 : i32
    %lt3A_279 = arith.cmpi slt, %lt3A_278, %shift_right_arithmetic3A_232 : i32
    %convert_element_type3A_280 = arith.extui %lt3A_279 : i1 to i32
    %cond3A_281 = arith.constant 4 : i32
    %cond3A_282 = arith.constant 0 : i32
    %cond3A_283 = arith.cmpi ne, %convert_element_type3A_280, %cond3A_282 : i32
    scf.if %cond3A_283 {
      %min3A = arith.constant 31 : i32
      %min3A_1771 = arith.minsi %cond3A_281, %min3A : i32
      %dma_start3A = arith.constant 4 : i32
      %dma_start3A_1772 = arith.constant 0 : i32
      %dma_start3A_1773 = arith.constant 0 : i32
      %dma_start3A_1774 = tpu.memref_slice %arg9[%dma_start3A, %dma_start3A_1772, %dma_start3A_1773] : memref<7x128x128xf32, #tpu.memory_space<vmem>> -> memref<1x128x128xf32, #tpu.memory_space<vmem>>
      %dma_start3A_1775 = tpu.memref_squeeze %dma_start3A_1774 : memref<1x128x128xf32, #tpu.memory_space<vmem>> -> memref<128x128xf32, #tpu.memory_space<vmem>>
      %dma_start3A_1776 = arith.constant 0 : i32
      %dma_start3A_1777 = tpu.memref_slice %arg7[%min3A_1771, %dma_start3A_1776] : memref<32x128xi32, #tpu.memory_space<vmem>> -> memref<1x128xi32, #tpu.memory_space<vmem>>
      %dma_start3A_1778 = tpu.memref_squeeze %dma_start3A_1777 : memref<1x128xi32, #tpu.memory_space<vmem>> -> memref<128xi32, #tpu.memory_space<vmem>>
      %dma_start3A_1779 = arith.constant 0 : i32
      %dma_start3A_1780 = arith.constant 0 : i32
      %dma_start3A_1781 = tpu.memref_slice %arg4[%dma_start3A_1779, %dma_start3A_1780] : memref<131072x128xf32, #tpu.memory_space<hbm>> -> memref<131072x128xf32, #tpu.memory_space<hbm>>
      tpu.enqueue_indirect_dma source(%dma_start3A_1781 : memref<131072x128xf32, #tpu.memory_space<hbm>>) target(%dma_start3A_1775 : memref<128x128xf32, #tpu.memory_space<vmem>>) offsets(%dma_start3A_1778 : memref<128xi32, #tpu.memory_space<vmem>>) semaphore(%arg14 : memref<!tpu.dma_semaphore, #tpu.memory_space<semaphore_mem>>)
    } else {
    }
    %not3A_284 = arith.constant true
    %not3A_285 = arith.xori %lt3A_279, %not3A_284 : i1
    %convert_element_type3A_286 = arith.extui %not3A_285 : i1 to i32
    %cond3A_287 = arith.constant 4 : i32
    %cond3A_288 = arith.constant 0 : i32
    %cond3A_289 = arith.cmpi ne, %convert_element_type3A_286, %cond3A_288 : i32
    scf.if %cond3A_289 {
      %sub3A_1771 = arith.subi %cond3A_287, %shift_right_arithmetic3A_232 : i32
      %dma_start3A = arith.constant 4 : i32
      %dma_start3A_1772 = arith.constant 0 : i32
      %dma_start3A_1773 = arith.constant 0 : i32
      %dma_start3A_1774 = tpu.memref_slice %arg9[%dma_start3A, %dma_start3A_1772, %dma_start3A_1773] : memref<7x128x128xf32, #tpu.memory_space<vmem>> -> memref<1x128x128xf32, #tpu.memory_space<vmem>>
      %dma_start3A_1775 = tpu.memref_squeeze %dma_start3A_1774 : memref<1x128x128xf32, #tpu.memory_space<vmem>> -> memref<128x128xf32, #tpu.memory_space<vmem>>
      %dma_start3A_1776 = arith.constant 0 : i32
      %dma_start3A_1777 = tpu.memref_slice %arg8[%sub3A_1771, %dma_start3A_1776] : memref<32x128xi32, #tpu.memory_space<vmem>> -> memref<1x128xi32, #tpu.memory_space<vmem>>
      %dma_start3A_1778 = tpu.memref_squeeze %dma_start3A_1777 : memref<1x128xi32, #tpu.memory_space<vmem>> -> memref<128xi32, #tpu.memory_space<vmem>>
      %dma_start3A_1779 = arith.constant 0 : i32
      %dma_start3A_1780 = arith.constant 0 : i32
      %dma_start3A_1781 = tpu.memref_slice %arg2[%dma_start3A_1779, %dma_start3A_1780] : memref<131072x128xf32, #tpu.memory_space<hbm>> -> memref<131072x128xf32, #tpu.memory_space<hbm>>
      tpu.enqueue_indirect_dma source(%dma_start3A_1781 : memref<131072x128xf32, #tpu.memory_space<hbm>>) target(%dma_start3A_1775 : memref<128x128xf32, #tpu.memory_space<vmem>>) offsets(%dma_start3A_1778 : memref<128xi32, #tpu.memory_space<vmem>>) semaphore(%arg14 : memref<!tpu.dma_semaphore, #tpu.memory_space<semaphore_mem>>)
    } else {
    }
    %dma_wait3A = arith.constant 0 : i32
    %dma_wait3A_290 = arith.constant 0 : i32
    %dma_wait3A_291 = arith.constant 0 : i32
    %dma_wait3A_292 = arith.constant 0 : i32
    %dma_wait3A_293 = tpu.memref_slice %arg9[%dma_wait3A_290, %dma_wait3A_291, %dma_wait3A_292] : memref<7x128x128xf32, #tpu.memory_space<vmem>> -> memref<1x128x128xf32, #tpu.memory_space<vmem>>
    %dma_wait3A_294 = tpu.memref_squeeze %dma_wait3A_293 : memref<1x128x128xf32, #tpu.memory_space<vmem>> -> memref<128x128xf32, #tpu.memory_space<vmem>>
    %dma_wait3A_295 = arith.constant 0 : i32
    %dma_wait3A_296 = tpu.memref_slice %arg7[%dma_wait3A, %dma_wait3A_295] : memref<32x128xi32, #tpu.memory_space<vmem>> -> memref<1x128xi32, #tpu.memory_space<vmem>>
    %dma_wait3A_297 = tpu.memref_squeeze %dma_wait3A_296 : memref<1x128xi32, #tpu.memory_space<vmem>> -> memref<128xi32, #tpu.memory_space<vmem>>
    %dma_wait3A_298 = arith.constant 0 : i32
    %dma_wait3A_299 = arith.constant 0 : i32
    %dma_wait3A_300 = tpu.memref_slice %arg4[%dma_wait3A_298, %dma_wait3A_299] : memref<131072x128xf32, #tpu.memory_space<hbm>> -> memref<131072x128xf32, #tpu.memory_space<hbm>>
    tpu.wait_indirect_dma semaphore(%arg10 : memref<!tpu.dma_semaphore, #tpu.memory_space<semaphore_mem>>) src(%dma_wait3A_300 : memref<131072x128xf32, #tpu.memory_space<hbm>>) dst(%dma_wait3A_294 : memref<128x128xf32, #tpu.memory_space<vmem>>)
    %lt3A_301 = arith.constant 0 : i32
    %lt3A_302 = arith.cmpi slt, %lt3A_301, %shift_right_arithmetic3A_232 : i32
    %convert_element_type3A_303 = arith.extui %lt3A_302 : i1 to i32
    %cond3A_304 = arith.constant 0 : i32
    %cond3A_305 = arith.constant 0 : i32
    %cond3A_306 = arith.cmpi ne, %convert_element_type3A_303, %cond3A_305 : i32
    scf.if %cond3A_306 {
      %min3A = arith.constant 31 : i32
      %min3A_1771 = arith.minsi %cond3A_304, %min3A : i32
      %dma_start3A = arith.constant 0 : i32
      %dma_start3A_1772 = arith.constant 0 : i32
      %dma_start3A_1773 = arith.constant 0 : i32
      %dma_start3A_1774 = tpu.memref_slice %arg9[%dma_start3A, %dma_start3A_1772, %dma_start3A_1773] : memref<7x128x128xf32, #tpu.memory_space<vmem>> -> memref<1x128x128xf32, #tpu.memory_space<vmem>>
      %dma_start3A_1775 = tpu.memref_squeeze %dma_start3A_1774 : memref<1x128x128xf32, #tpu.memory_space<vmem>> -> memref<128x128xf32, #tpu.memory_space<vmem>>
      %dma_start3A_1776 = arith.constant 0 : i32
      %dma_start3A_1777 = tpu.memref_slice %arg7[%min3A_1771, %dma_start3A_1776] : memref<32x128xi32, #tpu.memory_space<vmem>> -> memref<1x128xi32, #tpu.memory_space<vmem>>
      %dma_start3A_1778 = tpu.memref_squeeze %dma_start3A_1777 : memref<1x128xi32, #tpu.memory_space<vmem>> -> memref<128xi32, #tpu.memory_space<vmem>>
      %dma_start3A_1779 = arith.constant 0 : i32
      %dma_start3A_1780 = arith.constant 0 : i32
      %dma_start3A_1781 = tpu.memref_slice %arg5[%dma_start3A_1779, %dma_start3A_1780] : memref<131072x128xf32, #tpu.memory_space<hbm>> -> memref<131072x128xf32, #tpu.memory_space<hbm>>
      tpu.enqueue_indirect_dma source(%dma_start3A_1775 : memref<128x128xf32, #tpu.memory_space<vmem>>) target(%dma_start3A_1781 : memref<131072x128xf32, #tpu.memory_space<hbm>>) offsets(%dma_start3A_1778 : memref<128xi32, #tpu.memory_space<vmem>>) semaphore(%arg17 : memref<!tpu.dma_semaphore, #tpu.memory_space<semaphore_mem>>)
    } else {
    }
    %not3A_307 = arith.constant true
    %not3A_308 = arith.xori %lt3A_302, %not3A_307 : i1
    %convert_element_type3A_309 = arith.extui %not3A_308 : i1 to i32
    %cond3A_310 = arith.constant 0 : i32
    %cond3A_311 = arith.constant 0 : i32
    %cond3A_312 = arith.cmpi ne, %convert_element_type3A_309, %cond3A_311 : i32
    scf.if %cond3A_312 {
      %sub3A_1771 = arith.subi %cond3A_310, %shift_right_arithmetic3A_232 : i32
      %dma_start3A = arith.constant 0 : i32
      %dma_start3A_1772 = arith.constant 0 : i32
      %dma_start3A_1773 = arith.constant 0 : i32
      %dma_start3A_1774 = tpu.memref_slice %arg9[%dma_start3A, %dma_start3A_1772, %dma_start3A_1773] : memref<7x128x128xf32, #tpu.memory_space<vmem>> -> memref<1x128x128xf32, #tpu.memory_space<vmem>>
      %dma_start3A_1775 = tpu.memref_squeeze %dma_start3A_1774 : memref<1x128x128xf32, #tpu.memory_space<vmem>> -> memref<128x128xf32, #tpu.memory_space<vmem>>
      %dma_start3A_1776 = arith.constant 0 : i32
      %dma_start3A_1777 = tpu.memref_slice %arg8[%sub3A_1771, %dma_start3A_1776] : memref<32x128xi32, #tpu.memory_space<vmem>> -> memref<1x128xi32, #tpu.memory_space<vmem>>
      %dma_start3A_1778 = tpu.memref_squeeze %dma_start3A_1777 : memref<1x128xi32, #tpu.memory_space<vmem>> -> memref<128xi32, #tpu.memory_space<vmem>>
      %dma_start3A_1779 = arith.constant 0 : i32
      %dma_start3A_1780 = arith.constant 0 : i32
      %dma_start3A_1781 = tpu.memref_slice %arg5[%dma_start3A_1779, %dma_start3A_1780] : memref<131072x128xf32, #tpu.memory_space<hbm>> -> memref<131072x128xf32, #tpu.memory_space<hbm>>
      tpu.enqueue_indirect_dma source(%dma_start3A_1775 : memref<128x128xf32, #tpu.memory_space<vmem>>) target(%dma_start3A_1781 : memref<131072x128xf32, #tpu.memory_space<hbm>>) offsets(%dma_start3A_1778 : memref<128xi32, #tpu.memory_space<vmem>>) semaphore(%arg17 : memref<!tpu.dma_semaphore, #tpu.memory_space<semaphore_mem>>)
    } else {
    }
    %lt3A_313 = arith.constant 5 : i32
    %lt3A_314 = arith.cmpi slt, %lt3A_313, %shift_right_arithmetic3A_232 : i32
    %convert_element_type3A_315 = arith.extui %lt3A_314 : i1 to i32
    %cond3A_316 = arith.constant 5 : i32
    %cond3A_317 = arith.constant 0 : i32
    %cond3A_318 = arith.cmpi ne, %convert_element_type3A_315, %cond3A_317 : i32
    scf.if %cond3A_318 {
      %min3A = arith.constant 31 : i32
      %min3A_1771 = arith.minsi %cond3A_316, %min3A : i32
      %dma_start3A = arith.constant 5 : i32
      %dma_start3A_1772 = arith.constant 0 : i32
      %dma_start3A_1773 = arith.constant 0 : i32
      %dma_start3A_1774 = tpu.memref_slice %arg9[%dma_start3A, %dma_start3A_1772, %dma_start3A_1773] : memref<7x128x128xf32, #tpu.memory_space<vmem>> -> memref<1x128x128xf32, #tpu.memory_space<vmem>>
      %dma_start3A_1775 = tpu.memref_squeeze %dma_start3A_1774 : memref<1x128x128xf32, #tpu.memory_space<vmem>> -> memref<128x128xf32, #tpu.memory_space<vmem>>
      %dma_start3A_1776 = arith.constant 0 : i32
      %dma_start3A_1777 = tpu.memref_slice %arg7[%min3A_1771, %dma_start3A_1776] : memref<32x128xi32, #tpu.memory_space<vmem>> -> memref<1x128xi32, #tpu.memory_space<vmem>>
      %dma_start3A_1778 = tpu.memref_squeeze %dma_start3A_1777 : memref<1x128xi32, #tpu.memory_space<vmem>> -> memref<128xi32, #tpu.memory_space<vmem>>
      %dma_start3A_1779 = arith.constant 0 : i32
      %dma_start3A_1780 = arith.constant 0 : i32
      %dma_start3A_1781 = tpu.memref_slice %arg4[%dma_start3A_1779, %dma_start3A_1780] : memref<131072x128xf32, #tpu.memory_space<hbm>> -> memref<131072x128xf32, #tpu.memory_space<hbm>>
      tpu.enqueue_indirect_dma source(%dma_start3A_1781 : memref<131072x128xf32, #tpu.memory_space<hbm>>) target(%dma_start3A_1775 : memref<128x128xf32, #tpu.memory_space<vmem>>) offsets(%dma_start3A_1778 : memref<128xi32, #tpu.memory_space<vmem>>) semaphore(%arg15 : memref<!tpu.dma_semaphore, #tpu.memory_space<semaphore_mem>>)
    } else {
    }
    %not3A_319 = arith.constant true
    %not3A_320 = arith.xori %lt3A_314, %not3A_319 : i1
    %convert_element_type3A_321 = arith.extui %not3A_320 : i1 to i32
    %cond3A_322 = arith.constant 5 : i32
    %cond3A_323 = arith.constant 0 : i32
    %cond3A_324 = arith.cmpi ne, %convert_element_type3A_321, %cond3A_323 : i32
    scf.if %cond3A_324 {
      %sub3A_1771 = arith.subi %cond3A_322, %shift_right_arithmetic3A_232 : i32
      %dma_start3A = arith.constant 5 : i32
      %dma_start3A_1772 = arith.constant 0 : i32
      %dma_start3A_1773 = arith.constant 0 : i32
      %dma_start3A_1774 = tpu.memref_slice %arg9[%dma_start3A, %dma_start3A_1772, %dma_start3A_1773] : memref<7x128x128xf32, #tpu.memory_space<vmem>> -> memref<1x128x128xf32, #tpu.memory_space<vmem>>
      %dma_start3A_1775 = tpu.memref_squeeze %dma_start3A_1774 : memref<1x128x128xf32, #tpu.memory_space<vmem>> -> memref<128x128xf32, #tpu.memory_space<vmem>>
      %dma_start3A_1776 = arith.constant 0 : i32
      %dma_start3A_1777 = tpu.memref_slice %arg8[%sub3A_1771, %dma_start3A_1776] : memref<32x128xi32, #tpu.memory_space<vmem>> -> memref<1x128xi32, #tpu.memory_space<vmem>>
      %dma_start3A_1778 = tpu.memref_squeeze %dma_start3A_1777 : memref<1x128xi32, #tpu.memory_space<vmem>> -> memref<128xi32, #tpu.memory_space<vmem>>
      %dma_start3A_1779 = arith.constant 0 : i32
      %dma_start3A_1780 = arith.constant 0 : i32
      %dma_start3A_1781 = tpu.memref_slice %arg2[%dma_start3A_1779, %dma_start3A_1780] : memref<131072x128xf32, #tpu.memory_space<hbm>> -> memref<131072x128xf32, #tpu.memory_space<hbm>>
      tpu.enqueue_indirect_dma source(%dma_start3A_1781 : memref<131072x128xf32, #tpu.memory_space<hbm>>) target(%dma_start3A_1775 : memref<128x128xf32, #tpu.memory_space<vmem>>) offsets(%dma_start3A_1778 : memref<128xi32, #tpu.memory_space<vmem>>) semaphore(%arg15 : memref<!tpu.dma_semaphore, #tpu.memory_space<semaphore_mem>>)
    } else {
    }
    %dma_wait3A_325 = arith.constant 0 : i32
    %dma_wait3A_326 = arith.constant 1 : i32
    %dma_wait3A_327 = arith.constant 0 : i32
    %dma_wait3A_328 = arith.constant 0 : i32
    %dma_wait3A_329 = tpu.memref_slice %arg9[%dma_wait3A_326, %dma_wait3A_327, %dma_wait3A_328] : memref<7x128x128xf32, #tpu.memory_space<vmem>> -> memref<1x128x128xf32, #tpu.memory_space<vmem>>
    %dma_wait3A_330 = tpu.memref_squeeze %dma_wait3A_329 : memref<1x128x128xf32, #tpu.memory_space<vmem>> -> memref<128x128xf32, #tpu.memory_space<vmem>>
    %dma_wait3A_331 = arith.constant 0 : i32
    %dma_wait3A_332 = tpu.memref_slice %arg7[%dma_wait3A_325, %dma_wait3A_331] : memref<32x128xi32, #tpu.memory_space<vmem>> -> memref<1x128xi32, #tpu.memory_space<vmem>>
    %dma_wait3A_333 = tpu.memref_squeeze %dma_wait3A_332 : memref<1x128xi32, #tpu.memory_space<vmem>> -> memref<128xi32, #tpu.memory_space<vmem>>
    %dma_wait3A_334 = arith.constant 0 : i32
    %dma_wait3A_335 = arith.constant 0 : i32
    %dma_wait3A_336 = tpu.memref_slice %arg4[%dma_wait3A_334, %dma_wait3A_335] : memref<131072x128xf32, #tpu.memory_space<hbm>> -> memref<131072x128xf32, #tpu.memory_space<hbm>>
    tpu.wait_indirect_dma semaphore(%arg11 : memref<!tpu.dma_semaphore, #tpu.memory_space<semaphore_mem>>) src(%dma_wait3A_336 : memref<131072x128xf32, #tpu.memory_space<hbm>>) dst(%dma_wait3A_330 : memref<128x128xf32, #tpu.memory_space<vmem>>)
    %lt3A_337 = arith.constant 1 : i32
    %lt3A_338 = arith.cmpi slt, %lt3A_337, %shift_right_arithmetic3A_232 : i32
    %convert_element_type3A_339 = arith.extui %lt3A_338 : i1 to i32
    %cond3A_340 = arith.constant 1 : i32
    %cond3A_341 = arith.constant 0 : i32
    %cond3A_342 = arith.cmpi ne, %convert_element_type3A_339, %cond3A_341 : i32
    scf.if %cond3A_342 {
      %min3A = arith.constant 31 : i32
      %min3A_1771 = arith.minsi %cond3A_340, %min3A : i32
      %dma_start3A = arith.constant 1 : i32
      %dma_start3A_1772 = arith.constant 0 : i32
      %dma_start3A_1773 = arith.constant 0 : i32
      %dma_start3A_1774 = tpu.memref_slice %arg9[%dma_start3A, %dma_start3A_1772, %dma_start3A_1773] : memref<7x128x128xf32, #tpu.memory_space<vmem>> -> memref<1x128x128xf32, #tpu.memory_space<vmem>>
      %dma_start3A_1775 = tpu.memref_squeeze %dma_start3A_1774 : memref<1x128x128xf32, #tpu.memory_space<vmem>> -> memref<128x128xf32, #tpu.memory_space<vmem>>
      %dma_start3A_1776 = arith.constant 0 : i32
      %dma_start3A_1777 = tpu.memref_slice %arg7[%min3A_1771, %dma_start3A_1776] : memref<32x128xi32, #tpu.memory_space<vmem>> -> memref<1x128xi32, #tpu.memory_space<vmem>>
      %dma_start3A_1778 = tpu.memref_squeeze %dma_start3A_1777 : memref<1x128xi32, #tpu.memory_space<vmem>> -> memref<128xi32, #tpu.memory_space<vmem>>
      %dma_start3A_1779 = arith.constant 0 : i32
      %dma_start3A_1780 = arith.constant 0 : i32
      %dma_start3A_1781 = tpu.memref_slice %arg5[%dma_start3A_1779, %dma_start3A_1780] : memref<131072x128xf32, #tpu.memory_space<hbm>> -> memref<131072x128xf32, #tpu.memory_space<hbm>>
      tpu.enqueue_indirect_dma source(%dma_start3A_1775 : memref<128x128xf32, #tpu.memory_space<vmem>>) target(%dma_start3A_1781 : memref<131072x128xf32, #tpu.memory_space<hbm>>) offsets(%dma_start3A_1778 : memref<128xi32, #tpu.memory_space<vmem>>) semaphore(%arg18 : memref<!tpu.dma_semaphore, #tpu.memory_space<semaphore_mem>>)
    } else {
    }
    %not3A_343 = arith.constant true
    %not3A_344 = arith.xori %lt3A_338, %not3A_343 : i1
    %convert_element_type3A_345 = arith.extui %not3A_344 : i1 to i32
    %cond3A_346 = arith.constant 1 : i32
    %cond3A_347 = arith.constant 0 : i32
    %cond3A_348 = arith.cmpi ne, %convert_element_type3A_345, %cond3A_347 : i32
    scf.if %cond3A_348 {
      %sub3A_1771 = arith.subi %cond3A_346, %shift_right_arithmetic3A_232 : i32
      %dma_start3A = arith.constant 1 : i32
      %dma_start3A_1772 = arith.constant 0 : i32
      %dma_start3A_1773 = arith.constant 0 : i32
      %dma_start3A_1774 = tpu.memref_slice %arg9[%dma_start3A, %dma_start3A_1772, %dma_start3A_1773] : memref<7x128x128xf32, #tpu.memory_space<vmem>> -> memref<1x128x128xf32, #tpu.memory_space<vmem>>
      %dma_start3A_1775 = tpu.memref_squeeze %dma_start3A_1774 : memref<1x128x128xf32, #tpu.memory_space<vmem>> -> memref<128x128xf32, #tpu.memory_space<vmem>>
      %dma_start3A_1776 = arith.constant 0 : i32
      %dma_start3A_1777 = tpu.memref_slice %arg8[%sub3A_1771, %dma_start3A_1776] : memref<32x128xi32, #tpu.memory_space<vmem>> -> memref<1x128xi32, #tpu.memory_space<vmem>>
      %dma_start3A_1778 = tpu.memref_squeeze %dma_start3A_1777 : memref<1x128xi32, #tpu.memory_space<vmem>> -> memref<128xi32, #tpu.memory_space<vmem>>
      %dma_start3A_1779 = arith.constant 0 : i32
      %dma_start3A_1780 = arith.constant 0 : i32
      %dma_start3A_1781 = tpu.memref_slice %arg5[%dma_start3A_1779, %dma_start3A_1780] : memref<131072x128xf32, #tpu.memory_space<hbm>> -> memref<131072x128xf32, #tpu.memory_space<hbm>>
      tpu.enqueue_indirect_dma source(%dma_start3A_1775 : memref<128x128xf32, #tpu.memory_space<vmem>>) target(%dma_start3A_1781 : memref<131072x128xf32, #tpu.memory_space<hbm>>) offsets(%dma_start3A_1778 : memref<128xi32, #tpu.memory_space<vmem>>) semaphore(%arg18 : memref<!tpu.dma_semaphore, #tpu.memory_space<semaphore_mem>>)
    } else {
    }
    %lt3A_349 = arith.constant 6 : i32
    %lt3A_350 = arith.cmpi slt, %lt3A_349, %shift_right_arithmetic3A_232 : i32
    %convert_element_type3A_351 = arith.extui %lt3A_350 : i1 to i32
    %cond3A_352 = arith.constant 6 : i32
    %cond3A_353 = arith.constant 0 : i32
    %cond3A_354 = arith.cmpi ne, %convert_element_type3A_351, %cond3A_353 : i32
    scf.if %cond3A_354 {
      %min3A = arith.constant 31 : i32
      %min3A_1771 = arith.minsi %cond3A_352, %min3A : i32
      %dma_start3A = arith.constant 6 : i32
      %dma_start3A_1772 = arith.constant 0 : i32
      %dma_start3A_1773 = arith.constant 0 : i32
      %dma_start3A_1774 = tpu.memref_slice %arg9[%dma_start3A, %dma_start3A_1772, %dma_start3A_1773] : memref<7x128x128xf32, #tpu.memory_space<vmem>> -> memref<1x128x128xf32, #tpu.memory_space<vmem>>
      %dma_start3A_1775 = tpu.memref_squeeze %dma_start3A_1774 : memref<1x128x128xf32, #tpu.memory_space<vmem>> -> memref<128x128xf32, #tpu.memory_space<vmem>>
      %dma_start3A_1776 = arith.constant 0 : i32
      %dma_start3A_1777 = tpu.memref_slice %arg7[%min3A_1771, %dma_start3A_1776] : memref<32x128xi32, #tpu.memory_space<vmem>> -> memref<1x128xi32, #tpu.memory_space<vmem>>
      %dma_start3A_1778 = tpu.memref_squeeze %dma_start3A_1777 : memref<1x128xi32, #tpu.memory_space<vmem>> -> memref<128xi32, #tpu.memory_space<vmem>>
      %dma_start3A_1779 = arith.constant 0 : i32
      %dma_start3A_1780 = arith.constant 0 : i32
      %dma_start3A_1781 = tpu.memref_slice %arg4[%dma_start3A_1779, %dma_start3A_1780] : memref<131072x128xf32, #tpu.memory_space<hbm>> -> memref<131072x128xf32, #tpu.memory_space<hbm>>
      tpu.enqueue_indirect_dma source(%dma_start3A_1781 : memref<131072x128xf32, #tpu.memory_space<hbm>>) target(%dma_start3A_1775 : memref<128x128xf32, #tpu.memory_space<vmem>>) offsets(%dma_start3A_1778 : memref<128xi32, #tpu.memory_space<vmem>>) semaphore(%arg16 : memref<!tpu.dma_semaphore, #tpu.memory_space<semaphore_mem>>)
    } else {
    }
    %not3A_355 = arith.constant true
    %not3A_356 = arith.xori %lt3A_350, %not3A_355 : i1
    %convert_element_type3A_357 = arith.extui %not3A_356 : i1 to i32
    %cond3A_358 = arith.constant 6 : i32
    %cond3A_359 = arith.constant 0 : i32
    %cond3A_360 = arith.cmpi ne, %convert_element_type3A_357, %cond3A_359 : i32
    scf.if %cond3A_360 {
      %sub3A_1771 = arith.subi %cond3A_358, %shift_right_arithmetic3A_232 : i32
      %dma_start3A = arith.constant 6 : i32
      %dma_start3A_1772 = arith.constant 0 : i32
      %dma_start3A_1773 = arith.constant 0 : i32
      %dma_start3A_1774 = tpu.memref_slice %arg9[%dma_start3A, %dma_start3A_1772, %dma_start3A_1773] : memref<7x128x128xf32, #tpu.memory_space<vmem>> -> memref<1x128x128xf32, #tpu.memory_space<vmem>>
      %dma_start3A_1775 = tpu.memref_squeeze %dma_start3A_1774 : memref<1x128x128xf32, #tpu.memory_space<vmem>> -> memref<128x128xf32, #tpu.memory_space<vmem>>
      %dma_start3A_1776 = arith.constant 0 : i32
      %dma_start3A_1777 = tpu.memref_slice %arg8[%sub3A_1771, %dma_start3A_1776] : memref<32x128xi32, #tpu.memory_space<vmem>> -> memref<1x128xi32, #tpu.memory_space<vmem>>
      %dma_start3A_1778 = tpu.memref_squeeze %dma_start3A_1777 : memref<1x128xi32, #tpu.memory_space<vmem>> -> memref<128xi32, #tpu.memory_space<vmem>>
      %dma_start3A_1779 = arith.constant 0 : i32
      %dma_start3A_1780 = arith.constant 0 : i32
      %dma_start3A_1781 = tpu.memref_slice %arg2[%dma_start3A_1779, %dma_start3A_1780] : memref<131072x128xf32, #tpu.memory_space<hbm>> -> memref<131072x128xf32, #tpu.memory_space<hbm>>
      tpu.enqueue_indirect_dma source(%dma_start3A_1781 : memref<131072x128xf32, #tpu.memory_space<hbm>>) target(%dma_start3A_1775 : memref<128x128xf32, #tpu.memory_space<vmem>>) offsets(%dma_start3A_1778 : memref<128xi32, #tpu.memory_space<vmem>>) semaphore(%arg16 : memref<!tpu.dma_semaphore, #tpu.memory_space<semaphore_mem>>)
    } else {
    }
    %dma_wait3A_361 = arith.constant 0 : i32
    %dma_wait3A_362 = arith.constant 2 : i32
    %dma_wait3A_363 = arith.constant 0 : i32
    %dma_wait3A_364 = arith.constant 0 : i32
    %dma_wait3A_365 = tpu.memref_slice %arg9[%dma_wait3A_362, %dma_wait3A_363, %dma_wait3A_364] : memref<7x128x128xf32, #tpu.memory_space<vmem>> -> memref<1x128x128xf32, #tpu.memory_space<vmem>>
    %dma_wait3A_366 = tpu.memref_squeeze %dma_wait3A_365 : memref<1x128x128xf32, #tpu.memory_space<vmem>> -> memref<128x128xf32, #tpu.memory_space<vmem>>
    %dma_wait3A_367 = arith.constant 0 : i32
    %dma_wait3A_368 = tpu.memref_slice %arg7[%dma_wait3A_361, %dma_wait3A_367] : memref<32x128xi32, #tpu.memory_space<vmem>> -> memref<1x128xi32, #tpu.memory_space<vmem>>
    %dma_wait3A_369 = tpu.memref_squeeze %dma_wait3A_368 : memref<1x128xi32, #tpu.memory_space<vmem>> -> memref<128xi32, #tpu.memory_space<vmem>>
    %dma_wait3A_370 = arith.constant 0 : i32
    %dma_wait3A_371 = arith.constant 0 : i32
    %dma_wait3A_372 = tpu.memref_slice %arg4[%dma_wait3A_370, %dma_wait3A_371] : memref<131072x128xf32, #tpu.memory_space<hbm>> -> memref<131072x128xf32, #tpu.memory_space<hbm>>
    tpu.wait_indirect_dma semaphore(%arg12 : memref<!tpu.dma_semaphore, #tpu.memory_space<semaphore_mem>>) src(%dma_wait3A_372 : memref<131072x128xf32, #tpu.memory_space<hbm>>) dst(%dma_wait3A_366 : memref<128x128xf32, #tpu.memory_space<vmem>>)
    %lt3A_373 = arith.constant 2 : i32
    %lt3A_374 = arith.cmpi slt, %lt3A_373, %shift_right_arithmetic3A_232 : i32
    %convert_element_type3A_375 = arith.extui %lt3A_374 : i1 to i32
    %cond3A_376 = arith.constant 2 : i32
    %cond3A_377 = arith.constant 0 : i32
    %cond3A_378 = arith.cmpi ne, %convert_element_type3A_375, %cond3A_377 : i32
    scf.if %cond3A_378 {
      %min3A = arith.constant 31 : i32
      %min3A_1771 = arith.minsi %cond3A_376, %min3A : i32
      %dma_start3A = arith.constant 2 : i32
      %dma_start3A_1772 = arith.constant 0 : i32
      %dma_start3A_1773 = arith.constant 0 : i32
      %dma_start3A_1774 = tpu.memref_slice %arg9[%dma_start3A, %dma_start3A_1772, %dma_start3A_1773] : memref<7x128x128xf32, #tpu.memory_space<vmem>> -> memref<1x128x128xf32, #tpu.memory_space<vmem>>
      %dma_start3A_1775 = tpu.memref_squeeze %dma_start3A_1774 : memref<1x128x128xf32, #tpu.memory_space<vmem>> -> memref<128x128xf32, #tpu.memory_space<vmem>>
      %dma_start3A_1776 = arith.constant 0 : i32
      %dma_start3A_1777 = tpu.memref_slice %arg7[%min3A_1771, %dma_start3A_1776] : memref<32x128xi32, #tpu.memory_space<vmem>> -> memref<1x128xi32, #tpu.memory_space<vmem>>
      %dma_start3A_1778 = tpu.memref_squeeze %dma_start3A_1777 : memref<1x128xi32, #tpu.memory_space<vmem>> -> memref<128xi32, #tpu.memory_space<vmem>>
      %dma_start3A_1779 = arith.constant 0 : i32
      %dma_start3A_1780 = arith.constant 0 : i32
      %dma_start3A_1781 = tpu.memref_slice %arg5[%dma_start3A_1779, %dma_start3A_1780] : memref<131072x128xf32, #tpu.memory_space<hbm>> -> memref<131072x128xf32, #tpu.memory_space<hbm>>
      tpu.enqueue_indirect_dma source(%dma_start3A_1775 : memref<128x128xf32, #tpu.memory_space<vmem>>) target(%dma_start3A_1781 : memref<131072x128xf32, #tpu.memory_space<hbm>>) offsets(%dma_start3A_1778 : memref<128xi32, #tpu.memory_space<vmem>>) semaphore(%arg19 : memref<!tpu.dma_semaphore, #tpu.memory_space<semaphore_mem>>)
    } else {
    }
    %not3A_379 = arith.constant true
    %not3A_380 = arith.xori %lt3A_374, %not3A_379 : i1
    %convert_element_type3A_381 = arith.extui %not3A_380 : i1 to i32
    %cond3A_382 = arith.constant 2 : i32
    %cond3A_383 = arith.constant 0 : i32
    %cond3A_384 = arith.cmpi ne, %convert_element_type3A_381, %cond3A_383 : i32
    scf.if %cond3A_384 {
      %sub3A_1771 = arith.subi %cond3A_382, %shift_right_arithmetic3A_232 : i32
      %dma_start3A = arith.constant 2 : i32
      %dma_start3A_1772 = arith.constant 0 : i32
      %dma_start3A_1773 = arith.constant 0 : i32
      %dma_start3A_1774 = tpu.memref_slice %arg9[%dma_start3A, %dma_start3A_1772, %dma_start3A_1773] : memref<7x128x128xf32, #tpu.memory_space<vmem>> -> memref<1x128x128xf32, #tpu.memory_space<vmem>>
      %dma_start3A_1775 = tpu.memref_squeeze %dma_start3A_1774 : memref<1x128x128xf32, #tpu.memory_space<vmem>> -> memref<128x128xf32, #tpu.memory_space<vmem>>
      %dma_start3A_1776 = arith.constant 0 : i32
      %dma_start3A_1777 = tpu.memref_slice %arg8[%sub3A_1771, %dma_start3A_1776] : memref<32x128xi32, #tpu.memory_space<vmem>> -> memref<1x128xi32, #tpu.memory_space<vmem>>
      %dma_start3A_1778 = tpu.memref_squeeze %dma_start3A_1777 : memref<1x128xi32, #tpu.memory_space<vmem>> -> memref<128xi32, #tpu.memory_space<vmem>>
      %dma_start3A_1779 = arith.constant 0 : i32
      %dma_start3A_1780 = arith.constant 0 : i32
      %dma_start3A_1781 = tpu.memref_slice %arg5[%dma_start3A_1779, %dma_start3A_1780] : memref<131072x128xf32, #tpu.memory_space<hbm>> -> memref<131072x128xf32, #tpu.memory_space<hbm>>
      tpu.enqueue_indirect_dma source(%dma_start3A_1775 : memref<128x128xf32, #tpu.memory_space<vmem>>) target(%dma_start3A_1781 : memref<131072x128xf32, #tpu.memory_space<hbm>>) offsets(%dma_start3A_1778 : memref<128xi32, #tpu.memory_space<vmem>>) semaphore(%arg19 : memref<!tpu.dma_semaphore, #tpu.memory_space<semaphore_mem>>)
    } else {
    }
    %dma_wait3A_385 = arith.constant 0 : i32
    %dma_wait3A_386 = arith.constant 0 : i32
    %dma_wait3A_387 = arith.constant 0 : i32
    %dma_wait3A_388 = arith.constant 0 : i32
    %dma_wait3A_389 = tpu.memref_slice %arg9[%dma_wait3A_386, %dma_wait3A_387, %dma_wait3A_388] : memref<7x128x128xf32, #tpu.memory_space<vmem>> -> memref<1x128x128xf32, #tpu.memory_space<vmem>>
    %dma_wait3A_390 = tpu.memref_squeeze %dma_wait3A_389 : memref<1x128x128xf32, #tpu.memory_space<vmem>> -> memref<128x128xf32, #tpu.memory_space<vmem>>
    %dma_wait3A_391 = arith.constant 0 : i32
    %dma_wait3A_392 = tpu.memref_slice %arg7[%dma_wait3A_385, %dma_wait3A_391] : memref<32x128xi32, #tpu.memory_space<vmem>> -> memref<1x128xi32, #tpu.memory_space<vmem>>
    %dma_wait3A_393 = tpu.memref_squeeze %dma_wait3A_392 : memref<1x128xi32, #tpu.memory_space<vmem>> -> memref<128xi32, #tpu.memory_space<vmem>>
    %dma_wait3A_394 = arith.constant 0 : i32
    %dma_wait3A_395 = arith.constant 0 : i32
    %dma_wait3A_396 = tpu.memref_slice %arg4[%dma_wait3A_394, %dma_wait3A_395] : memref<131072x128xf32, #tpu.memory_space<hbm>> -> memref<131072x128xf32, #tpu.memory_space<hbm>>
    tpu.wait_indirect_dma semaphore(%arg17 : memref<!tpu.dma_semaphore, #tpu.memory_space<semaphore_mem>>) src(%dma_wait3A_396 : memref<131072x128xf32, #tpu.memory_space<hbm>>) dst(%dma_wait3A_390 : memref<128x128xf32, #tpu.memory_space<vmem>>)
    %lt3A_397 = arith.constant 7 : i32
    %lt3A_398 = arith.cmpi slt, %lt3A_397, %shift_right_arithmetic3A_232 : i32
    %convert_element_type3A_399 = arith.extui %lt3A_398 : i1 to i32
    %cond3A_400 = arith.constant 7 : i32
    %cond3A_401 = arith.constant 0 : i32
    %cond3A_402 = arith.cmpi ne, %convert_element_type3A_399, %cond3A_401 : i32
    scf.if %cond3A_402 {
      %min3A = arith.constant 31 : i32
      %min3A_1771 = arith.minsi %cond3A_400, %min3A : i32
      %dma_start3A = arith.constant 0 : i32
      %dma_start3A_1772 = arith.constant 0 : i32
      %dma_start3A_1773 = arith.constant 0 : i32
      %dma_start3A_1774 = tpu.memref_slice %arg9[%dma_start3A, %dma_start3A_1772, %dma_start3A_1773] : memref<7x128x128xf32, #tpu.memory_space<vmem>> -> memref<1x128x128xf32, #tpu.memory_space<vmem>>
      %dma_start3A_1775 = tpu.memref_squeeze %dma_start3A_1774 : memref<1x128x128xf32, #tpu.memory_space<vmem>> -> memref<128x128xf32, #tpu.memory_space<vmem>>
      %dma_start3A_1776 = arith.constant 0 : i32
      %dma_start3A_1777 = tpu.memref_slice %arg7[%min3A_1771, %dma_start3A_1776] : memref<32x128xi32, #tpu.memory_space<vmem>> -> memref<1x128xi32, #tpu.memory_space<vmem>>
      %dma_start3A_1778 = tpu.memref_squeeze %dma_start3A_1777 : memref<1x128xi32, #tpu.memory_space<vmem>> -> memref<128xi32, #tpu.memory_space<vmem>>
      %dma_start3A_1779 = arith.constant 0 : i32
      %dma_start3A_1780 = arith.constant 0 : i32
      %dma_start3A_1781 = tpu.memref_slice %arg4[%dma_start3A_1779, %dma_start3A_1780] : memref<131072x128xf32, #tpu.memory_space<hbm>> -> memref<131072x128xf32, #tpu.memory_space<hbm>>
      tpu.enqueue_indirect_dma source(%dma_start3A_1781 : memref<131072x128xf32, #tpu.memory_space<hbm>>) target(%dma_start3A_1775 : memref<128x128xf32, #tpu.memory_space<vmem>>) offsets(%dma_start3A_1778 : memref<128xi32, #tpu.memory_space<vmem>>) semaphore(%arg10 : memref<!tpu.dma_semaphore, #tpu.memory_space<semaphore_mem>>)
    } else {
    }
    %not3A_403 = arith.constant true
    %not3A_404 = arith.xori %lt3A_398, %not3A_403 : i1
    %convert_element_type3A_405 = arith.extui %not3A_404 : i1 to i32
    %cond3A_406 = arith.constant 7 : i32
    %cond3A_407 = arith.constant 0 : i32
    %cond3A_408 = arith.cmpi ne, %convert_element_type3A_405, %cond3A_407 : i32
    scf.if %cond3A_408 {
      %sub3A_1771 = arith.subi %cond3A_406, %shift_right_arithmetic3A_232 : i32
      %dma_start3A = arith.constant 0 : i32
      %dma_start3A_1772 = arith.constant 0 : i32
      %dma_start3A_1773 = arith.constant 0 : i32
      %dma_start3A_1774 = tpu.memref_slice %arg9[%dma_start3A, %dma_start3A_1772, %dma_start3A_1773] : memref<7x128x128xf32, #tpu.memory_space<vmem>> -> memref<1x128x128xf32, #tpu.memory_space<vmem>>
      %dma_start3A_1775 = tpu.memref_squeeze %dma_start3A_1774 : memref<1x128x128xf32, #tpu.memory_space<vmem>> -> memref<128x128xf32, #tpu.memory_space<vmem>>
      %dma_start3A_1776 = arith.constant 0 : i32
      %dma_start3A_1777 = tpu.memref_slice %arg8[%sub3A_1771, %dma_start3A_1776] : memref<32x128xi32, #tpu.memory_space<vmem>> -> memref<1x128xi32, #tpu.memory_space<vmem>>
      %dma_start3A_1778 = tpu.memref_squeeze %dma_start3A_1777 : memref<1x128xi32, #tpu.memory_space<vmem>> -> memref<128xi32, #tpu.memory_space<vmem>>
      %dma_start3A_1779 = arith.constant 0 : i32
      %dma_start3A_1780 = arith.constant 0 : i32
      %dma_start3A_1781 = tpu.memref_slice %arg2[%dma_start3A_1779, %dma_start3A_1780] : memref<131072x128xf32, #tpu.memory_space<hbm>> -> memref<131072x128xf32, #tpu.memory_space<hbm>>
      tpu.enqueue_indirect_dma source(%dma_start3A_1781 : memref<131072x128xf32, #tpu.memory_space<hbm>>) target(%dma_start3A_1775 : memref<128x128xf32, #tpu.memory_space<vmem>>) offsets(%dma_start3A_1778 : memref<128xi32, #tpu.memory_space<vmem>>) semaphore(%arg10 : memref<!tpu.dma_semaphore, #tpu.memory_space<semaphore_mem>>)
    } else {
    }
    %dma_wait3A_409 = arith.constant 0 : i32
    %dma_wait3A_410 = arith.constant 3 : i32
    %dma_wait3A_411 = arith.constant 0 : i32
    %dma_wait3A_412 = arith.constant 0 : i32
    %dma_wait3A_413 = tpu.memref_slice %arg9[%dma_wait3A_410, %dma_wait3A_411, %dma_wait3A_412] : memref<7x128x128xf32, #tpu.memory_space<vmem>> -> memref<1x128x128xf32, #tpu.memory_space<vmem>>
    %dma_wait3A_414 = tpu.memref_squeeze %dma_wait3A_413 : memref<1x128x128xf32, #tpu.memory_space<vmem>> -> memref<128x128xf32, #tpu.memory_space<vmem>>
    %dma_wait3A_415 = arith.constant 0 : i32
    %dma_wait3A_416 = tpu.memref_slice %arg7[%dma_wait3A_409, %dma_wait3A_415] : memref<32x128xi32, #tpu.memory_space<vmem>> -> memref<1x128xi32, #tpu.memory_space<vmem>>
    %dma_wait3A_417 = tpu.memref_squeeze %dma_wait3A_416 : memref<1x128xi32, #tpu.memory_space<vmem>> -> memref<128xi32, #tpu.memory_space<vmem>>
    %dma_wait3A_418 = arith.constant 0 : i32
    %dma_wait3A_419 = arith.constant 0 : i32
    %dma_wait3A_420 = tpu.memref_slice %arg4[%dma_wait3A_418, %dma_wait3A_419] : memref<131072x128xf32, #tpu.memory_space<hbm>> -> memref<131072x128xf32, #tpu.memory_space<hbm>>
    tpu.wait_indirect_dma semaphore(%arg13 : memref<!tpu.dma_semaphore, #tpu.memory_space<semaphore_mem>>) src(%dma_wait3A_420 : memref<131072x128xf32, #tpu.memory_space<hbm>>) dst(%dma_wait3A_414 : memref<128x128xf32, #tpu.memory_space<vmem>>)
    %lt3A_421 = arith.constant 3 : i32
    %lt3A_422 = arith.cmpi slt, %lt3A_421, %shift_right_arithmetic3A_232 : i32
    %convert_element_type3A_423 = arith.extui %lt3A_422 : i1 to i32
    %cond3A_424 = arith.constant 3 : i32
    %cond3A_425 = arith.constant 0 : i32
    %cond3A_426 = arith.cmpi ne, %convert_element_type3A_423, %cond3A_425 : i32
    scf.if %cond3A_426 {
      %min3A = arith.constant 31 : i32
      %min3A_1771 = arith.minsi %cond3A_424, %min3A : i32
      %dma_start3A = arith.constant 3 : i32
      %dma_start3A_1772 = arith.constant 0 : i32
      %dma_start3A_1773 = arith.constant 0 : i32
      %dma_start3A_1774 = tpu.memref_slice %arg9[%dma_start3A, %dma_start3A_1772, %dma_start3A_1773] : memref<7x128x128xf32, #tpu.memory_space<vmem>> -> memref<1x128x128xf32, #tpu.memory_space<vmem>>
      %dma_start3A_1775 = tpu.memref_squeeze %dma_start3A_1774 : memref<1x128x128xf32, #tpu.memory_space<vmem>> -> memref<128x128xf32, #tpu.memory_space<vmem>>
      %dma_start3A_1776 = arith.constant 0 : i32
      %dma_start3A_1777 = tpu.memref_slice %arg7[%min3A_1771, %dma_start3A_1776] : memref<32x128xi32, #tpu.memory_space<vmem>> -> memref<1x128xi32, #tpu.memory_space<vmem>>
      %dma_start3A_1778 = tpu.memref_squeeze %dma_start3A_1777 : memref<1x128xi32, #tpu.memory_space<vmem>> -> memref<128xi32, #tpu.memory_space<vmem>>
      %dma_start3A_1779 = arith.constant 0 : i32
      %dma_start3A_1780 = arith.constant 0 : i32
      %dma_start3A_1781 = tpu.memref_slice %arg5[%dma_start3A_1779, %dma_start3A_1780] : memref<131072x128xf32, #tpu.memory_space<hbm>> -> memref<131072x128xf32, #tpu.memory_space<hbm>>
      tpu.enqueue_indirect_dma source(%dma_start3A_1775 : memref<128x128xf32, #tpu.memory_space<vmem>>) target(%dma_start3A_1781 : memref<131072x128xf32, #tpu.memory_space<hbm>>) offsets(%dma_start3A_1778 : memref<128xi32, #tpu.memory_space<vmem>>) semaphore(%arg20 : memref<!tpu.dma_semaphore, #tpu.memory_space<semaphore_mem>>)
    } else {
    }
    %not3A_427 = arith.constant true
    %not3A_428 = arith.xori %lt3A_422, %not3A_427 : i1
    %convert_element_type3A_429 = arith.extui %not3A_428 : i1 to i32
    %cond3A_430 = arith.constant 3 : i32
    %cond3A_431 = arith.constant 0 : i32
    %cond3A_432 = arith.cmpi ne, %convert_element_type3A_429, %cond3A_431 : i32
    scf.if %cond3A_432 {
      %sub3A_1771 = arith.subi %cond3A_430, %shift_right_arithmetic3A_232 : i32
      %dma_start3A = arith.constant 3 : i32
      %dma_start3A_1772 = arith.constant 0 : i32
      %dma_start3A_1773 = arith.constant 0 : i32
      %dma_start3A_1774 = tpu.memref_slice %arg9[%dma_start3A, %dma_start3A_1772, %dma_start3A_1773] : memref<7x128x128xf32, #tpu.memory_space<vmem>> -> memref<1x128x128xf32, #tpu.memory_space<vmem>>
      %dma_start3A_1775 = tpu.memref_squeeze %dma_start3A_1774 : memref<1x128x128xf32, #tpu.memory_space<vmem>> -> memref<128x128xf32, #tpu.memory_space<vmem>>
      %dma_start3A_1776 = arith.constant 0 : i32
      %dma_start3A_1777 = tpu.memref_slice %arg8[%sub3A_1771, %dma_start3A_1776] : memref<32x128xi32, #tpu.memory_space<vmem>> -> memref<1x128xi32, #tpu.memory_space<vmem>>
      %dma_start3A_1778 = tpu.memref_squeeze %dma_start3A_1777 : memref<1x128xi32, #tpu.memory_space<vmem>> -> memref<128xi32, #tpu.memory_space<vmem>>
      %dma_start3A_1779 = arith.constant 0 : i32
      %dma_start3A_1780 = arith.constant 0 : i32
      %dma_start3A_1781 = tpu.memref_slice %arg5[%dma_start3A_1779, %dma_start3A_1780] : memref<131072x128xf32, #tpu.memory_space<hbm>> -> memref<131072x128xf32, #tpu.memory_space<hbm>>
      tpu.enqueue_indirect_dma source(%dma_start3A_1775 : memref<128x128xf32, #tpu.memory_space<vmem>>) target(%dma_start3A_1781 : memref<131072x128xf32, #tpu.memory_space<hbm>>) offsets(%dma_start3A_1778 : memref<128xi32, #tpu.memory_space<vmem>>) semaphore(%arg20 : memref<!tpu.dma_semaphore, #tpu.memory_space<semaphore_mem>>)
    } else {
    }
    %dma_wait3A_433 = arith.constant 0 : i32
    %dma_wait3A_434 = arith.constant 1 : i32
    %dma_wait3A_435 = arith.constant 0 : i32
    %dma_wait3A_436 = arith.constant 0 : i32
    %dma_wait3A_437 = tpu.memref_slice %arg9[%dma_wait3A_434, %dma_wait3A_435, %dma_wait3A_436] : memref<7x128x128xf32, #tpu.memory_space<vmem>> -> memref<1x128x128xf32, #tpu.memory_space<vmem>>
    %dma_wait3A_438 = tpu.memref_squeeze %dma_wait3A_437 : memref<1x128x128xf32, #tpu.memory_space<vmem>> -> memref<128x128xf32, #tpu.memory_space<vmem>>
    %dma_wait3A_439 = arith.constant 0 : i32
    %dma_wait3A_440 = tpu.memref_slice %arg7[%dma_wait3A_433, %dma_wait3A_439] : memref<32x128xi32, #tpu.memory_space<vmem>> -> memref<1x128xi32, #tpu.memory_space<vmem>>
    %dma_wait3A_441 = tpu.memref_squeeze %dma_wait3A_440 : memref<1x128xi32, #tpu.memory_space<vmem>> -> memref<128xi32, #tpu.memory_space<vmem>>
    %dma_wait3A_442 = arith.constant 0 : i32
    %dma_wait3A_443 = arith.constant 0 : i32
    %dma_wait3A_444 = tpu.memref_slice %arg4[%dma_wait3A_442, %dma_wait3A_443] : memref<131072x128xf32, #tpu.memory_space<hbm>> -> memref<131072x128xf32, #tpu.memory_space<hbm>>
    tpu.wait_indirect_dma semaphore(%arg18 : memref<!tpu.dma_semaphore, #tpu.memory_space<semaphore_mem>>) src(%dma_wait3A_444 : memref<131072x128xf32, #tpu.memory_space<hbm>>) dst(%dma_wait3A_438 : memref<128x128xf32, #tpu.memory_space<vmem>>)
    %lt3A_445 = arith.constant 8 : i32
    %lt3A_446 = arith.cmpi slt, %lt3A_445, %shift_right_arithmetic3A_232 : i32
    %convert_element_type3A_447 = arith.extui %lt3A_446 : i1 to i32
    %cond3A_448 = arith.constant 8 : i32
    %cond3A_449 = arith.constant 0 : i32
    %cond3A_450 = arith.cmpi ne, %convert_element_type3A_447, %cond3A_449 : i32
    scf.if %cond3A_450 {
      %min3A = arith.constant 31 : i32
      %min3A_1771 = arith.minsi %cond3A_448, %min3A : i32
      %dma_start3A = arith.constant 1 : i32
      %dma_start3A_1772 = arith.constant 0 : i32
      %dma_start3A_1773 = arith.constant 0 : i32
      %dma_start3A_1774 = tpu.memref_slice %arg9[%dma_start3A, %dma_start3A_1772, %dma_start3A_1773] : memref<7x128x128xf32, #tpu.memory_space<vmem>> -> memref<1x128x128xf32, #tpu.memory_space<vmem>>
      %dma_start3A_1775 = tpu.memref_squeeze %dma_start3A_1774 : memref<1x128x128xf32, #tpu.memory_space<vmem>> -> memref<128x128xf32, #tpu.memory_space<vmem>>
      %dma_start3A_1776 = arith.constant 0 : i32
      %dma_start3A_1777 = tpu.memref_slice %arg7[%min3A_1771, %dma_start3A_1776] : memref<32x128xi32, #tpu.memory_space<vmem>> -> memref<1x128xi32, #tpu.memory_space<vmem>>
      %dma_start3A_1778 = tpu.memref_squeeze %dma_start3A_1777 : memref<1x128xi32, #tpu.memory_space<vmem>> -> memref<128xi32, #tpu.memory_space<vmem>>
      %dma_start3A_1779 = arith.constant 0 : i32
      %dma_start3A_1780 = arith.constant 0 : i32
      %dma_start3A_1781 = tpu.memref_slice %arg4[%dma_start3A_1779, %dma_start3A_1780] : memref<131072x128xf32, #tpu.memory_space<hbm>> -> memref<131072x128xf32, #tpu.memory_space<hbm>>
      tpu.enqueue_indirect_dma source(%dma_start3A_1781 : memref<131072x128xf32, #tpu.memory_space<hbm>>) target(%dma_start3A_1775 : memref<128x128xf32, #tpu.memory_space<vmem>>) offsets(%dma_start3A_1778 : memref<128xi32, #tpu.memory_space<vmem>>) semaphore(%arg11 : memref<!tpu.dma_semaphore, #tpu.memory_space<semaphore_mem>>)
    } else {
    }
    %not3A_451 = arith.constant true
    %not3A_452 = arith.xori %lt3A_446, %not3A_451 : i1
    %convert_element_type3A_453 = arith.extui %not3A_452 : i1 to i32
    %cond3A_454 = arith.constant 8 : i32
    %cond3A_455 = arith.constant 0 : i32
    %cond3A_456 = arith.cmpi ne, %convert_element_type3A_453, %cond3A_455 : i32
    scf.if %cond3A_456 {
      %sub3A_1771 = arith.subi %cond3A_454, %shift_right_arithmetic3A_232 : i32
      %dma_start3A = arith.constant 1 : i32
      %dma_start3A_1772 = arith.constant 0 : i32
      %dma_start3A_1773 = arith.constant 0 : i32
      %dma_start3A_1774 = tpu.memref_slice %arg9[%dma_start3A, %dma_start3A_1772, %dma_start3A_1773] : memref<7x128x128xf32, #tpu.memory_space<vmem>> -> memref<1x128x128xf32, #tpu.memory_space<vmem>>
      %dma_start3A_1775 = tpu.memref_squeeze %dma_start3A_1774 : memref<1x128x128xf32, #tpu.memory_space<vmem>> -> memref<128x128xf32, #tpu.memory_space<vmem>>
      %dma_start3A_1776 = arith.constant 0 : i32
      %dma_start3A_1777 = tpu.memref_slice %arg8[%sub3A_1771, %dma_start3A_1776] : memref<32x128xi32, #tpu.memory_space<vmem>> -> memref<1x128xi32, #tpu.memory_space<vmem>>
      %dma_start3A_1778 = tpu.memref_squeeze %dma_start3A_1777 : memref<1x128xi32, #tpu.memory_space<vmem>> -> memref<128xi32, #tpu.memory_space<vmem>>
      %dma_start3A_1779 = arith.constant 0 : i32
      %dma_start3A_1780 = arith.constant 0 : i32
      %dma_start3A_1781 = tpu.memref_slice %arg2[%dma_start3A_1779, %dma_start3A_1780] : memref<131072x128xf32, #tpu.memory_space<hbm>> -> memref<131072x128xf32, #tpu.memory_space<hbm>>
      tpu.enqueue_indirect_dma source(%dma_start3A_1781 : memref<131072x128xf32, #tpu.memory_space<hbm>>) target(%dma_start3A_1775 : memref<128x128xf32, #tpu.memory_space<vmem>>) offsets(%dma_start3A_1778 : memref<128xi32, #tpu.memory_space<vmem>>) semaphore(%arg11 : memref<!tpu.dma_semaphore, #tpu.memory_space<semaphore_mem>>)
    } else {
    }
    %dma_wait3A_457 = arith.constant 0 : i32
    %dma_wait3A_458 = arith.constant 4 : i32
    %dma_wait3A_459 = arith.constant 0 : i32
    %dma_wait3A_460 = arith.constant 0 : i32
    %dma_wait3A_461 = tpu.memref_slice %arg9[%dma_wait3A_458, %dma_wait3A_459, %dma_wait3A_460] : memref<7x128x128xf32, #tpu.memory_space<vmem>> -> memref<1x128x128xf32, #tpu.memory_space<vmem>>
    %dma_wait3A_462 = tpu.memref_squeeze %dma_wait3A_461 : memref<1x128x128xf32, #tpu.memory_space<vmem>> -> memref<128x128xf32, #tpu.memory_space<vmem>>
    %dma_wait3A_463 = arith.constant 0 : i32
    %dma_wait3A_464 = tpu.memref_slice %arg7[%dma_wait3A_457, %dma_wait3A_463] : memref<32x128xi32, #tpu.memory_space<vmem>> -> memref<1x128xi32, #tpu.memory_space<vmem>>
    %dma_wait3A_465 = tpu.memref_squeeze %dma_wait3A_464 : memref<1x128xi32, #tpu.memory_space<vmem>> -> memref<128xi32, #tpu.memory_space<vmem>>
    %dma_wait3A_466 = arith.constant 0 : i32
    %dma_wait3A_467 = arith.constant 0 : i32
    %dma_wait3A_468 = tpu.memref_slice %arg4[%dma_wait3A_466, %dma_wait3A_467] : memref<131072x128xf32, #tpu.memory_space<hbm>> -> memref<131072x128xf32, #tpu.memory_space<hbm>>
    tpu.wait_indirect_dma semaphore(%arg14 : memref<!tpu.dma_semaphore, #tpu.memory_space<semaphore_mem>>) src(%dma_wait3A_468 : memref<131072x128xf32, #tpu.memory_space<hbm>>) dst(%dma_wait3A_462 : memref<128x128xf32, #tpu.memory_space<vmem>>)
    %lt3A_469 = arith.constant 4 : i32
    %lt3A_470 = arith.cmpi slt, %lt3A_469, %shift_right_arithmetic3A_232 : i32
    %convert_element_type3A_471 = arith.extui %lt3A_470 : i1 to i32
    %cond3A_472 = arith.constant 4 : i32
    %cond3A_473 = arith.constant 0 : i32
    %cond3A_474 = arith.cmpi ne, %convert_element_type3A_471, %cond3A_473 : i32
    scf.if %cond3A_474 {
      %min3A = arith.constant 31 : i32
      %min3A_1771 = arith.minsi %cond3A_472, %min3A : i32
      %dma_start3A = arith.constant 4 : i32
      %dma_start3A_1772 = arith.constant 0 : i32
      %dma_start3A_1773 = arith.constant 0 : i32
      %dma_start3A_1774 = tpu.memref_slice %arg9[%dma_start3A, %dma_start3A_1772, %dma_start3A_1773] : memref<7x128x128xf32, #tpu.memory_space<vmem>> -> memref<1x128x128xf32, #tpu.memory_space<vmem>>
      %dma_start3A_1775 = tpu.memref_squeeze %dma_start3A_1774 : memref<1x128x128xf32, #tpu.memory_space<vmem>> -> memref<128x128xf32, #tpu.memory_space<vmem>>
      %dma_start3A_1776 = arith.constant 0 : i32
      %dma_start3A_1777 = tpu.memref_slice %arg7[%min3A_1771, %dma_start3A_1776] : memref<32x128xi32, #tpu.memory_space<vmem>> -> memref<1x128xi32, #tpu.memory_space<vmem>>
      %dma_start3A_1778 = tpu.memref_squeeze %dma_start3A_1777 : memref<1x128xi32, #tpu.memory_space<vmem>> -> memref<128xi32, #tpu.memory_space<vmem>>
      %dma_start3A_1779 = arith.constant 0 : i32
      %dma_start3A_1780 = arith.constant 0 : i32
      %dma_start3A_1781 = tpu.memref_slice %arg5[%dma_start3A_1779, %dma_start3A_1780] : memref<131072x128xf32, #tpu.memory_space<hbm>> -> memref<131072x128xf32, #tpu.memory_space<hbm>>
      tpu.enqueue_indirect_dma source(%dma_start3A_1775 : memref<128x128xf32, #tpu.memory_space<vmem>>) target(%dma_start3A_1781 : memref<131072x128xf32, #tpu.memory_space<hbm>>) offsets(%dma_start3A_1778 : memref<128xi32, #tpu.memory_space<vmem>>) semaphore(%arg21 : memref<!tpu.dma_semaphore, #tpu.memory_space<semaphore_mem>>)
    } else {
    }
    %not3A_475 = arith.constant true
    %not3A_476 = arith.xori %lt3A_470, %not3A_475 : i1
    %convert_element_type3A_477 = arith.extui %not3A_476 : i1 to i32
    %cond3A_478 = arith.constant 4 : i32
    %cond3A_479 = arith.constant 0 : i32
    %cond3A_480 = arith.cmpi ne, %convert_element_type3A_477, %cond3A_479 : i32
    scf.if %cond3A_480 {
      %sub3A_1771 = arith.subi %cond3A_478, %shift_right_arithmetic3A_232 : i32
      %dma_start3A = arith.constant 4 : i32
      %dma_start3A_1772 = arith.constant 0 : i32
      %dma_start3A_1773 = arith.constant 0 : i32
      %dma_start3A_1774 = tpu.memref_slice %arg9[%dma_start3A, %dma_start3A_1772, %dma_start3A_1773] : memref<7x128x128xf32, #tpu.memory_space<vmem>> -> memref<1x128x128xf32, #tpu.memory_space<vmem>>
      %dma_start3A_1775 = tpu.memref_squeeze %dma_start3A_1774 : memref<1x128x128xf32, #tpu.memory_space<vmem>> -> memref<128x128xf32, #tpu.memory_space<vmem>>
      %dma_start3A_1776 = arith.constant 0 : i32
      %dma_start3A_1777 = tpu.memref_slice %arg8[%sub3A_1771, %dma_start3A_1776] : memref<32x128xi32, #tpu.memory_space<vmem>> -> memref<1x128xi32, #tpu.memory_space<vmem>>
      %dma_start3A_1778 = tpu.memref_squeeze %dma_start3A_1777 : memref<1x128xi32, #tpu.memory_space<vmem>> -> memref<128xi32, #tpu.memory_space<vmem>>
      %dma_start3A_1779 = arith.constant 0 : i32
      %dma_start3A_1780 = arith.constant 0 : i32
      %dma_start3A_1781 = tpu.memref_slice %arg5[%dma_start3A_1779, %dma_start3A_1780] : memref<131072x128xf32, #tpu.memory_space<hbm>> -> memref<131072x128xf32, #tpu.memory_space<hbm>>
      tpu.enqueue_indirect_dma source(%dma_start3A_1775 : memref<128x128xf32, #tpu.memory_space<vmem>>) target(%dma_start3A_1781 : memref<131072x128xf32, #tpu.memory_space<hbm>>) offsets(%dma_start3A_1778 : memref<128xi32, #tpu.memory_space<vmem>>) semaphore(%arg21 : memref<!tpu.dma_semaphore, #tpu.memory_space<semaphore_mem>>)
    } else {
    }
    %dma_wait3A_481 = arith.constant 0 : i32
    %dma_wait3A_482 = arith.constant 2 : i32
    %dma_wait3A_483 = arith.constant 0 : i32
    %dma_wait3A_484 = arith.constant 0 : i32
    %dma_wait3A_485 = tpu.memref_slice %arg9[%dma_wait3A_482, %dma_wait3A_483, %dma_wait3A_484] : memref<7x128x128xf32, #tpu.memory_space<vmem>> -> memref<1x128x128xf32, #tpu.memory_space<vmem>>
    %dma_wait3A_486 = tpu.memref_squeeze %dma_wait3A_485 : memref<1x128x128xf32, #tpu.memory_space<vmem>> -> memref<128x128xf32, #tpu.memory_space<vmem>>
    %dma_wait3A_487 = arith.constant 0 : i32
    %dma_wait3A_488 = tpu.memref_slice %arg7[%dma_wait3A_481, %dma_wait3A_487] : memref<32x128xi32, #tpu.memory_space<vmem>> -> memref<1x128xi32, #tpu.memory_space<vmem>>
    %dma_wait3A_489 = tpu.memref_squeeze %dma_wait3A_488 : memref<1x128xi32, #tpu.memory_space<vmem>> -> memref<128xi32, #tpu.memory_space<vmem>>
    %dma_wait3A_490 = arith.constant 0 : i32
    %dma_wait3A_491 = arith.constant 0 : i32
    %dma_wait3A_492 = tpu.memref_slice %arg4[%dma_wait3A_490, %dma_wait3A_491] : memref<131072x128xf32, #tpu.memory_space<hbm>> -> memref<131072x128xf32, #tpu.memory_space<hbm>>
    tpu.wait_indirect_dma semaphore(%arg19 : memref<!tpu.dma_semaphore, #tpu.memory_space<semaphore_mem>>) src(%dma_wait3A_492 : memref<131072x128xf32, #tpu.memory_space<hbm>>) dst(%dma_wait3A_486 : memref<128x128xf32, #tpu.memory_space<vmem>>)
    %lt3A_493 = arith.constant 9 : i32
    %lt3A_494 = arith.cmpi slt, %lt3A_493, %shift_right_arithmetic3A_232 : i32
    %convert_element_type3A_495 = arith.extui %lt3A_494 : i1 to i32
    %cond3A_496 = arith.constant 9 : i32
    %cond3A_497 = arith.constant 0 : i32
    %cond3A_498 = arith.cmpi ne, %convert_element_type3A_495, %cond3A_497 : i32
    scf.if %cond3A_498 {
      %min3A = arith.constant 31 : i32
      %min3A_1771 = arith.minsi %cond3A_496, %min3A : i32
      %dma_start3A = arith.constant 2 : i32
      %dma_start3A_1772 = arith.constant 0 : i32
      %dma_start3A_1773 = arith.constant 0 : i32
      %dma_start3A_1774 = tpu.memref_slice %arg9[%dma_start3A, %dma_start3A_1772, %dma_start3A_1773] : memref<7x128x128xf32, #tpu.memory_space<vmem>> -> memref<1x128x128xf32, #tpu.memory_space<vmem>>
      %dma_start3A_1775 = tpu.memref_squeeze %dma_start3A_1774 : memref<1x128x128xf32, #tpu.memory_space<vmem>> -> memref<128x128xf32, #tpu.memory_space<vmem>>
      %dma_start3A_1776 = arith.constant 0 : i32
      %dma_start3A_1777 = tpu.memref_slice %arg7[%min3A_1771, %dma_start3A_1776] : memref<32x128xi32, #tpu.memory_space<vmem>> -> memref<1x128xi32, #tpu.memory_space<vmem>>
      %dma_start3A_1778 = tpu.memref_squeeze %dma_start3A_1777 : memref<1x128xi32, #tpu.memory_space<vmem>> -> memref<128xi32, #tpu.memory_space<vmem>>
      %dma_start3A_1779 = arith.constant 0 : i32
      %dma_start3A_1780 = arith.constant 0 : i32
      %dma_start3A_1781 = tpu.memref_slice %arg4[%dma_start3A_1779, %dma_start3A_1780] : memref<131072x128xf32, #tpu.memory_space<hbm>> -> memref<131072x128xf32, #tpu.memory_space<hbm>>
      tpu.enqueue_indirect_dma source(%dma_start3A_1781 : memref<131072x128xf32, #tpu.memory_space<hbm>>) target(%dma_start3A_1775 : memref<128x128xf32, #tpu.memory_space<vmem>>) offsets(%dma_start3A_1778 : memref<128xi32, #tpu.memory_space<vmem>>) semaphore(%arg12 : memref<!tpu.dma_semaphore, #tpu.memory_space<semaphore_mem>>)
    } else {
    }
    %not3A_499 = arith.constant true
    %not3A_500 = arith.xori %lt3A_494, %not3A_499 : i1
    %convert_element_type3A_501 = arith.extui %not3A_500 : i1 to i32
    %cond3A_502 = arith.constant 9 : i32
    %cond3A_503 = arith.constant 0 : i32
    %cond3A_504 = arith.cmpi ne, %convert_element_type3A_501, %cond3A_503 : i32
    scf.if %cond3A_504 {
      %sub3A_1771 = arith.subi %cond3A_502, %shift_right_arithmetic3A_232 : i32
      %dma_start3A = arith.constant 2 : i32
      %dma_start3A_1772 = arith.constant 0 : i32
      %dma_start3A_1773 = arith.constant 0 : i32
      %dma_start3A_1774 = tpu.memref_slice %arg9[%dma_start3A, %dma_start3A_1772, %dma_start3A_1773] : memref<7x128x128xf32, #tpu.memory_space<vmem>> -> memref<1x128x128xf32, #tpu.memory_space<vmem>>
      %dma_start3A_1775 = tpu.memref_squeeze %dma_start3A_1774 : memref<1x128x128xf32, #tpu.memory_space<vmem>> -> memref<128x128xf32, #tpu.memory_space<vmem>>
      %dma_start3A_1776 = arith.constant 0 : i32
      %dma_start3A_1777 = tpu.memref_slice %arg8[%sub3A_1771, %dma_start3A_1776] : memref<32x128xi32, #tpu.memory_space<vmem>> -> memref<1x128xi32, #tpu.memory_space<vmem>>
      %dma_start3A_1778 = tpu.memref_squeeze %dma_start3A_1777 : memref<1x128xi32, #tpu.memory_space<vmem>> -> memref<128xi32, #tpu.memory_space<vmem>>
      %dma_start3A_1779 = arith.constant 0 : i32
      %dma_start3A_1780 = arith.constant 0 : i32
      %dma_start3A_1781 = tpu.memref_slice %arg2[%dma_start3A_1779, %dma_start3A_1780] : memref<131072x128xf32, #tpu.memory_space<hbm>> -> memref<131072x128xf32, #tpu.memory_space<hbm>>
      tpu.enqueue_indirect_dma source(%dma_start3A_1781 : memref<131072x128xf32, #tpu.memory_space<hbm>>) target(%dma_start3A_1775 : memref<128x128xf32, #tpu.memory_space<vmem>>) offsets(%dma_start3A_1778 : memref<128xi32, #tpu.memory_space<vmem>>) semaphore(%arg12 : memref<!tpu.dma_semaphore, #tpu.memory_space<semaphore_mem>>)
    } else {
    }
    %dma_wait3A_505 = arith.constant 0 : i32
    %dma_wait3A_506 = arith.constant 5 : i32
    %dma_wait3A_507 = arith.constant 0 : i32
    %dma_wait3A_508 = arith.constant 0 : i32
    %dma_wait3A_509 = tpu.memref_slice %arg9[%dma_wait3A_506, %dma_wait3A_507, %dma_wait3A_508] : memref<7x128x128xf32, #tpu.memory_space<vmem>> -> memref<1x128x128xf32, #tpu.memory_space<vmem>>
    %dma_wait3A_510 = tpu.memref_squeeze %dma_wait3A_509 : memref<1x128x128xf32, #tpu.memory_space<vmem>> -> memref<128x128xf32, #tpu.memory_space<vmem>>
    %dma_wait3A_511 = arith.constant 0 : i32
    %dma_wait3A_512 = tpu.memref_slice %arg7[%dma_wait3A_505, %dma_wait3A_511] : memref<32x128xi32, #tpu.memory_space<vmem>> -> memref<1x128xi32, #tpu.memory_space<vmem>>
    %dma_wait3A_513 = tpu.memref_squeeze %dma_wait3A_512 : memref<1x128xi32, #tpu.memory_space<vmem>> -> memref<128xi32, #tpu.memory_space<vmem>>
    %dma_wait3A_514 = arith.constant 0 : i32
    %dma_wait3A_515 = arith.constant 0 : i32
    %dma_wait3A_516 = tpu.memref_slice %arg4[%dma_wait3A_514, %dma_wait3A_515] : memref<131072x128xf32, #tpu.memory_space<hbm>> -> memref<131072x128xf32, #tpu.memory_space<hbm>>
    tpu.wait_indirect_dma semaphore(%arg15 : memref<!tpu.dma_semaphore, #tpu.memory_space<semaphore_mem>>) src(%dma_wait3A_516 : memref<131072x128xf32, #tpu.memory_space<hbm>>) dst(%dma_wait3A_510 : memref<128x128xf32, #tpu.memory_space<vmem>>)
    %lt3A_517 = arith.constant 5 : i32
    %lt3A_518 = arith.cmpi slt, %lt3A_517, %shift_right_arithmetic3A_232 : i32
    %convert_element_type3A_519 = arith.extui %lt3A_518 : i1 to i32
    %cond3A_520 = arith.constant 5 : i32
    %cond3A_521 = arith.constant 0 : i32
    %cond3A_522 = arith.cmpi ne, %convert_element_type3A_519, %cond3A_521 : i32
    scf.if %cond3A_522 {
      %min3A = arith.constant 31 : i32
      %min3A_1771 = arith.minsi %cond3A_520, %min3A : i32
      %dma_start3A = arith.constant 5 : i32
      %dma_start3A_1772 = arith.constant 0 : i32
      %dma_start3A_1773 = arith.constant 0 : i32
      %dma_start3A_1774 = tpu.memref_slice %arg9[%dma_start3A, %dma_start3A_1772, %dma_start3A_1773] : memref<7x128x128xf32, #tpu.memory_space<vmem>> -> memref<1x128x128xf32, #tpu.memory_space<vmem>>
      %dma_start3A_1775 = tpu.memref_squeeze %dma_start3A_1774 : memref<1x128x128xf32, #tpu.memory_space<vmem>> -> memref<128x128xf32, #tpu.memory_space<vmem>>
      %dma_start3A_1776 = arith.constant 0 : i32
      %dma_start3A_1777 = tpu.memref_slice %arg7[%min3A_1771, %dma_start3A_1776] : memref<32x128xi32, #tpu.memory_space<vmem>> -> memref<1x128xi32, #tpu.memory_space<vmem>>
      %dma_start3A_1778 = tpu.memref_squeeze %dma_start3A_1777 : memref<1x128xi32, #tpu.memory_space<vmem>> -> memref<128xi32, #tpu.memory_space<vmem>>
      %dma_start3A_1779 = arith.constant 0 : i32
      %dma_start3A_1780 = arith.constant 0 : i32
      %dma_start3A_1781 = tpu.memref_slice %arg5[%dma_start3A_1779, %dma_start3A_1780] : memref<131072x128xf32, #tpu.memory_space<hbm>> -> memref<131072x128xf32, #tpu.memory_space<hbm>>
      tpu.enqueue_indirect_dma source(%dma_start3A_1775 : memref<128x128xf32, #tpu.memory_space<vmem>>) target(%dma_start3A_1781 : memref<131072x128xf32, #tpu.memory_space<hbm>>) offsets(%dma_start3A_1778 : memref<128xi32, #tpu.memory_space<vmem>>) semaphore(%arg22 : memref<!tpu.dma_semaphore, #tpu.memory_space<semaphore_mem>>)
    } else {
    }
    %not3A_523 = arith.constant true
    %not3A_524 = arith.xori %lt3A_518, %not3A_523 : i1
    %convert_element_type3A_525 = arith.extui %not3A_524 : i1 to i32
    %cond3A_526 = arith.constant 5 : i32
    %cond3A_527 = arith.constant 0 : i32
    %cond3A_528 = arith.cmpi ne, %convert_element_type3A_525, %cond3A_527 : i32
    scf.if %cond3A_528 {
      %sub3A_1771 = arith.subi %cond3A_526, %shift_right_arithmetic3A_232 : i32
      %dma_start3A = arith.constant 5 : i32
      %dma_start3A_1772 = arith.constant 0 : i32
      %dma_start3A_1773 = arith.constant 0 : i32
      %dma_start3A_1774 = tpu.memref_slice %arg9[%dma_start3A, %dma_start3A_1772, %dma_start3A_1773] : memref<7x128x128xf32, #tpu.memory_space<vmem>> -> memref<1x128x128xf32, #tpu.memory_space<vmem>>
      %dma_start3A_1775 = tpu.memref_squeeze %dma_start3A_1774 : memref<1x128x128xf32, #tpu.memory_space<vmem>> -> memref<128x128xf32, #tpu.memory_space<vmem>>
      %dma_start3A_1776 = arith.constant 0 : i32
      %dma_start3A_1777 = tpu.memref_slice %arg8[%sub3A_1771, %dma_start3A_1776] : memref<32x128xi32, #tpu.memory_space<vmem>> -> memref<1x128xi32, #tpu.memory_space<vmem>>
      %dma_start3A_1778 = tpu.memref_squeeze %dma_start3A_1777 : memref<1x128xi32, #tpu.memory_space<vmem>> -> memref<128xi32, #tpu.memory_space<vmem>>
      %dma_start3A_1779 = arith.constant 0 : i32
      %dma_start3A_1780 = arith.constant 0 : i32
      %dma_start3A_1781 = tpu.memref_slice %arg5[%dma_start3A_1779, %dma_start3A_1780] : memref<131072x128xf32, #tpu.memory_space<hbm>> -> memref<131072x128xf32, #tpu.memory_space<hbm>>
      tpu.enqueue_indirect_dma source(%dma_start3A_1775 : memref<128x128xf32, #tpu.memory_space<vmem>>) target(%dma_start3A_1781 : memref<131072x128xf32, #tpu.memory_space<hbm>>) offsets(%dma_start3A_1778 : memref<128xi32, #tpu.memory_space<vmem>>) semaphore(%arg22 : memref<!tpu.dma_semaphore, #tpu.memory_space<semaphore_mem>>)
    } else {
    }
    %dma_wait3A_529 = arith.constant 0 : i32
    %dma_wait3A_530 = arith.constant 3 : i32
    %dma_wait3A_531 = arith.constant 0 : i32
    %dma_wait3A_532 = arith.constant 0 : i32
    %dma_wait3A_533 = tpu.memref_slice %arg9[%dma_wait3A_530, %dma_wait3A_531, %dma_wait3A_532] : memref<7x128x128xf32, #tpu.memory_space<vmem>> -> memref<1x128x128xf32, #tpu.memory_space<vmem>>
    %dma_wait3A_534 = tpu.memref_squeeze %dma_wait3A_533 : memref<1x128x128xf32, #tpu.memory_space<vmem>> -> memref<128x128xf32, #tpu.memory_space<vmem>>
    %dma_wait3A_535 = arith.constant 0 : i32
    %dma_wait3A_536 = tpu.memref_slice %arg7[%dma_wait3A_529, %dma_wait3A_535] : memref<32x128xi32, #tpu.memory_space<vmem>> -> memref<1x128xi32, #tpu.memory_space<vmem>>
    %dma_wait3A_537 = tpu.memref_squeeze %dma_wait3A_536 : memref<1x128xi32, #tpu.memory_space<vmem>> -> memref<128xi32, #tpu.memory_space<vmem>>
    %dma_wait3A_538 = arith.constant 0 : i32
    %dma_wait3A_539 = arith.constant 0 : i32
    %dma_wait3A_540 = tpu.memref_slice %arg4[%dma_wait3A_538, %dma_wait3A_539] : memref<131072x128xf32, #tpu.memory_space<hbm>> -> memref<131072x128xf32, #tpu.memory_space<hbm>>
    tpu.wait_indirect_dma semaphore(%arg20 : memref<!tpu.dma_semaphore, #tpu.memory_space<semaphore_mem>>) src(%dma_wait3A_540 : memref<131072x128xf32, #tpu.memory_space<hbm>>) dst(%dma_wait3A_534 : memref<128x128xf32, #tpu.memory_space<vmem>>)
    %lt3A_541 = arith.constant 10 : i32
    %lt3A_542 = arith.cmpi slt, %lt3A_541, %shift_right_arithmetic3A_232 : i32
    %convert_element_type3A_543 = arith.extui %lt3A_542 : i1 to i32
    %cond3A_544 = arith.constant 10 : i32
    %cond3A_545 = arith.constant 0 : i32
    %cond3A_546 = arith.cmpi ne, %convert_element_type3A_543, %cond3A_545 : i32
    scf.if %cond3A_546 {
      %min3A = arith.constant 31 : i32
      %min3A_1771 = arith.minsi %cond3A_544, %min3A : i32
      %dma_start3A = arith.constant 3 : i32
      %dma_start3A_1772 = arith.constant 0 : i32
      %dma_start3A_1773 = arith.constant 0 : i32
      %dma_start3A_1774 = tpu.memref_slice %arg9[%dma_start3A, %dma_start3A_1772, %dma_start3A_1773] : memref<7x128x128xf32, #tpu.memory_space<vmem>> -> memref<1x128x128xf32, #tpu.memory_space<vmem>>
      %dma_start3A_1775 = tpu.memref_squeeze %dma_start3A_1774 : memref<1x128x128xf32, #tpu.memory_space<vmem>> -> memref<128x128xf32, #tpu.memory_space<vmem>>
      %dma_start3A_1776 = arith.constant 0 : i32
      %dma_start3A_1777 = tpu.memref_slice %arg7[%min3A_1771, %dma_start3A_1776] : memref<32x128xi32, #tpu.memory_space<vmem>> -> memref<1x128xi32, #tpu.memory_space<vmem>>
      %dma_start3A_1778 = tpu.memref_squeeze %dma_start3A_1777 : memref<1x128xi32, #tpu.memory_space<vmem>> -> memref<128xi32, #tpu.memory_space<vmem>>
      %dma_start3A_1779 = arith.constant 0 : i32
      %dma_start3A_1780 = arith.constant 0 : i32
      %dma_start3A_1781 = tpu.memref_slice %arg4[%dma_start3A_1779, %dma_start3A_1780] : memref<131072x128xf32, #tpu.memory_space<hbm>> -> memref<131072x128xf32, #tpu.memory_space<hbm>>
      tpu.enqueue_indirect_dma source(%dma_start3A_1781 : memref<131072x128xf32, #tpu.memory_space<hbm>>) target(%dma_start3A_1775 : memref<128x128xf32, #tpu.memory_space<vmem>>) offsets(%dma_start3A_1778 : memref<128xi32, #tpu.memory_space<vmem>>) semaphore(%arg13 : memref<!tpu.dma_semaphore, #tpu.memory_space<semaphore_mem>>)
    } else {
    }
    %not3A_547 = arith.constant true
    %not3A_548 = arith.xori %lt3A_542, %not3A_547 : i1
    %convert_element_type3A_549 = arith.extui %not3A_548 : i1 to i32
    %cond3A_550 = arith.constant 10 : i32
    %cond3A_551 = arith.constant 0 : i32
    %cond3A_552 = arith.cmpi ne, %convert_element_type3A_549, %cond3A_551 : i32
    scf.if %cond3A_552 {
      %sub3A_1771 = arith.subi %cond3A_550, %shift_right_arithmetic3A_232 : i32
      %dma_start3A = arith.constant 3 : i32
      %dma_start3A_1772 = arith.constant 0 : i32
      %dma_start3A_1773 = arith.constant 0 : i32
      %dma_start3A_1774 = tpu.memref_slice %arg9[%dma_start3A, %dma_start3A_1772, %dma_start3A_1773] : memref<7x128x128xf32, #tpu.memory_space<vmem>> -> memref<1x128x128xf32, #tpu.memory_space<vmem>>
      %dma_start3A_1775 = tpu.memref_squeeze %dma_start3A_1774 : memref<1x128x128xf32, #tpu.memory_space<vmem>> -> memref<128x128xf32, #tpu.memory_space<vmem>>
      %dma_start3A_1776 = arith.constant 0 : i32
      %dma_start3A_1777 = tpu.memref_slice %arg8[%sub3A_1771, %dma_start3A_1776] : memref<32x128xi32, #tpu.memory_space<vmem>> -> memref<1x128xi32, #tpu.memory_space<vmem>>
      %dma_start3A_1778 = tpu.memref_squeeze %dma_start3A_1777 : memref<1x128xi32, #tpu.memory_space<vmem>> -> memref<128xi32, #tpu.memory_space<vmem>>
      %dma_start3A_1779 = arith.constant 0 : i32
      %dma_start3A_1780 = arith.constant 0 : i32
      %dma_start3A_1781 = tpu.memref_slice %arg2[%dma_start3A_1779, %dma_start3A_1780] : memref<131072x128xf32, #tpu.memory_space<hbm>> -> memref<131072x128xf32, #tpu.memory_space<hbm>>
      tpu.enqueue_indirect_dma source(%dma_start3A_1781 : memref<131072x128xf32, #tpu.memory_space<hbm>>) target(%dma_start3A_1775 : memref<128x128xf32, #tpu.memory_space<vmem>>) offsets(%dma_start3A_1778 : memref<128xi32, #tpu.memory_space<vmem>>) semaphore(%arg13 : memref<!tpu.dma_semaphore, #tpu.memory_space<semaphore_mem>>)
    } else {
    }
    %dma_wait3A_553 = arith.constant 0 : i32
    %dma_wait3A_554 = arith.constant 6 : i32
    %dma_wait3A_555 = arith.constant 0 : i32
    %dma_wait3A_556 = arith.constant 0 : i32
    %dma_wait3A_557 = tpu.memref_slice %arg9[%dma_wait3A_554, %dma_wait3A_555, %dma_wait3A_556] : memref<7x128x128xf32, #tpu.memory_space<vmem>> -> memref<1x128x128xf32, #tpu.memory_space<vmem>>
    %dma_wait3A_558 = tpu.memref_squeeze %dma_wait3A_557 : memref<1x128x128xf32, #tpu.memory_space<vmem>> -> memref<128x128xf32, #tpu.memory_space<vmem>>
    %dma_wait3A_559 = arith.constant 0 : i32
    %dma_wait3A_560 = tpu.memref_slice %arg7[%dma_wait3A_553, %dma_wait3A_559] : memref<32x128xi32, #tpu.memory_space<vmem>> -> memref<1x128xi32, #tpu.memory_space<vmem>>
    %dma_wait3A_561 = tpu.memref_squeeze %dma_wait3A_560 : memref<1x128xi32, #tpu.memory_space<vmem>> -> memref<128xi32, #tpu.memory_space<vmem>>
    %dma_wait3A_562 = arith.constant 0 : i32
    %dma_wait3A_563 = arith.constant 0 : i32
    %dma_wait3A_564 = tpu.memref_slice %arg4[%dma_wait3A_562, %dma_wait3A_563] : memref<131072x128xf32, #tpu.memory_space<hbm>> -> memref<131072x128xf32, #tpu.memory_space<hbm>>
    tpu.wait_indirect_dma semaphore(%arg16 : memref<!tpu.dma_semaphore, #tpu.memory_space<semaphore_mem>>) src(%dma_wait3A_564 : memref<131072x128xf32, #tpu.memory_space<hbm>>) dst(%dma_wait3A_558 : memref<128x128xf32, #tpu.memory_space<vmem>>)
    %lt3A_565 = arith.constant 6 : i32
    %lt3A_566 = arith.cmpi slt, %lt3A_565, %shift_right_arithmetic3A_232 : i32
    %convert_element_type3A_567 = arith.extui %lt3A_566 : i1 to i32
    %cond3A_568 = arith.constant 6 : i32
    %cond3A_569 = arith.constant 0 : i32
    %cond3A_570 = arith.cmpi ne, %convert_element_type3A_567, %cond3A_569 : i32
    scf.if %cond3A_570 {
      %min3A = arith.constant 31 : i32
      %min3A_1771 = arith.minsi %cond3A_568, %min3A : i32
      %dma_start3A = arith.constant 6 : i32
      %dma_start3A_1772 = arith.constant 0 : i32
      %dma_start3A_1773 = arith.constant 0 : i32
      %dma_start3A_1774 = tpu.memref_slice %arg9[%dma_start3A, %dma_start3A_1772, %dma_start3A_1773] : memref<7x128x128xf32, #tpu.memory_space<vmem>> -> memref<1x128x128xf32, #tpu.memory_space<vmem>>
      %dma_start3A_1775 = tpu.memref_squeeze %dma_start3A_1774 : memref<1x128x128xf32, #tpu.memory_space<vmem>> -> memref<128x128xf32, #tpu.memory_space<vmem>>
      %dma_start3A_1776 = arith.constant 0 : i32
      %dma_start3A_1777 = tpu.memref_slice %arg7[%min3A_1771, %dma_start3A_1776] : memref<32x128xi32, #tpu.memory_space<vmem>> -> memref<1x128xi32, #tpu.memory_space<vmem>>
      %dma_start3A_1778 = tpu.memref_squeeze %dma_start3A_1777 : memref<1x128xi32, #tpu.memory_space<vmem>> -> memref<128xi32, #tpu.memory_space<vmem>>
      %dma_start3A_1779 = arith.constant 0 : i32
      %dma_start3A_1780 = arith.constant 0 : i32
      %dma_start3A_1781 = tpu.memref_slice %arg5[%dma_start3A_1779, %dma_start3A_1780] : memref<131072x128xf32, #tpu.memory_space<hbm>> -> memref<131072x128xf32, #tpu.memory_space<hbm>>
      tpu.enqueue_indirect_dma source(%dma_start3A_1775 : memref<128x128xf32, #tpu.memory_space<vmem>>) target(%dma_start3A_1781 : memref<131072x128xf32, #tpu.memory_space<hbm>>) offsets(%dma_start3A_1778 : memref<128xi32, #tpu.memory_space<vmem>>) semaphore(%arg23 : memref<!tpu.dma_semaphore, #tpu.memory_space<semaphore_mem>>)
    } else {
    }
    %not3A_571 = arith.constant true
    %not3A_572 = arith.xori %lt3A_566, %not3A_571 : i1
    %convert_element_type3A_573 = arith.extui %not3A_572 : i1 to i32
    %cond3A_574 = arith.constant 6 : i32
    %cond3A_575 = arith.constant 0 : i32
    %cond3A_576 = arith.cmpi ne, %convert_element_type3A_573, %cond3A_575 : i32
    scf.if %cond3A_576 {
      %sub3A_1771 = arith.subi %cond3A_574, %shift_right_arithmetic3A_232 : i32
      %dma_start3A = arith.constant 6 : i32
      %dma_start3A_1772 = arith.constant 0 : i32
      %dma_start3A_1773 = arith.constant 0 : i32
      %dma_start3A_1774 = tpu.memref_slice %arg9[%dma_start3A, %dma_start3A_1772, %dma_start3A_1773] : memref<7x128x128xf32, #tpu.memory_space<vmem>> -> memref<1x128x128xf32, #tpu.memory_space<vmem>>
      %dma_start3A_1775 = tpu.memref_squeeze %dma_start3A_1774 : memref<1x128x128xf32, #tpu.memory_space<vmem>> -> memref<128x128xf32, #tpu.memory_space<vmem>>
      %dma_start3A_1776 = arith.constant 0 : i32
      %dma_start3A_1777 = tpu.memref_slice %arg8[%sub3A_1771, %dma_start3A_1776] : memref<32x128xi32, #tpu.memory_space<vmem>> -> memref<1x128xi32, #tpu.memory_space<vmem>>
      %dma_start3A_1778 = tpu.memref_squeeze %dma_start3A_1777 : memref<1x128xi32, #tpu.memory_space<vmem>> -> memref<128xi32, #tpu.memory_space<vmem>>
      %dma_start3A_1779 = arith.constant 0 : i32
      %dma_start3A_1780 = arith.constant 0 : i32
      %dma_start3A_1781 = tpu.memref_slice %arg5[%dma_start3A_1779, %dma_start3A_1780] : memref<131072x128xf32, #tpu.memory_space<hbm>> -> memref<131072x128xf32, #tpu.memory_space<hbm>>
      tpu.enqueue_indirect_dma source(%dma_start3A_1775 : memref<128x128xf32, #tpu.memory_space<vmem>>) target(%dma_start3A_1781 : memref<131072x128xf32, #tpu.memory_space<hbm>>) offsets(%dma_start3A_1778 : memref<128xi32, #tpu.memory_space<vmem>>) semaphore(%arg23 : memref<!tpu.dma_semaphore, #tpu.memory_space<semaphore_mem>>)
    } else {
    }
    %dma_wait3A_577 = arith.constant 0 : i32
    %dma_wait3A_578 = arith.constant 4 : i32
    %dma_wait3A_579 = arith.constant 0 : i32
    %dma_wait3A_580 = arith.constant 0 : i32
    %dma_wait3A_581 = tpu.memref_slice %arg9[%dma_wait3A_578, %dma_wait3A_579, %dma_wait3A_580] : memref<7x128x128xf32, #tpu.memory_space<vmem>> -> memref<1x128x128xf32, #tpu.memory_space<vmem>>
    %dma_wait3A_582 = tpu.memref_squeeze %dma_wait3A_581 : memref<1x128x128xf32, #tpu.memory_space<vmem>> -> memref<128x128xf32, #tpu.memory_space<vmem>>
    %dma_wait3A_583 = arith.constant 0 : i32
    %dma_wait3A_584 = tpu.memref_slice %arg7[%dma_wait3A_577, %dma_wait3A_583] : memref<32x128xi32, #tpu.memory_space<vmem>> -> memref<1x128xi32, #tpu.memory_space<vmem>>
    %dma_wait3A_585 = tpu.memref_squeeze %dma_wait3A_584 : memref<1x128xi32, #tpu.memory_space<vmem>> -> memref<128xi32, #tpu.memory_space<vmem>>
    %dma_wait3A_586 = arith.constant 0 : i32
    %dma_wait3A_587 = arith.constant 0 : i32
    %dma_wait3A_588 = tpu.memref_slice %arg4[%dma_wait3A_586, %dma_wait3A_587] : memref<131072x128xf32, #tpu.memory_space<hbm>> -> memref<131072x128xf32, #tpu.memory_space<hbm>>
    tpu.wait_indirect_dma semaphore(%arg21 : memref<!tpu.dma_semaphore, #tpu.memory_space<semaphore_mem>>) src(%dma_wait3A_588 : memref<131072x128xf32, #tpu.memory_space<hbm>>) dst(%dma_wait3A_582 : memref<128x128xf32, #tpu.memory_space<vmem>>)
    %lt3A_589 = arith.constant 11 : i32
    %lt3A_590 = arith.cmpi slt, %lt3A_589, %shift_right_arithmetic3A_232 : i32
    %convert_element_type3A_591 = arith.extui %lt3A_590 : i1 to i32
    %cond3A_592 = arith.constant 11 : i32
    %cond3A_593 = arith.constant 0 : i32
    %cond3A_594 = arith.cmpi ne, %convert_element_type3A_591, %cond3A_593 : i32
    scf.if %cond3A_594 {
      %min3A = arith.constant 31 : i32
      %min3A_1771 = arith.minsi %cond3A_592, %min3A : i32
      %dma_start3A = arith.constant 4 : i32
      %dma_start3A_1772 = arith.constant 0 : i32
      %dma_start3A_1773 = arith.constant 0 : i32
      %dma_start3A_1774 = tpu.memref_slice %arg9[%dma_start3A, %dma_start3A_1772, %dma_start3A_1773] : memref<7x128x128xf32, #tpu.memory_space<vmem>> -> memref<1x128x128xf32, #tpu.memory_space<vmem>>
      %dma_start3A_1775 = tpu.memref_squeeze %dma_start3A_1774 : memref<1x128x128xf32, #tpu.memory_space<vmem>> -> memref<128x128xf32, #tpu.memory_space<vmem>>
      %dma_start3A_1776 = arith.constant 0 : i32
      %dma_start3A_1777 = tpu.memref_slice %arg7[%min3A_1771, %dma_start3A_1776] : memref<32x128xi32, #tpu.memory_space<vmem>> -> memref<1x128xi32, #tpu.memory_space<vmem>>
      %dma_start3A_1778 = tpu.memref_squeeze %dma_start3A_1777 : memref<1x128xi32, #tpu.memory_space<vmem>> -> memref<128xi32, #tpu.memory_space<vmem>>
      %dma_start3A_1779 = arith.constant 0 : i32
      %dma_start3A_1780 = arith.constant 0 : i32
      %dma_start3A_1781 = tpu.memref_slice %arg4[%dma_start3A_1779, %dma_start3A_1780] : memref<131072x128xf32, #tpu.memory_space<hbm>> -> memref<131072x128xf32, #tpu.memory_space<hbm>>
      tpu.enqueue_indirect_dma source(%dma_start3A_1781 : memref<131072x128xf32, #tpu.memory_space<hbm>>) target(%dma_start3A_1775 : memref<128x128xf32, #tpu.memory_space<vmem>>) offsets(%dma_start3A_1778 : memref<128xi32, #tpu.memory_space<vmem>>) semaphore(%arg14 : memref<!tpu.dma_semaphore, #tpu.memory_space<semaphore_mem>>)
    } else {
    }
    %not3A_595 = arith.constant true
    %not3A_596 = arith.xori %lt3A_590, %not3A_595 : i1
    %convert_element_type3A_597 = arith.extui %not3A_596 : i1 to i32
    %cond3A_598 = arith.constant 11 : i32
    %cond3A_599 = arith.constant 0 : i32
    %cond3A_600 = arith.cmpi ne, %convert_element_type3A_597, %cond3A_599 : i32
    scf.if %cond3A_600 {
      %sub3A_1771 = arith.subi %cond3A_598, %shift_right_arithmetic3A_232 : i32
      %dma_start3A = arith.constant 4 : i32
      %dma_start3A_1772 = arith.constant 0 : i32
      %dma_start3A_1773 = arith.constant 0 : i32
      %dma_start3A_1774 = tpu.memref_slice %arg9[%dma_start3A, %dma_start3A_1772, %dma_start3A_1773] : memref<7x128x128xf32, #tpu.memory_space<vmem>> -> memref<1x128x128xf32, #tpu.memory_space<vmem>>
      %dma_start3A_1775 = tpu.memref_squeeze %dma_start3A_1774 : memref<1x128x128xf32, #tpu.memory_space<vmem>> -> memref<128x128xf32, #tpu.memory_space<vmem>>
      %dma_start3A_1776 = arith.constant 0 : i32
      %dma_start3A_1777 = tpu.memref_slice %arg8[%sub3A_1771, %dma_start3A_1776] : memref<32x128xi32, #tpu.memory_space<vmem>> -> memref<1x128xi32, #tpu.memory_space<vmem>>
      %dma_start3A_1778 = tpu.memref_squeeze %dma_start3A_1777 : memref<1x128xi32, #tpu.memory_space<vmem>> -> memref<128xi32, #tpu.memory_space<vmem>>
      %dma_start3A_1779 = arith.constant 0 : i32
      %dma_start3A_1780 = arith.constant 0 : i32
      %dma_start3A_1781 = tpu.memref_slice %arg2[%dma_start3A_1779, %dma_start3A_1780] : memref<131072x128xf32, #tpu.memory_space<hbm>> -> memref<131072x128xf32, #tpu.memory_space<hbm>>
      tpu.enqueue_indirect_dma source(%dma_start3A_1781 : memref<131072x128xf32, #tpu.memory_space<hbm>>) target(%dma_start3A_1775 : memref<128x128xf32, #tpu.memory_space<vmem>>) offsets(%dma_start3A_1778 : memref<128xi32, #tpu.memory_space<vmem>>) semaphore(%arg14 : memref<!tpu.dma_semaphore, #tpu.memory_space<semaphore_mem>>)
    } else {
    }
    %dma_wait3A_601 = arith.constant 0 : i32
    %dma_wait3A_602 = arith.constant 0 : i32
    %dma_wait3A_603 = arith.constant 0 : i32
    %dma_wait3A_604 = arith.constant 0 : i32
    %dma_wait3A_605 = tpu.memref_slice %arg9[%dma_wait3A_602, %dma_wait3A_603, %dma_wait3A_604] : memref<7x128x128xf32, #tpu.memory_space<vmem>> -> memref<1x128x128xf32, #tpu.memory_space<vmem>>
    %dma_wait3A_606 = tpu.memref_squeeze %dma_wait3A_605 : memref<1x128x128xf32, #tpu.memory_space<vmem>> -> memref<128x128xf32, #tpu.memory_space<vmem>>
    %dma_wait3A_607 = arith.constant 0 : i32
    %dma_wait3A_608 = tpu.memref_slice %arg7[%dma_wait3A_601, %dma_wait3A_607] : memref<32x128xi32, #tpu.memory_space<vmem>> -> memref<1x128xi32, #tpu.memory_space<vmem>>
    %dma_wait3A_609 = tpu.memref_squeeze %dma_wait3A_608 : memref<1x128xi32, #tpu.memory_space<vmem>> -> memref<128xi32, #tpu.memory_space<vmem>>
    %dma_wait3A_610 = arith.constant 0 : i32
    %dma_wait3A_611 = arith.constant 0 : i32
    %dma_wait3A_612 = tpu.memref_slice %arg4[%dma_wait3A_610, %dma_wait3A_611] : memref<131072x128xf32, #tpu.memory_space<hbm>> -> memref<131072x128xf32, #tpu.memory_space<hbm>>
    tpu.wait_indirect_dma semaphore(%arg10 : memref<!tpu.dma_semaphore, #tpu.memory_space<semaphore_mem>>) src(%dma_wait3A_612 : memref<131072x128xf32, #tpu.memory_space<hbm>>) dst(%dma_wait3A_606 : memref<128x128xf32, #tpu.memory_space<vmem>>)
    %lt3A_613 = arith.constant 7 : i32
    %lt3A_614 = arith.cmpi slt, %lt3A_613, %shift_right_arithmetic3A_232 : i32
    %convert_element_type3A_615 = arith.extui %lt3A_614 : i1 to i32
    %cond3A_616 = arith.constant 7 : i32
    %cond3A_617 = arith.constant 0 : i32
    %cond3A_618 = arith.cmpi ne, %convert_element_type3A_615, %cond3A_617 : i32
    scf.if %cond3A_618 {
      %min3A = arith.constant 31 : i32
      %min3A_1771 = arith.minsi %cond3A_616, %min3A : i32
      %dma_start3A = arith.constant 0 : i32
      %dma_start3A_1772 = arith.constant 0 : i32
      %dma_start3A_1773 = arith.constant 0 : i32
      %dma_start3A_1774 = tpu.memref_slice %arg9[%dma_start3A, %dma_start3A_1772, %dma_start3A_1773] : memref<7x128x128xf32, #tpu.memory_space<vmem>> -> memref<1x128x128xf32, #tpu.memory_space<vmem>>
      %dma_start3A_1775 = tpu.memref_squeeze %dma_start3A_1774 : memref<1x128x128xf32, #tpu.memory_space<vmem>> -> memref<128x128xf32, #tpu.memory_space<vmem>>
      %dma_start3A_1776 = arith.constant 0 : i32
      %dma_start3A_1777 = tpu.memref_slice %arg7[%min3A_1771, %dma_start3A_1776] : memref<32x128xi32, #tpu.memory_space<vmem>> -> memref<1x128xi32, #tpu.memory_space<vmem>>
      %dma_start3A_1778 = tpu.memref_squeeze %dma_start3A_1777 : memref<1x128xi32, #tpu.memory_space<vmem>> -> memref<128xi32, #tpu.memory_space<vmem>>
      %dma_start3A_1779 = arith.constant 0 : i32
      %dma_start3A_1780 = arith.constant 0 : i32
      %dma_start3A_1781 = tpu.memref_slice %arg5[%dma_start3A_1779, %dma_start3A_1780] : memref<131072x128xf32, #tpu.memory_space<hbm>> -> memref<131072x128xf32, #tpu.memory_space<hbm>>
      tpu.enqueue_indirect_dma source(%dma_start3A_1775 : memref<128x128xf32, #tpu.memory_space<vmem>>) target(%dma_start3A_1781 : memref<131072x128xf32, #tpu.memory_space<hbm>>) offsets(%dma_start3A_1778 : memref<128xi32, #tpu.memory_space<vmem>>) semaphore(%arg17 : memref<!tpu.dma_semaphore, #tpu.memory_space<semaphore_mem>>)
    } else {
    }
    %not3A_619 = arith.constant true
    %not3A_620 = arith.xori %lt3A_614, %not3A_619 : i1
    %convert_element_type3A_621 = arith.extui %not3A_620 : i1 to i32
    %cond3A_622 = arith.constant 7 : i32
    %cond3A_623 = arith.constant 0 : i32
    %cond3A_624 = arith.cmpi ne, %convert_element_type3A_621, %cond3A_623 : i32
    scf.if %cond3A_624 {
      %sub3A_1771 = arith.subi %cond3A_622, %shift_right_arithmetic3A_232 : i32
      %dma_start3A = arith.constant 0 : i32
      %dma_start3A_1772 = arith.constant 0 : i32
      %dma_start3A_1773 = arith.constant 0 : i32
      %dma_start3A_1774 = tpu.memref_slice %arg9[%dma_start3A, %dma_start3A_1772, %dma_start3A_1773] : memref<7x128x128xf32, #tpu.memory_space<vmem>> -> memref<1x128x128xf32, #tpu.memory_space<vmem>>
      %dma_start3A_1775 = tpu.memref_squeeze %dma_start3A_1774 : memref<1x128x128xf32, #tpu.memory_space<vmem>> -> memref<128x128xf32, #tpu.memory_space<vmem>>
      %dma_start3A_1776 = arith.constant 0 : i32
      %dma_start3A_1777 = tpu.memref_slice %arg8[%sub3A_1771, %dma_start3A_1776] : memref<32x128xi32, #tpu.memory_space<vmem>> -> memref<1x128xi32, #tpu.memory_space<vmem>>
      %dma_start3A_1778 = tpu.memref_squeeze %dma_start3A_1777 : memref<1x128xi32, #tpu.memory_space<vmem>> -> memref<128xi32, #tpu.memory_space<vmem>>
      %dma_start3A_1779 = arith.constant 0 : i32
      %dma_start3A_1780 = arith.constant 0 : i32
      %dma_start3A_1781 = tpu.memref_slice %arg5[%dma_start3A_1779, %dma_start3A_1780] : memref<131072x128xf32, #tpu.memory_space<hbm>> -> memref<131072x128xf32, #tpu.memory_space<hbm>>
      tpu.enqueue_indirect_dma source(%dma_start3A_1775 : memref<128x128xf32, #tpu.memory_space<vmem>>) target(%dma_start3A_1781 : memref<131072x128xf32, #tpu.memory_space<hbm>>) offsets(%dma_start3A_1778 : memref<128xi32, #tpu.memory_space<vmem>>) semaphore(%arg17 : memref<!tpu.dma_semaphore, #tpu.memory_space<semaphore_mem>>)
    } else {
    }
    %dma_wait3A_625 = arith.constant 0 : i32
    %dma_wait3A_626 = arith.constant 5 : i32
    %dma_wait3A_627 = arith.constant 0 : i32
    %dma_wait3A_628 = arith.constant 0 : i32
    %dma_wait3A_629 = tpu.memref_slice %arg9[%dma_wait3A_626, %dma_wait3A_627, %dma_wait3A_628] : memref<7x128x128xf32, #tpu.memory_space<vmem>> -> memref<1x128x128xf32, #tpu.memory_space<vmem>>
    %dma_wait3A_630 = tpu.memref_squeeze %dma_wait3A_629 : memref<1x128x128xf32, #tpu.memory_space<vmem>> -> memref<128x128xf32, #tpu.memory_space<vmem>>
    %dma_wait3A_631 = arith.constant 0 : i32
    %dma_wait3A_632 = tpu.memref_slice %arg7[%dma_wait3A_625, %dma_wait3A_631] : memref<32x128xi32, #tpu.memory_space<vmem>> -> memref<1x128xi32, #tpu.memory_space<vmem>>
    %dma_wait3A_633 = tpu.memref_squeeze %dma_wait3A_632 : memref<1x128xi32, #tpu.memory_space<vmem>> -> memref<128xi32, #tpu.memory_space<vmem>>
    %dma_wait3A_634 = arith.constant 0 : i32
    %dma_wait3A_635 = arith.constant 0 : i32
    %dma_wait3A_636 = tpu.memref_slice %arg4[%dma_wait3A_634, %dma_wait3A_635] : memref<131072x128xf32, #tpu.memory_space<hbm>> -> memref<131072x128xf32, #tpu.memory_space<hbm>>
    tpu.wait_indirect_dma semaphore(%arg22 : memref<!tpu.dma_semaphore, #tpu.memory_space<semaphore_mem>>) src(%dma_wait3A_636 : memref<131072x128xf32, #tpu.memory_space<hbm>>) dst(%dma_wait3A_630 : memref<128x128xf32, #tpu.memory_space<vmem>>)
    %lt3A_637 = arith.constant 12 : i32
    %lt3A_638 = arith.cmpi slt, %lt3A_637, %shift_right_arithmetic3A_232 : i32
    %convert_element_type3A_639 = arith.extui %lt3A_638 : i1 to i32
    %cond3A_640 = arith.constant 12 : i32
    %cond3A_641 = arith.constant 0 : i32
    %cond3A_642 = arith.cmpi ne, %convert_element_type3A_639, %cond3A_641 : i32
    scf.if %cond3A_642 {
      %min3A = arith.constant 31 : i32
      %min3A_1771 = arith.minsi %cond3A_640, %min3A : i32
      %dma_start3A = arith.constant 5 : i32
      %dma_start3A_1772 = arith.constant 0 : i32
      %dma_start3A_1773 = arith.constant 0 : i32
      %dma_start3A_1774 = tpu.memref_slice %arg9[%dma_start3A, %dma_start3A_1772, %dma_start3A_1773] : memref<7x128x128xf32, #tpu.memory_space<vmem>> -> memref<1x128x128xf32, #tpu.memory_space<vmem>>
      %dma_start3A_1775 = tpu.memref_squeeze %dma_start3A_1774 : memref<1x128x128xf32, #tpu.memory_space<vmem>> -> memref<128x128xf32, #tpu.memory_space<vmem>>
      %dma_start3A_1776 = arith.constant 0 : i32
      %dma_start3A_1777 = tpu.memref_slice %arg7[%min3A_1771, %dma_start3A_1776] : memref<32x128xi32, #tpu.memory_space<vmem>> -> memref<1x128xi32, #tpu.memory_space<vmem>>
      %dma_start3A_1778 = tpu.memref_squeeze %dma_start3A_1777 : memref<1x128xi32, #tpu.memory_space<vmem>> -> memref<128xi32, #tpu.memory_space<vmem>>
      %dma_start3A_1779 = arith.constant 0 : i32
      %dma_start3A_1780 = arith.constant 0 : i32
      %dma_start3A_1781 = tpu.memref_slice %arg4[%dma_start3A_1779, %dma_start3A_1780] : memref<131072x128xf32, #tpu.memory_space<hbm>> -> memref<131072x128xf32, #tpu.memory_space<hbm>>
      tpu.enqueue_indirect_dma source(%dma_start3A_1781 : memref<131072x128xf32, #tpu.memory_space<hbm>>) target(%dma_start3A_1775 : memref<128x128xf32, #tpu.memory_space<vmem>>) offsets(%dma_start3A_1778 : memref<128xi32, #tpu.memory_space<vmem>>) semaphore(%arg15 : memref<!tpu.dma_semaphore, #tpu.memory_space<semaphore_mem>>)
    } else {
    }
    %not3A_643 = arith.constant true
    %not3A_644 = arith.xori %lt3A_638, %not3A_643 : i1
    %convert_element_type3A_645 = arith.extui %not3A_644 : i1 to i32
    %cond3A_646 = arith.constant 12 : i32
    %cond3A_647 = arith.constant 0 : i32
    %cond3A_648 = arith.cmpi ne, %convert_element_type3A_645, %cond3A_647 : i32
    scf.if %cond3A_648 {
      %sub3A_1771 = arith.subi %cond3A_646, %shift_right_arithmetic3A_232 : i32
      %dma_start3A = arith.constant 5 : i32
      %dma_start3A_1772 = arith.constant 0 : i32
      %dma_start3A_1773 = arith.constant 0 : i32
      %dma_start3A_1774 = tpu.memref_slice %arg9[%dma_start3A, %dma_start3A_1772, %dma_start3A_1773] : memref<7x128x128xf32, #tpu.memory_space<vmem>> -> memref<1x128x128xf32, #tpu.memory_space<vmem>>
      %dma_start3A_1775 = tpu.memref_squeeze %dma_start3A_1774 : memref<1x128x128xf32, #tpu.memory_space<vmem>> -> memref<128x128xf32, #tpu.memory_space<vmem>>
      %dma_start3A_1776 = arith.constant 0 : i32
      %dma_start3A_1777 = tpu.memref_slice %arg8[%sub3A_1771, %dma_start3A_1776] : memref<32x128xi32, #tpu.memory_space<vmem>> -> memref<1x128xi32, #tpu.memory_space<vmem>>
      %dma_start3A_1778 = tpu.memref_squeeze %dma_start3A_1777 : memref<1x128xi32, #tpu.memory_space<vmem>> -> memref<128xi32, #tpu.memory_space<vmem>>
      %dma_start3A_1779 = arith.constant 0 : i32
      %dma_start3A_1780 = arith.constant 0 : i32
      %dma_start3A_1781 = tpu.memref_slice %arg2[%dma_start3A_1779, %dma_start3A_1780] : memref<131072x128xf32, #tpu.memory_space<hbm>> -> memref<131072x128xf32, #tpu.memory_space<hbm>>
      tpu.enqueue_indirect_dma source(%dma_start3A_1781 : memref<131072x128xf32, #tpu.memory_space<hbm>>) target(%dma_start3A_1775 : memref<128x128xf32, #tpu.memory_space<vmem>>) offsets(%dma_start3A_1778 : memref<128xi32, #tpu.memory_space<vmem>>) semaphore(%arg15 : memref<!tpu.dma_semaphore, #tpu.memory_space<semaphore_mem>>)
    } else {
    }
    %dma_wait3A_649 = arith.constant 0 : i32
    %dma_wait3A_650 = arith.constant 1 : i32
    %dma_wait3A_651 = arith.constant 0 : i32
    %dma_wait3A_652 = arith.constant 0 : i32
    %dma_wait3A_653 = tpu.memref_slice %arg9[%dma_wait3A_650, %dma_wait3A_651, %dma_wait3A_652] : memref<7x128x128xf32, #tpu.memory_space<vmem>> -> memref<1x128x128xf32, #tpu.memory_space<vmem>>
    %dma_wait3A_654 = tpu.memref_squeeze %dma_wait3A_653 : memref<1x128x128xf32, #tpu.memory_space<vmem>> -> memref<128x128xf32, #tpu.memory_space<vmem>>
    %dma_wait3A_655 = arith.constant 0 : i32
    %dma_wait3A_656 = tpu.memref_slice %arg7[%dma_wait3A_649, %dma_wait3A_655] : memref<32x128xi32, #tpu.memory_space<vmem>> -> memref<1x128xi32, #tpu.memory_space<vmem>>
    %dma_wait3A_657 = tpu.memref_squeeze %dma_wait3A_656 : memref<1x128xi32, #tpu.memory_space<vmem>> -> memref<128xi32, #tpu.memory_space<vmem>>
    %dma_wait3A_658 = arith.constant 0 : i32
    %dma_wait3A_659 = arith.constant 0 : i32
    %dma_wait3A_660 = tpu.memref_slice %arg4[%dma_wait3A_658, %dma_wait3A_659] : memref<131072x128xf32, #tpu.memory_space<hbm>> -> memref<131072x128xf32, #tpu.memory_space<hbm>>
    tpu.wait_indirect_dma semaphore(%arg11 : memref<!tpu.dma_semaphore, #tpu.memory_space<semaphore_mem>>) src(%dma_wait3A_660 : memref<131072x128xf32, #tpu.memory_space<hbm>>) dst(%dma_wait3A_654 : memref<128x128xf32, #tpu.memory_space<vmem>>)
    %lt3A_661 = arith.constant 8 : i32
    %lt3A_662 = arith.cmpi slt, %lt3A_661, %shift_right_arithmetic3A_232 : i32
    %convert_element_type3A_663 = arith.extui %lt3A_662 : i1 to i32
    %cond3A_664 = arith.constant 8 : i32
    %cond3A_665 = arith.constant 0 : i32
    %cond3A_666 = arith.cmpi ne, %convert_element_type3A_663, %cond3A_665 : i32
    scf.if %cond3A_666 {
      %min3A = arith.constant 31 : i32
      %min3A_1771 = arith.minsi %cond3A_664, %min3A : i32
      %dma_start3A = arith.constant 1 : i32
      %dma_start3A_1772 = arith.constant 0 : i32
      %dma_start3A_1773 = arith.constant 0 : i32
      %dma_start3A_1774 = tpu.memref_slice %arg9[%dma_start3A, %dma_start3A_1772, %dma_start3A_1773] : memref<7x128x128xf32, #tpu.memory_space<vmem>> -> memref<1x128x128xf32, #tpu.memory_space<vmem>>
      %dma_start3A_1775 = tpu.memref_squeeze %dma_start3A_1774 : memref<1x128x128xf32, #tpu.memory_space<vmem>> -> memref<128x128xf32, #tpu.memory_space<vmem>>
      %dma_start3A_1776 = arith.constant 0 : i32
      %dma_start3A_1777 = tpu.memref_slice %arg7[%min3A_1771, %dma_start3A_1776] : memref<32x128xi32, #tpu.memory_space<vmem>> -> memref<1x128xi32, #tpu.memory_space<vmem>>
      %dma_start3A_1778 = tpu.memref_squeeze %dma_start3A_1777 : memref<1x128xi32, #tpu.memory_space<vmem>> -> memref<128xi32, #tpu.memory_space<vmem>>
      %dma_start3A_1779 = arith.constant 0 : i32
      %dma_start3A_1780 = arith.constant 0 : i32
      %dma_start3A_1781 = tpu.memref_slice %arg5[%dma_start3A_1779, %dma_start3A_1780] : memref<131072x128xf32, #tpu.memory_space<hbm>> -> memref<131072x128xf32, #tpu.memory_space<hbm>>
      tpu.enqueue_indirect_dma source(%dma_start3A_1775 : memref<128x128xf32, #tpu.memory_space<vmem>>) target(%dma_start3A_1781 : memref<131072x128xf32, #tpu.memory_space<hbm>>) offsets(%dma_start3A_1778 : memref<128xi32, #tpu.memory_space<vmem>>) semaphore(%arg18 : memref<!tpu.dma_semaphore, #tpu.memory_space<semaphore_mem>>)
    } else {
    }
    %not3A_667 = arith.constant true
    %not3A_668 = arith.xori %lt3A_662, %not3A_667 : i1
    %convert_element_type3A_669 = arith.extui %not3A_668 : i1 to i32
    %cond3A_670 = arith.constant 8 : i32
    %cond3A_671 = arith.constant 0 : i32
    %cond3A_672 = arith.cmpi ne, %convert_element_type3A_669, %cond3A_671 : i32
    scf.if %cond3A_672 {
      %sub3A_1771 = arith.subi %cond3A_670, %shift_right_arithmetic3A_232 : i32
      %dma_start3A = arith.constant 1 : i32
      %dma_start3A_1772 = arith.constant 0 : i32
      %dma_start3A_1773 = arith.constant 0 : i32
      %dma_start3A_1774 = tpu.memref_slice %arg9[%dma_start3A, %dma_start3A_1772, %dma_start3A_1773] : memref<7x128x128xf32, #tpu.memory_space<vmem>> -> memref<1x128x128xf32, #tpu.memory_space<vmem>>
      %dma_start3A_1775 = tpu.memref_squeeze %dma_start3A_1774 : memref<1x128x128xf32, #tpu.memory_space<vmem>> -> memref<128x128xf32, #tpu.memory_space<vmem>>
      %dma_start3A_1776 = arith.constant 0 : i32
      %dma_start3A_1777 = tpu.memref_slice %arg8[%sub3A_1771, %dma_start3A_1776] : memref<32x128xi32, #tpu.memory_space<vmem>> -> memref<1x128xi32, #tpu.memory_space<vmem>>
      %dma_start3A_1778 = tpu.memref_squeeze %dma_start3A_1777 : memref<1x128xi32, #tpu.memory_space<vmem>> -> memref<128xi32, #tpu.memory_space<vmem>>
      %dma_start3A_1779 = arith.constant 0 : i32
      %dma_start3A_1780 = arith.constant 0 : i32
      %dma_start3A_1781 = tpu.memref_slice %arg5[%dma_start3A_1779, %dma_start3A_1780] : memref<131072x128xf32, #tpu.memory_space<hbm>> -> memref<131072x128xf32, #tpu.memory_space<hbm>>
      tpu.enqueue_indirect_dma source(%dma_start3A_1775 : memref<128x128xf32, #tpu.memory_space<vmem>>) target(%dma_start3A_1781 : memref<131072x128xf32, #tpu.memory_space<hbm>>) offsets(%dma_start3A_1778 : memref<128xi32, #tpu.memory_space<vmem>>) semaphore(%arg18 : memref<!tpu.dma_semaphore, #tpu.memory_space<semaphore_mem>>)
    } else {
    }
    %dma_wait3A_673 = arith.constant 0 : i32
    %dma_wait3A_674 = arith.constant 6 : i32
    %dma_wait3A_675 = arith.constant 0 : i32
    %dma_wait3A_676 = arith.constant 0 : i32
    %dma_wait3A_677 = tpu.memref_slice %arg9[%dma_wait3A_674, %dma_wait3A_675, %dma_wait3A_676] : memref<7x128x128xf32, #tpu.memory_space<vmem>> -> memref<1x128x128xf32, #tpu.memory_space<vmem>>
    %dma_wait3A_678 = tpu.memref_squeeze %dma_wait3A_677 : memref<1x128x128xf32, #tpu.memory_space<vmem>> -> memref<128x128xf32, #tpu.memory_space<vmem>>
    %dma_wait3A_679 = arith.constant 0 : i32
    %dma_wait3A_680 = tpu.memref_slice %arg7[%dma_wait3A_673, %dma_wait3A_679] : memref<32x128xi32, #tpu.memory_space<vmem>> -> memref<1x128xi32, #tpu.memory_space<vmem>>
    %dma_wait3A_681 = tpu.memref_squeeze %dma_wait3A_680 : memref<1x128xi32, #tpu.memory_space<vmem>> -> memref<128xi32, #tpu.memory_space<vmem>>
    %dma_wait3A_682 = arith.constant 0 : i32
    %dma_wait3A_683 = arith.constant 0 : i32
    %dma_wait3A_684 = tpu.memref_slice %arg4[%dma_wait3A_682, %dma_wait3A_683] : memref<131072x128xf32, #tpu.memory_space<hbm>> -> memref<131072x128xf32, #tpu.memory_space<hbm>>
    tpu.wait_indirect_dma semaphore(%arg23 : memref<!tpu.dma_semaphore, #tpu.memory_space<semaphore_mem>>) src(%dma_wait3A_684 : memref<131072x128xf32, #tpu.memory_space<hbm>>) dst(%dma_wait3A_678 : memref<128x128xf32, #tpu.memory_space<vmem>>)
    %lt3A_685 = arith.constant 13 : i32
    %lt3A_686 = arith.cmpi slt, %lt3A_685, %shift_right_arithmetic3A_232 : i32
    %convert_element_type3A_687 = arith.extui %lt3A_686 : i1 to i32
    %cond3A_688 = arith.constant 13 : i32
    %cond3A_689 = arith.constant 0 : i32
    %cond3A_690 = arith.cmpi ne, %convert_element_type3A_687, %cond3A_689 : i32
    scf.if %cond3A_690 {
      %min3A = arith.constant 31 : i32
      %min3A_1771 = arith.minsi %cond3A_688, %min3A : i32
      %dma_start3A = arith.constant 6 : i32
      %dma_start3A_1772 = arith.constant 0 : i32
      %dma_start3A_1773 = arith.constant 0 : i32
      %dma_start3A_1774 = tpu.memref_slice %arg9[%dma_start3A, %dma_start3A_1772, %dma_start3A_1773] : memref<7x128x128xf32, #tpu.memory_space<vmem>> -> memref<1x128x128xf32, #tpu.memory_space<vmem>>
      %dma_start3A_1775 = tpu.memref_squeeze %dma_start3A_1774 : memref<1x128x128xf32, #tpu.memory_space<vmem>> -> memref<128x128xf32, #tpu.memory_space<vmem>>
      %dma_start3A_1776 = arith.constant 0 : i32
      %dma_start3A_1777 = tpu.memref_slice %arg7[%min3A_1771, %dma_start3A_1776] : memref<32x128xi32, #tpu.memory_space<vmem>> -> memref<1x128xi32, #tpu.memory_space<vmem>>
      %dma_start3A_1778 = tpu.memref_squeeze %dma_start3A_1777 : memref<1x128xi32, #tpu.memory_space<vmem>> -> memref<128xi32, #tpu.memory_space<vmem>>
      %dma_start3A_1779 = arith.constant 0 : i32
      %dma_start3A_1780 = arith.constant 0 : i32
      %dma_start3A_1781 = tpu.memref_slice %arg4[%dma_start3A_1779, %dma_start3A_1780] : memref<131072x128xf32, #tpu.memory_space<hbm>> -> memref<131072x128xf32, #tpu.memory_space<hbm>>
      tpu.enqueue_indirect_dma source(%dma_start3A_1781 : memref<131072x128xf32, #tpu.memory_space<hbm>>) target(%dma_start3A_1775 : memref<128x128xf32, #tpu.memory_space<vmem>>) offsets(%dma_start3A_1778 : memref<128xi32, #tpu.memory_space<vmem>>) semaphore(%arg16 : memref<!tpu.dma_semaphore, #tpu.memory_space<semaphore_mem>>)
    } else {
    }
    %not3A_691 = arith.constant true
    %not3A_692 = arith.xori %lt3A_686, %not3A_691 : i1
    %convert_element_type3A_693 = arith.extui %not3A_692 : i1 to i32
    %cond3A_694 = arith.constant 13 : i32
    %cond3A_695 = arith.constant 0 : i32
    %cond3A_696 = arith.cmpi ne, %convert_element_type3A_693, %cond3A_695 : i32
    scf.if %cond3A_696 {
      %sub3A_1771 = arith.subi %cond3A_694, %shift_right_arithmetic3A_232 : i32
      %dma_start3A = arith.constant 6 : i32
      %dma_start3A_1772 = arith.constant 0 : i32
      %dma_start3A_1773 = arith.constant 0 : i32
      %dma_start3A_1774 = tpu.memref_slice %arg9[%dma_start3A, %dma_start3A_1772, %dma_start3A_1773] : memref<7x128x128xf32, #tpu.memory_space<vmem>> -> memref<1x128x128xf32, #tpu.memory_space<vmem>>
      %dma_start3A_1775 = tpu.memref_squeeze %dma_start3A_1774 : memref<1x128x128xf32, #tpu.memory_space<vmem>> -> memref<128x128xf32, #tpu.memory_space<vmem>>
      %dma_start3A_1776 = arith.constant 0 : i32
      %dma_start3A_1777 = tpu.memref_slice %arg8[%sub3A_1771, %dma_start3A_1776] : memref<32x128xi32, #tpu.memory_space<vmem>> -> memref<1x128xi32, #tpu.memory_space<vmem>>
      %dma_start3A_1778 = tpu.memref_squeeze %dma_start3A_1777 : memref<1x128xi32, #tpu.memory_space<vmem>> -> memref<128xi32, #tpu.memory_space<vmem>>
      %dma_start3A_1779 = arith.constant 0 : i32
      %dma_start3A_1780 = arith.constant 0 : i32
      %dma_start3A_1781 = tpu.memref_slice %arg2[%dma_start3A_1779, %dma_start3A_1780] : memref<131072x128xf32, #tpu.memory_space<hbm>> -> memref<131072x128xf32, #tpu.memory_space<hbm>>
      tpu.enqueue_indirect_dma source(%dma_start3A_1781 : memref<131072x128xf32, #tpu.memory_space<hbm>>) target(%dma_start3A_1775 : memref<128x128xf32, #tpu.memory_space<vmem>>) offsets(%dma_start3A_1778 : memref<128xi32, #tpu.memory_space<vmem>>) semaphore(%arg16 : memref<!tpu.dma_semaphore, #tpu.memory_space<semaphore_mem>>)
    } else {
    }
    %dma_wait3A_697 = arith.constant 0 : i32
    %dma_wait3A_698 = arith.constant 2 : i32
    %dma_wait3A_699 = arith.constant 0 : i32
    %dma_wait3A_700 = arith.constant 0 : i32
    %dma_wait3A_701 = tpu.memref_slice %arg9[%dma_wait3A_698, %dma_wait3A_699, %dma_wait3A_700] : memref<7x128x128xf32, #tpu.memory_space<vmem>> -> memref<1x128x128xf32, #tpu.memory_space<vmem>>
    %dma_wait3A_702 = tpu.memref_squeeze %dma_wait3A_701 : memref<1x128x128xf32, #tpu.memory_space<vmem>> -> memref<128x128xf32, #tpu.memory_space<vmem>>
    %dma_wait3A_703 = arith.constant 0 : i32
    %dma_wait3A_704 = tpu.memref_slice %arg7[%dma_wait3A_697, %dma_wait3A_703] : memref<32x128xi32, #tpu.memory_space<vmem>> -> memref<1x128xi32, #tpu.memory_space<vmem>>
    %dma_wait3A_705 = tpu.memref_squeeze %dma_wait3A_704 : memref<1x128xi32, #tpu.memory_space<vmem>> -> memref<128xi32, #tpu.memory_space<vmem>>
    %dma_wait3A_706 = arith.constant 0 : i32
    %dma_wait3A_707 = arith.constant 0 : i32
    %dma_wait3A_708 = tpu.memref_slice %arg4[%dma_wait3A_706, %dma_wait3A_707] : memref<131072x128xf32, #tpu.memory_space<hbm>> -> memref<131072x128xf32, #tpu.memory_space<hbm>>
    tpu.wait_indirect_dma semaphore(%arg12 : memref<!tpu.dma_semaphore, #tpu.memory_space<semaphore_mem>>) src(%dma_wait3A_708 : memref<131072x128xf32, #tpu.memory_space<hbm>>) dst(%dma_wait3A_702 : memref<128x128xf32, #tpu.memory_space<vmem>>)
    %lt3A_709 = arith.constant 9 : i32
    %lt3A_710 = arith.cmpi slt, %lt3A_709, %shift_right_arithmetic3A_232 : i32
    %convert_element_type3A_711 = arith.extui %lt3A_710 : i1 to i32
    %cond3A_712 = arith.constant 9 : i32
    %cond3A_713 = arith.constant 0 : i32
    %cond3A_714 = arith.cmpi ne, %convert_element_type3A_711, %cond3A_713 : i32
    scf.if %cond3A_714 {
      %min3A = arith.constant 31 : i32
      %min3A_1771 = arith.minsi %cond3A_712, %min3A : i32
      %dma_start3A = arith.constant 2 : i32
      %dma_start3A_1772 = arith.constant 0 : i32
      %dma_start3A_1773 = arith.constant 0 : i32
      %dma_start3A_1774 = tpu.memref_slice %arg9[%dma_start3A, %dma_start3A_1772, %dma_start3A_1773] : memref<7x128x128xf32, #tpu.memory_space<vmem>> -> memref<1x128x128xf32, #tpu.memory_space<vmem>>
      %dma_start3A_1775 = tpu.memref_squeeze %dma_start3A_1774 : memref<1x128x128xf32, #tpu.memory_space<vmem>> -> memref<128x128xf32, #tpu.memory_space<vmem>>
      %dma_start3A_1776 = arith.constant 0 : i32
      %dma_start3A_1777 = tpu.memref_slice %arg7[%min3A_1771, %dma_start3A_1776] : memref<32x128xi32, #tpu.memory_space<vmem>> -> memref<1x128xi32, #tpu.memory_space<vmem>>
      %dma_start3A_1778 = tpu.memref_squeeze %dma_start3A_1777 : memref<1x128xi32, #tpu.memory_space<vmem>> -> memref<128xi32, #tpu.memory_space<vmem>>
      %dma_start3A_1779 = arith.constant 0 : i32
      %dma_start3A_1780 = arith.constant 0 : i32
      %dma_start3A_1781 = tpu.memref_slice %arg5[%dma_start3A_1779, %dma_start3A_1780] : memref<131072x128xf32, #tpu.memory_space<hbm>> -> memref<131072x128xf32, #tpu.memory_space<hbm>>
      tpu.enqueue_indirect_dma source(%dma_start3A_1775 : memref<128x128xf32, #tpu.memory_space<vmem>>) target(%dma_start3A_1781 : memref<131072x128xf32, #tpu.memory_space<hbm>>) offsets(%dma_start3A_1778 : memref<128xi32, #tpu.memory_space<vmem>>) semaphore(%arg19 : memref<!tpu.dma_semaphore, #tpu.memory_space<semaphore_mem>>)
    } else {
    }
    %not3A_715 = arith.constant true
    %not3A_716 = arith.xori %lt3A_710, %not3A_715 : i1
    %convert_element_type3A_717 = arith.extui %not3A_716 : i1 to i32
    %cond3A_718 = arith.constant 9 : i32
    %cond3A_719 = arith.constant 0 : i32
    %cond3A_720 = arith.cmpi ne, %convert_element_type3A_717, %cond3A_719 : i32
    scf.if %cond3A_720 {
      %sub3A_1771 = arith.subi %cond3A_718, %shift_right_arithmetic3A_232 : i32
      %dma_start3A = arith.constant 2 : i32
      %dma_start3A_1772 = arith.constant 0 : i32
      %dma_start3A_1773 = arith.constant 0 : i32
      %dma_start3A_1774 = tpu.memref_slice %arg9[%dma_start3A, %dma_start3A_1772, %dma_start3A_1773] : memref<7x128x128xf32, #tpu.memory_space<vmem>> -> memref<1x128x128xf32, #tpu.memory_space<vmem>>
      %dma_start3A_1775 = tpu.memref_squeeze %dma_start3A_1774 : memref<1x128x128xf32, #tpu.memory_space<vmem>> -> memref<128x128xf32, #tpu.memory_space<vmem>>
      %dma_start3A_1776 = arith.constant 0 : i32
      %dma_start3A_1777 = tpu.memref_slice %arg8[%sub3A_1771, %dma_start3A_1776] : memref<32x128xi32, #tpu.memory_space<vmem>> -> memref<1x128xi32, #tpu.memory_space<vmem>>
      %dma_start3A_1778 = tpu.memref_squeeze %dma_start3A_1777 : memref<1x128xi32, #tpu.memory_space<vmem>> -> memref<128xi32, #tpu.memory_space<vmem>>
      %dma_start3A_1779 = arith.constant 0 : i32
      %dma_start3A_1780 = arith.constant 0 : i32
      %dma_start3A_1781 = tpu.memref_slice %arg5[%dma_start3A_1779, %dma_start3A_1780] : memref<131072x128xf32, #tpu.memory_space<hbm>> -> memref<131072x128xf32, #tpu.memory_space<hbm>>
      tpu.enqueue_indirect_dma source(%dma_start3A_1775 : memref<128x128xf32, #tpu.memory_space<vmem>>) target(%dma_start3A_1781 : memref<131072x128xf32, #tpu.memory_space<hbm>>) offsets(%dma_start3A_1778 : memref<128xi32, #tpu.memory_space<vmem>>) semaphore(%arg19 : memref<!tpu.dma_semaphore, #tpu.memory_space<semaphore_mem>>)
    } else {
    }
    %dma_wait3A_721 = arith.constant 0 : i32
    %dma_wait3A_722 = arith.constant 0 : i32
    %dma_wait3A_723 = arith.constant 0 : i32
    %dma_wait3A_724 = arith.constant 0 : i32
    %dma_wait3A_725 = tpu.memref_slice %arg9[%dma_wait3A_722, %dma_wait3A_723, %dma_wait3A_724] : memref<7x128x128xf32, #tpu.memory_space<vmem>> -> memref<1x128x128xf32, #tpu.memory_space<vmem>>
    %dma_wait3A_726 = tpu.memref_squeeze %dma_wait3A_725 : memref<1x128x128xf32, #tpu.memory_space<vmem>> -> memref<128x128xf32, #tpu.memory_space<vmem>>
    %dma_wait3A_727 = arith.constant 0 : i32
    %dma_wait3A_728 = tpu.memref_slice %arg7[%dma_wait3A_721, %dma_wait3A_727] : memref<32x128xi32, #tpu.memory_space<vmem>> -> memref<1x128xi32, #tpu.memory_space<vmem>>
    %dma_wait3A_729 = tpu.memref_squeeze %dma_wait3A_728 : memref<1x128xi32, #tpu.memory_space<vmem>> -> memref<128xi32, #tpu.memory_space<vmem>>
    %dma_wait3A_730 = arith.constant 0 : i32
    %dma_wait3A_731 = arith.constant 0 : i32
    %dma_wait3A_732 = tpu.memref_slice %arg4[%dma_wait3A_730, %dma_wait3A_731] : memref<131072x128xf32, #tpu.memory_space<hbm>> -> memref<131072x128xf32, #tpu.memory_space<hbm>>
    tpu.wait_indirect_dma semaphore(%arg17 : memref<!tpu.dma_semaphore, #tpu.memory_space<semaphore_mem>>) src(%dma_wait3A_732 : memref<131072x128xf32, #tpu.memory_space<hbm>>) dst(%dma_wait3A_726 : memref<128x128xf32, #tpu.memory_space<vmem>>)
    %lt3A_733 = arith.constant 14 : i32
    %lt3A_734 = arith.cmpi slt, %lt3A_733, %shift_right_arithmetic3A_232 : i32
    %convert_element_type3A_735 = arith.extui %lt3A_734 : i1 to i32
    %cond3A_736 = arith.constant 14 : i32
    %cond3A_737 = arith.constant 0 : i32
    %cond3A_738 = arith.cmpi ne, %convert_element_type3A_735, %cond3A_737 : i32
    scf.if %cond3A_738 {
      %min3A = arith.constant 31 : i32
      %min3A_1771 = arith.minsi %cond3A_736, %min3A : i32
      %dma_start3A = arith.constant 0 : i32
      %dma_start3A_1772 = arith.constant 0 : i32
      %dma_start3A_1773 = arith.constant 0 : i32
      %dma_start3A_1774 = tpu.memref_slice %arg9[%dma_start3A, %dma_start3A_1772, %dma_start3A_1773] : memref<7x128x128xf32, #tpu.memory_space<vmem>> -> memref<1x128x128xf32, #tpu.memory_space<vmem>>
      %dma_start3A_1775 = tpu.memref_squeeze %dma_start3A_1774 : memref<1x128x128xf32, #tpu.memory_space<vmem>> -> memref<128x128xf32, #tpu.memory_space<vmem>>
      %dma_start3A_1776 = arith.constant 0 : i32
      %dma_start3A_1777 = tpu.memref_slice %arg7[%min3A_1771, %dma_start3A_1776] : memref<32x128xi32, #tpu.memory_space<vmem>> -> memref<1x128xi32, #tpu.memory_space<vmem>>
      %dma_start3A_1778 = tpu.memref_squeeze %dma_start3A_1777 : memref<1x128xi32, #tpu.memory_space<vmem>> -> memref<128xi32, #tpu.memory_space<vmem>>
      %dma_start3A_1779 = arith.constant 0 : i32
      %dma_start3A_1780 = arith.constant 0 : i32
      %dma_start3A_1781 = tpu.memref_slice %arg4[%dma_start3A_1779, %dma_start3A_1780] : memref<131072x128xf32, #tpu.memory_space<hbm>> -> memref<131072x128xf32, #tpu.memory_space<hbm>>
      tpu.enqueue_indirect_dma source(%dma_start3A_1781 : memref<131072x128xf32, #tpu.memory_space<hbm>>) target(%dma_start3A_1775 : memref<128x128xf32, #tpu.memory_space<vmem>>) offsets(%dma_start3A_1778 : memref<128xi32, #tpu.memory_space<vmem>>) semaphore(%arg10 : memref<!tpu.dma_semaphore, #tpu.memory_space<semaphore_mem>>)
    } else {
    }
    %not3A_739 = arith.constant true
    %not3A_740 = arith.xori %lt3A_734, %not3A_739 : i1
    %convert_element_type3A_741 = arith.extui %not3A_740 : i1 to i32
    %cond3A_742 = arith.constant 14 : i32
    %cond3A_743 = arith.constant 0 : i32
    %cond3A_744 = arith.cmpi ne, %convert_element_type3A_741, %cond3A_743 : i32
    scf.if %cond3A_744 {
      %sub3A_1771 = arith.subi %cond3A_742, %shift_right_arithmetic3A_232 : i32
      %dma_start3A = arith.constant 0 : i32
      %dma_start3A_1772 = arith.constant 0 : i32
      %dma_start3A_1773 = arith.constant 0 : i32
      %dma_start3A_1774 = tpu.memref_slice %arg9[%dma_start3A, %dma_start3A_1772, %dma_start3A_1773] : memref<7x128x128xf32, #tpu.memory_space<vmem>> -> memref<1x128x128xf32, #tpu.memory_space<vmem>>
      %dma_start3A_1775 = tpu.memref_squeeze %dma_start3A_1774 : memref<1x128x128xf32, #tpu.memory_space<vmem>> -> memref<128x128xf32, #tpu.memory_space<vmem>>
      %dma_start3A_1776 = arith.constant 0 : i32
      %dma_start3A_1777 = tpu.memref_slice %arg8[%sub3A_1771, %dma_start3A_1776] : memref<32x128xi32, #tpu.memory_space<vmem>> -> memref<1x128xi32, #tpu.memory_space<vmem>>
      %dma_start3A_1778 = tpu.memref_squeeze %dma_start3A_1777 : memref<1x128xi32, #tpu.memory_space<vmem>> -> memref<128xi32, #tpu.memory_space<vmem>>
      %dma_start3A_1779 = arith.constant 0 : i32
      %dma_start3A_1780 = arith.constant 0 : i32
      %dma_start3A_1781 = tpu.memref_slice %arg2[%dma_start3A_1779, %dma_start3A_1780] : memref<131072x128xf32, #tpu.memory_space<hbm>> -> memref<131072x128xf32, #tpu.memory_space<hbm>>
      tpu.enqueue_indirect_dma source(%dma_start3A_1781 : memref<131072x128xf32, #tpu.memory_space<hbm>>) target(%dma_start3A_1775 : memref<128x128xf32, #tpu.memory_space<vmem>>) offsets(%dma_start3A_1778 : memref<128xi32, #tpu.memory_space<vmem>>) semaphore(%arg10 : memref<!tpu.dma_semaphore, #tpu.memory_space<semaphore_mem>>)
    } else {
    }
    %dma_wait3A_745 = arith.constant 0 : i32
    %dma_wait3A_746 = arith.constant 3 : i32
    %dma_wait3A_747 = arith.constant 0 : i32
    %dma_wait3A_748 = arith.constant 0 : i32
    %dma_wait3A_749 = tpu.memref_slice %arg9[%dma_wait3A_746, %dma_wait3A_747, %dma_wait3A_748] : memref<7x128x128xf32, #tpu.memory_space<vmem>> -> memref<1x128x128xf32, #tpu.memory_space<vmem>>
    %dma_wait3A_750 = tpu.memref_squeeze %dma_wait3A_749 : memref<1x128x128xf32, #tpu.memory_space<vmem>> -> memref<128x128xf32, #tpu.memory_space<vmem>>
    %dma_wait3A_751 = arith.constant 0 : i32
    %dma_wait3A_752 = tpu.memref_slice %arg7[%dma_wait3A_745, %dma_wait3A_751] : memref<32x128xi32, #tpu.memory_space<vmem>> -> memref<1x128xi32, #tpu.memory_space<vmem>>
    %dma_wait3A_753 = tpu.memref_squeeze %dma_wait3A_752 : memref<1x128xi32, #tpu.memory_space<vmem>> -> memref<128xi32, #tpu.memory_space<vmem>>
    %dma_wait3A_754 = arith.constant 0 : i32
    %dma_wait3A_755 = arith.constant 0 : i32
    %dma_wait3A_756 = tpu.memref_slice %arg4[%dma_wait3A_754, %dma_wait3A_755] : memref<131072x128xf32, #tpu.memory_space<hbm>> -> memref<131072x128xf32, #tpu.memory_space<hbm>>
    tpu.wait_indirect_dma semaphore(%arg13 : memref<!tpu.dma_semaphore, #tpu.memory_space<semaphore_mem>>) src(%dma_wait3A_756 : memref<131072x128xf32, #tpu.memory_space<hbm>>) dst(%dma_wait3A_750 : memref<128x128xf32, #tpu.memory_space<vmem>>)
    %lt3A_757 = arith.constant 10 : i32
    %lt3A_758 = arith.cmpi slt, %lt3A_757, %shift_right_arithmetic3A_232 : i32
    %convert_element_type3A_759 = arith.extui %lt3A_758 : i1 to i32
    %cond3A_760 = arith.constant 10 : i32
    %cond3A_761 = arith.constant 0 : i32
    %cond3A_762 = arith.cmpi ne, %convert_element_type3A_759, %cond3A_761 : i32
    scf.if %cond3A_762 {
      %min3A = arith.constant 31 : i32
      %min3A_1771 = arith.minsi %cond3A_760, %min3A : i32
      %dma_start3A = arith.constant 3 : i32
      %dma_start3A_1772 = arith.constant 0 : i32
      %dma_start3A_1773 = arith.constant 0 : i32
      %dma_start3A_1774 = tpu.memref_slice %arg9[%dma_start3A, %dma_start3A_1772, %dma_start3A_1773] : memref<7x128x128xf32, #tpu.memory_space<vmem>> -> memref<1x128x128xf32, #tpu.memory_space<vmem>>
      %dma_start3A_1775 = tpu.memref_squeeze %dma_start3A_1774 : memref<1x128x128xf32, #tpu.memory_space<vmem>> -> memref<128x128xf32, #tpu.memory_space<vmem>>
      %dma_start3A_1776 = arith.constant 0 : i32
      %dma_start3A_1777 = tpu.memref_slice %arg7[%min3A_1771, %dma_start3A_1776] : memref<32x128xi32, #tpu.memory_space<vmem>> -> memref<1x128xi32, #tpu.memory_space<vmem>>
      %dma_start3A_1778 = tpu.memref_squeeze %dma_start3A_1777 : memref<1x128xi32, #tpu.memory_space<vmem>> -> memref<128xi32, #tpu.memory_space<vmem>>
      %dma_start3A_1779 = arith.constant 0 : i32
      %dma_start3A_1780 = arith.constant 0 : i32
      %dma_start3A_1781 = tpu.memref_slice %arg5[%dma_start3A_1779, %dma_start3A_1780] : memref<131072x128xf32, #tpu.memory_space<hbm>> -> memref<131072x128xf32, #tpu.memory_space<hbm>>
      tpu.enqueue_indirect_dma source(%dma_start3A_1775 : memref<128x128xf32, #tpu.memory_space<vmem>>) target(%dma_start3A_1781 : memref<131072x128xf32, #tpu.memory_space<hbm>>) offsets(%dma_start3A_1778 : memref<128xi32, #tpu.memory_space<vmem>>) semaphore(%arg20 : memref<!tpu.dma_semaphore, #tpu.memory_space<semaphore_mem>>)
    } else {
    }
    %not3A_763 = arith.constant true
    %not3A_764 = arith.xori %lt3A_758, %not3A_763 : i1
    %convert_element_type3A_765 = arith.extui %not3A_764 : i1 to i32
    %cond3A_766 = arith.constant 10 : i32
    %cond3A_767 = arith.constant 0 : i32
    %cond3A_768 = arith.cmpi ne, %convert_element_type3A_765, %cond3A_767 : i32
    scf.if %cond3A_768 {
      %sub3A_1771 = arith.subi %cond3A_766, %shift_right_arithmetic3A_232 : i32
      %dma_start3A = arith.constant 3 : i32
      %dma_start3A_1772 = arith.constant 0 : i32
      %dma_start3A_1773 = arith.constant 0 : i32
      %dma_start3A_1774 = tpu.memref_slice %arg9[%dma_start3A, %dma_start3A_1772, %dma_start3A_1773] : memref<7x128x128xf32, #tpu.memory_space<vmem>> -> memref<1x128x128xf32, #tpu.memory_space<vmem>>
      %dma_start3A_1775 = tpu.memref_squeeze %dma_start3A_1774 : memref<1x128x128xf32, #tpu.memory_space<vmem>> -> memref<128x128xf32, #tpu.memory_space<vmem>>
      %dma_start3A_1776 = arith.constant 0 : i32
      %dma_start3A_1777 = tpu.memref_slice %arg8[%sub3A_1771, %dma_start3A_1776] : memref<32x128xi32, #tpu.memory_space<vmem>> -> memref<1x128xi32, #tpu.memory_space<vmem>>
      %dma_start3A_1778 = tpu.memref_squeeze %dma_start3A_1777 : memref<1x128xi32, #tpu.memory_space<vmem>> -> memref<128xi32, #tpu.memory_space<vmem>>
      %dma_start3A_1779 = arith.constant 0 : i32
      %dma_start3A_1780 = arith.constant 0 : i32
      %dma_start3A_1781 = tpu.memref_slice %arg5[%dma_start3A_1779, %dma_start3A_1780] : memref<131072x128xf32, #tpu.memory_space<hbm>> -> memref<131072x128xf32, #tpu.memory_space<hbm>>
      tpu.enqueue_indirect_dma source(%dma_start3A_1775 : memref<128x128xf32, #tpu.memory_space<vmem>>) target(%dma_start3A_1781 : memref<131072x128xf32, #tpu.memory_space<hbm>>) offsets(%dma_start3A_1778 : memref<128xi32, #tpu.memory_space<vmem>>) semaphore(%arg20 : memref<!tpu.dma_semaphore, #tpu.memory_space<semaphore_mem>>)
    } else {
    }
    %dma_wait3A_769 = arith.constant 0 : i32
    %dma_wait3A_770 = arith.constant 1 : i32
    %dma_wait3A_771 = arith.constant 0 : i32
    %dma_wait3A_772 = arith.constant 0 : i32
    %dma_wait3A_773 = tpu.memref_slice %arg9[%dma_wait3A_770, %dma_wait3A_771, %dma_wait3A_772] : memref<7x128x128xf32, #tpu.memory_space<vmem>> -> memref<1x128x128xf32, #tpu.memory_space<vmem>>
    %dma_wait3A_774 = tpu.memref_squeeze %dma_wait3A_773 : memref<1x128x128xf32, #tpu.memory_space<vmem>> -> memref<128x128xf32, #tpu.memory_space<vmem>>
    %dma_wait3A_775 = arith.constant 0 : i32
    %dma_wait3A_776 = tpu.memref_slice %arg7[%dma_wait3A_769, %dma_wait3A_775] : memref<32x128xi32, #tpu.memory_space<vmem>> -> memref<1x128xi32, #tpu.memory_space<vmem>>
    %dma_wait3A_777 = tpu.memref_squeeze %dma_wait3A_776 : memref<1x128xi32, #tpu.memory_space<vmem>> -> memref<128xi32, #tpu.memory_space<vmem>>
    %dma_wait3A_778 = arith.constant 0 : i32
    %dma_wait3A_779 = arith.constant 0 : i32
    %dma_wait3A_780 = tpu.memref_slice %arg4[%dma_wait3A_778, %dma_wait3A_779] : memref<131072x128xf32, #tpu.memory_space<hbm>> -> memref<131072x128xf32, #tpu.memory_space<hbm>>
    tpu.wait_indirect_dma semaphore(%arg18 : memref<!tpu.dma_semaphore, #tpu.memory_space<semaphore_mem>>) src(%dma_wait3A_780 : memref<131072x128xf32, #tpu.memory_space<hbm>>) dst(%dma_wait3A_774 : memref<128x128xf32, #tpu.memory_space<vmem>>)
    %lt3A_781 = arith.constant 15 : i32
    %lt3A_782 = arith.cmpi slt, %lt3A_781, %shift_right_arithmetic3A_232 : i32
    %convert_element_type3A_783 = arith.extui %lt3A_782 : i1 to i32
    %cond3A_784 = arith.constant 15 : i32
    %cond3A_785 = arith.constant 0 : i32
    %cond3A_786 = arith.cmpi ne, %convert_element_type3A_783, %cond3A_785 : i32
    scf.if %cond3A_786 {
      %min3A = arith.constant 31 : i32
      %min3A_1771 = arith.minsi %cond3A_784, %min3A : i32
      %dma_start3A = arith.constant 1 : i32
      %dma_start3A_1772 = arith.constant 0 : i32
      %dma_start3A_1773 = arith.constant 0 : i32
      %dma_start3A_1774 = tpu.memref_slice %arg9[%dma_start3A, %dma_start3A_1772, %dma_start3A_1773] : memref<7x128x128xf32, #tpu.memory_space<vmem>> -> memref<1x128x128xf32, #tpu.memory_space<vmem>>
      %dma_start3A_1775 = tpu.memref_squeeze %dma_start3A_1774 : memref<1x128x128xf32, #tpu.memory_space<vmem>> -> memref<128x128xf32, #tpu.memory_space<vmem>>
      %dma_start3A_1776 = arith.constant 0 : i32
      %dma_start3A_1777 = tpu.memref_slice %arg7[%min3A_1771, %dma_start3A_1776] : memref<32x128xi32, #tpu.memory_space<vmem>> -> memref<1x128xi32, #tpu.memory_space<vmem>>
      %dma_start3A_1778 = tpu.memref_squeeze %dma_start3A_1777 : memref<1x128xi32, #tpu.memory_space<vmem>> -> memref<128xi32, #tpu.memory_space<vmem>>
      %dma_start3A_1779 = arith.constant 0 : i32
      %dma_start3A_1780 = arith.constant 0 : i32
      %dma_start3A_1781 = tpu.memref_slice %arg4[%dma_start3A_1779, %dma_start3A_1780] : memref<131072x128xf32, #tpu.memory_space<hbm>> -> memref<131072x128xf32, #tpu.memory_space<hbm>>
      tpu.enqueue_indirect_dma source(%dma_start3A_1781 : memref<131072x128xf32, #tpu.memory_space<hbm>>) target(%dma_start3A_1775 : memref<128x128xf32, #tpu.memory_space<vmem>>) offsets(%dma_start3A_1778 : memref<128xi32, #tpu.memory_space<vmem>>) semaphore(%arg11 : memref<!tpu.dma_semaphore, #tpu.memory_space<semaphore_mem>>)
    } else {
    }
    %not3A_787 = arith.constant true
    %not3A_788 = arith.xori %lt3A_782, %not3A_787 : i1
    %convert_element_type3A_789 = arith.extui %not3A_788 : i1 to i32
    %cond3A_790 = arith.constant 15 : i32
    %cond3A_791 = arith.constant 0 : i32
    %cond3A_792 = arith.cmpi ne, %convert_element_type3A_789, %cond3A_791 : i32
    scf.if %cond3A_792 {
      %sub3A_1771 = arith.subi %cond3A_790, %shift_right_arithmetic3A_232 : i32
      %dma_start3A = arith.constant 1 : i32
      %dma_start3A_1772 = arith.constant 0 : i32
      %dma_start3A_1773 = arith.constant 0 : i32
      %dma_start3A_1774 = tpu.memref_slice %arg9[%dma_start3A, %dma_start3A_1772, %dma_start3A_1773] : memref<7x128x128xf32, #tpu.memory_space<vmem>> -> memref<1x128x128xf32, #tpu.memory_space<vmem>>
      %dma_start3A_1775 = tpu.memref_squeeze %dma_start3A_1774 : memref<1x128x128xf32, #tpu.memory_space<vmem>> -> memref<128x128xf32, #tpu.memory_space<vmem>>
      %dma_start3A_1776 = arith.constant 0 : i32
      %dma_start3A_1777 = tpu.memref_slice %arg8[%sub3A_1771, %dma_start3A_1776] : memref<32x128xi32, #tpu.memory_space<vmem>> -> memref<1x128xi32, #tpu.memory_space<vmem>>
      %dma_start3A_1778 = tpu.memref_squeeze %dma_start3A_1777 : memref<1x128xi32, #tpu.memory_space<vmem>> -> memref<128xi32, #tpu.memory_space<vmem>>
      %dma_start3A_1779 = arith.constant 0 : i32
      %dma_start3A_1780 = arith.constant 0 : i32
      %dma_start3A_1781 = tpu.memref_slice %arg2[%dma_start3A_1779, %dma_start3A_1780] : memref<131072x128xf32, #tpu.memory_space<hbm>> -> memref<131072x128xf32, #tpu.memory_space<hbm>>
      tpu.enqueue_indirect_dma source(%dma_start3A_1781 : memref<131072x128xf32, #tpu.memory_space<hbm>>) target(%dma_start3A_1775 : memref<128x128xf32, #tpu.memory_space<vmem>>) offsets(%dma_start3A_1778 : memref<128xi32, #tpu.memory_space<vmem>>) semaphore(%arg11 : memref<!tpu.dma_semaphore, #tpu.memory_space<semaphore_mem>>)
    } else {
    }
    %dma_wait3A_793 = arith.constant 0 : i32
    %dma_wait3A_794 = arith.constant 4 : i32
    %dma_wait3A_795 = arith.constant 0 : i32
    %dma_wait3A_796 = arith.constant 0 : i32
    %dma_wait3A_797 = tpu.memref_slice %arg9[%dma_wait3A_794, %dma_wait3A_795, %dma_wait3A_796] : memref<7x128x128xf32, #tpu.memory_space<vmem>> -> memref<1x128x128xf32, #tpu.memory_space<vmem>>
    %dma_wait3A_798 = tpu.memref_squeeze %dma_wait3A_797 : memref<1x128x128xf32, #tpu.memory_space<vmem>> -> memref<128x128xf32, #tpu.memory_space<vmem>>
    %dma_wait3A_799 = arith.constant 0 : i32
    %dma_wait3A_800 = tpu.memref_slice %arg7[%dma_wait3A_793, %dma_wait3A_799] : memref<32x128xi32, #tpu.memory_space<vmem>> -> memref<1x128xi32, #tpu.memory_space<vmem>>
    %dma_wait3A_801 = tpu.memref_squeeze %dma_wait3A_800 : memref<1x128xi32, #tpu.memory_space<vmem>> -> memref<128xi32, #tpu.memory_space<vmem>>
    %dma_wait3A_802 = arith.constant 0 : i32
    %dma_wait3A_803 = arith.constant 0 : i32
    %dma_wait3A_804 = tpu.memref_slice %arg4[%dma_wait3A_802, %dma_wait3A_803] : memref<131072x128xf32, #tpu.memory_space<hbm>> -> memref<131072x128xf32, #tpu.memory_space<hbm>>
    tpu.wait_indirect_dma semaphore(%arg14 : memref<!tpu.dma_semaphore, #tpu.memory_space<semaphore_mem>>) src(%dma_wait3A_804 : memref<131072x128xf32, #tpu.memory_space<hbm>>) dst(%dma_wait3A_798 : memref<128x128xf32, #tpu.memory_space<vmem>>)
    %lt3A_805 = arith.constant 11 : i32
    %lt3A_806 = arith.cmpi slt, %lt3A_805, %shift_right_arithmetic3A_232 : i32
    %convert_element_type3A_807 = arith.extui %lt3A_806 : i1 to i32
    %cond3A_808 = arith.constant 11 : i32
    %cond3A_809 = arith.constant 0 : i32
    %cond3A_810 = arith.cmpi ne, %convert_element_type3A_807, %cond3A_809 : i32
    scf.if %cond3A_810 {
      %min3A = arith.constant 31 : i32
      %min3A_1771 = arith.minsi %cond3A_808, %min3A : i32
      %dma_start3A = arith.constant 4 : i32
      %dma_start3A_1772 = arith.constant 0 : i32
      %dma_start3A_1773 = arith.constant 0 : i32
      %dma_start3A_1774 = tpu.memref_slice %arg9[%dma_start3A, %dma_start3A_1772, %dma_start3A_1773] : memref<7x128x128xf32, #tpu.memory_space<vmem>> -> memref<1x128x128xf32, #tpu.memory_space<vmem>>
      %dma_start3A_1775 = tpu.memref_squeeze %dma_start3A_1774 : memref<1x128x128xf32, #tpu.memory_space<vmem>> -> memref<128x128xf32, #tpu.memory_space<vmem>>
      %dma_start3A_1776 = arith.constant 0 : i32
      %dma_start3A_1777 = tpu.memref_slice %arg7[%min3A_1771, %dma_start3A_1776] : memref<32x128xi32, #tpu.memory_space<vmem>> -> memref<1x128xi32, #tpu.memory_space<vmem>>
      %dma_start3A_1778 = tpu.memref_squeeze %dma_start3A_1777 : memref<1x128xi32, #tpu.memory_space<vmem>> -> memref<128xi32, #tpu.memory_space<vmem>>
      %dma_start3A_1779 = arith.constant 0 : i32
      %dma_start3A_1780 = arith.constant 0 : i32
      %dma_start3A_1781 = tpu.memref_slice %arg5[%dma_start3A_1779, %dma_start3A_1780] : memref<131072x128xf32, #tpu.memory_space<hbm>> -> memref<131072x128xf32, #tpu.memory_space<hbm>>
      tpu.enqueue_indirect_dma source(%dma_start3A_1775 : memref<128x128xf32, #tpu.memory_space<vmem>>) target(%dma_start3A_1781 : memref<131072x128xf32, #tpu.memory_space<hbm>>) offsets(%dma_start3A_1778 : memref<128xi32, #tpu.memory_space<vmem>>) semaphore(%arg21 : memref<!tpu.dma_semaphore, #tpu.memory_space<semaphore_mem>>)
    } else {
    }
    %not3A_811 = arith.constant true
    %not3A_812 = arith.xori %lt3A_806, %not3A_811 : i1
    %convert_element_type3A_813 = arith.extui %not3A_812 : i1 to i32
    %cond3A_814 = arith.constant 11 : i32
    %cond3A_815 = arith.constant 0 : i32
    %cond3A_816 = arith.cmpi ne, %convert_element_type3A_813, %cond3A_815 : i32
    scf.if %cond3A_816 {
      %sub3A_1771 = arith.subi %cond3A_814, %shift_right_arithmetic3A_232 : i32
      %dma_start3A = arith.constant 4 : i32
      %dma_start3A_1772 = arith.constant 0 : i32
      %dma_start3A_1773 = arith.constant 0 : i32
      %dma_start3A_1774 = tpu.memref_slice %arg9[%dma_start3A, %dma_start3A_1772, %dma_start3A_1773] : memref<7x128x128xf32, #tpu.memory_space<vmem>> -> memref<1x128x128xf32, #tpu.memory_space<vmem>>
      %dma_start3A_1775 = tpu.memref_squeeze %dma_start3A_1774 : memref<1x128x128xf32, #tpu.memory_space<vmem>> -> memref<128x128xf32, #tpu.memory_space<vmem>>
      %dma_start3A_1776 = arith.constant 0 : i32
      %dma_start3A_1777 = tpu.memref_slice %arg8[%sub3A_1771, %dma_start3A_1776] : memref<32x128xi32, #tpu.memory_space<vmem>> -> memref<1x128xi32, #tpu.memory_space<vmem>>
      %dma_start3A_1778 = tpu.memref_squeeze %dma_start3A_1777 : memref<1x128xi32, #tpu.memory_space<vmem>> -> memref<128xi32, #tpu.memory_space<vmem>>
      %dma_start3A_1779 = arith.constant 0 : i32
      %dma_start3A_1780 = arith.constant 0 : i32
      %dma_start3A_1781 = tpu.memref_slice %arg5[%dma_start3A_1779, %dma_start3A_1780] : memref<131072x128xf32, #tpu.memory_space<hbm>> -> memref<131072x128xf32, #tpu.memory_space<hbm>>
      tpu.enqueue_indirect_dma source(%dma_start3A_1775 : memref<128x128xf32, #tpu.memory_space<vmem>>) target(%dma_start3A_1781 : memref<131072x128xf32, #tpu.memory_space<hbm>>) offsets(%dma_start3A_1778 : memref<128xi32, #tpu.memory_space<vmem>>) semaphore(%arg21 : memref<!tpu.dma_semaphore, #tpu.memory_space<semaphore_mem>>)
    } else {
    }
    %dma_wait3A_817 = arith.constant 0 : i32
    %dma_wait3A_818 = arith.constant 2 : i32
    %dma_wait3A_819 = arith.constant 0 : i32
    %dma_wait3A_820 = arith.constant 0 : i32
    %dma_wait3A_821 = tpu.memref_slice %arg9[%dma_wait3A_818, %dma_wait3A_819, %dma_wait3A_820] : memref<7x128x128xf32, #tpu.memory_space<vmem>> -> memref<1x128x128xf32, #tpu.memory_space<vmem>>
    %dma_wait3A_822 = tpu.memref_squeeze %dma_wait3A_821 : memref<1x128x128xf32, #tpu.memory_space<vmem>> -> memref<128x128xf32, #tpu.memory_space<vmem>>
    %dma_wait3A_823 = arith.constant 0 : i32
    %dma_wait3A_824 = tpu.memref_slice %arg7[%dma_wait3A_817, %dma_wait3A_823] : memref<32x128xi32, #tpu.memory_space<vmem>> -> memref<1x128xi32, #tpu.memory_space<vmem>>
    %dma_wait3A_825 = tpu.memref_squeeze %dma_wait3A_824 : memref<1x128xi32, #tpu.memory_space<vmem>> -> memref<128xi32, #tpu.memory_space<vmem>>
    %dma_wait3A_826 = arith.constant 0 : i32
    %dma_wait3A_827 = arith.constant 0 : i32
    %dma_wait3A_828 = tpu.memref_slice %arg4[%dma_wait3A_826, %dma_wait3A_827] : memref<131072x128xf32, #tpu.memory_space<hbm>> -> memref<131072x128xf32, #tpu.memory_space<hbm>>
    tpu.wait_indirect_dma semaphore(%arg19 : memref<!tpu.dma_semaphore, #tpu.memory_space<semaphore_mem>>) src(%dma_wait3A_828 : memref<131072x128xf32, #tpu.memory_space<hbm>>) dst(%dma_wait3A_822 : memref<128x128xf32, #tpu.memory_space<vmem>>)
    %lt3A_829 = arith.constant 16 : i32
    %lt3A_830 = arith.cmpi slt, %lt3A_829, %shift_right_arithmetic3A_232 : i32
    %convert_element_type3A_831 = arith.extui %lt3A_830 : i1 to i32
    %cond3A_832 = arith.constant 16 : i32
    %cond3A_833 = arith.constant 0 : i32
    %cond3A_834 = arith.cmpi ne, %convert_element_type3A_831, %cond3A_833 : i32
    scf.if %cond3A_834 {
      %min3A = arith.constant 31 : i32
      %min3A_1771 = arith.minsi %cond3A_832, %min3A : i32
      %dma_start3A = arith.constant 2 : i32
      %dma_start3A_1772 = arith.constant 0 : i32
      %dma_start3A_1773 = arith.constant 0 : i32
      %dma_start3A_1774 = tpu.memref_slice %arg9[%dma_start3A, %dma_start3A_1772, %dma_start3A_1773] : memref<7x128x128xf32, #tpu.memory_space<vmem>> -> memref<1x128x128xf32, #tpu.memory_space<vmem>>
      %dma_start3A_1775 = tpu.memref_squeeze %dma_start3A_1774 : memref<1x128x128xf32, #tpu.memory_space<vmem>> -> memref<128x128xf32, #tpu.memory_space<vmem>>
      %dma_start3A_1776 = arith.constant 0 : i32
      %dma_start3A_1777 = tpu.memref_slice %arg7[%min3A_1771, %dma_start3A_1776] : memref<32x128xi32, #tpu.memory_space<vmem>> -> memref<1x128xi32, #tpu.memory_space<vmem>>
      %dma_start3A_1778 = tpu.memref_squeeze %dma_start3A_1777 : memref<1x128xi32, #tpu.memory_space<vmem>> -> memref<128xi32, #tpu.memory_space<vmem>>
      %dma_start3A_1779 = arith.constant 0 : i32
      %dma_start3A_1780 = arith.constant 0 : i32
      %dma_start3A_1781 = tpu.memref_slice %arg4[%dma_start3A_1779, %dma_start3A_1780] : memref<131072x128xf32, #tpu.memory_space<hbm>> -> memref<131072x128xf32, #tpu.memory_space<hbm>>
      tpu.enqueue_indirect_dma source(%dma_start3A_1781 : memref<131072x128xf32, #tpu.memory_space<hbm>>) target(%dma_start3A_1775 : memref<128x128xf32, #tpu.memory_space<vmem>>) offsets(%dma_start3A_1778 : memref<128xi32, #tpu.memory_space<vmem>>) semaphore(%arg12 : memref<!tpu.dma_semaphore, #tpu.memory_space<semaphore_mem>>)
    } else {
    }
    %not3A_835 = arith.constant true
    %not3A_836 = arith.xori %lt3A_830, %not3A_835 : i1
    %convert_element_type3A_837 = arith.extui %not3A_836 : i1 to i32
    %cond3A_838 = arith.constant 16 : i32
    %cond3A_839 = arith.constant 0 : i32
    %cond3A_840 = arith.cmpi ne, %convert_element_type3A_837, %cond3A_839 : i32
    scf.if %cond3A_840 {
      %sub3A_1771 = arith.subi %cond3A_838, %shift_right_arithmetic3A_232 : i32
      %dma_start3A = arith.constant 2 : i32
      %dma_start3A_1772 = arith.constant 0 : i32
      %dma_start3A_1773 = arith.constant 0 : i32
      %dma_start3A_1774 = tpu.memref_slice %arg9[%dma_start3A, %dma_start3A_1772, %dma_start3A_1773] : memref<7x128x128xf32, #tpu.memory_space<vmem>> -> memref<1x128x128xf32, #tpu.memory_space<vmem>>
      %dma_start3A_1775 = tpu.memref_squeeze %dma_start3A_1774 : memref<1x128x128xf32, #tpu.memory_space<vmem>> -> memref<128x128xf32, #tpu.memory_space<vmem>>
      %dma_start3A_1776 = arith.constant 0 : i32
      %dma_start3A_1777 = tpu.memref_slice %arg8[%sub3A_1771, %dma_start3A_1776] : memref<32x128xi32, #tpu.memory_space<vmem>> -> memref<1x128xi32, #tpu.memory_space<vmem>>
      %dma_start3A_1778 = tpu.memref_squeeze %dma_start3A_1777 : memref<1x128xi32, #tpu.memory_space<vmem>> -> memref<128xi32, #tpu.memory_space<vmem>>
      %dma_start3A_1779 = arith.constant 0 : i32
      %dma_start3A_1780 = arith.constant 0 : i32
      %dma_start3A_1781 = tpu.memref_slice %arg2[%dma_start3A_1779, %dma_start3A_1780] : memref<131072x128xf32, #tpu.memory_space<hbm>> -> memref<131072x128xf32, #tpu.memory_space<hbm>>
      tpu.enqueue_indirect_dma source(%dma_start3A_1781 : memref<131072x128xf32, #tpu.memory_space<hbm>>) target(%dma_start3A_1775 : memref<128x128xf32, #tpu.memory_space<vmem>>) offsets(%dma_start3A_1778 : memref<128xi32, #tpu.memory_space<vmem>>) semaphore(%arg12 : memref<!tpu.dma_semaphore, #tpu.memory_space<semaphore_mem>>)
    } else {
    }
    %dma_wait3A_841 = arith.constant 0 : i32
    %dma_wait3A_842 = arith.constant 5 : i32
    %dma_wait3A_843 = arith.constant 0 : i32
    %dma_wait3A_844 = arith.constant 0 : i32
    %dma_wait3A_845 = tpu.memref_slice %arg9[%dma_wait3A_842, %dma_wait3A_843, %dma_wait3A_844] : memref<7x128x128xf32, #tpu.memory_space<vmem>> -> memref<1x128x128xf32, #tpu.memory_space<vmem>>
    %dma_wait3A_846 = tpu.memref_squeeze %dma_wait3A_845 : memref<1x128x128xf32, #tpu.memory_space<vmem>> -> memref<128x128xf32, #tpu.memory_space<vmem>>
    %dma_wait3A_847 = arith.constant 0 : i32
    %dma_wait3A_848 = tpu.memref_slice %arg7[%dma_wait3A_841, %dma_wait3A_847] : memref<32x128xi32, #tpu.memory_space<vmem>> -> memref<1x128xi32, #tpu.memory_space<vmem>>
    %dma_wait3A_849 = tpu.memref_squeeze %dma_wait3A_848 : memref<1x128xi32, #tpu.memory_space<vmem>> -> memref<128xi32, #tpu.memory_space<vmem>>
    %dma_wait3A_850 = arith.constant 0 : i32
    %dma_wait3A_851 = arith.constant 0 : i32
    %dma_wait3A_852 = tpu.memref_slice %arg4[%dma_wait3A_850, %dma_wait3A_851] : memref<131072x128xf32, #tpu.memory_space<hbm>> -> memref<131072x128xf32, #tpu.memory_space<hbm>>
    tpu.wait_indirect_dma semaphore(%arg15 : memref<!tpu.dma_semaphore, #tpu.memory_space<semaphore_mem>>) src(%dma_wait3A_852 : memref<131072x128xf32, #tpu.memory_space<hbm>>) dst(%dma_wait3A_846 : memref<128x128xf32, #tpu.memory_space<vmem>>)
    %lt3A_853 = arith.constant 12 : i32
    %lt3A_854 = arith.cmpi slt, %lt3A_853, %shift_right_arithmetic3A_232 : i32
    %convert_element_type3A_855 = arith.extui %lt3A_854 : i1 to i32
    %cond3A_856 = arith.constant 12 : i32
    %cond3A_857 = arith.constant 0 : i32
    %cond3A_858 = arith.cmpi ne, %convert_element_type3A_855, %cond3A_857 : i32
    scf.if %cond3A_858 {
      %min3A = arith.constant 31 : i32
      %min3A_1771 = arith.minsi %cond3A_856, %min3A : i32
      %dma_start3A = arith.constant 5 : i32
      %dma_start3A_1772 = arith.constant 0 : i32
      %dma_start3A_1773 = arith.constant 0 : i32
      %dma_start3A_1774 = tpu.memref_slice %arg9[%dma_start3A, %dma_start3A_1772, %dma_start3A_1773] : memref<7x128x128xf32, #tpu.memory_space<vmem>> -> memref<1x128x128xf32, #tpu.memory_space<vmem>>
      %dma_start3A_1775 = tpu.memref_squeeze %dma_start3A_1774 : memref<1x128x128xf32, #tpu.memory_space<vmem>> -> memref<128x128xf32, #tpu.memory_space<vmem>>
      %dma_start3A_1776 = arith.constant 0 : i32
      %dma_start3A_1777 = tpu.memref_slice %arg7[%min3A_1771, %dma_start3A_1776] : memref<32x128xi32, #tpu.memory_space<vmem>> -> memref<1x128xi32, #tpu.memory_space<vmem>>
      %dma_start3A_1778 = tpu.memref_squeeze %dma_start3A_1777 : memref<1x128xi32, #tpu.memory_space<vmem>> -> memref<128xi32, #tpu.memory_space<vmem>>
      %dma_start3A_1779 = arith.constant 0 : i32
      %dma_start3A_1780 = arith.constant 0 : i32
      %dma_start3A_1781 = tpu.memref_slice %arg5[%dma_start3A_1779, %dma_start3A_1780] : memref<131072x128xf32, #tpu.memory_space<hbm>> -> memref<131072x128xf32, #tpu.memory_space<hbm>>
      tpu.enqueue_indirect_dma source(%dma_start3A_1775 : memref<128x128xf32, #tpu.memory_space<vmem>>) target(%dma_start3A_1781 : memref<131072x128xf32, #tpu.memory_space<hbm>>) offsets(%dma_start3A_1778 : memref<128xi32, #tpu.memory_space<vmem>>) semaphore(%arg22 : memref<!tpu.dma_semaphore, #tpu.memory_space<semaphore_mem>>)
    } else {
    }
    %not3A_859 = arith.constant true
    %not3A_860 = arith.xori %lt3A_854, %not3A_859 : i1
    %convert_element_type3A_861 = arith.extui %not3A_860 : i1 to i32
    %cond3A_862 = arith.constant 12 : i32
    %cond3A_863 = arith.constant 0 : i32
    %cond3A_864 = arith.cmpi ne, %convert_element_type3A_861, %cond3A_863 : i32
    scf.if %cond3A_864 {
      %sub3A_1771 = arith.subi %cond3A_862, %shift_right_arithmetic3A_232 : i32
      %dma_start3A = arith.constant 5 : i32
      %dma_start3A_1772 = arith.constant 0 : i32
      %dma_start3A_1773 = arith.constant 0 : i32
      %dma_start3A_1774 = tpu.memref_slice %arg9[%dma_start3A, %dma_start3A_1772, %dma_start3A_1773] : memref<7x128x128xf32, #tpu.memory_space<vmem>> -> memref<1x128x128xf32, #tpu.memory_space<vmem>>
      %dma_start3A_1775 = tpu.memref_squeeze %dma_start3A_1774 : memref<1x128x128xf32, #tpu.memory_space<vmem>> -> memref<128x128xf32, #tpu.memory_space<vmem>>
      %dma_start3A_1776 = arith.constant 0 : i32
      %dma_start3A_1777 = tpu.memref_slice %arg8[%sub3A_1771, %dma_start3A_1776] : memref<32x128xi32, #tpu.memory_space<vmem>> -> memref<1x128xi32, #tpu.memory_space<vmem>>
      %dma_start3A_1778 = tpu.memref_squeeze %dma_start3A_1777 : memref<1x128xi32, #tpu.memory_space<vmem>> -> memref<128xi32, #tpu.memory_space<vmem>>
      %dma_start3A_1779 = arith.constant 0 : i32
      %dma_start3A_1780 = arith.constant 0 : i32
      %dma_start3A_1781 = tpu.memref_slice %arg5[%dma_start3A_1779, %dma_start3A_1780] : memref<131072x128xf32, #tpu.memory_space<hbm>> -> memref<131072x128xf32, #tpu.memory_space<hbm>>
      tpu.enqueue_indirect_dma source(%dma_start3A_1775 : memref<128x128xf32, #tpu.memory_space<vmem>>) target(%dma_start3A_1781 : memref<131072x128xf32, #tpu.memory_space<hbm>>) offsets(%dma_start3A_1778 : memref<128xi32, #tpu.memory_space<vmem>>) semaphore(%arg22 : memref<!tpu.dma_semaphore, #tpu.memory_space<semaphore_mem>>)
    } else {
    }
    %dma_wait3A_865 = arith.constant 0 : i32
    %dma_wait3A_866 = arith.constant 3 : i32
    %dma_wait3A_867 = arith.constant 0 : i32
    %dma_wait3A_868 = arith.constant 0 : i32
    %dma_wait3A_869 = tpu.memref_slice %arg9[%dma_wait3A_866, %dma_wait3A_867, %dma_wait3A_868] : memref<7x128x128xf32, #tpu.memory_space<vmem>> -> memref<1x128x128xf32, #tpu.memory_space<vmem>>
    %dma_wait3A_870 = tpu.memref_squeeze %dma_wait3A_869 : memref<1x128x128xf32, #tpu.memory_space<vmem>> -> memref<128x128xf32, #tpu.memory_space<vmem>>
    %dma_wait3A_871 = arith.constant 0 : i32
    %dma_wait3A_872 = tpu.memref_slice %arg7[%dma_wait3A_865, %dma_wait3A_871] : memref<32x128xi32, #tpu.memory_space<vmem>> -> memref<1x128xi32, #tpu.memory_space<vmem>>
    %dma_wait3A_873 = tpu.memref_squeeze %dma_wait3A_872 : memref<1x128xi32, #tpu.memory_space<vmem>> -> memref<128xi32, #tpu.memory_space<vmem>>
    %dma_wait3A_874 = arith.constant 0 : i32
    %dma_wait3A_875 = arith.constant 0 : i32
    %dma_wait3A_876 = tpu.memref_slice %arg4[%dma_wait3A_874, %dma_wait3A_875] : memref<131072x128xf32, #tpu.memory_space<hbm>> -> memref<131072x128xf32, #tpu.memory_space<hbm>>
    tpu.wait_indirect_dma semaphore(%arg20 : memref<!tpu.dma_semaphore, #tpu.memory_space<semaphore_mem>>) src(%dma_wait3A_876 : memref<131072x128xf32, #tpu.memory_space<hbm>>) dst(%dma_wait3A_870 : memref<128x128xf32, #tpu.memory_space<vmem>>)
    %lt3A_877 = arith.constant 17 : i32
    %lt3A_878 = arith.cmpi slt, %lt3A_877, %shift_right_arithmetic3A_232 : i32
    %convert_element_type3A_879 = arith.extui %lt3A_878 : i1 to i32
    %cond3A_880 = arith.constant 17 : i32
    %cond3A_881 = arith.constant 0 : i32
    %cond3A_882 = arith.cmpi ne, %convert_element_type3A_879, %cond3A_881 : i32
    scf.if %cond3A_882 {
      %min3A = arith.constant 31 : i32
      %min3A_1771 = arith.minsi %cond3A_880, %min3A : i32
      %dma_start3A = arith.constant 3 : i32
      %dma_start3A_1772 = arith.constant 0 : i32
      %dma_start3A_1773 = arith.constant 0 : i32
      %dma_start3A_1774 = tpu.memref_slice %arg9[%dma_start3A, %dma_start3A_1772, %dma_start3A_1773] : memref<7x128x128xf32, #tpu.memory_space<vmem>> -> memref<1x128x128xf32, #tpu.memory_space<vmem>>
      %dma_start3A_1775 = tpu.memref_squeeze %dma_start3A_1774 : memref<1x128x128xf32, #tpu.memory_space<vmem>> -> memref<128x128xf32, #tpu.memory_space<vmem>>
      %dma_start3A_1776 = arith.constant 0 : i32
      %dma_start3A_1777 = tpu.memref_slice %arg7[%min3A_1771, %dma_start3A_1776] : memref<32x128xi32, #tpu.memory_space<vmem>> -> memref<1x128xi32, #tpu.memory_space<vmem>>
      %dma_start3A_1778 = tpu.memref_squeeze %dma_start3A_1777 : memref<1x128xi32, #tpu.memory_space<vmem>> -> memref<128xi32, #tpu.memory_space<vmem>>
      %dma_start3A_1779 = arith.constant 0 : i32
      %dma_start3A_1780 = arith.constant 0 : i32
      %dma_start3A_1781 = tpu.memref_slice %arg4[%dma_start3A_1779, %dma_start3A_1780] : memref<131072x128xf32, #tpu.memory_space<hbm>> -> memref<131072x128xf32, #tpu.memory_space<hbm>>
      tpu.enqueue_indirect_dma source(%dma_start3A_1781 : memref<131072x128xf32, #tpu.memory_space<hbm>>) target(%dma_start3A_1775 : memref<128x128xf32, #tpu.memory_space<vmem>>) offsets(%dma_start3A_1778 : memref<128xi32, #tpu.memory_space<vmem>>) semaphore(%arg13 : memref<!tpu.dma_semaphore, #tpu.memory_space<semaphore_mem>>)
    } else {
    }
    %not3A_883 = arith.constant true
    %not3A_884 = arith.xori %lt3A_878, %not3A_883 : i1
    %convert_element_type3A_885 = arith.extui %not3A_884 : i1 to i32
    %cond3A_886 = arith.constant 17 : i32
    %cond3A_887 = arith.constant 0 : i32
    %cond3A_888 = arith.cmpi ne, %convert_element_type3A_885, %cond3A_887 : i32
    scf.if %cond3A_888 {
      %sub3A_1771 = arith.subi %cond3A_886, %shift_right_arithmetic3A_232 : i32
      %dma_start3A = arith.constant 3 : i32
      %dma_start3A_1772 = arith.constant 0 : i32
      %dma_start3A_1773 = arith.constant 0 : i32
      %dma_start3A_1774 = tpu.memref_slice %arg9[%dma_start3A, %dma_start3A_1772, %dma_start3A_1773] : memref<7x128x128xf32, #tpu.memory_space<vmem>> -> memref<1x128x128xf32, #tpu.memory_space<vmem>>
      %dma_start3A_1775 = tpu.memref_squeeze %dma_start3A_1774 : memref<1x128x128xf32, #tpu.memory_space<vmem>> -> memref<128x128xf32, #tpu.memory_space<vmem>>
      %dma_start3A_1776 = arith.constant 0 : i32
      %dma_start3A_1777 = tpu.memref_slice %arg8[%sub3A_1771, %dma_start3A_1776] : memref<32x128xi32, #tpu.memory_space<vmem>> -> memref<1x128xi32, #tpu.memory_space<vmem>>
      %dma_start3A_1778 = tpu.memref_squeeze %dma_start3A_1777 : memref<1x128xi32, #tpu.memory_space<vmem>> -> memref<128xi32, #tpu.memory_space<vmem>>
      %dma_start3A_1779 = arith.constant 0 : i32
      %dma_start3A_1780 = arith.constant 0 : i32
      %dma_start3A_1781 = tpu.memref_slice %arg2[%dma_start3A_1779, %dma_start3A_1780] : memref<131072x128xf32, #tpu.memory_space<hbm>> -> memref<131072x128xf32, #tpu.memory_space<hbm>>
      tpu.enqueue_indirect_dma source(%dma_start3A_1781 : memref<131072x128xf32, #tpu.memory_space<hbm>>) target(%dma_start3A_1775 : memref<128x128xf32, #tpu.memory_space<vmem>>) offsets(%dma_start3A_1778 : memref<128xi32, #tpu.memory_space<vmem>>) semaphore(%arg13 : memref<!tpu.dma_semaphore, #tpu.memory_space<semaphore_mem>>)
    } else {
    }
    %dma_wait3A_889 = arith.constant 0 : i32
    %dma_wait3A_890 = arith.constant 6 : i32
    %dma_wait3A_891 = arith.constant 0 : i32
    %dma_wait3A_892 = arith.constant 0 : i32
    %dma_wait3A_893 = tpu.memref_slice %arg9[%dma_wait3A_890, %dma_wait3A_891, %dma_wait3A_892] : memref<7x128x128xf32, #tpu.memory_space<vmem>> -> memref<1x128x128xf32, #tpu.memory_space<vmem>>
    %dma_wait3A_894 = tpu.memref_squeeze %dma_wait3A_893 : memref<1x128x128xf32, #tpu.memory_space<vmem>> -> memref<128x128xf32, #tpu.memory_space<vmem>>
    %dma_wait3A_895 = arith.constant 0 : i32
    %dma_wait3A_896 = tpu.memref_slice %arg7[%dma_wait3A_889, %dma_wait3A_895] : memref<32x128xi32, #tpu.memory_space<vmem>> -> memref<1x128xi32, #tpu.memory_space<vmem>>
    %dma_wait3A_897 = tpu.memref_squeeze %dma_wait3A_896 : memref<1x128xi32, #tpu.memory_space<vmem>> -> memref<128xi32, #tpu.memory_space<vmem>>
    %dma_wait3A_898 = arith.constant 0 : i32
    %dma_wait3A_899 = arith.constant 0 : i32
    %dma_wait3A_900 = tpu.memref_slice %arg4[%dma_wait3A_898, %dma_wait3A_899] : memref<131072x128xf32, #tpu.memory_space<hbm>> -> memref<131072x128xf32, #tpu.memory_space<hbm>>
    tpu.wait_indirect_dma semaphore(%arg16 : memref<!tpu.dma_semaphore, #tpu.memory_space<semaphore_mem>>) src(%dma_wait3A_900 : memref<131072x128xf32, #tpu.memory_space<hbm>>) dst(%dma_wait3A_894 : memref<128x128xf32, #tpu.memory_space<vmem>>)
    %lt3A_901 = arith.constant 13 : i32
    %lt3A_902 = arith.cmpi slt, %lt3A_901, %shift_right_arithmetic3A_232 : i32
    %convert_element_type3A_903 = arith.extui %lt3A_902 : i1 to i32
    %cond3A_904 = arith.constant 13 : i32
    %cond3A_905 = arith.constant 0 : i32
    %cond3A_906 = arith.cmpi ne, %convert_element_type3A_903, %cond3A_905 : i32
    scf.if %cond3A_906 {
      %min3A = arith.constant 31 : i32
      %min3A_1771 = arith.minsi %cond3A_904, %min3A : i32
      %dma_start3A = arith.constant 6 : i32
      %dma_start3A_1772 = arith.constant 0 : i32
      %dma_start3A_1773 = arith.constant 0 : i32
      %dma_start3A_1774 = tpu.memref_slice %arg9[%dma_start3A, %dma_start3A_1772, %dma_start3A_1773] : memref<7x128x128xf32, #tpu.memory_space<vmem>> -> memref<1x128x128xf32, #tpu.memory_space<vmem>>
      %dma_start3A_1775 = tpu.memref_squeeze %dma_start3A_1774 : memref<1x128x128xf32, #tpu.memory_space<vmem>> -> memref<128x128xf32, #tpu.memory_space<vmem>>
      %dma_start3A_1776 = arith.constant 0 : i32
      %dma_start3A_1777 = tpu.memref_slice %arg7[%min3A_1771, %dma_start3A_1776] : memref<32x128xi32, #tpu.memory_space<vmem>> -> memref<1x128xi32, #tpu.memory_space<vmem>>
      %dma_start3A_1778 = tpu.memref_squeeze %dma_start3A_1777 : memref<1x128xi32, #tpu.memory_space<vmem>> -> memref<128xi32, #tpu.memory_space<vmem>>
      %dma_start3A_1779 = arith.constant 0 : i32
      %dma_start3A_1780 = arith.constant 0 : i32
      %dma_start3A_1781 = tpu.memref_slice %arg5[%dma_start3A_1779, %dma_start3A_1780] : memref<131072x128xf32, #tpu.memory_space<hbm>> -> memref<131072x128xf32, #tpu.memory_space<hbm>>
      tpu.enqueue_indirect_dma source(%dma_start3A_1775 : memref<128x128xf32, #tpu.memory_space<vmem>>) target(%dma_start3A_1781 : memref<131072x128xf32, #tpu.memory_space<hbm>>) offsets(%dma_start3A_1778 : memref<128xi32, #tpu.memory_space<vmem>>) semaphore(%arg23 : memref<!tpu.dma_semaphore, #tpu.memory_space<semaphore_mem>>)
    } else {
    }
    %not3A_907 = arith.constant true
    %not3A_908 = arith.xori %lt3A_902, %not3A_907 : i1
    %convert_element_type3A_909 = arith.extui %not3A_908 : i1 to i32
    %cond3A_910 = arith.constant 13 : i32
    %cond3A_911 = arith.constant 0 : i32
    %cond3A_912 = arith.cmpi ne, %convert_element_type3A_909, %cond3A_911 : i32
    scf.if %cond3A_912 {
      %sub3A_1771 = arith.subi %cond3A_910, %shift_right_arithmetic3A_232 : i32
      %dma_start3A = arith.constant 6 : i32
      %dma_start3A_1772 = arith.constant 0 : i32
      %dma_start3A_1773 = arith.constant 0 : i32
      %dma_start3A_1774 = tpu.memref_slice %arg9[%dma_start3A, %dma_start3A_1772, %dma_start3A_1773] : memref<7x128x128xf32, #tpu.memory_space<vmem>> -> memref<1x128x128xf32, #tpu.memory_space<vmem>>
      %dma_start3A_1775 = tpu.memref_squeeze %dma_start3A_1774 : memref<1x128x128xf32, #tpu.memory_space<vmem>> -> memref<128x128xf32, #tpu.memory_space<vmem>>
      %dma_start3A_1776 = arith.constant 0 : i32
      %dma_start3A_1777 = tpu.memref_slice %arg8[%sub3A_1771, %dma_start3A_1776] : memref<32x128xi32, #tpu.memory_space<vmem>> -> memref<1x128xi32, #tpu.memory_space<vmem>>
      %dma_start3A_1778 = tpu.memref_squeeze %dma_start3A_1777 : memref<1x128xi32, #tpu.memory_space<vmem>> -> memref<128xi32, #tpu.memory_space<vmem>>
      %dma_start3A_1779 = arith.constant 0 : i32
      %dma_start3A_1780 = arith.constant 0 : i32
      %dma_start3A_1781 = tpu.memref_slice %arg5[%dma_start3A_1779, %dma_start3A_1780] : memref<131072x128xf32, #tpu.memory_space<hbm>> -> memref<131072x128xf32, #tpu.memory_space<hbm>>
      tpu.enqueue_indirect_dma source(%dma_start3A_1775 : memref<128x128xf32, #tpu.memory_space<vmem>>) target(%dma_start3A_1781 : memref<131072x128xf32, #tpu.memory_space<hbm>>) offsets(%dma_start3A_1778 : memref<128xi32, #tpu.memory_space<vmem>>) semaphore(%arg23 : memref<!tpu.dma_semaphore, #tpu.memory_space<semaphore_mem>>)
    } else {
    }
    %dma_wait3A_913 = arith.constant 0 : i32
    %dma_wait3A_914 = arith.constant 4 : i32
    %dma_wait3A_915 = arith.constant 0 : i32
    %dma_wait3A_916 = arith.constant 0 : i32
    %dma_wait3A_917 = tpu.memref_slice %arg9[%dma_wait3A_914, %dma_wait3A_915, %dma_wait3A_916] : memref<7x128x128xf32, #tpu.memory_space<vmem>> -> memref<1x128x128xf32, #tpu.memory_space<vmem>>
    %dma_wait3A_918 = tpu.memref_squeeze %dma_wait3A_917 : memref<1x128x128xf32, #tpu.memory_space<vmem>> -> memref<128x128xf32, #tpu.memory_space<vmem>>
    %dma_wait3A_919 = arith.constant 0 : i32
    %dma_wait3A_920 = tpu.memref_slice %arg7[%dma_wait3A_913, %dma_wait3A_919] : memref<32x128xi32, #tpu.memory_space<vmem>> -> memref<1x128xi32, #tpu.memory_space<vmem>>
    %dma_wait3A_921 = tpu.memref_squeeze %dma_wait3A_920 : memref<1x128xi32, #tpu.memory_space<vmem>> -> memref<128xi32, #tpu.memory_space<vmem>>
    %dma_wait3A_922 = arith.constant 0 : i32
    %dma_wait3A_923 = arith.constant 0 : i32
    %dma_wait3A_924 = tpu.memref_slice %arg4[%dma_wait3A_922, %dma_wait3A_923] : memref<131072x128xf32, #tpu.memory_space<hbm>> -> memref<131072x128xf32, #tpu.memory_space<hbm>>
    tpu.wait_indirect_dma semaphore(%arg21 : memref<!tpu.dma_semaphore, #tpu.memory_space<semaphore_mem>>) src(%dma_wait3A_924 : memref<131072x128xf32, #tpu.memory_space<hbm>>) dst(%dma_wait3A_918 : memref<128x128xf32, #tpu.memory_space<vmem>>)
    %lt3A_925 = arith.constant 18 : i32
    %lt3A_926 = arith.cmpi slt, %lt3A_925, %shift_right_arithmetic3A_232 : i32
    %convert_element_type3A_927 = arith.extui %lt3A_926 : i1 to i32
    %cond3A_928 = arith.constant 18 : i32
    %cond3A_929 = arith.constant 0 : i32
    %cond3A_930 = arith.cmpi ne, %convert_element_type3A_927, %cond3A_929 : i32
    scf.if %cond3A_930 {
      %min3A = arith.constant 31 : i32
      %min3A_1771 = arith.minsi %cond3A_928, %min3A : i32
      %dma_start3A = arith.constant 4 : i32
      %dma_start3A_1772 = arith.constant 0 : i32
      %dma_start3A_1773 = arith.constant 0 : i32
      %dma_start3A_1774 = tpu.memref_slice %arg9[%dma_start3A, %dma_start3A_1772, %dma_start3A_1773] : memref<7x128x128xf32, #tpu.memory_space<vmem>> -> memref<1x128x128xf32, #tpu.memory_space<vmem>>
      %dma_start3A_1775 = tpu.memref_squeeze %dma_start3A_1774 : memref<1x128x128xf32, #tpu.memory_space<vmem>> -> memref<128x128xf32, #tpu.memory_space<vmem>>
      %dma_start3A_1776 = arith.constant 0 : i32
      %dma_start3A_1777 = tpu.memref_slice %arg7[%min3A_1771, %dma_start3A_1776] : memref<32x128xi32, #tpu.memory_space<vmem>> -> memref<1x128xi32, #tpu.memory_space<vmem>>
      %dma_start3A_1778 = tpu.memref_squeeze %dma_start3A_1777 : memref<1x128xi32, #tpu.memory_space<vmem>> -> memref<128xi32, #tpu.memory_space<vmem>>
      %dma_start3A_1779 = arith.constant 0 : i32
      %dma_start3A_1780 = arith.constant 0 : i32
      %dma_start3A_1781 = tpu.memref_slice %arg4[%dma_start3A_1779, %dma_start3A_1780] : memref<131072x128xf32, #tpu.memory_space<hbm>> -> memref<131072x128xf32, #tpu.memory_space<hbm>>
      tpu.enqueue_indirect_dma source(%dma_start3A_1781 : memref<131072x128xf32, #tpu.memory_space<hbm>>) target(%dma_start3A_1775 : memref<128x128xf32, #tpu.memory_space<vmem>>) offsets(%dma_start3A_1778 : memref<128xi32, #tpu.memory_space<vmem>>) semaphore(%arg14 : memref<!tpu.dma_semaphore, #tpu.memory_space<semaphore_mem>>)
    } else {
    }
    %not3A_931 = arith.constant true
    %not3A_932 = arith.xori %lt3A_926, %not3A_931 : i1
    %convert_element_type3A_933 = arith.extui %not3A_932 : i1 to i32
    %cond3A_934 = arith.constant 18 : i32
    %cond3A_935 = arith.constant 0 : i32
    %cond3A_936 = arith.cmpi ne, %convert_element_type3A_933, %cond3A_935 : i32
    scf.if %cond3A_936 {
      %sub3A_1771 = arith.subi %cond3A_934, %shift_right_arithmetic3A_232 : i32
      %dma_start3A = arith.constant 4 : i32
      %dma_start3A_1772 = arith.constant 0 : i32
      %dma_start3A_1773 = arith.constant 0 : i32
      %dma_start3A_1774 = tpu.memref_slice %arg9[%dma_start3A, %dma_start3A_1772, %dma_start3A_1773] : memref<7x128x128xf32, #tpu.memory_space<vmem>> -> memref<1x128x128xf32, #tpu.memory_space<vmem>>
      %dma_start3A_1775 = tpu.memref_squeeze %dma_start3A_1774 : memref<1x128x128xf32, #tpu.memory_space<vmem>> -> memref<128x128xf32, #tpu.memory_space<vmem>>
      %dma_start3A_1776 = arith.constant 0 : i32
      %dma_start3A_1777 = tpu.memref_slice %arg8[%sub3A_1771, %dma_start3A_1776] : memref<32x128xi32, #tpu.memory_space<vmem>> -> memref<1x128xi32, #tpu.memory_space<vmem>>
      %dma_start3A_1778 = tpu.memref_squeeze %dma_start3A_1777 : memref<1x128xi32, #tpu.memory_space<vmem>> -> memref<128xi32, #tpu.memory_space<vmem>>
      %dma_start3A_1779 = arith.constant 0 : i32
      %dma_start3A_1780 = arith.constant 0 : i32
      %dma_start3A_1781 = tpu.memref_slice %arg2[%dma_start3A_1779, %dma_start3A_1780] : memref<131072x128xf32, #tpu.memory_space<hbm>> -> memref<131072x128xf32, #tpu.memory_space<hbm>>
      tpu.enqueue_indirect_dma source(%dma_start3A_1781 : memref<131072x128xf32, #tpu.memory_space<hbm>>) target(%dma_start3A_1775 : memref<128x128xf32, #tpu.memory_space<vmem>>) offsets(%dma_start3A_1778 : memref<128xi32, #tpu.memory_space<vmem>>) semaphore(%arg14 : memref<!tpu.dma_semaphore, #tpu.memory_space<semaphore_mem>>)
    } else {
    }
    %dma_wait3A_937 = arith.constant 0 : i32
    %dma_wait3A_938 = arith.constant 0 : i32
    %dma_wait3A_939 = arith.constant 0 : i32
    %dma_wait3A_940 = arith.constant 0 : i32
    %dma_wait3A_941 = tpu.memref_slice %arg9[%dma_wait3A_938, %dma_wait3A_939, %dma_wait3A_940] : memref<7x128x128xf32, #tpu.memory_space<vmem>> -> memref<1x128x128xf32, #tpu.memory_space<vmem>>
    %dma_wait3A_942 = tpu.memref_squeeze %dma_wait3A_941 : memref<1x128x128xf32, #tpu.memory_space<vmem>> -> memref<128x128xf32, #tpu.memory_space<vmem>>
    %dma_wait3A_943 = arith.constant 0 : i32
    %dma_wait3A_944 = tpu.memref_slice %arg7[%dma_wait3A_937, %dma_wait3A_943] : memref<32x128xi32, #tpu.memory_space<vmem>> -> memref<1x128xi32, #tpu.memory_space<vmem>>
    %dma_wait3A_945 = tpu.memref_squeeze %dma_wait3A_944 : memref<1x128xi32, #tpu.memory_space<vmem>> -> memref<128xi32, #tpu.memory_space<vmem>>
    %dma_wait3A_946 = arith.constant 0 : i32
    %dma_wait3A_947 = arith.constant 0 : i32
    %dma_wait3A_948 = tpu.memref_slice %arg4[%dma_wait3A_946, %dma_wait3A_947] : memref<131072x128xf32, #tpu.memory_space<hbm>> -> memref<131072x128xf32, #tpu.memory_space<hbm>>
    tpu.wait_indirect_dma semaphore(%arg10 : memref<!tpu.dma_semaphore, #tpu.memory_space<semaphore_mem>>) src(%dma_wait3A_948 : memref<131072x128xf32, #tpu.memory_space<hbm>>) dst(%dma_wait3A_942 : memref<128x128xf32, #tpu.memory_space<vmem>>)
    %lt3A_949 = arith.constant 14 : i32
    %lt3A_950 = arith.cmpi slt, %lt3A_949, %shift_right_arithmetic3A_232 : i32
    %convert_element_type3A_951 = arith.extui %lt3A_950 : i1 to i32
    %cond3A_952 = arith.constant 14 : i32
    %cond3A_953 = arith.constant 0 : i32
    %cond3A_954 = arith.cmpi ne, %convert_element_type3A_951, %cond3A_953 : i32
    scf.if %cond3A_954 {
      %min3A = arith.constant 31 : i32
      %min3A_1771 = arith.minsi %cond3A_952, %min3A : i32
      %dma_start3A = arith.constant 0 : i32
      %dma_start3A_1772 = arith.constant 0 : i32
      %dma_start3A_1773 = arith.constant 0 : i32
      %dma_start3A_1774 = tpu.memref_slice %arg9[%dma_start3A, %dma_start3A_1772, %dma_start3A_1773] : memref<7x128x128xf32, #tpu.memory_space<vmem>> -> memref<1x128x128xf32, #tpu.memory_space<vmem>>
      %dma_start3A_1775 = tpu.memref_squeeze %dma_start3A_1774 : memref<1x128x128xf32, #tpu.memory_space<vmem>> -> memref<128x128xf32, #tpu.memory_space<vmem>>
      %dma_start3A_1776 = arith.constant 0 : i32
      %dma_start3A_1777 = tpu.memref_slice %arg7[%min3A_1771, %dma_start3A_1776] : memref<32x128xi32, #tpu.memory_space<vmem>> -> memref<1x128xi32, #tpu.memory_space<vmem>>
      %dma_start3A_1778 = tpu.memref_squeeze %dma_start3A_1777 : memref<1x128xi32, #tpu.memory_space<vmem>> -> memref<128xi32, #tpu.memory_space<vmem>>
      %dma_start3A_1779 = arith.constant 0 : i32
      %dma_start3A_1780 = arith.constant 0 : i32
      %dma_start3A_1781 = tpu.memref_slice %arg5[%dma_start3A_1779, %dma_start3A_1780] : memref<131072x128xf32, #tpu.memory_space<hbm>> -> memref<131072x128xf32, #tpu.memory_space<hbm>>
      tpu.enqueue_indirect_dma source(%dma_start3A_1775 : memref<128x128xf32, #tpu.memory_space<vmem>>) target(%dma_start3A_1781 : memref<131072x128xf32, #tpu.memory_space<hbm>>) offsets(%dma_start3A_1778 : memref<128xi32, #tpu.memory_space<vmem>>) semaphore(%arg17 : memref<!tpu.dma_semaphore, #tpu.memory_space<semaphore_mem>>)
    } else {
    }
    %not3A_955 = arith.constant true
    %not3A_956 = arith.xori %lt3A_950, %not3A_955 : i1
    %convert_element_type3A_957 = arith.extui %not3A_956 : i1 to i32
    %cond3A_958 = arith.constant 14 : i32
    %cond3A_959 = arith.constant 0 : i32
    %cond3A_960 = arith.cmpi ne, %convert_element_type3A_957, %cond3A_959 : i32
    scf.if %cond3A_960 {
      %sub3A_1771 = arith.subi %cond3A_958, %shift_right_arithmetic3A_232 : i32
      %dma_start3A = arith.constant 0 : i32
      %dma_start3A_1772 = arith.constant 0 : i32
      %dma_start3A_1773 = arith.constant 0 : i32
      %dma_start3A_1774 = tpu.memref_slice %arg9[%dma_start3A, %dma_start3A_1772, %dma_start3A_1773] : memref<7x128x128xf32, #tpu.memory_space<vmem>> -> memref<1x128x128xf32, #tpu.memory_space<vmem>>
      %dma_start3A_1775 = tpu.memref_squeeze %dma_start3A_1774 : memref<1x128x128xf32, #tpu.memory_space<vmem>> -> memref<128x128xf32, #tpu.memory_space<vmem>>
      %dma_start3A_1776 = arith.constant 0 : i32
      %dma_start3A_1777 = tpu.memref_slice %arg8[%sub3A_1771, %dma_start3A_1776] : memref<32x128xi32, #tpu.memory_space<vmem>> -> memref<1x128xi32, #tpu.memory_space<vmem>>
      %dma_start3A_1778 = tpu.memref_squeeze %dma_start3A_1777 : memref<1x128xi32, #tpu.memory_space<vmem>> -> memref<128xi32, #tpu.memory_space<vmem>>
      %dma_start3A_1779 = arith.constant 0 : i32
      %dma_start3A_1780 = arith.constant 0 : i32
      %dma_start3A_1781 = tpu.memref_slice %arg5[%dma_start3A_1779, %dma_start3A_1780] : memref<131072x128xf32, #tpu.memory_space<hbm>> -> memref<131072x128xf32, #tpu.memory_space<hbm>>
      tpu.enqueue_indirect_dma source(%dma_start3A_1775 : memref<128x128xf32, #tpu.memory_space<vmem>>) target(%dma_start3A_1781 : memref<131072x128xf32, #tpu.memory_space<hbm>>) offsets(%dma_start3A_1778 : memref<128xi32, #tpu.memory_space<vmem>>) semaphore(%arg17 : memref<!tpu.dma_semaphore, #tpu.memory_space<semaphore_mem>>)
    } else {
    }
    %dma_wait3A_961 = arith.constant 0 : i32
    %dma_wait3A_962 = arith.constant 5 : i32
    %dma_wait3A_963 = arith.constant 0 : i32
    %dma_wait3A_964 = arith.constant 0 : i32
    %dma_wait3A_965 = tpu.memref_slice %arg9[%dma_wait3A_962, %dma_wait3A_963, %dma_wait3A_964] : memref<7x128x128xf32, #tpu.memory_space<vmem>> -> memref<1x128x128xf32, #tpu.memory_space<vmem>>
    %dma_wait3A_966 = tpu.memref_squeeze %dma_wait3A_965 : memref<1x128x128xf32, #tpu.memory_space<vmem>> -> memref<128x128xf32, #tpu.memory_space<vmem>>
    %dma_wait3A_967 = arith.constant 0 : i32
    %dma_wait3A_968 = tpu.memref_slice %arg7[%dma_wait3A_961, %dma_wait3A_967] : memref<32x128xi32, #tpu.memory_space<vmem>> -> memref<1x128xi32, #tpu.memory_space<vmem>>
    %dma_wait3A_969 = tpu.memref_squeeze %dma_wait3A_968 : memref<1x128xi32, #tpu.memory_space<vmem>> -> memref<128xi32, #tpu.memory_space<vmem>>
    %dma_wait3A_970 = arith.constant 0 : i32
    %dma_wait3A_971 = arith.constant 0 : i32
    %dma_wait3A_972 = tpu.memref_slice %arg4[%dma_wait3A_970, %dma_wait3A_971] : memref<131072x128xf32, #tpu.memory_space<hbm>> -> memref<131072x128xf32, #tpu.memory_space<hbm>>
    tpu.wait_indirect_dma semaphore(%arg22 : memref<!tpu.dma_semaphore, #tpu.memory_space<semaphore_mem>>) src(%dma_wait3A_972 : memref<131072x128xf32, #tpu.memory_space<hbm>>) dst(%dma_wait3A_966 : memref<128x128xf32, #tpu.memory_space<vmem>>)
    %lt3A_973 = arith.constant 19 : i32
    %lt3A_974 = arith.cmpi slt, %lt3A_973, %shift_right_arithmetic3A_232 : i32
    %convert_element_type3A_975 = arith.extui %lt3A_974 : i1 to i32
    %cond3A_976 = arith.constant 19 : i32
    %cond3A_977 = arith.constant 0 : i32
    %cond3A_978 = arith.cmpi ne, %convert_element_type3A_975, %cond3A_977 : i32
    scf.if %cond3A_978 {
      %min3A = arith.constant 31 : i32
      %min3A_1771 = arith.minsi %cond3A_976, %min3A : i32
      %dma_start3A = arith.constant 5 : i32
      %dma_start3A_1772 = arith.constant 0 : i32
      %dma_start3A_1773 = arith.constant 0 : i32
      %dma_start3A_1774 = tpu.memref_slice %arg9[%dma_start3A, %dma_start3A_1772, %dma_start3A_1773] : memref<7x128x128xf32, #tpu.memory_space<vmem>> -> memref<1x128x128xf32, #tpu.memory_space<vmem>>
      %dma_start3A_1775 = tpu.memref_squeeze %dma_start3A_1774 : memref<1x128x128xf32, #tpu.memory_space<vmem>> -> memref<128x128xf32, #tpu.memory_space<vmem>>
      %dma_start3A_1776 = arith.constant 0 : i32
      %dma_start3A_1777 = tpu.memref_slice %arg7[%min3A_1771, %dma_start3A_1776] : memref<32x128xi32, #tpu.memory_space<vmem>> -> memref<1x128xi32, #tpu.memory_space<vmem>>
      %dma_start3A_1778 = tpu.memref_squeeze %dma_start3A_1777 : memref<1x128xi32, #tpu.memory_space<vmem>> -> memref<128xi32, #tpu.memory_space<vmem>>
      %dma_start3A_1779 = arith.constant 0 : i32
      %dma_start3A_1780 = arith.constant 0 : i32
      %dma_start3A_1781 = tpu.memref_slice %arg4[%dma_start3A_1779, %dma_start3A_1780] : memref<131072x128xf32, #tpu.memory_space<hbm>> -> memref<131072x128xf32, #tpu.memory_space<hbm>>
      tpu.enqueue_indirect_dma source(%dma_start3A_1781 : memref<131072x128xf32, #tpu.memory_space<hbm>>) target(%dma_start3A_1775 : memref<128x128xf32, #tpu.memory_space<vmem>>) offsets(%dma_start3A_1778 : memref<128xi32, #tpu.memory_space<vmem>>) semaphore(%arg15 : memref<!tpu.dma_semaphore, #tpu.memory_space<semaphore_mem>>)
    } else {
    }
    %not3A_979 = arith.constant true
    %not3A_980 = arith.xori %lt3A_974, %not3A_979 : i1
    %convert_element_type3A_981 = arith.extui %not3A_980 : i1 to i32
    %cond3A_982 = arith.constant 19 : i32
    %cond3A_983 = arith.constant 0 : i32
    %cond3A_984 = arith.cmpi ne, %convert_element_type3A_981, %cond3A_983 : i32
    scf.if %cond3A_984 {
      %sub3A_1771 = arith.subi %cond3A_982, %shift_right_arithmetic3A_232 : i32
      %dma_start3A = arith.constant 5 : i32
      %dma_start3A_1772 = arith.constant 0 : i32
      %dma_start3A_1773 = arith.constant 0 : i32
      %dma_start3A_1774 = tpu.memref_slice %arg9[%dma_start3A, %dma_start3A_1772, %dma_start3A_1773] : memref<7x128x128xf32, #tpu.memory_space<vmem>> -> memref<1x128x128xf32, #tpu.memory_space<vmem>>
      %dma_start3A_1775 = tpu.memref_squeeze %dma_start3A_1774 : memref<1x128x128xf32, #tpu.memory_space<vmem>> -> memref<128x128xf32, #tpu.memory_space<vmem>>
      %dma_start3A_1776 = arith.constant 0 : i32
      %dma_start3A_1777 = tpu.memref_slice %arg8[%sub3A_1771, %dma_start3A_1776] : memref<32x128xi32, #tpu.memory_space<vmem>> -> memref<1x128xi32, #tpu.memory_space<vmem>>
      %dma_start3A_1778 = tpu.memref_squeeze %dma_start3A_1777 : memref<1x128xi32, #tpu.memory_space<vmem>> -> memref<128xi32, #tpu.memory_space<vmem>>
      %dma_start3A_1779 = arith.constant 0 : i32
      %dma_start3A_1780 = arith.constant 0 : i32
      %dma_start3A_1781 = tpu.memref_slice %arg2[%dma_start3A_1779, %dma_start3A_1780] : memref<131072x128xf32, #tpu.memory_space<hbm>> -> memref<131072x128xf32, #tpu.memory_space<hbm>>
      tpu.enqueue_indirect_dma source(%dma_start3A_1781 : memref<131072x128xf32, #tpu.memory_space<hbm>>) target(%dma_start3A_1775 : memref<128x128xf32, #tpu.memory_space<vmem>>) offsets(%dma_start3A_1778 : memref<128xi32, #tpu.memory_space<vmem>>) semaphore(%arg15 : memref<!tpu.dma_semaphore, #tpu.memory_space<semaphore_mem>>)
    } else {
    }
    %dma_wait3A_985 = arith.constant 0 : i32
    %dma_wait3A_986 = arith.constant 1 : i32
    %dma_wait3A_987 = arith.constant 0 : i32
    %dma_wait3A_988 = arith.constant 0 : i32
    %dma_wait3A_989 = tpu.memref_slice %arg9[%dma_wait3A_986, %dma_wait3A_987, %dma_wait3A_988] : memref<7x128x128xf32, #tpu.memory_space<vmem>> -> memref<1x128x128xf32, #tpu.memory_space<vmem>>
    %dma_wait3A_990 = tpu.memref_squeeze %dma_wait3A_989 : memref<1x128x128xf32, #tpu.memory_space<vmem>> -> memref<128x128xf32, #tpu.memory_space<vmem>>
    %dma_wait3A_991 = arith.constant 0 : i32
    %dma_wait3A_992 = tpu.memref_slice %arg7[%dma_wait3A_985, %dma_wait3A_991] : memref<32x128xi32, #tpu.memory_space<vmem>> -> memref<1x128xi32, #tpu.memory_space<vmem>>
    %dma_wait3A_993 = tpu.memref_squeeze %dma_wait3A_992 : memref<1x128xi32, #tpu.memory_space<vmem>> -> memref<128xi32, #tpu.memory_space<vmem>>
    %dma_wait3A_994 = arith.constant 0 : i32
    %dma_wait3A_995 = arith.constant 0 : i32
    %dma_wait3A_996 = tpu.memref_slice %arg4[%dma_wait3A_994, %dma_wait3A_995] : memref<131072x128xf32, #tpu.memory_space<hbm>> -> memref<131072x128xf32, #tpu.memory_space<hbm>>
    tpu.wait_indirect_dma semaphore(%arg11 : memref<!tpu.dma_semaphore, #tpu.memory_space<semaphore_mem>>) src(%dma_wait3A_996 : memref<131072x128xf32, #tpu.memory_space<hbm>>) dst(%dma_wait3A_990 : memref<128x128xf32, #tpu.memory_space<vmem>>)
    %lt3A_997 = arith.constant 15 : i32
    %lt3A_998 = arith.cmpi slt, %lt3A_997, %shift_right_arithmetic3A_232 : i32
    %convert_element_type3A_999 = arith.extui %lt3A_998 : i1 to i32
    %cond3A_1000 = arith.constant 15 : i32
    %cond3A_1001 = arith.constant 0 : i32
    %cond3A_1002 = arith.cmpi ne, %convert_element_type3A_999, %cond3A_1001 : i32
    scf.if %cond3A_1002 {
      %min3A = arith.constant 31 : i32
      %min3A_1771 = arith.minsi %cond3A_1000, %min3A : i32
      %dma_start3A = arith.constant 1 : i32
      %dma_start3A_1772 = arith.constant 0 : i32
      %dma_start3A_1773 = arith.constant 0 : i32
      %dma_start3A_1774 = tpu.memref_slice %arg9[%dma_start3A, %dma_start3A_1772, %dma_start3A_1773] : memref<7x128x128xf32, #tpu.memory_space<vmem>> -> memref<1x128x128xf32, #tpu.memory_space<vmem>>
      %dma_start3A_1775 = tpu.memref_squeeze %dma_start3A_1774 : memref<1x128x128xf32, #tpu.memory_space<vmem>> -> memref<128x128xf32, #tpu.memory_space<vmem>>
      %dma_start3A_1776 = arith.constant 0 : i32
      %dma_start3A_1777 = tpu.memref_slice %arg7[%min3A_1771, %dma_start3A_1776] : memref<32x128xi32, #tpu.memory_space<vmem>> -> memref<1x128xi32, #tpu.memory_space<vmem>>
      %dma_start3A_1778 = tpu.memref_squeeze %dma_start3A_1777 : memref<1x128xi32, #tpu.memory_space<vmem>> -> memref<128xi32, #tpu.memory_space<vmem>>
      %dma_start3A_1779 = arith.constant 0 : i32
      %dma_start3A_1780 = arith.constant 0 : i32
      %dma_start3A_1781 = tpu.memref_slice %arg5[%dma_start3A_1779, %dma_start3A_1780] : memref<131072x128xf32, #tpu.memory_space<hbm>> -> memref<131072x128xf32, #tpu.memory_space<hbm>>
      tpu.enqueue_indirect_dma source(%dma_start3A_1775 : memref<128x128xf32, #tpu.memory_space<vmem>>) target(%dma_start3A_1781 : memref<131072x128xf32, #tpu.memory_space<hbm>>) offsets(%dma_start3A_1778 : memref<128xi32, #tpu.memory_space<vmem>>) semaphore(%arg18 : memref<!tpu.dma_semaphore, #tpu.memory_space<semaphore_mem>>)
    } else {
    }
    %not3A_1003 = arith.constant true
    %not3A_1004 = arith.xori %lt3A_998, %not3A_1003 : i1
    %convert_element_type3A_1005 = arith.extui %not3A_1004 : i1 to i32
    %cond3A_1006 = arith.constant 15 : i32
    %cond3A_1007 = arith.constant 0 : i32
    %cond3A_1008 = arith.cmpi ne, %convert_element_type3A_1005, %cond3A_1007 : i32
    scf.if %cond3A_1008 {
      %sub3A_1771 = arith.subi %cond3A_1006, %shift_right_arithmetic3A_232 : i32
      %dma_start3A = arith.constant 1 : i32
      %dma_start3A_1772 = arith.constant 0 : i32
      %dma_start3A_1773 = arith.constant 0 : i32
      %dma_start3A_1774 = tpu.memref_slice %arg9[%dma_start3A, %dma_start3A_1772, %dma_start3A_1773] : memref<7x128x128xf32, #tpu.memory_space<vmem>> -> memref<1x128x128xf32, #tpu.memory_space<vmem>>
      %dma_start3A_1775 = tpu.memref_squeeze %dma_start3A_1774 : memref<1x128x128xf32, #tpu.memory_space<vmem>> -> memref<128x128xf32, #tpu.memory_space<vmem>>
      %dma_start3A_1776 = arith.constant 0 : i32
      %dma_start3A_1777 = tpu.memref_slice %arg8[%sub3A_1771, %dma_start3A_1776] : memref<32x128xi32, #tpu.memory_space<vmem>> -> memref<1x128xi32, #tpu.memory_space<vmem>>
      %dma_start3A_1778 = tpu.memref_squeeze %dma_start3A_1777 : memref<1x128xi32, #tpu.memory_space<vmem>> -> memref<128xi32, #tpu.memory_space<vmem>>
      %dma_start3A_1779 = arith.constant 0 : i32
      %dma_start3A_1780 = arith.constant 0 : i32
      %dma_start3A_1781 = tpu.memref_slice %arg5[%dma_start3A_1779, %dma_start3A_1780] : memref<131072x128xf32, #tpu.memory_space<hbm>> -> memref<131072x128xf32, #tpu.memory_space<hbm>>
      tpu.enqueue_indirect_dma source(%dma_start3A_1775 : memref<128x128xf32, #tpu.memory_space<vmem>>) target(%dma_start3A_1781 : memref<131072x128xf32, #tpu.memory_space<hbm>>) offsets(%dma_start3A_1778 : memref<128xi32, #tpu.memory_space<vmem>>) semaphore(%arg18 : memref<!tpu.dma_semaphore, #tpu.memory_space<semaphore_mem>>)
    } else {
    }
    %dma_wait3A_1009 = arith.constant 0 : i32
    %dma_wait3A_1010 = arith.constant 6 : i32
    %dma_wait3A_1011 = arith.constant 0 : i32
    %dma_wait3A_1012 = arith.constant 0 : i32
    %dma_wait3A_1013 = tpu.memref_slice %arg9[%dma_wait3A_1010, %dma_wait3A_1011, %dma_wait3A_1012] : memref<7x128x128xf32, #tpu.memory_space<vmem>> -> memref<1x128x128xf32, #tpu.memory_space<vmem>>
    %dma_wait3A_1014 = tpu.memref_squeeze %dma_wait3A_1013 : memref<1x128x128xf32, #tpu.memory_space<vmem>> -> memref<128x128xf32, #tpu.memory_space<vmem>>
    %dma_wait3A_1015 = arith.constant 0 : i32
    %dma_wait3A_1016 = tpu.memref_slice %arg7[%dma_wait3A_1009, %dma_wait3A_1015] : memref<32x128xi32, #tpu.memory_space<vmem>> -> memref<1x128xi32, #tpu.memory_space<vmem>>
    %dma_wait3A_1017 = tpu.memref_squeeze %dma_wait3A_1016 : memref<1x128xi32, #tpu.memory_space<vmem>> -> memref<128xi32, #tpu.memory_space<vmem>>
    %dma_wait3A_1018 = arith.constant 0 : i32
    %dma_wait3A_1019 = arith.constant 0 : i32
    %dma_wait3A_1020 = tpu.memref_slice %arg4[%dma_wait3A_1018, %dma_wait3A_1019] : memref<131072x128xf32, #tpu.memory_space<hbm>> -> memref<131072x128xf32, #tpu.memory_space<hbm>>
    tpu.wait_indirect_dma semaphore(%arg23 : memref<!tpu.dma_semaphore, #tpu.memory_space<semaphore_mem>>) src(%dma_wait3A_1020 : memref<131072x128xf32, #tpu.memory_space<hbm>>) dst(%dma_wait3A_1014 : memref<128x128xf32, #tpu.memory_space<vmem>>)
    %lt3A_1021 = arith.constant 20 : i32
    %lt3A_1022 = arith.cmpi slt, %lt3A_1021, %shift_right_arithmetic3A_232 : i32
    %convert_element_type3A_1023 = arith.extui %lt3A_1022 : i1 to i32
    %cond3A_1024 = arith.constant 20 : i32
    %cond3A_1025 = arith.constant 0 : i32
    %cond3A_1026 = arith.cmpi ne, %convert_element_type3A_1023, %cond3A_1025 : i32
    scf.if %cond3A_1026 {
      %min3A = arith.constant 31 : i32
      %min3A_1771 = arith.minsi %cond3A_1024, %min3A : i32
      %dma_start3A = arith.constant 6 : i32
      %dma_start3A_1772 = arith.constant 0 : i32
      %dma_start3A_1773 = arith.constant 0 : i32
      %dma_start3A_1774 = tpu.memref_slice %arg9[%dma_start3A, %dma_start3A_1772, %dma_start3A_1773] : memref<7x128x128xf32, #tpu.memory_space<vmem>> -> memref<1x128x128xf32, #tpu.memory_space<vmem>>
      %dma_start3A_1775 = tpu.memref_squeeze %dma_start3A_1774 : memref<1x128x128xf32, #tpu.memory_space<vmem>> -> memref<128x128xf32, #tpu.memory_space<vmem>>
      %dma_start3A_1776 = arith.constant 0 : i32
      %dma_start3A_1777 = tpu.memref_slice %arg7[%min3A_1771, %dma_start3A_1776] : memref<32x128xi32, #tpu.memory_space<vmem>> -> memref<1x128xi32, #tpu.memory_space<vmem>>
      %dma_start3A_1778 = tpu.memref_squeeze %dma_start3A_1777 : memref<1x128xi32, #tpu.memory_space<vmem>> -> memref<128xi32, #tpu.memory_space<vmem>>
      %dma_start3A_1779 = arith.constant 0 : i32
      %dma_start3A_1780 = arith.constant 0 : i32
      %dma_start3A_1781 = tpu.memref_slice %arg4[%dma_start3A_1779, %dma_start3A_1780] : memref<131072x128xf32, #tpu.memory_space<hbm>> -> memref<131072x128xf32, #tpu.memory_space<hbm>>
      tpu.enqueue_indirect_dma source(%dma_start3A_1781 : memref<131072x128xf32, #tpu.memory_space<hbm>>) target(%dma_start3A_1775 : memref<128x128xf32, #tpu.memory_space<vmem>>) offsets(%dma_start3A_1778 : memref<128xi32, #tpu.memory_space<vmem>>) semaphore(%arg16 : memref<!tpu.dma_semaphore, #tpu.memory_space<semaphore_mem>>)
    } else {
    }
    %not3A_1027 = arith.constant true
    %not3A_1028 = arith.xori %lt3A_1022, %not3A_1027 : i1
    %convert_element_type3A_1029 = arith.extui %not3A_1028 : i1 to i32
    %cond3A_1030 = arith.constant 20 : i32
    %cond3A_1031 = arith.constant 0 : i32
    %cond3A_1032 = arith.cmpi ne, %convert_element_type3A_1029, %cond3A_1031 : i32
    scf.if %cond3A_1032 {
      %sub3A_1771 = arith.subi %cond3A_1030, %shift_right_arithmetic3A_232 : i32
      %dma_start3A = arith.constant 6 : i32
      %dma_start3A_1772 = arith.constant 0 : i32
      %dma_start3A_1773 = arith.constant 0 : i32
      %dma_start3A_1774 = tpu.memref_slice %arg9[%dma_start3A, %dma_start3A_1772, %dma_start3A_1773] : memref<7x128x128xf32, #tpu.memory_space<vmem>> -> memref<1x128x128xf32, #tpu.memory_space<vmem>>
      %dma_start3A_1775 = tpu.memref_squeeze %dma_start3A_1774 : memref<1x128x128xf32, #tpu.memory_space<vmem>> -> memref<128x128xf32, #tpu.memory_space<vmem>>
      %dma_start3A_1776 = arith.constant 0 : i32
      %dma_start3A_1777 = tpu.memref_slice %arg8[%sub3A_1771, %dma_start3A_1776] : memref<32x128xi32, #tpu.memory_space<vmem>> -> memref<1x128xi32, #tpu.memory_space<vmem>>
      %dma_start3A_1778 = tpu.memref_squeeze %dma_start3A_1777 : memref<1x128xi32, #tpu.memory_space<vmem>> -> memref<128xi32, #tpu.memory_space<vmem>>
      %dma_start3A_1779 = arith.constant 0 : i32
      %dma_start3A_1780 = arith.constant 0 : i32
      %dma_start3A_1781 = tpu.memref_slice %arg2[%dma_start3A_1779, %dma_start3A_1780] : memref<131072x128xf32, #tpu.memory_space<hbm>> -> memref<131072x128xf32, #tpu.memory_space<hbm>>
      tpu.enqueue_indirect_dma source(%dma_start3A_1781 : memref<131072x128xf32, #tpu.memory_space<hbm>>) target(%dma_start3A_1775 : memref<128x128xf32, #tpu.memory_space<vmem>>) offsets(%dma_start3A_1778 : memref<128xi32, #tpu.memory_space<vmem>>) semaphore(%arg16 : memref<!tpu.dma_semaphore, #tpu.memory_space<semaphore_mem>>)
    } else {
    }
    %dma_wait3A_1033 = arith.constant 0 : i32
    %dma_wait3A_1034 = arith.constant 2 : i32
    %dma_wait3A_1035 = arith.constant 0 : i32
    %dma_wait3A_1036 = arith.constant 0 : i32
    %dma_wait3A_1037 = tpu.memref_slice %arg9[%dma_wait3A_1034, %dma_wait3A_1035, %dma_wait3A_1036] : memref<7x128x128xf32, #tpu.memory_space<vmem>> -> memref<1x128x128xf32, #tpu.memory_space<vmem>>
    %dma_wait3A_1038 = tpu.memref_squeeze %dma_wait3A_1037 : memref<1x128x128xf32, #tpu.memory_space<vmem>> -> memref<128x128xf32, #tpu.memory_space<vmem>>
    %dma_wait3A_1039 = arith.constant 0 : i32
    %dma_wait3A_1040 = tpu.memref_slice %arg7[%dma_wait3A_1033, %dma_wait3A_1039] : memref<32x128xi32, #tpu.memory_space<vmem>> -> memref<1x128xi32, #tpu.memory_space<vmem>>
    %dma_wait3A_1041 = tpu.memref_squeeze %dma_wait3A_1040 : memref<1x128xi32, #tpu.memory_space<vmem>> -> memref<128xi32, #tpu.memory_space<vmem>>
    %dma_wait3A_1042 = arith.constant 0 : i32
    %dma_wait3A_1043 = arith.constant 0 : i32
    %dma_wait3A_1044 = tpu.memref_slice %arg4[%dma_wait3A_1042, %dma_wait3A_1043] : memref<131072x128xf32, #tpu.memory_space<hbm>> -> memref<131072x128xf32, #tpu.memory_space<hbm>>
    tpu.wait_indirect_dma semaphore(%arg12 : memref<!tpu.dma_semaphore, #tpu.memory_space<semaphore_mem>>) src(%dma_wait3A_1044 : memref<131072x128xf32, #tpu.memory_space<hbm>>) dst(%dma_wait3A_1038 : memref<128x128xf32, #tpu.memory_space<vmem>>)
    %lt3A_1045 = arith.constant 16 : i32
    %lt3A_1046 = arith.cmpi slt, %lt3A_1045, %shift_right_arithmetic3A_232 : i32
    %convert_element_type3A_1047 = arith.extui %lt3A_1046 : i1 to i32
    %cond3A_1048 = arith.constant 16 : i32
    %cond3A_1049 = arith.constant 0 : i32
    %cond3A_1050 = arith.cmpi ne, %convert_element_type3A_1047, %cond3A_1049 : i32
    scf.if %cond3A_1050 {
      %min3A = arith.constant 31 : i32
      %min3A_1771 = arith.minsi %cond3A_1048, %min3A : i32
      %dma_start3A = arith.constant 2 : i32
      %dma_start3A_1772 = arith.constant 0 : i32
      %dma_start3A_1773 = arith.constant 0 : i32
      %dma_start3A_1774 = tpu.memref_slice %arg9[%dma_start3A, %dma_start3A_1772, %dma_start3A_1773] : memref<7x128x128xf32, #tpu.memory_space<vmem>> -> memref<1x128x128xf32, #tpu.memory_space<vmem>>
      %dma_start3A_1775 = tpu.memref_squeeze %dma_start3A_1774 : memref<1x128x128xf32, #tpu.memory_space<vmem>> -> memref<128x128xf32, #tpu.memory_space<vmem>>
      %dma_start3A_1776 = arith.constant 0 : i32
      %dma_start3A_1777 = tpu.memref_slice %arg7[%min3A_1771, %dma_start3A_1776] : memref<32x128xi32, #tpu.memory_space<vmem>> -> memref<1x128xi32, #tpu.memory_space<vmem>>
      %dma_start3A_1778 = tpu.memref_squeeze %dma_start3A_1777 : memref<1x128xi32, #tpu.memory_space<vmem>> -> memref<128xi32, #tpu.memory_space<vmem>>
      %dma_start3A_1779 = arith.constant 0 : i32
      %dma_start3A_1780 = arith.constant 0 : i32
      %dma_start3A_1781 = tpu.memref_slice %arg5[%dma_start3A_1779, %dma_start3A_1780] : memref<131072x128xf32, #tpu.memory_space<hbm>> -> memref<131072x128xf32, #tpu.memory_space<hbm>>
      tpu.enqueue_indirect_dma source(%dma_start3A_1775 : memref<128x128xf32, #tpu.memory_space<vmem>>) target(%dma_start3A_1781 : memref<131072x128xf32, #tpu.memory_space<hbm>>) offsets(%dma_start3A_1778 : memref<128xi32, #tpu.memory_space<vmem>>) semaphore(%arg19 : memref<!tpu.dma_semaphore, #tpu.memory_space<semaphore_mem>>)
    } else {
    }
    %not3A_1051 = arith.constant true
    %not3A_1052 = arith.xori %lt3A_1046, %not3A_1051 : i1
    %convert_element_type3A_1053 = arith.extui %not3A_1052 : i1 to i32
    %cond3A_1054 = arith.constant 16 : i32
    %cond3A_1055 = arith.constant 0 : i32
    %cond3A_1056 = arith.cmpi ne, %convert_element_type3A_1053, %cond3A_1055 : i32
    scf.if %cond3A_1056 {
      %sub3A_1771 = arith.subi %cond3A_1054, %shift_right_arithmetic3A_232 : i32
      %dma_start3A = arith.constant 2 : i32
      %dma_start3A_1772 = arith.constant 0 : i32
      %dma_start3A_1773 = arith.constant 0 : i32
      %dma_start3A_1774 = tpu.memref_slice %arg9[%dma_start3A, %dma_start3A_1772, %dma_start3A_1773] : memref<7x128x128xf32, #tpu.memory_space<vmem>> -> memref<1x128x128xf32, #tpu.memory_space<vmem>>
      %dma_start3A_1775 = tpu.memref_squeeze %dma_start3A_1774 : memref<1x128x128xf32, #tpu.memory_space<vmem>> -> memref<128x128xf32, #tpu.memory_space<vmem>>
      %dma_start3A_1776 = arith.constant 0 : i32
      %dma_start3A_1777 = tpu.memref_slice %arg8[%sub3A_1771, %dma_start3A_1776] : memref<32x128xi32, #tpu.memory_space<vmem>> -> memref<1x128xi32, #tpu.memory_space<vmem>>
      %dma_start3A_1778 = tpu.memref_squeeze %dma_start3A_1777 : memref<1x128xi32, #tpu.memory_space<vmem>> -> memref<128xi32, #tpu.memory_space<vmem>>
      %dma_start3A_1779 = arith.constant 0 : i32
      %dma_start3A_1780 = arith.constant 0 : i32
      %dma_start3A_1781 = tpu.memref_slice %arg5[%dma_start3A_1779, %dma_start3A_1780] : memref<131072x128xf32, #tpu.memory_space<hbm>> -> memref<131072x128xf32, #tpu.memory_space<hbm>>
      tpu.enqueue_indirect_dma source(%dma_start3A_1775 : memref<128x128xf32, #tpu.memory_space<vmem>>) target(%dma_start3A_1781 : memref<131072x128xf32, #tpu.memory_space<hbm>>) offsets(%dma_start3A_1778 : memref<128xi32, #tpu.memory_space<vmem>>) semaphore(%arg19 : memref<!tpu.dma_semaphore, #tpu.memory_space<semaphore_mem>>)
    } else {
    }
    %dma_wait3A_1057 = arith.constant 0 : i32
    %dma_wait3A_1058 = arith.constant 0 : i32
    %dma_wait3A_1059 = arith.constant 0 : i32
    %dma_wait3A_1060 = arith.constant 0 : i32
    %dma_wait3A_1061 = tpu.memref_slice %arg9[%dma_wait3A_1058, %dma_wait3A_1059, %dma_wait3A_1060] : memref<7x128x128xf32, #tpu.memory_space<vmem>> -> memref<1x128x128xf32, #tpu.memory_space<vmem>>
    %dma_wait3A_1062 = tpu.memref_squeeze %dma_wait3A_1061 : memref<1x128x128xf32, #tpu.memory_space<vmem>> -> memref<128x128xf32, #tpu.memory_space<vmem>>
    %dma_wait3A_1063 = arith.constant 0 : i32
    %dma_wait3A_1064 = tpu.memref_slice %arg7[%dma_wait3A_1057, %dma_wait3A_1063] : memref<32x128xi32, #tpu.memory_space<vmem>> -> memref<1x128xi32, #tpu.memory_space<vmem>>
    %dma_wait3A_1065 = tpu.memref_squeeze %dma_wait3A_1064 : memref<1x128xi32, #tpu.memory_space<vmem>> -> memref<128xi32, #tpu.memory_space<vmem>>
    %dma_wait3A_1066 = arith.constant 0 : i32
    %dma_wait3A_1067 = arith.constant 0 : i32
    %dma_wait3A_1068 = tpu.memref_slice %arg4[%dma_wait3A_1066, %dma_wait3A_1067] : memref<131072x128xf32, #tpu.memory_space<hbm>> -> memref<131072x128xf32, #tpu.memory_space<hbm>>
    tpu.wait_indirect_dma semaphore(%arg17 : memref<!tpu.dma_semaphore, #tpu.memory_space<semaphore_mem>>) src(%dma_wait3A_1068 : memref<131072x128xf32, #tpu.memory_space<hbm>>) dst(%dma_wait3A_1062 : memref<128x128xf32, #tpu.memory_space<vmem>>)
    %lt3A_1069 = arith.constant 21 : i32
    %lt3A_1070 = arith.cmpi slt, %lt3A_1069, %shift_right_arithmetic3A_232 : i32
    %convert_element_type3A_1071 = arith.extui %lt3A_1070 : i1 to i32
    %cond3A_1072 = arith.constant 21 : i32
    %cond3A_1073 = arith.constant 0 : i32
    %cond3A_1074 = arith.cmpi ne, %convert_element_type3A_1071, %cond3A_1073 : i32
    scf.if %cond3A_1074 {
      %min3A = arith.constant 31 : i32
      %min3A_1771 = arith.minsi %cond3A_1072, %min3A : i32
      %dma_start3A = arith.constant 0 : i32
      %dma_start3A_1772 = arith.constant 0 : i32
      %dma_start3A_1773 = arith.constant 0 : i32
      %dma_start3A_1774 = tpu.memref_slice %arg9[%dma_start3A, %dma_start3A_1772, %dma_start3A_1773] : memref<7x128x128xf32, #tpu.memory_space<vmem>> -> memref<1x128x128xf32, #tpu.memory_space<vmem>>
      %dma_start3A_1775 = tpu.memref_squeeze %dma_start3A_1774 : memref<1x128x128xf32, #tpu.memory_space<vmem>> -> memref<128x128xf32, #tpu.memory_space<vmem>>
      %dma_start3A_1776 = arith.constant 0 : i32
      %dma_start3A_1777 = tpu.memref_slice %arg7[%min3A_1771, %dma_start3A_1776] : memref<32x128xi32, #tpu.memory_space<vmem>> -> memref<1x128xi32, #tpu.memory_space<vmem>>
      %dma_start3A_1778 = tpu.memref_squeeze %dma_start3A_1777 : memref<1x128xi32, #tpu.memory_space<vmem>> -> memref<128xi32, #tpu.memory_space<vmem>>
      %dma_start3A_1779 = arith.constant 0 : i32
      %dma_start3A_1780 = arith.constant 0 : i32
      %dma_start3A_1781 = tpu.memref_slice %arg4[%dma_start3A_1779, %dma_start3A_1780] : memref<131072x128xf32, #tpu.memory_space<hbm>> -> memref<131072x128xf32, #tpu.memory_space<hbm>>
      tpu.enqueue_indirect_dma source(%dma_start3A_1781 : memref<131072x128xf32, #tpu.memory_space<hbm>>) target(%dma_start3A_1775 : memref<128x128xf32, #tpu.memory_space<vmem>>) offsets(%dma_start3A_1778 : memref<128xi32, #tpu.memory_space<vmem>>) semaphore(%arg10 : memref<!tpu.dma_semaphore, #tpu.memory_space<semaphore_mem>>)
    } else {
    }
    %not3A_1075 = arith.constant true
    %not3A_1076 = arith.xori %lt3A_1070, %not3A_1075 : i1
    %convert_element_type3A_1077 = arith.extui %not3A_1076 : i1 to i32
    %cond3A_1078 = arith.constant 21 : i32
    %cond3A_1079 = arith.constant 0 : i32
    %cond3A_1080 = arith.cmpi ne, %convert_element_type3A_1077, %cond3A_1079 : i32
    scf.if %cond3A_1080 {
      %sub3A_1771 = arith.subi %cond3A_1078, %shift_right_arithmetic3A_232 : i32
      %dma_start3A = arith.constant 0 : i32
      %dma_start3A_1772 = arith.constant 0 : i32
      %dma_start3A_1773 = arith.constant 0 : i32
      %dma_start3A_1774 = tpu.memref_slice %arg9[%dma_start3A, %dma_start3A_1772, %dma_start3A_1773] : memref<7x128x128xf32, #tpu.memory_space<vmem>> -> memref<1x128x128xf32, #tpu.memory_space<vmem>>
      %dma_start3A_1775 = tpu.memref_squeeze %dma_start3A_1774 : memref<1x128x128xf32, #tpu.memory_space<vmem>> -> memref<128x128xf32, #tpu.memory_space<vmem>>
      %dma_start3A_1776 = arith.constant 0 : i32
      %dma_start3A_1777 = tpu.memref_slice %arg8[%sub3A_1771, %dma_start3A_1776] : memref<32x128xi32, #tpu.memory_space<vmem>> -> memref<1x128xi32, #tpu.memory_space<vmem>>
      %dma_start3A_1778 = tpu.memref_squeeze %dma_start3A_1777 : memref<1x128xi32, #tpu.memory_space<vmem>> -> memref<128xi32, #tpu.memory_space<vmem>>
      %dma_start3A_1779 = arith.constant 0 : i32
      %dma_start3A_1780 = arith.constant 0 : i32
      %dma_start3A_1781 = tpu.memref_slice %arg2[%dma_start3A_1779, %dma_start3A_1780] : memref<131072x128xf32, #tpu.memory_space<hbm>> -> memref<131072x128xf32, #tpu.memory_space<hbm>>
      tpu.enqueue_indirect_dma source(%dma_start3A_1781 : memref<131072x128xf32, #tpu.memory_space<hbm>>) target(%dma_start3A_1775 : memref<128x128xf32, #tpu.memory_space<vmem>>) offsets(%dma_start3A_1778 : memref<128xi32, #tpu.memory_space<vmem>>) semaphore(%arg10 : memref<!tpu.dma_semaphore, #tpu.memory_space<semaphore_mem>>)
    } else {
    }
    %dma_wait3A_1081 = arith.constant 0 : i32
    %dma_wait3A_1082 = arith.constant 3 : i32
    %dma_wait3A_1083 = arith.constant 0 : i32
    %dma_wait3A_1084 = arith.constant 0 : i32
    %dma_wait3A_1085 = tpu.memref_slice %arg9[%dma_wait3A_1082, %dma_wait3A_1083, %dma_wait3A_1084] : memref<7x128x128xf32, #tpu.memory_space<vmem>> -> memref<1x128x128xf32, #tpu.memory_space<vmem>>
    %dma_wait3A_1086 = tpu.memref_squeeze %dma_wait3A_1085 : memref<1x128x128xf32, #tpu.memory_space<vmem>> -> memref<128x128xf32, #tpu.memory_space<vmem>>
    %dma_wait3A_1087 = arith.constant 0 : i32
    %dma_wait3A_1088 = tpu.memref_slice %arg7[%dma_wait3A_1081, %dma_wait3A_1087] : memref<32x128xi32, #tpu.memory_space<vmem>> -> memref<1x128xi32, #tpu.memory_space<vmem>>
    %dma_wait3A_1089 = tpu.memref_squeeze %dma_wait3A_1088 : memref<1x128xi32, #tpu.memory_space<vmem>> -> memref<128xi32, #tpu.memory_space<vmem>>
    %dma_wait3A_1090 = arith.constant 0 : i32
    %dma_wait3A_1091 = arith.constant 0 : i32
    %dma_wait3A_1092 = tpu.memref_slice %arg4[%dma_wait3A_1090, %dma_wait3A_1091] : memref<131072x128xf32, #tpu.memory_space<hbm>> -> memref<131072x128xf32, #tpu.memory_space<hbm>>
    tpu.wait_indirect_dma semaphore(%arg13 : memref<!tpu.dma_semaphore, #tpu.memory_space<semaphore_mem>>) src(%dma_wait3A_1092 : memref<131072x128xf32, #tpu.memory_space<hbm>>) dst(%dma_wait3A_1086 : memref<128x128xf32, #tpu.memory_space<vmem>>)
    %lt3A_1093 = arith.constant 17 : i32
    %lt3A_1094 = arith.cmpi slt, %lt3A_1093, %shift_right_arithmetic3A_232 : i32
    %convert_element_type3A_1095 = arith.extui %lt3A_1094 : i1 to i32
    %cond3A_1096 = arith.constant 17 : i32
    %cond3A_1097 = arith.constant 0 : i32
    %cond3A_1098 = arith.cmpi ne, %convert_element_type3A_1095, %cond3A_1097 : i32
    scf.if %cond3A_1098 {
      %min3A = arith.constant 31 : i32
      %min3A_1771 = arith.minsi %cond3A_1096, %min3A : i32
      %dma_start3A = arith.constant 3 : i32
      %dma_start3A_1772 = arith.constant 0 : i32
      %dma_start3A_1773 = arith.constant 0 : i32
      %dma_start3A_1774 = tpu.memref_slice %arg9[%dma_start3A, %dma_start3A_1772, %dma_start3A_1773] : memref<7x128x128xf32, #tpu.memory_space<vmem>> -> memref<1x128x128xf32, #tpu.memory_space<vmem>>
      %dma_start3A_1775 = tpu.memref_squeeze %dma_start3A_1774 : memref<1x128x128xf32, #tpu.memory_space<vmem>> -> memref<128x128xf32, #tpu.memory_space<vmem>>
      %dma_start3A_1776 = arith.constant 0 : i32
      %dma_start3A_1777 = tpu.memref_slice %arg7[%min3A_1771, %dma_start3A_1776] : memref<32x128xi32, #tpu.memory_space<vmem>> -> memref<1x128xi32, #tpu.memory_space<vmem>>
      %dma_start3A_1778 = tpu.memref_squeeze %dma_start3A_1777 : memref<1x128xi32, #tpu.memory_space<vmem>> -> memref<128xi32, #tpu.memory_space<vmem>>
      %dma_start3A_1779 = arith.constant 0 : i32
      %dma_start3A_1780 = arith.constant 0 : i32
      %dma_start3A_1781 = tpu.memref_slice %arg5[%dma_start3A_1779, %dma_start3A_1780] : memref<131072x128xf32, #tpu.memory_space<hbm>> -> memref<131072x128xf32, #tpu.memory_space<hbm>>
      tpu.enqueue_indirect_dma source(%dma_start3A_1775 : memref<128x128xf32, #tpu.memory_space<vmem>>) target(%dma_start3A_1781 : memref<131072x128xf32, #tpu.memory_space<hbm>>) offsets(%dma_start3A_1778 : memref<128xi32, #tpu.memory_space<vmem>>) semaphore(%arg20 : memref<!tpu.dma_semaphore, #tpu.memory_space<semaphore_mem>>)
    } else {
    }
    %not3A_1099 = arith.constant true
    %not3A_1100 = arith.xori %lt3A_1094, %not3A_1099 : i1
    %convert_element_type3A_1101 = arith.extui %not3A_1100 : i1 to i32
    %cond3A_1102 = arith.constant 17 : i32
    %cond3A_1103 = arith.constant 0 : i32
    %cond3A_1104 = arith.cmpi ne, %convert_element_type3A_1101, %cond3A_1103 : i32
    scf.if %cond3A_1104 {
      %sub3A_1771 = arith.subi %cond3A_1102, %shift_right_arithmetic3A_232 : i32
      %dma_start3A = arith.constant 3 : i32
      %dma_start3A_1772 = arith.constant 0 : i32
      %dma_start3A_1773 = arith.constant 0 : i32
      %dma_start3A_1774 = tpu.memref_slice %arg9[%dma_start3A, %dma_start3A_1772, %dma_start3A_1773] : memref<7x128x128xf32, #tpu.memory_space<vmem>> -> memref<1x128x128xf32, #tpu.memory_space<vmem>>
      %dma_start3A_1775 = tpu.memref_squeeze %dma_start3A_1774 : memref<1x128x128xf32, #tpu.memory_space<vmem>> -> memref<128x128xf32, #tpu.memory_space<vmem>>
      %dma_start3A_1776 = arith.constant 0 : i32
      %dma_start3A_1777 = tpu.memref_slice %arg8[%sub3A_1771, %dma_start3A_1776] : memref<32x128xi32, #tpu.memory_space<vmem>> -> memref<1x128xi32, #tpu.memory_space<vmem>>
      %dma_start3A_1778 = tpu.memref_squeeze %dma_start3A_1777 : memref<1x128xi32, #tpu.memory_space<vmem>> -> memref<128xi32, #tpu.memory_space<vmem>>
      %dma_start3A_1779 = arith.constant 0 : i32
      %dma_start3A_1780 = arith.constant 0 : i32
      %dma_start3A_1781 = tpu.memref_slice %arg5[%dma_start3A_1779, %dma_start3A_1780] : memref<131072x128xf32, #tpu.memory_space<hbm>> -> memref<131072x128xf32, #tpu.memory_space<hbm>>
      tpu.enqueue_indirect_dma source(%dma_start3A_1775 : memref<128x128xf32, #tpu.memory_space<vmem>>) target(%dma_start3A_1781 : memref<131072x128xf32, #tpu.memory_space<hbm>>) offsets(%dma_start3A_1778 : memref<128xi32, #tpu.memory_space<vmem>>) semaphore(%arg20 : memref<!tpu.dma_semaphore, #tpu.memory_space<semaphore_mem>>)
    } else {
    }
    %dma_wait3A_1105 = arith.constant 0 : i32
    %dma_wait3A_1106 = arith.constant 1 : i32
    %dma_wait3A_1107 = arith.constant 0 : i32
    %dma_wait3A_1108 = arith.constant 0 : i32
    %dma_wait3A_1109 = tpu.memref_slice %arg9[%dma_wait3A_1106, %dma_wait3A_1107, %dma_wait3A_1108] : memref<7x128x128xf32, #tpu.memory_space<vmem>> -> memref<1x128x128xf32, #tpu.memory_space<vmem>>
    %dma_wait3A_1110 = tpu.memref_squeeze %dma_wait3A_1109 : memref<1x128x128xf32, #tpu.memory_space<vmem>> -> memref<128x128xf32, #tpu.memory_space<vmem>>
    %dma_wait3A_1111 = arith.constant 0 : i32
    %dma_wait3A_1112 = tpu.memref_slice %arg7[%dma_wait3A_1105, %dma_wait3A_1111] : memref<32x128xi32, #tpu.memory_space<vmem>> -> memref<1x128xi32, #tpu.memory_space<vmem>>
    %dma_wait3A_1113 = tpu.memref_squeeze %dma_wait3A_1112 : memref<1x128xi32, #tpu.memory_space<vmem>> -> memref<128xi32, #tpu.memory_space<vmem>>
    %dma_wait3A_1114 = arith.constant 0 : i32
    %dma_wait3A_1115 = arith.constant 0 : i32
    %dma_wait3A_1116 = tpu.memref_slice %arg4[%dma_wait3A_1114, %dma_wait3A_1115] : memref<131072x128xf32, #tpu.memory_space<hbm>> -> memref<131072x128xf32, #tpu.memory_space<hbm>>
    tpu.wait_indirect_dma semaphore(%arg18 : memref<!tpu.dma_semaphore, #tpu.memory_space<semaphore_mem>>) src(%dma_wait3A_1116 : memref<131072x128xf32, #tpu.memory_space<hbm>>) dst(%dma_wait3A_1110 : memref<128x128xf32, #tpu.memory_space<vmem>>)
    %lt3A_1117 = arith.constant 22 : i32
    %lt3A_1118 = arith.cmpi slt, %lt3A_1117, %shift_right_arithmetic3A_232 : i32
    %convert_element_type3A_1119 = arith.extui %lt3A_1118 : i1 to i32
    %cond3A_1120 = arith.constant 22 : i32
    %cond3A_1121 = arith.constant 0 : i32
    %cond3A_1122 = arith.cmpi ne, %convert_element_type3A_1119, %cond3A_1121 : i32
    scf.if %cond3A_1122 {
      %min3A = arith.constant 31 : i32
      %min3A_1771 = arith.minsi %cond3A_1120, %min3A : i32
      %dma_start3A = arith.constant 1 : i32
      %dma_start3A_1772 = arith.constant 0 : i32
      %dma_start3A_1773 = arith.constant 0 : i32
      %dma_start3A_1774 = tpu.memref_slice %arg9[%dma_start3A, %dma_start3A_1772, %dma_start3A_1773] : memref<7x128x128xf32, #tpu.memory_space<vmem>> -> memref<1x128x128xf32, #tpu.memory_space<vmem>>
      %dma_start3A_1775 = tpu.memref_squeeze %dma_start3A_1774 : memref<1x128x128xf32, #tpu.memory_space<vmem>> -> memref<128x128xf32, #tpu.memory_space<vmem>>
      %dma_start3A_1776 = arith.constant 0 : i32
      %dma_start3A_1777 = tpu.memref_slice %arg7[%min3A_1771, %dma_start3A_1776] : memref<32x128xi32, #tpu.memory_space<vmem>> -> memref<1x128xi32, #tpu.memory_space<vmem>>
      %dma_start3A_1778 = tpu.memref_squeeze %dma_start3A_1777 : memref<1x128xi32, #tpu.memory_space<vmem>> -> memref<128xi32, #tpu.memory_space<vmem>>
      %dma_start3A_1779 = arith.constant 0 : i32
      %dma_start3A_1780 = arith.constant 0 : i32
      %dma_start3A_1781 = tpu.memref_slice %arg4[%dma_start3A_1779, %dma_start3A_1780] : memref<131072x128xf32, #tpu.memory_space<hbm>> -> memref<131072x128xf32, #tpu.memory_space<hbm>>
      tpu.enqueue_indirect_dma source(%dma_start3A_1781 : memref<131072x128xf32, #tpu.memory_space<hbm>>) target(%dma_start3A_1775 : memref<128x128xf32, #tpu.memory_space<vmem>>) offsets(%dma_start3A_1778 : memref<128xi32, #tpu.memory_space<vmem>>) semaphore(%arg11 : memref<!tpu.dma_semaphore, #tpu.memory_space<semaphore_mem>>)
    } else {
    }
    %not3A_1123 = arith.constant true
    %not3A_1124 = arith.xori %lt3A_1118, %not3A_1123 : i1
    %convert_element_type3A_1125 = arith.extui %not3A_1124 : i1 to i32
    %cond3A_1126 = arith.constant 22 : i32
    %cond3A_1127 = arith.constant 0 : i32
    %cond3A_1128 = arith.cmpi ne, %convert_element_type3A_1125, %cond3A_1127 : i32
    scf.if %cond3A_1128 {
      %sub3A_1771 = arith.subi %cond3A_1126, %shift_right_arithmetic3A_232 : i32
      %dma_start3A = arith.constant 1 : i32
      %dma_start3A_1772 = arith.constant 0 : i32
      %dma_start3A_1773 = arith.constant 0 : i32
      %dma_start3A_1774 = tpu.memref_slice %arg9[%dma_start3A, %dma_start3A_1772, %dma_start3A_1773] : memref<7x128x128xf32, #tpu.memory_space<vmem>> -> memref<1x128x128xf32, #tpu.memory_space<vmem>>
      %dma_start3A_1775 = tpu.memref_squeeze %dma_start3A_1774 : memref<1x128x128xf32, #tpu.memory_space<vmem>> -> memref<128x128xf32, #tpu.memory_space<vmem>>
      %dma_start3A_1776 = arith.constant 0 : i32
      %dma_start3A_1777 = tpu.memref_slice %arg8[%sub3A_1771, %dma_start3A_1776] : memref<32x128xi32, #tpu.memory_space<vmem>> -> memref<1x128xi32, #tpu.memory_space<vmem>>
      %dma_start3A_1778 = tpu.memref_squeeze %dma_start3A_1777 : memref<1x128xi32, #tpu.memory_space<vmem>> -> memref<128xi32, #tpu.memory_space<vmem>>
      %dma_start3A_1779 = arith.constant 0 : i32
      %dma_start3A_1780 = arith.constant 0 : i32
      %dma_start3A_1781 = tpu.memref_slice %arg2[%dma_start3A_1779, %dma_start3A_1780] : memref<131072x128xf32, #tpu.memory_space<hbm>> -> memref<131072x128xf32, #tpu.memory_space<hbm>>
      tpu.enqueue_indirect_dma source(%dma_start3A_1781 : memref<131072x128xf32, #tpu.memory_space<hbm>>) target(%dma_start3A_1775 : memref<128x128xf32, #tpu.memory_space<vmem>>) offsets(%dma_start3A_1778 : memref<128xi32, #tpu.memory_space<vmem>>) semaphore(%arg11 : memref<!tpu.dma_semaphore, #tpu.memory_space<semaphore_mem>>)
    } else {
    }
    %dma_wait3A_1129 = arith.constant 0 : i32
    %dma_wait3A_1130 = arith.constant 4 : i32
    %dma_wait3A_1131 = arith.constant 0 : i32
    %dma_wait3A_1132 = arith.constant 0 : i32
    %dma_wait3A_1133 = tpu.memref_slice %arg9[%dma_wait3A_1130, %dma_wait3A_1131, %dma_wait3A_1132] : memref<7x128x128xf32, #tpu.memory_space<vmem>> -> memref<1x128x128xf32, #tpu.memory_space<vmem>>
    %dma_wait3A_1134 = tpu.memref_squeeze %dma_wait3A_1133 : memref<1x128x128xf32, #tpu.memory_space<vmem>> -> memref<128x128xf32, #tpu.memory_space<vmem>>
    %dma_wait3A_1135 = arith.constant 0 : i32
    %dma_wait3A_1136 = tpu.memref_slice %arg7[%dma_wait3A_1129, %dma_wait3A_1135] : memref<32x128xi32, #tpu.memory_space<vmem>> -> memref<1x128xi32, #tpu.memory_space<vmem>>
    %dma_wait3A_1137 = tpu.memref_squeeze %dma_wait3A_1136 : memref<1x128xi32, #tpu.memory_space<vmem>> -> memref<128xi32, #tpu.memory_space<vmem>>
    %dma_wait3A_1138 = arith.constant 0 : i32
    %dma_wait3A_1139 = arith.constant 0 : i32
    %dma_wait3A_1140 = tpu.memref_slice %arg4[%dma_wait3A_1138, %dma_wait3A_1139] : memref<131072x128xf32, #tpu.memory_space<hbm>> -> memref<131072x128xf32, #tpu.memory_space<hbm>>
    tpu.wait_indirect_dma semaphore(%arg14 : memref<!tpu.dma_semaphore, #tpu.memory_space<semaphore_mem>>) src(%dma_wait3A_1140 : memref<131072x128xf32, #tpu.memory_space<hbm>>) dst(%dma_wait3A_1134 : memref<128x128xf32, #tpu.memory_space<vmem>>)
    %lt3A_1141 = arith.constant 18 : i32
    %lt3A_1142 = arith.cmpi slt, %lt3A_1141, %shift_right_arithmetic3A_232 : i32
    %convert_element_type3A_1143 = arith.extui %lt3A_1142 : i1 to i32
    %cond3A_1144 = arith.constant 18 : i32
    %cond3A_1145 = arith.constant 0 : i32
    %cond3A_1146 = arith.cmpi ne, %convert_element_type3A_1143, %cond3A_1145 : i32
    scf.if %cond3A_1146 {
      %min3A = arith.constant 31 : i32
      %min3A_1771 = arith.minsi %cond3A_1144, %min3A : i32
      %dma_start3A = arith.constant 4 : i32
      %dma_start3A_1772 = arith.constant 0 : i32
      %dma_start3A_1773 = arith.constant 0 : i32
      %dma_start3A_1774 = tpu.memref_slice %arg9[%dma_start3A, %dma_start3A_1772, %dma_start3A_1773] : memref<7x128x128xf32, #tpu.memory_space<vmem>> -> memref<1x128x128xf32, #tpu.memory_space<vmem>>
      %dma_start3A_1775 = tpu.memref_squeeze %dma_start3A_1774 : memref<1x128x128xf32, #tpu.memory_space<vmem>> -> memref<128x128xf32, #tpu.memory_space<vmem>>
      %dma_start3A_1776 = arith.constant 0 : i32
      %dma_start3A_1777 = tpu.memref_slice %arg7[%min3A_1771, %dma_start3A_1776] : memref<32x128xi32, #tpu.memory_space<vmem>> -> memref<1x128xi32, #tpu.memory_space<vmem>>
      %dma_start3A_1778 = tpu.memref_squeeze %dma_start3A_1777 : memref<1x128xi32, #tpu.memory_space<vmem>> -> memref<128xi32, #tpu.memory_space<vmem>>
      %dma_start3A_1779 = arith.constant 0 : i32
      %dma_start3A_1780 = arith.constant 0 : i32
      %dma_start3A_1781 = tpu.memref_slice %arg5[%dma_start3A_1779, %dma_start3A_1780] : memref<131072x128xf32, #tpu.memory_space<hbm>> -> memref<131072x128xf32, #tpu.memory_space<hbm>>
      tpu.enqueue_indirect_dma source(%dma_start3A_1775 : memref<128x128xf32, #tpu.memory_space<vmem>>) target(%dma_start3A_1781 : memref<131072x128xf32, #tpu.memory_space<hbm>>) offsets(%dma_start3A_1778 : memref<128xi32, #tpu.memory_space<vmem>>) semaphore(%arg21 : memref<!tpu.dma_semaphore, #tpu.memory_space<semaphore_mem>>)
    } else {
    }
    %not3A_1147 = arith.constant true
    %not3A_1148 = arith.xori %lt3A_1142, %not3A_1147 : i1
    %convert_element_type3A_1149 = arith.extui %not3A_1148 : i1 to i32
    %cond3A_1150 = arith.constant 18 : i32
    %cond3A_1151 = arith.constant 0 : i32
    %cond3A_1152 = arith.cmpi ne, %convert_element_type3A_1149, %cond3A_1151 : i32
    scf.if %cond3A_1152 {
      %sub3A_1771 = arith.subi %cond3A_1150, %shift_right_arithmetic3A_232 : i32
      %dma_start3A = arith.constant 4 : i32
      %dma_start3A_1772 = arith.constant 0 : i32
      %dma_start3A_1773 = arith.constant 0 : i32
      %dma_start3A_1774 = tpu.memref_slice %arg9[%dma_start3A, %dma_start3A_1772, %dma_start3A_1773] : memref<7x128x128xf32, #tpu.memory_space<vmem>> -> memref<1x128x128xf32, #tpu.memory_space<vmem>>
      %dma_start3A_1775 = tpu.memref_squeeze %dma_start3A_1774 : memref<1x128x128xf32, #tpu.memory_space<vmem>> -> memref<128x128xf32, #tpu.memory_space<vmem>>
      %dma_start3A_1776 = arith.constant 0 : i32
      %dma_start3A_1777 = tpu.memref_slice %arg8[%sub3A_1771, %dma_start3A_1776] : memref<32x128xi32, #tpu.memory_space<vmem>> -> memref<1x128xi32, #tpu.memory_space<vmem>>
      %dma_start3A_1778 = tpu.memref_squeeze %dma_start3A_1777 : memref<1x128xi32, #tpu.memory_space<vmem>> -> memref<128xi32, #tpu.memory_space<vmem>>
      %dma_start3A_1779 = arith.constant 0 : i32
      %dma_start3A_1780 = arith.constant 0 : i32
      %dma_start3A_1781 = tpu.memref_slice %arg5[%dma_start3A_1779, %dma_start3A_1780] : memref<131072x128xf32, #tpu.memory_space<hbm>> -> memref<131072x128xf32, #tpu.memory_space<hbm>>
      tpu.enqueue_indirect_dma source(%dma_start3A_1775 : memref<128x128xf32, #tpu.memory_space<vmem>>) target(%dma_start3A_1781 : memref<131072x128xf32, #tpu.memory_space<hbm>>) offsets(%dma_start3A_1778 : memref<128xi32, #tpu.memory_space<vmem>>) semaphore(%arg21 : memref<!tpu.dma_semaphore, #tpu.memory_space<semaphore_mem>>)
    } else {
    }
    %dma_wait3A_1153 = arith.constant 0 : i32
    %dma_wait3A_1154 = arith.constant 2 : i32
    %dma_wait3A_1155 = arith.constant 0 : i32
    %dma_wait3A_1156 = arith.constant 0 : i32
    %dma_wait3A_1157 = tpu.memref_slice %arg9[%dma_wait3A_1154, %dma_wait3A_1155, %dma_wait3A_1156] : memref<7x128x128xf32, #tpu.memory_space<vmem>> -> memref<1x128x128xf32, #tpu.memory_space<vmem>>
    %dma_wait3A_1158 = tpu.memref_squeeze %dma_wait3A_1157 : memref<1x128x128xf32, #tpu.memory_space<vmem>> -> memref<128x128xf32, #tpu.memory_space<vmem>>
    %dma_wait3A_1159 = arith.constant 0 : i32
    %dma_wait3A_1160 = tpu.memref_slice %arg7[%dma_wait3A_1153, %dma_wait3A_1159] : memref<32x128xi32, #tpu.memory_space<vmem>> -> memref<1x128xi32, #tpu.memory_space<vmem>>
    %dma_wait3A_1161 = tpu.memref_squeeze %dma_wait3A_1160 : memref<1x128xi32, #tpu.memory_space<vmem>> -> memref<128xi32, #tpu.memory_space<vmem>>
    %dma_wait3A_1162 = arith.constant 0 : i32
    %dma_wait3A_1163 = arith.constant 0 : i32
    %dma_wait3A_1164 = tpu.memref_slice %arg4[%dma_wait3A_1162, %dma_wait3A_1163] : memref<131072x128xf32, #tpu.memory_space<hbm>> -> memref<131072x128xf32, #tpu.memory_space<hbm>>
    tpu.wait_indirect_dma semaphore(%arg19 : memref<!tpu.dma_semaphore, #tpu.memory_space<semaphore_mem>>) src(%dma_wait3A_1164 : memref<131072x128xf32, #tpu.memory_space<hbm>>) dst(%dma_wait3A_1158 : memref<128x128xf32, #tpu.memory_space<vmem>>)
    %lt3A_1165 = arith.constant 23 : i32
    %lt3A_1166 = arith.cmpi slt, %lt3A_1165, %shift_right_arithmetic3A_232 : i32
    %convert_element_type3A_1167 = arith.extui %lt3A_1166 : i1 to i32
    %cond3A_1168 = arith.constant 23 : i32
    %cond3A_1169 = arith.constant 0 : i32
    %cond3A_1170 = arith.cmpi ne, %convert_element_type3A_1167, %cond3A_1169 : i32
    scf.if %cond3A_1170 {
      %min3A = arith.constant 31 : i32
      %min3A_1771 = arith.minsi %cond3A_1168, %min3A : i32
      %dma_start3A = arith.constant 2 : i32
      %dma_start3A_1772 = arith.constant 0 : i32
      %dma_start3A_1773 = arith.constant 0 : i32
      %dma_start3A_1774 = tpu.memref_slice %arg9[%dma_start3A, %dma_start3A_1772, %dma_start3A_1773] : memref<7x128x128xf32, #tpu.memory_space<vmem>> -> memref<1x128x128xf32, #tpu.memory_space<vmem>>
      %dma_start3A_1775 = tpu.memref_squeeze %dma_start3A_1774 : memref<1x128x128xf32, #tpu.memory_space<vmem>> -> memref<128x128xf32, #tpu.memory_space<vmem>>
      %dma_start3A_1776 = arith.constant 0 : i32
      %dma_start3A_1777 = tpu.memref_slice %arg7[%min3A_1771, %dma_start3A_1776] : memref<32x128xi32, #tpu.memory_space<vmem>> -> memref<1x128xi32, #tpu.memory_space<vmem>>
      %dma_start3A_1778 = tpu.memref_squeeze %dma_start3A_1777 : memref<1x128xi32, #tpu.memory_space<vmem>> -> memref<128xi32, #tpu.memory_space<vmem>>
      %dma_start3A_1779 = arith.constant 0 : i32
      %dma_start3A_1780 = arith.constant 0 : i32
      %dma_start3A_1781 = tpu.memref_slice %arg4[%dma_start3A_1779, %dma_start3A_1780] : memref<131072x128xf32, #tpu.memory_space<hbm>> -> memref<131072x128xf32, #tpu.memory_space<hbm>>
      tpu.enqueue_indirect_dma source(%dma_start3A_1781 : memref<131072x128xf32, #tpu.memory_space<hbm>>) target(%dma_start3A_1775 : memref<128x128xf32, #tpu.memory_space<vmem>>) offsets(%dma_start3A_1778 : memref<128xi32, #tpu.memory_space<vmem>>) semaphore(%arg12 : memref<!tpu.dma_semaphore, #tpu.memory_space<semaphore_mem>>)
    } else {
    }
    %not3A_1171 = arith.constant true
    %not3A_1172 = arith.xori %lt3A_1166, %not3A_1171 : i1
    %convert_element_type3A_1173 = arith.extui %not3A_1172 : i1 to i32
    %cond3A_1174 = arith.constant 23 : i32
    %cond3A_1175 = arith.constant 0 : i32
    %cond3A_1176 = arith.cmpi ne, %convert_element_type3A_1173, %cond3A_1175 : i32
    scf.if %cond3A_1176 {
      %sub3A_1771 = arith.subi %cond3A_1174, %shift_right_arithmetic3A_232 : i32
      %dma_start3A = arith.constant 2 : i32
      %dma_start3A_1772 = arith.constant 0 : i32
      %dma_start3A_1773 = arith.constant 0 : i32
      %dma_start3A_1774 = tpu.memref_slice %arg9[%dma_start3A, %dma_start3A_1772, %dma_start3A_1773] : memref<7x128x128xf32, #tpu.memory_space<vmem>> -> memref<1x128x128xf32, #tpu.memory_space<vmem>>
      %dma_start3A_1775 = tpu.memref_squeeze %dma_start3A_1774 : memref<1x128x128xf32, #tpu.memory_space<vmem>> -> memref<128x128xf32, #tpu.memory_space<vmem>>
      %dma_start3A_1776 = arith.constant 0 : i32
      %dma_start3A_1777 = tpu.memref_slice %arg8[%sub3A_1771, %dma_start3A_1776] : memref<32x128xi32, #tpu.memory_space<vmem>> -> memref<1x128xi32, #tpu.memory_space<vmem>>
      %dma_start3A_1778 = tpu.memref_squeeze %dma_start3A_1777 : memref<1x128xi32, #tpu.memory_space<vmem>> -> memref<128xi32, #tpu.memory_space<vmem>>
      %dma_start3A_1779 = arith.constant 0 : i32
      %dma_start3A_1780 = arith.constant 0 : i32
      %dma_start3A_1781 = tpu.memref_slice %arg2[%dma_start3A_1779, %dma_start3A_1780] : memref<131072x128xf32, #tpu.memory_space<hbm>> -> memref<131072x128xf32, #tpu.memory_space<hbm>>
      tpu.enqueue_indirect_dma source(%dma_start3A_1781 : memref<131072x128xf32, #tpu.memory_space<hbm>>) target(%dma_start3A_1775 : memref<128x128xf32, #tpu.memory_space<vmem>>) offsets(%dma_start3A_1778 : memref<128xi32, #tpu.memory_space<vmem>>) semaphore(%arg12 : memref<!tpu.dma_semaphore, #tpu.memory_space<semaphore_mem>>)
    } else {
    }
    %dma_wait3A_1177 = arith.constant 0 : i32
    %dma_wait3A_1178 = arith.constant 5 : i32
    %dma_wait3A_1179 = arith.constant 0 : i32
    %dma_wait3A_1180 = arith.constant 0 : i32
    %dma_wait3A_1181 = tpu.memref_slice %arg9[%dma_wait3A_1178, %dma_wait3A_1179, %dma_wait3A_1180] : memref<7x128x128xf32, #tpu.memory_space<vmem>> -> memref<1x128x128xf32, #tpu.memory_space<vmem>>
    %dma_wait3A_1182 = tpu.memref_squeeze %dma_wait3A_1181 : memref<1x128x128xf32, #tpu.memory_space<vmem>> -> memref<128x128xf32, #tpu.memory_space<vmem>>
    %dma_wait3A_1183 = arith.constant 0 : i32
    %dma_wait3A_1184 = tpu.memref_slice %arg7[%dma_wait3A_1177, %dma_wait3A_1183] : memref<32x128xi32, #tpu.memory_space<vmem>> -> memref<1x128xi32, #tpu.memory_space<vmem>>
    %dma_wait3A_1185 = tpu.memref_squeeze %dma_wait3A_1184 : memref<1x128xi32, #tpu.memory_space<vmem>> -> memref<128xi32, #tpu.memory_space<vmem>>
    %dma_wait3A_1186 = arith.constant 0 : i32
    %dma_wait3A_1187 = arith.constant 0 : i32
    %dma_wait3A_1188 = tpu.memref_slice %arg4[%dma_wait3A_1186, %dma_wait3A_1187] : memref<131072x128xf32, #tpu.memory_space<hbm>> -> memref<131072x128xf32, #tpu.memory_space<hbm>>
    tpu.wait_indirect_dma semaphore(%arg15 : memref<!tpu.dma_semaphore, #tpu.memory_space<semaphore_mem>>) src(%dma_wait3A_1188 : memref<131072x128xf32, #tpu.memory_space<hbm>>) dst(%dma_wait3A_1182 : memref<128x128xf32, #tpu.memory_space<vmem>>)
    %lt3A_1189 = arith.constant 19 : i32
    %lt3A_1190 = arith.cmpi slt, %lt3A_1189, %shift_right_arithmetic3A_232 : i32
    %convert_element_type3A_1191 = arith.extui %lt3A_1190 : i1 to i32
    %cond3A_1192 = arith.constant 19 : i32
    %cond3A_1193 = arith.constant 0 : i32
    %cond3A_1194 = arith.cmpi ne, %convert_element_type3A_1191, %cond3A_1193 : i32
    scf.if %cond3A_1194 {
      %min3A = arith.constant 31 : i32
      %min3A_1771 = arith.minsi %cond3A_1192, %min3A : i32
      %dma_start3A = arith.constant 5 : i32
      %dma_start3A_1772 = arith.constant 0 : i32
      %dma_start3A_1773 = arith.constant 0 : i32
      %dma_start3A_1774 = tpu.memref_slice %arg9[%dma_start3A, %dma_start3A_1772, %dma_start3A_1773] : memref<7x128x128xf32, #tpu.memory_space<vmem>> -> memref<1x128x128xf32, #tpu.memory_space<vmem>>
      %dma_start3A_1775 = tpu.memref_squeeze %dma_start3A_1774 : memref<1x128x128xf32, #tpu.memory_space<vmem>> -> memref<128x128xf32, #tpu.memory_space<vmem>>
      %dma_start3A_1776 = arith.constant 0 : i32
      %dma_start3A_1777 = tpu.memref_slice %arg7[%min3A_1771, %dma_start3A_1776] : memref<32x128xi32, #tpu.memory_space<vmem>> -> memref<1x128xi32, #tpu.memory_space<vmem>>
      %dma_start3A_1778 = tpu.memref_squeeze %dma_start3A_1777 : memref<1x128xi32, #tpu.memory_space<vmem>> -> memref<128xi32, #tpu.memory_space<vmem>>
      %dma_start3A_1779 = arith.constant 0 : i32
      %dma_start3A_1780 = arith.constant 0 : i32
      %dma_start3A_1781 = tpu.memref_slice %arg5[%dma_start3A_1779, %dma_start3A_1780] : memref<131072x128xf32, #tpu.memory_space<hbm>> -> memref<131072x128xf32, #tpu.memory_space<hbm>>
      tpu.enqueue_indirect_dma source(%dma_start3A_1775 : memref<128x128xf32, #tpu.memory_space<vmem>>) target(%dma_start3A_1781 : memref<131072x128xf32, #tpu.memory_space<hbm>>) offsets(%dma_start3A_1778 : memref<128xi32, #tpu.memory_space<vmem>>) semaphore(%arg22 : memref<!tpu.dma_semaphore, #tpu.memory_space<semaphore_mem>>)
    } else {
    }
    %not3A_1195 = arith.constant true
    %not3A_1196 = arith.xori %lt3A_1190, %not3A_1195 : i1
    %convert_element_type3A_1197 = arith.extui %not3A_1196 : i1 to i32
    %cond3A_1198 = arith.constant 19 : i32
    %cond3A_1199 = arith.constant 0 : i32
    %cond3A_1200 = arith.cmpi ne, %convert_element_type3A_1197, %cond3A_1199 : i32
    scf.if %cond3A_1200 {
      %sub3A_1771 = arith.subi %cond3A_1198, %shift_right_arithmetic3A_232 : i32
      %dma_start3A = arith.constant 5 : i32
      %dma_start3A_1772 = arith.constant 0 : i32
      %dma_start3A_1773 = arith.constant 0 : i32
      %dma_start3A_1774 = tpu.memref_slice %arg9[%dma_start3A, %dma_start3A_1772, %dma_start3A_1773] : memref<7x128x128xf32, #tpu.memory_space<vmem>> -> memref<1x128x128xf32, #tpu.memory_space<vmem>>
      %dma_start3A_1775 = tpu.memref_squeeze %dma_start3A_1774 : memref<1x128x128xf32, #tpu.memory_space<vmem>> -> memref<128x128xf32, #tpu.memory_space<vmem>>
      %dma_start3A_1776 = arith.constant 0 : i32
      %dma_start3A_1777 = tpu.memref_slice %arg8[%sub3A_1771, %dma_start3A_1776] : memref<32x128xi32, #tpu.memory_space<vmem>> -> memref<1x128xi32, #tpu.memory_space<vmem>>
      %dma_start3A_1778 = tpu.memref_squeeze %dma_start3A_1777 : memref<1x128xi32, #tpu.memory_space<vmem>> -> memref<128xi32, #tpu.memory_space<vmem>>
      %dma_start3A_1779 = arith.constant 0 : i32
      %dma_start3A_1780 = arith.constant 0 : i32
      %dma_start3A_1781 = tpu.memref_slice %arg5[%dma_start3A_1779, %dma_start3A_1780] : memref<131072x128xf32, #tpu.memory_space<hbm>> -> memref<131072x128xf32, #tpu.memory_space<hbm>>
      tpu.enqueue_indirect_dma source(%dma_start3A_1775 : memref<128x128xf32, #tpu.memory_space<vmem>>) target(%dma_start3A_1781 : memref<131072x128xf32, #tpu.memory_space<hbm>>) offsets(%dma_start3A_1778 : memref<128xi32, #tpu.memory_space<vmem>>) semaphore(%arg22 : memref<!tpu.dma_semaphore, #tpu.memory_space<semaphore_mem>>)
    } else {
    }
    %dma_wait3A_1201 = arith.constant 0 : i32
    %dma_wait3A_1202 = arith.constant 3 : i32
    %dma_wait3A_1203 = arith.constant 0 : i32
    %dma_wait3A_1204 = arith.constant 0 : i32
    %dma_wait3A_1205 = tpu.memref_slice %arg9[%dma_wait3A_1202, %dma_wait3A_1203, %dma_wait3A_1204] : memref<7x128x128xf32, #tpu.memory_space<vmem>> -> memref<1x128x128xf32, #tpu.memory_space<vmem>>
    %dma_wait3A_1206 = tpu.memref_squeeze %dma_wait3A_1205 : memref<1x128x128xf32, #tpu.memory_space<vmem>> -> memref<128x128xf32, #tpu.memory_space<vmem>>
    %dma_wait3A_1207 = arith.constant 0 : i32
    %dma_wait3A_1208 = tpu.memref_slice %arg7[%dma_wait3A_1201, %dma_wait3A_1207] : memref<32x128xi32, #tpu.memory_space<vmem>> -> memref<1x128xi32, #tpu.memory_space<vmem>>
    %dma_wait3A_1209 = tpu.memref_squeeze %dma_wait3A_1208 : memref<1x128xi32, #tpu.memory_space<vmem>> -> memref<128xi32, #tpu.memory_space<vmem>>
    %dma_wait3A_1210 = arith.constant 0 : i32
    %dma_wait3A_1211 = arith.constant 0 : i32
    %dma_wait3A_1212 = tpu.memref_slice %arg4[%dma_wait3A_1210, %dma_wait3A_1211] : memref<131072x128xf32, #tpu.memory_space<hbm>> -> memref<131072x128xf32, #tpu.memory_space<hbm>>
    tpu.wait_indirect_dma semaphore(%arg20 : memref<!tpu.dma_semaphore, #tpu.memory_space<semaphore_mem>>) src(%dma_wait3A_1212 : memref<131072x128xf32, #tpu.memory_space<hbm>>) dst(%dma_wait3A_1206 : memref<128x128xf32, #tpu.memory_space<vmem>>)
    %lt3A_1213 = arith.constant 24 : i32
    %lt3A_1214 = arith.cmpi slt, %lt3A_1213, %shift_right_arithmetic3A_232 : i32
    %convert_element_type3A_1215 = arith.extui %lt3A_1214 : i1 to i32
    %cond3A_1216 = arith.constant 24 : i32
    %cond3A_1217 = arith.constant 0 : i32
    %cond3A_1218 = arith.cmpi ne, %convert_element_type3A_1215, %cond3A_1217 : i32
    scf.if %cond3A_1218 {
      %min3A = arith.constant 31 : i32
      %min3A_1771 = arith.minsi %cond3A_1216, %min3A : i32
      %dma_start3A = arith.constant 3 : i32
      %dma_start3A_1772 = arith.constant 0 : i32
      %dma_start3A_1773 = arith.constant 0 : i32
      %dma_start3A_1774 = tpu.memref_slice %arg9[%dma_start3A, %dma_start3A_1772, %dma_start3A_1773] : memref<7x128x128xf32, #tpu.memory_space<vmem>> -> memref<1x128x128xf32, #tpu.memory_space<vmem>>
      %dma_start3A_1775 = tpu.memref_squeeze %dma_start3A_1774 : memref<1x128x128xf32, #tpu.memory_space<vmem>> -> memref<128x128xf32, #tpu.memory_space<vmem>>
      %dma_start3A_1776 = arith.constant 0 : i32
      %dma_start3A_1777 = tpu.memref_slice %arg7[%min3A_1771, %dma_start3A_1776] : memref<32x128xi32, #tpu.memory_space<vmem>> -> memref<1x128xi32, #tpu.memory_space<vmem>>
      %dma_start3A_1778 = tpu.memref_squeeze %dma_start3A_1777 : memref<1x128xi32, #tpu.memory_space<vmem>> -> memref<128xi32, #tpu.memory_space<vmem>>
      %dma_start3A_1779 = arith.constant 0 : i32
      %dma_start3A_1780 = arith.constant 0 : i32
      %dma_start3A_1781 = tpu.memref_slice %arg4[%dma_start3A_1779, %dma_start3A_1780] : memref<131072x128xf32, #tpu.memory_space<hbm>> -> memref<131072x128xf32, #tpu.memory_space<hbm>>
      tpu.enqueue_indirect_dma source(%dma_start3A_1781 : memref<131072x128xf32, #tpu.memory_space<hbm>>) target(%dma_start3A_1775 : memref<128x128xf32, #tpu.memory_space<vmem>>) offsets(%dma_start3A_1778 : memref<128xi32, #tpu.memory_space<vmem>>) semaphore(%arg13 : memref<!tpu.dma_semaphore, #tpu.memory_space<semaphore_mem>>)
    } else {
    }
    %not3A_1219 = arith.constant true
    %not3A_1220 = arith.xori %lt3A_1214, %not3A_1219 : i1
    %convert_element_type3A_1221 = arith.extui %not3A_1220 : i1 to i32
    %cond3A_1222 = arith.constant 24 : i32
    %cond3A_1223 = arith.constant 0 : i32
    %cond3A_1224 = arith.cmpi ne, %convert_element_type3A_1221, %cond3A_1223 : i32
    scf.if %cond3A_1224 {
      %sub3A_1771 = arith.subi %cond3A_1222, %shift_right_arithmetic3A_232 : i32
      %dma_start3A = arith.constant 3 : i32
      %dma_start3A_1772 = arith.constant 0 : i32
      %dma_start3A_1773 = arith.constant 0 : i32
      %dma_start3A_1774 = tpu.memref_slice %arg9[%dma_start3A, %dma_start3A_1772, %dma_start3A_1773] : memref<7x128x128xf32, #tpu.memory_space<vmem>> -> memref<1x128x128xf32, #tpu.memory_space<vmem>>
      %dma_start3A_1775 = tpu.memref_squeeze %dma_start3A_1774 : memref<1x128x128xf32, #tpu.memory_space<vmem>> -> memref<128x128xf32, #tpu.memory_space<vmem>>
      %dma_start3A_1776 = arith.constant 0 : i32
      %dma_start3A_1777 = tpu.memref_slice %arg8[%sub3A_1771, %dma_start3A_1776] : memref<32x128xi32, #tpu.memory_space<vmem>> -> memref<1x128xi32, #tpu.memory_space<vmem>>
      %dma_start3A_1778 = tpu.memref_squeeze %dma_start3A_1777 : memref<1x128xi32, #tpu.memory_space<vmem>> -> memref<128xi32, #tpu.memory_space<vmem>>
      %dma_start3A_1779 = arith.constant 0 : i32
      %dma_start3A_1780 = arith.constant 0 : i32
      %dma_start3A_1781 = tpu.memref_slice %arg2[%dma_start3A_1779, %dma_start3A_1780] : memref<131072x128xf32, #tpu.memory_space<hbm>> -> memref<131072x128xf32, #tpu.memory_space<hbm>>
      tpu.enqueue_indirect_dma source(%dma_start3A_1781 : memref<131072x128xf32, #tpu.memory_space<hbm>>) target(%dma_start3A_1775 : memref<128x128xf32, #tpu.memory_space<vmem>>) offsets(%dma_start3A_1778 : memref<128xi32, #tpu.memory_space<vmem>>) semaphore(%arg13 : memref<!tpu.dma_semaphore, #tpu.memory_space<semaphore_mem>>)
    } else {
    }
    %dma_wait3A_1225 = arith.constant 0 : i32
    %dma_wait3A_1226 = arith.constant 6 : i32
    %dma_wait3A_1227 = arith.constant 0 : i32
    %dma_wait3A_1228 = arith.constant 0 : i32
    %dma_wait3A_1229 = tpu.memref_slice %arg9[%dma_wait3A_1226, %dma_wait3A_1227, %dma_wait3A_1228] : memref<7x128x128xf32, #tpu.memory_space<vmem>> -> memref<1x128x128xf32, #tpu.memory_space<vmem>>
    %dma_wait3A_1230 = tpu.memref_squeeze %dma_wait3A_1229 : memref<1x128x128xf32, #tpu.memory_space<vmem>> -> memref<128x128xf32, #tpu.memory_space<vmem>>
    %dma_wait3A_1231 = arith.constant 0 : i32
    %dma_wait3A_1232 = tpu.memref_slice %arg7[%dma_wait3A_1225, %dma_wait3A_1231] : memref<32x128xi32, #tpu.memory_space<vmem>> -> memref<1x128xi32, #tpu.memory_space<vmem>>
    %dma_wait3A_1233 = tpu.memref_squeeze %dma_wait3A_1232 : memref<1x128xi32, #tpu.memory_space<vmem>> -> memref<128xi32, #tpu.memory_space<vmem>>
    %dma_wait3A_1234 = arith.constant 0 : i32
    %dma_wait3A_1235 = arith.constant 0 : i32
    %dma_wait3A_1236 = tpu.memref_slice %arg4[%dma_wait3A_1234, %dma_wait3A_1235] : memref<131072x128xf32, #tpu.memory_space<hbm>> -> memref<131072x128xf32, #tpu.memory_space<hbm>>
    tpu.wait_indirect_dma semaphore(%arg16 : memref<!tpu.dma_semaphore, #tpu.memory_space<semaphore_mem>>) src(%dma_wait3A_1236 : memref<131072x128xf32, #tpu.memory_space<hbm>>) dst(%dma_wait3A_1230 : memref<128x128xf32, #tpu.memory_space<vmem>>)
    %lt3A_1237 = arith.constant 20 : i32
    %lt3A_1238 = arith.cmpi slt, %lt3A_1237, %shift_right_arithmetic3A_232 : i32
    %convert_element_type3A_1239 = arith.extui %lt3A_1238 : i1 to i32
    %cond3A_1240 = arith.constant 20 : i32
    %cond3A_1241 = arith.constant 0 : i32
    %cond3A_1242 = arith.cmpi ne, %convert_element_type3A_1239, %cond3A_1241 : i32
    scf.if %cond3A_1242 {
      %min3A = arith.constant 31 : i32
      %min3A_1771 = arith.minsi %cond3A_1240, %min3A : i32
      %dma_start3A = arith.constant 6 : i32
      %dma_start3A_1772 = arith.constant 0 : i32
      %dma_start3A_1773 = arith.constant 0 : i32
      %dma_start3A_1774 = tpu.memref_slice %arg9[%dma_start3A, %dma_start3A_1772, %dma_start3A_1773] : memref<7x128x128xf32, #tpu.memory_space<vmem>> -> memref<1x128x128xf32, #tpu.memory_space<vmem>>
      %dma_start3A_1775 = tpu.memref_squeeze %dma_start3A_1774 : memref<1x128x128xf32, #tpu.memory_space<vmem>> -> memref<128x128xf32, #tpu.memory_space<vmem>>
      %dma_start3A_1776 = arith.constant 0 : i32
      %dma_start3A_1777 = tpu.memref_slice %arg7[%min3A_1771, %dma_start3A_1776] : memref<32x128xi32, #tpu.memory_space<vmem>> -> memref<1x128xi32, #tpu.memory_space<vmem>>
      %dma_start3A_1778 = tpu.memref_squeeze %dma_start3A_1777 : memref<1x128xi32, #tpu.memory_space<vmem>> -> memref<128xi32, #tpu.memory_space<vmem>>
      %dma_start3A_1779 = arith.constant 0 : i32
      %dma_start3A_1780 = arith.constant 0 : i32
      %dma_start3A_1781 = tpu.memref_slice %arg5[%dma_start3A_1779, %dma_start3A_1780] : memref<131072x128xf32, #tpu.memory_space<hbm>> -> memref<131072x128xf32, #tpu.memory_space<hbm>>
      tpu.enqueue_indirect_dma source(%dma_start3A_1775 : memref<128x128xf32, #tpu.memory_space<vmem>>) target(%dma_start3A_1781 : memref<131072x128xf32, #tpu.memory_space<hbm>>) offsets(%dma_start3A_1778 : memref<128xi32, #tpu.memory_space<vmem>>) semaphore(%arg23 : memref<!tpu.dma_semaphore, #tpu.memory_space<semaphore_mem>>)
    } else {
    }
    %not3A_1243 = arith.constant true
    %not3A_1244 = arith.xori %lt3A_1238, %not3A_1243 : i1
    %convert_element_type3A_1245 = arith.extui %not3A_1244 : i1 to i32
    %cond3A_1246 = arith.constant 20 : i32
    %cond3A_1247 = arith.constant 0 : i32
    %cond3A_1248 = arith.cmpi ne, %convert_element_type3A_1245, %cond3A_1247 : i32
    scf.if %cond3A_1248 {
      %sub3A_1771 = arith.subi %cond3A_1246, %shift_right_arithmetic3A_232 : i32
      %dma_start3A = arith.constant 6 : i32
      %dma_start3A_1772 = arith.constant 0 : i32
      %dma_start3A_1773 = arith.constant 0 : i32
      %dma_start3A_1774 = tpu.memref_slice %arg9[%dma_start3A, %dma_start3A_1772, %dma_start3A_1773] : memref<7x128x128xf32, #tpu.memory_space<vmem>> -> memref<1x128x128xf32, #tpu.memory_space<vmem>>
      %dma_start3A_1775 = tpu.memref_squeeze %dma_start3A_1774 : memref<1x128x128xf32, #tpu.memory_space<vmem>> -> memref<128x128xf32, #tpu.memory_space<vmem>>
      %dma_start3A_1776 = arith.constant 0 : i32
      %dma_start3A_1777 = tpu.memref_slice %arg8[%sub3A_1771, %dma_start3A_1776] : memref<32x128xi32, #tpu.memory_space<vmem>> -> memref<1x128xi32, #tpu.memory_space<vmem>>
      %dma_start3A_1778 = tpu.memref_squeeze %dma_start3A_1777 : memref<1x128xi32, #tpu.memory_space<vmem>> -> memref<128xi32, #tpu.memory_space<vmem>>
      %dma_start3A_1779 = arith.constant 0 : i32
      %dma_start3A_1780 = arith.constant 0 : i32
      %dma_start3A_1781 = tpu.memref_slice %arg5[%dma_start3A_1779, %dma_start3A_1780] : memref<131072x128xf32, #tpu.memory_space<hbm>> -> memref<131072x128xf32, #tpu.memory_space<hbm>>
      tpu.enqueue_indirect_dma source(%dma_start3A_1775 : memref<128x128xf32, #tpu.memory_space<vmem>>) target(%dma_start3A_1781 : memref<131072x128xf32, #tpu.memory_space<hbm>>) offsets(%dma_start3A_1778 : memref<128xi32, #tpu.memory_space<vmem>>) semaphore(%arg23 : memref<!tpu.dma_semaphore, #tpu.memory_space<semaphore_mem>>)
    } else {
    }
    %dma_wait3A_1249 = arith.constant 0 : i32
    %dma_wait3A_1250 = arith.constant 4 : i32
    %dma_wait3A_1251 = arith.constant 0 : i32
    %dma_wait3A_1252 = arith.constant 0 : i32
    %dma_wait3A_1253 = tpu.memref_slice %arg9[%dma_wait3A_1250, %dma_wait3A_1251, %dma_wait3A_1252] : memref<7x128x128xf32, #tpu.memory_space<vmem>> -> memref<1x128x128xf32, #tpu.memory_space<vmem>>
    %dma_wait3A_1254 = tpu.memref_squeeze %dma_wait3A_1253 : memref<1x128x128xf32, #tpu.memory_space<vmem>> -> memref<128x128xf32, #tpu.memory_space<vmem>>
    %dma_wait3A_1255 = arith.constant 0 : i32
    %dma_wait3A_1256 = tpu.memref_slice %arg7[%dma_wait3A_1249, %dma_wait3A_1255] : memref<32x128xi32, #tpu.memory_space<vmem>> -> memref<1x128xi32, #tpu.memory_space<vmem>>
    %dma_wait3A_1257 = tpu.memref_squeeze %dma_wait3A_1256 : memref<1x128xi32, #tpu.memory_space<vmem>> -> memref<128xi32, #tpu.memory_space<vmem>>
    %dma_wait3A_1258 = arith.constant 0 : i32
    %dma_wait3A_1259 = arith.constant 0 : i32
    %dma_wait3A_1260 = tpu.memref_slice %arg4[%dma_wait3A_1258, %dma_wait3A_1259] : memref<131072x128xf32, #tpu.memory_space<hbm>> -> memref<131072x128xf32, #tpu.memory_space<hbm>>
    tpu.wait_indirect_dma semaphore(%arg21 : memref<!tpu.dma_semaphore, #tpu.memory_space<semaphore_mem>>) src(%dma_wait3A_1260 : memref<131072x128xf32, #tpu.memory_space<hbm>>) dst(%dma_wait3A_1254 : memref<128x128xf32, #tpu.memory_space<vmem>>)
    %lt3A_1261 = arith.constant 25 : i32
    %lt3A_1262 = arith.cmpi slt, %lt3A_1261, %shift_right_arithmetic3A_232 : i32
    %convert_element_type3A_1263 = arith.extui %lt3A_1262 : i1 to i32
    %cond3A_1264 = arith.constant 25 : i32
    %cond3A_1265 = arith.constant 0 : i32
    %cond3A_1266 = arith.cmpi ne, %convert_element_type3A_1263, %cond3A_1265 : i32
    scf.if %cond3A_1266 {
      %min3A = arith.constant 31 : i32
      %min3A_1771 = arith.minsi %cond3A_1264, %min3A : i32
      %dma_start3A = arith.constant 4 : i32
      %dma_start3A_1772 = arith.constant 0 : i32
      %dma_start3A_1773 = arith.constant 0 : i32
      %dma_start3A_1774 = tpu.memref_slice %arg9[%dma_start3A, %dma_start3A_1772, %dma_start3A_1773] : memref<7x128x128xf32, #tpu.memory_space<vmem>> -> memref<1x128x128xf32, #tpu.memory_space<vmem>>
      %dma_start3A_1775 = tpu.memref_squeeze %dma_start3A_1774 : memref<1x128x128xf32, #tpu.memory_space<vmem>> -> memref<128x128xf32, #tpu.memory_space<vmem>>
      %dma_start3A_1776 = arith.constant 0 : i32
      %dma_start3A_1777 = tpu.memref_slice %arg7[%min3A_1771, %dma_start3A_1776] : memref<32x128xi32, #tpu.memory_space<vmem>> -> memref<1x128xi32, #tpu.memory_space<vmem>>
      %dma_start3A_1778 = tpu.memref_squeeze %dma_start3A_1777 : memref<1x128xi32, #tpu.memory_space<vmem>> -> memref<128xi32, #tpu.memory_space<vmem>>
      %dma_start3A_1779 = arith.constant 0 : i32
      %dma_start3A_1780 = arith.constant 0 : i32
      %dma_start3A_1781 = tpu.memref_slice %arg4[%dma_start3A_1779, %dma_start3A_1780] : memref<131072x128xf32, #tpu.memory_space<hbm>> -> memref<131072x128xf32, #tpu.memory_space<hbm>>
      tpu.enqueue_indirect_dma source(%dma_start3A_1781 : memref<131072x128xf32, #tpu.memory_space<hbm>>) target(%dma_start3A_1775 : memref<128x128xf32, #tpu.memory_space<vmem>>) offsets(%dma_start3A_1778 : memref<128xi32, #tpu.memory_space<vmem>>) semaphore(%arg14 : memref<!tpu.dma_semaphore, #tpu.memory_space<semaphore_mem>>)
    } else {
    }
    %not3A_1267 = arith.constant true
    %not3A_1268 = arith.xori %lt3A_1262, %not3A_1267 : i1
    %convert_element_type3A_1269 = arith.extui %not3A_1268 : i1 to i32
    %cond3A_1270 = arith.constant 25 : i32
    %cond3A_1271 = arith.constant 0 : i32
    %cond3A_1272 = arith.cmpi ne, %convert_element_type3A_1269, %cond3A_1271 : i32
    scf.if %cond3A_1272 {
      %sub3A_1771 = arith.subi %cond3A_1270, %shift_right_arithmetic3A_232 : i32
      %dma_start3A = arith.constant 4 : i32
      %dma_start3A_1772 = arith.constant 0 : i32
      %dma_start3A_1773 = arith.constant 0 : i32
      %dma_start3A_1774 = tpu.memref_slice %arg9[%dma_start3A, %dma_start3A_1772, %dma_start3A_1773] : memref<7x128x128xf32, #tpu.memory_space<vmem>> -> memref<1x128x128xf32, #tpu.memory_space<vmem>>
      %dma_start3A_1775 = tpu.memref_squeeze %dma_start3A_1774 : memref<1x128x128xf32, #tpu.memory_space<vmem>> -> memref<128x128xf32, #tpu.memory_space<vmem>>
      %dma_start3A_1776 = arith.constant 0 : i32
      %dma_start3A_1777 = tpu.memref_slice %arg8[%sub3A_1771, %dma_start3A_1776] : memref<32x128xi32, #tpu.memory_space<vmem>> -> memref<1x128xi32, #tpu.memory_space<vmem>>
      %dma_start3A_1778 = tpu.memref_squeeze %dma_start3A_1777 : memref<1x128xi32, #tpu.memory_space<vmem>> -> memref<128xi32, #tpu.memory_space<vmem>>
      %dma_start3A_1779 = arith.constant 0 : i32
      %dma_start3A_1780 = arith.constant 0 : i32
      %dma_start3A_1781 = tpu.memref_slice %arg2[%dma_start3A_1779, %dma_start3A_1780] : memref<131072x128xf32, #tpu.memory_space<hbm>> -> memref<131072x128xf32, #tpu.memory_space<hbm>>
      tpu.enqueue_indirect_dma source(%dma_start3A_1781 : memref<131072x128xf32, #tpu.memory_space<hbm>>) target(%dma_start3A_1775 : memref<128x128xf32, #tpu.memory_space<vmem>>) offsets(%dma_start3A_1778 : memref<128xi32, #tpu.memory_space<vmem>>) semaphore(%arg14 : memref<!tpu.dma_semaphore, #tpu.memory_space<semaphore_mem>>)
    } else {
    }
    %dma_wait3A_1273 = arith.constant 0 : i32
    %dma_wait3A_1274 = arith.constant 0 : i32
    %dma_wait3A_1275 = arith.constant 0 : i32
    %dma_wait3A_1276 = arith.constant 0 : i32
    %dma_wait3A_1277 = tpu.memref_slice %arg9[%dma_wait3A_1274, %dma_wait3A_1275, %dma_wait3A_1276] : memref<7x128x128xf32, #tpu.memory_space<vmem>> -> memref<1x128x128xf32, #tpu.memory_space<vmem>>
    %dma_wait3A_1278 = tpu.memref_squeeze %dma_wait3A_1277 : memref<1x128x128xf32, #tpu.memory_space<vmem>> -> memref<128x128xf32, #tpu.memory_space<vmem>>
    %dma_wait3A_1279 = arith.constant 0 : i32
    %dma_wait3A_1280 = tpu.memref_slice %arg7[%dma_wait3A_1273, %dma_wait3A_1279] : memref<32x128xi32, #tpu.memory_space<vmem>> -> memref<1x128xi32, #tpu.memory_space<vmem>>
    %dma_wait3A_1281 = tpu.memref_squeeze %dma_wait3A_1280 : memref<1x128xi32, #tpu.memory_space<vmem>> -> memref<128xi32, #tpu.memory_space<vmem>>
    %dma_wait3A_1282 = arith.constant 0 : i32
    %dma_wait3A_1283 = arith.constant 0 : i32
    %dma_wait3A_1284 = tpu.memref_slice %arg4[%dma_wait3A_1282, %dma_wait3A_1283] : memref<131072x128xf32, #tpu.memory_space<hbm>> -> memref<131072x128xf32, #tpu.memory_space<hbm>>
    tpu.wait_indirect_dma semaphore(%arg10 : memref<!tpu.dma_semaphore, #tpu.memory_space<semaphore_mem>>) src(%dma_wait3A_1284 : memref<131072x128xf32, #tpu.memory_space<hbm>>) dst(%dma_wait3A_1278 : memref<128x128xf32, #tpu.memory_space<vmem>>)
    %lt3A_1285 = arith.constant 21 : i32
    %lt3A_1286 = arith.cmpi slt, %lt3A_1285, %shift_right_arithmetic3A_232 : i32
    %convert_element_type3A_1287 = arith.extui %lt3A_1286 : i1 to i32
    %cond3A_1288 = arith.constant 21 : i32
    %cond3A_1289 = arith.constant 0 : i32
    %cond3A_1290 = arith.cmpi ne, %convert_element_type3A_1287, %cond3A_1289 : i32
    scf.if %cond3A_1290 {
      %min3A = arith.constant 31 : i32
      %min3A_1771 = arith.minsi %cond3A_1288, %min3A : i32
      %dma_start3A = arith.constant 0 : i32
      %dma_start3A_1772 = arith.constant 0 : i32
      %dma_start3A_1773 = arith.constant 0 : i32
      %dma_start3A_1774 = tpu.memref_slice %arg9[%dma_start3A, %dma_start3A_1772, %dma_start3A_1773] : memref<7x128x128xf32, #tpu.memory_space<vmem>> -> memref<1x128x128xf32, #tpu.memory_space<vmem>>
      %dma_start3A_1775 = tpu.memref_squeeze %dma_start3A_1774 : memref<1x128x128xf32, #tpu.memory_space<vmem>> -> memref<128x128xf32, #tpu.memory_space<vmem>>
      %dma_start3A_1776 = arith.constant 0 : i32
      %dma_start3A_1777 = tpu.memref_slice %arg7[%min3A_1771, %dma_start3A_1776] : memref<32x128xi32, #tpu.memory_space<vmem>> -> memref<1x128xi32, #tpu.memory_space<vmem>>
      %dma_start3A_1778 = tpu.memref_squeeze %dma_start3A_1777 : memref<1x128xi32, #tpu.memory_space<vmem>> -> memref<128xi32, #tpu.memory_space<vmem>>
      %dma_start3A_1779 = arith.constant 0 : i32
      %dma_start3A_1780 = arith.constant 0 : i32
      %dma_start3A_1781 = tpu.memref_slice %arg5[%dma_start3A_1779, %dma_start3A_1780] : memref<131072x128xf32, #tpu.memory_space<hbm>> -> memref<131072x128xf32, #tpu.memory_space<hbm>>
      tpu.enqueue_indirect_dma source(%dma_start3A_1775 : memref<128x128xf32, #tpu.memory_space<vmem>>) target(%dma_start3A_1781 : memref<131072x128xf32, #tpu.memory_space<hbm>>) offsets(%dma_start3A_1778 : memref<128xi32, #tpu.memory_space<vmem>>) semaphore(%arg17 : memref<!tpu.dma_semaphore, #tpu.memory_space<semaphore_mem>>)
    } else {
    }
    %not3A_1291 = arith.constant true
    %not3A_1292 = arith.xori %lt3A_1286, %not3A_1291 : i1
    %convert_element_type3A_1293 = arith.extui %not3A_1292 : i1 to i32
    %cond3A_1294 = arith.constant 21 : i32
    %cond3A_1295 = arith.constant 0 : i32
    %cond3A_1296 = arith.cmpi ne, %convert_element_type3A_1293, %cond3A_1295 : i32
    scf.if %cond3A_1296 {
      %sub3A_1771 = arith.subi %cond3A_1294, %shift_right_arithmetic3A_232 : i32
      %dma_start3A = arith.constant 0 : i32
      %dma_start3A_1772 = arith.constant 0 : i32
      %dma_start3A_1773 = arith.constant 0 : i32
      %dma_start3A_1774 = tpu.memref_slice %arg9[%dma_start3A, %dma_start3A_1772, %dma_start3A_1773] : memref<7x128x128xf32, #tpu.memory_space<vmem>> -> memref<1x128x128xf32, #tpu.memory_space<vmem>>
      %dma_start3A_1775 = tpu.memref_squeeze %dma_start3A_1774 : memref<1x128x128xf32, #tpu.memory_space<vmem>> -> memref<128x128xf32, #tpu.memory_space<vmem>>
      %dma_start3A_1776 = arith.constant 0 : i32
      %dma_start3A_1777 = tpu.memref_slice %arg8[%sub3A_1771, %dma_start3A_1776] : memref<32x128xi32, #tpu.memory_space<vmem>> -> memref<1x128xi32, #tpu.memory_space<vmem>>
      %dma_start3A_1778 = tpu.memref_squeeze %dma_start3A_1777 : memref<1x128xi32, #tpu.memory_space<vmem>> -> memref<128xi32, #tpu.memory_space<vmem>>
      %dma_start3A_1779 = arith.constant 0 : i32
      %dma_start3A_1780 = arith.constant 0 : i32
      %dma_start3A_1781 = tpu.memref_slice %arg5[%dma_start3A_1779, %dma_start3A_1780] : memref<131072x128xf32, #tpu.memory_space<hbm>> -> memref<131072x128xf32, #tpu.memory_space<hbm>>
      tpu.enqueue_indirect_dma source(%dma_start3A_1775 : memref<128x128xf32, #tpu.memory_space<vmem>>) target(%dma_start3A_1781 : memref<131072x128xf32, #tpu.memory_space<hbm>>) offsets(%dma_start3A_1778 : memref<128xi32, #tpu.memory_space<vmem>>) semaphore(%arg17 : memref<!tpu.dma_semaphore, #tpu.memory_space<semaphore_mem>>)
    } else {
    }
    %dma_wait3A_1297 = arith.constant 0 : i32
    %dma_wait3A_1298 = arith.constant 5 : i32
    %dma_wait3A_1299 = arith.constant 0 : i32
    %dma_wait3A_1300 = arith.constant 0 : i32
    %dma_wait3A_1301 = tpu.memref_slice %arg9[%dma_wait3A_1298, %dma_wait3A_1299, %dma_wait3A_1300] : memref<7x128x128xf32, #tpu.memory_space<vmem>> -> memref<1x128x128xf32, #tpu.memory_space<vmem>>
    %dma_wait3A_1302 = tpu.memref_squeeze %dma_wait3A_1301 : memref<1x128x128xf32, #tpu.memory_space<vmem>> -> memref<128x128xf32, #tpu.memory_space<vmem>>
    %dma_wait3A_1303 = arith.constant 0 : i32
    %dma_wait3A_1304 = tpu.memref_slice %arg7[%dma_wait3A_1297, %dma_wait3A_1303] : memref<32x128xi32, #tpu.memory_space<vmem>> -> memref<1x128xi32, #tpu.memory_space<vmem>>
    %dma_wait3A_1305 = tpu.memref_squeeze %dma_wait3A_1304 : memref<1x128xi32, #tpu.memory_space<vmem>> -> memref<128xi32, #tpu.memory_space<vmem>>
    %dma_wait3A_1306 = arith.constant 0 : i32
    %dma_wait3A_1307 = arith.constant 0 : i32
    %dma_wait3A_1308 = tpu.memref_slice %arg4[%dma_wait3A_1306, %dma_wait3A_1307] : memref<131072x128xf32, #tpu.memory_space<hbm>> -> memref<131072x128xf32, #tpu.memory_space<hbm>>
    tpu.wait_indirect_dma semaphore(%arg22 : memref<!tpu.dma_semaphore, #tpu.memory_space<semaphore_mem>>) src(%dma_wait3A_1308 : memref<131072x128xf32, #tpu.memory_space<hbm>>) dst(%dma_wait3A_1302 : memref<128x128xf32, #tpu.memory_space<vmem>>)
    %lt3A_1309 = arith.constant 26 : i32
    %lt3A_1310 = arith.cmpi slt, %lt3A_1309, %shift_right_arithmetic3A_232 : i32
    %convert_element_type3A_1311 = arith.extui %lt3A_1310 : i1 to i32
    %cond3A_1312 = arith.constant 26 : i32
    %cond3A_1313 = arith.constant 0 : i32
    %cond3A_1314 = arith.cmpi ne, %convert_element_type3A_1311, %cond3A_1313 : i32
    scf.if %cond3A_1314 {
      %min3A = arith.constant 31 : i32
      %min3A_1771 = arith.minsi %cond3A_1312, %min3A : i32
      %dma_start3A = arith.constant 5 : i32
      %dma_start3A_1772 = arith.constant 0 : i32
      %dma_start3A_1773 = arith.constant 0 : i32
      %dma_start3A_1774 = tpu.memref_slice %arg9[%dma_start3A, %dma_start3A_1772, %dma_start3A_1773] : memref<7x128x128xf32, #tpu.memory_space<vmem>> -> memref<1x128x128xf32, #tpu.memory_space<vmem>>
      %dma_start3A_1775 = tpu.memref_squeeze %dma_start3A_1774 : memref<1x128x128xf32, #tpu.memory_space<vmem>> -> memref<128x128xf32, #tpu.memory_space<vmem>>
      %dma_start3A_1776 = arith.constant 0 : i32
      %dma_start3A_1777 = tpu.memref_slice %arg7[%min3A_1771, %dma_start3A_1776] : memref<32x128xi32, #tpu.memory_space<vmem>> -> memref<1x128xi32, #tpu.memory_space<vmem>>
      %dma_start3A_1778 = tpu.memref_squeeze %dma_start3A_1777 : memref<1x128xi32, #tpu.memory_space<vmem>> -> memref<128xi32, #tpu.memory_space<vmem>>
      %dma_start3A_1779 = arith.constant 0 : i32
      %dma_start3A_1780 = arith.constant 0 : i32
      %dma_start3A_1781 = tpu.memref_slice %arg4[%dma_start3A_1779, %dma_start3A_1780] : memref<131072x128xf32, #tpu.memory_space<hbm>> -> memref<131072x128xf32, #tpu.memory_space<hbm>>
      tpu.enqueue_indirect_dma source(%dma_start3A_1781 : memref<131072x128xf32, #tpu.memory_space<hbm>>) target(%dma_start3A_1775 : memref<128x128xf32, #tpu.memory_space<vmem>>) offsets(%dma_start3A_1778 : memref<128xi32, #tpu.memory_space<vmem>>) semaphore(%arg15 : memref<!tpu.dma_semaphore, #tpu.memory_space<semaphore_mem>>)
    } else {
    }
    %not3A_1315 = arith.constant true
    %not3A_1316 = arith.xori %lt3A_1310, %not3A_1315 : i1
    %convert_element_type3A_1317 = arith.extui %not3A_1316 : i1 to i32
    %cond3A_1318 = arith.constant 26 : i32
    %cond3A_1319 = arith.constant 0 : i32
    %cond3A_1320 = arith.cmpi ne, %convert_element_type3A_1317, %cond3A_1319 : i32
    scf.if %cond3A_1320 {
      %sub3A_1771 = arith.subi %cond3A_1318, %shift_right_arithmetic3A_232 : i32
      %dma_start3A = arith.constant 5 : i32
      %dma_start3A_1772 = arith.constant 0 : i32
      %dma_start3A_1773 = arith.constant 0 : i32
      %dma_start3A_1774 = tpu.memref_slice %arg9[%dma_start3A, %dma_start3A_1772, %dma_start3A_1773] : memref<7x128x128xf32, #tpu.memory_space<vmem>> -> memref<1x128x128xf32, #tpu.memory_space<vmem>>
      %dma_start3A_1775 = tpu.memref_squeeze %dma_start3A_1774 : memref<1x128x128xf32, #tpu.memory_space<vmem>> -> memref<128x128xf32, #tpu.memory_space<vmem>>
      %dma_start3A_1776 = arith.constant 0 : i32
      %dma_start3A_1777 = tpu.memref_slice %arg8[%sub3A_1771, %dma_start3A_1776] : memref<32x128xi32, #tpu.memory_space<vmem>> -> memref<1x128xi32, #tpu.memory_space<vmem>>
      %dma_start3A_1778 = tpu.memref_squeeze %dma_start3A_1777 : memref<1x128xi32, #tpu.memory_space<vmem>> -> memref<128xi32, #tpu.memory_space<vmem>>
      %dma_start3A_1779 = arith.constant 0 : i32
      %dma_start3A_1780 = arith.constant 0 : i32
      %dma_start3A_1781 = tpu.memref_slice %arg2[%dma_start3A_1779, %dma_start3A_1780] : memref<131072x128xf32, #tpu.memory_space<hbm>> -> memref<131072x128xf32, #tpu.memory_space<hbm>>
      tpu.enqueue_indirect_dma source(%dma_start3A_1781 : memref<131072x128xf32, #tpu.memory_space<hbm>>) target(%dma_start3A_1775 : memref<128x128xf32, #tpu.memory_space<vmem>>) offsets(%dma_start3A_1778 : memref<128xi32, #tpu.memory_space<vmem>>) semaphore(%arg15 : memref<!tpu.dma_semaphore, #tpu.memory_space<semaphore_mem>>)
    } else {
    }
    %dma_wait3A_1321 = arith.constant 0 : i32
    %dma_wait3A_1322 = arith.constant 1 : i32
    %dma_wait3A_1323 = arith.constant 0 : i32
    %dma_wait3A_1324 = arith.constant 0 : i32
    %dma_wait3A_1325 = tpu.memref_slice %arg9[%dma_wait3A_1322, %dma_wait3A_1323, %dma_wait3A_1324] : memref<7x128x128xf32, #tpu.memory_space<vmem>> -> memref<1x128x128xf32, #tpu.memory_space<vmem>>
    %dma_wait3A_1326 = tpu.memref_squeeze %dma_wait3A_1325 : memref<1x128x128xf32, #tpu.memory_space<vmem>> -> memref<128x128xf32, #tpu.memory_space<vmem>>
    %dma_wait3A_1327 = arith.constant 0 : i32
    %dma_wait3A_1328 = tpu.memref_slice %arg7[%dma_wait3A_1321, %dma_wait3A_1327] : memref<32x128xi32, #tpu.memory_space<vmem>> -> memref<1x128xi32, #tpu.memory_space<vmem>>
    %dma_wait3A_1329 = tpu.memref_squeeze %dma_wait3A_1328 : memref<1x128xi32, #tpu.memory_space<vmem>> -> memref<128xi32, #tpu.memory_space<vmem>>
    %dma_wait3A_1330 = arith.constant 0 : i32
    %dma_wait3A_1331 = arith.constant 0 : i32
    %dma_wait3A_1332 = tpu.memref_slice %arg4[%dma_wait3A_1330, %dma_wait3A_1331] : memref<131072x128xf32, #tpu.memory_space<hbm>> -> memref<131072x128xf32, #tpu.memory_space<hbm>>
    tpu.wait_indirect_dma semaphore(%arg11 : memref<!tpu.dma_semaphore, #tpu.memory_space<semaphore_mem>>) src(%dma_wait3A_1332 : memref<131072x128xf32, #tpu.memory_space<hbm>>) dst(%dma_wait3A_1326 : memref<128x128xf32, #tpu.memory_space<vmem>>)
    %lt3A_1333 = arith.constant 22 : i32
    %lt3A_1334 = arith.cmpi slt, %lt3A_1333, %shift_right_arithmetic3A_232 : i32
    %convert_element_type3A_1335 = arith.extui %lt3A_1334 : i1 to i32
    %cond3A_1336 = arith.constant 22 : i32
    %cond3A_1337 = arith.constant 0 : i32
    %cond3A_1338 = arith.cmpi ne, %convert_element_type3A_1335, %cond3A_1337 : i32
    scf.if %cond3A_1338 {
      %min3A = arith.constant 31 : i32
      %min3A_1771 = arith.minsi %cond3A_1336, %min3A : i32
      %dma_start3A = arith.constant 1 : i32
      %dma_start3A_1772 = arith.constant 0 : i32
      %dma_start3A_1773 = arith.constant 0 : i32
      %dma_start3A_1774 = tpu.memref_slice %arg9[%dma_start3A, %dma_start3A_1772, %dma_start3A_1773] : memref<7x128x128xf32, #tpu.memory_space<vmem>> -> memref<1x128x128xf32, #tpu.memory_space<vmem>>
      %dma_start3A_1775 = tpu.memref_squeeze %dma_start3A_1774 : memref<1x128x128xf32, #tpu.memory_space<vmem>> -> memref<128x128xf32, #tpu.memory_space<vmem>>
      %dma_start3A_1776 = arith.constant 0 : i32
      %dma_start3A_1777 = tpu.memref_slice %arg7[%min3A_1771, %dma_start3A_1776] : memref<32x128xi32, #tpu.memory_space<vmem>> -> memref<1x128xi32, #tpu.memory_space<vmem>>
      %dma_start3A_1778 = tpu.memref_squeeze %dma_start3A_1777 : memref<1x128xi32, #tpu.memory_space<vmem>> -> memref<128xi32, #tpu.memory_space<vmem>>
      %dma_start3A_1779 = arith.constant 0 : i32
      %dma_start3A_1780 = arith.constant 0 : i32
      %dma_start3A_1781 = tpu.memref_slice %arg5[%dma_start3A_1779, %dma_start3A_1780] : memref<131072x128xf32, #tpu.memory_space<hbm>> -> memref<131072x128xf32, #tpu.memory_space<hbm>>
      tpu.enqueue_indirect_dma source(%dma_start3A_1775 : memref<128x128xf32, #tpu.memory_space<vmem>>) target(%dma_start3A_1781 : memref<131072x128xf32, #tpu.memory_space<hbm>>) offsets(%dma_start3A_1778 : memref<128xi32, #tpu.memory_space<vmem>>) semaphore(%arg18 : memref<!tpu.dma_semaphore, #tpu.memory_space<semaphore_mem>>)
    } else {
    }
    %not3A_1339 = arith.constant true
    %not3A_1340 = arith.xori %lt3A_1334, %not3A_1339 : i1
    %convert_element_type3A_1341 = arith.extui %not3A_1340 : i1 to i32
    %cond3A_1342 = arith.constant 22 : i32
    %cond3A_1343 = arith.constant 0 : i32
    %cond3A_1344 = arith.cmpi ne, %convert_element_type3A_1341, %cond3A_1343 : i32
    scf.if %cond3A_1344 {
      %sub3A_1771 = arith.subi %cond3A_1342, %shift_right_arithmetic3A_232 : i32
      %dma_start3A = arith.constant 1 : i32
      %dma_start3A_1772 = arith.constant 0 : i32
      %dma_start3A_1773 = arith.constant 0 : i32
      %dma_start3A_1774 = tpu.memref_slice %arg9[%dma_start3A, %dma_start3A_1772, %dma_start3A_1773] : memref<7x128x128xf32, #tpu.memory_space<vmem>> -> memref<1x128x128xf32, #tpu.memory_space<vmem>>
      %dma_start3A_1775 = tpu.memref_squeeze %dma_start3A_1774 : memref<1x128x128xf32, #tpu.memory_space<vmem>> -> memref<128x128xf32, #tpu.memory_space<vmem>>
      %dma_start3A_1776 = arith.constant 0 : i32
      %dma_start3A_1777 = tpu.memref_slice %arg8[%sub3A_1771, %dma_start3A_1776] : memref<32x128xi32, #tpu.memory_space<vmem>> -> memref<1x128xi32, #tpu.memory_space<vmem>>
      %dma_start3A_1778 = tpu.memref_squeeze %dma_start3A_1777 : memref<1x128xi32, #tpu.memory_space<vmem>> -> memref<128xi32, #tpu.memory_space<vmem>>
      %dma_start3A_1779 = arith.constant 0 : i32
      %dma_start3A_1780 = arith.constant 0 : i32
      %dma_start3A_1781 = tpu.memref_slice %arg5[%dma_start3A_1779, %dma_start3A_1780] : memref<131072x128xf32, #tpu.memory_space<hbm>> -> memref<131072x128xf32, #tpu.memory_space<hbm>>
      tpu.enqueue_indirect_dma source(%dma_start3A_1775 : memref<128x128xf32, #tpu.memory_space<vmem>>) target(%dma_start3A_1781 : memref<131072x128xf32, #tpu.memory_space<hbm>>) offsets(%dma_start3A_1778 : memref<128xi32, #tpu.memory_space<vmem>>) semaphore(%arg18 : memref<!tpu.dma_semaphore, #tpu.memory_space<semaphore_mem>>)
    } else {
    }
    %dma_wait3A_1345 = arith.constant 0 : i32
    %dma_wait3A_1346 = arith.constant 6 : i32
    %dma_wait3A_1347 = arith.constant 0 : i32
    %dma_wait3A_1348 = arith.constant 0 : i32
    %dma_wait3A_1349 = tpu.memref_slice %arg9[%dma_wait3A_1346, %dma_wait3A_1347, %dma_wait3A_1348] : memref<7x128x128xf32, #tpu.memory_space<vmem>> -> memref<1x128x128xf32, #tpu.memory_space<vmem>>
    %dma_wait3A_1350 = tpu.memref_squeeze %dma_wait3A_1349 : memref<1x128x128xf32, #tpu.memory_space<vmem>> -> memref<128x128xf32, #tpu.memory_space<vmem>>
    %dma_wait3A_1351 = arith.constant 0 : i32
    %dma_wait3A_1352 = tpu.memref_slice %arg7[%dma_wait3A_1345, %dma_wait3A_1351] : memref<32x128xi32, #tpu.memory_space<vmem>> -> memref<1x128xi32, #tpu.memory_space<vmem>>
    %dma_wait3A_1353 = tpu.memref_squeeze %dma_wait3A_1352 : memref<1x128xi32, #tpu.memory_space<vmem>> -> memref<128xi32, #tpu.memory_space<vmem>>
    %dma_wait3A_1354 = arith.constant 0 : i32
    %dma_wait3A_1355 = arith.constant 0 : i32
    %dma_wait3A_1356 = tpu.memref_slice %arg4[%dma_wait3A_1354, %dma_wait3A_1355] : memref<131072x128xf32, #tpu.memory_space<hbm>> -> memref<131072x128xf32, #tpu.memory_space<hbm>>
    tpu.wait_indirect_dma semaphore(%arg23 : memref<!tpu.dma_semaphore, #tpu.memory_space<semaphore_mem>>) src(%dma_wait3A_1356 : memref<131072x128xf32, #tpu.memory_space<hbm>>) dst(%dma_wait3A_1350 : memref<128x128xf32, #tpu.memory_space<vmem>>)
    %lt3A_1357 = arith.constant 27 : i32
    %lt3A_1358 = arith.cmpi slt, %lt3A_1357, %shift_right_arithmetic3A_232 : i32
    %convert_element_type3A_1359 = arith.extui %lt3A_1358 : i1 to i32
    %cond3A_1360 = arith.constant 27 : i32
    %cond3A_1361 = arith.constant 0 : i32
    %cond3A_1362 = arith.cmpi ne, %convert_element_type3A_1359, %cond3A_1361 : i32
    scf.if %cond3A_1362 {
      %min3A = arith.constant 31 : i32
      %min3A_1771 = arith.minsi %cond3A_1360, %min3A : i32
      %dma_start3A = arith.constant 6 : i32
      %dma_start3A_1772 = arith.constant 0 : i32
      %dma_start3A_1773 = arith.constant 0 : i32
      %dma_start3A_1774 = tpu.memref_slice %arg9[%dma_start3A, %dma_start3A_1772, %dma_start3A_1773] : memref<7x128x128xf32, #tpu.memory_space<vmem>> -> memref<1x128x128xf32, #tpu.memory_space<vmem>>
      %dma_start3A_1775 = tpu.memref_squeeze %dma_start3A_1774 : memref<1x128x128xf32, #tpu.memory_space<vmem>> -> memref<128x128xf32, #tpu.memory_space<vmem>>
      %dma_start3A_1776 = arith.constant 0 : i32
      %dma_start3A_1777 = tpu.memref_slice %arg7[%min3A_1771, %dma_start3A_1776] : memref<32x128xi32, #tpu.memory_space<vmem>> -> memref<1x128xi32, #tpu.memory_space<vmem>>
      %dma_start3A_1778 = tpu.memref_squeeze %dma_start3A_1777 : memref<1x128xi32, #tpu.memory_space<vmem>> -> memref<128xi32, #tpu.memory_space<vmem>>
      %dma_start3A_1779 = arith.constant 0 : i32
      %dma_start3A_1780 = arith.constant 0 : i32
      %dma_start3A_1781 = tpu.memref_slice %arg4[%dma_start3A_1779, %dma_start3A_1780] : memref<131072x128xf32, #tpu.memory_space<hbm>> -> memref<131072x128xf32, #tpu.memory_space<hbm>>
      tpu.enqueue_indirect_dma source(%dma_start3A_1781 : memref<131072x128xf32, #tpu.memory_space<hbm>>) target(%dma_start3A_1775 : memref<128x128xf32, #tpu.memory_space<vmem>>) offsets(%dma_start3A_1778 : memref<128xi32, #tpu.memory_space<vmem>>) semaphore(%arg16 : memref<!tpu.dma_semaphore, #tpu.memory_space<semaphore_mem>>)
    } else {
    }
    %not3A_1363 = arith.constant true
    %not3A_1364 = arith.xori %lt3A_1358, %not3A_1363 : i1
    %convert_element_type3A_1365 = arith.extui %not3A_1364 : i1 to i32
    %cond3A_1366 = arith.constant 27 : i32
    %cond3A_1367 = arith.constant 0 : i32
    %cond3A_1368 = arith.cmpi ne, %convert_element_type3A_1365, %cond3A_1367 : i32
    scf.if %cond3A_1368 {
      %sub3A_1771 = arith.subi %cond3A_1366, %shift_right_arithmetic3A_232 : i32
      %dma_start3A = arith.constant 6 : i32
      %dma_start3A_1772 = arith.constant 0 : i32
      %dma_start3A_1773 = arith.constant 0 : i32
      %dma_start3A_1774 = tpu.memref_slice %arg9[%dma_start3A, %dma_start3A_1772, %dma_start3A_1773] : memref<7x128x128xf32, #tpu.memory_space<vmem>> -> memref<1x128x128xf32, #tpu.memory_space<vmem>>
      %dma_start3A_1775 = tpu.memref_squeeze %dma_start3A_1774 : memref<1x128x128xf32, #tpu.memory_space<vmem>> -> memref<128x128xf32, #tpu.memory_space<vmem>>
      %dma_start3A_1776 = arith.constant 0 : i32
      %dma_start3A_1777 = tpu.memref_slice %arg8[%sub3A_1771, %dma_start3A_1776] : memref<32x128xi32, #tpu.memory_space<vmem>> -> memref<1x128xi32, #tpu.memory_space<vmem>>
      %dma_start3A_1778 = tpu.memref_squeeze %dma_start3A_1777 : memref<1x128xi32, #tpu.memory_space<vmem>> -> memref<128xi32, #tpu.memory_space<vmem>>
      %dma_start3A_1779 = arith.constant 0 : i32
      %dma_start3A_1780 = arith.constant 0 : i32
      %dma_start3A_1781 = tpu.memref_slice %arg2[%dma_start3A_1779, %dma_start3A_1780] : memref<131072x128xf32, #tpu.memory_space<hbm>> -> memref<131072x128xf32, #tpu.memory_space<hbm>>
      tpu.enqueue_indirect_dma source(%dma_start3A_1781 : memref<131072x128xf32, #tpu.memory_space<hbm>>) target(%dma_start3A_1775 : memref<128x128xf32, #tpu.memory_space<vmem>>) offsets(%dma_start3A_1778 : memref<128xi32, #tpu.memory_space<vmem>>) semaphore(%arg16 : memref<!tpu.dma_semaphore, #tpu.memory_space<semaphore_mem>>)
    } else {
    }
    %dma_wait3A_1369 = arith.constant 0 : i32
    %dma_wait3A_1370 = arith.constant 2 : i32
    %dma_wait3A_1371 = arith.constant 0 : i32
    %dma_wait3A_1372 = arith.constant 0 : i32
    %dma_wait3A_1373 = tpu.memref_slice %arg9[%dma_wait3A_1370, %dma_wait3A_1371, %dma_wait3A_1372] : memref<7x128x128xf32, #tpu.memory_space<vmem>> -> memref<1x128x128xf32, #tpu.memory_space<vmem>>
    %dma_wait3A_1374 = tpu.memref_squeeze %dma_wait3A_1373 : memref<1x128x128xf32, #tpu.memory_space<vmem>> -> memref<128x128xf32, #tpu.memory_space<vmem>>
    %dma_wait3A_1375 = arith.constant 0 : i32
    %dma_wait3A_1376 = tpu.memref_slice %arg7[%dma_wait3A_1369, %dma_wait3A_1375] : memref<32x128xi32, #tpu.memory_space<vmem>> -> memref<1x128xi32, #tpu.memory_space<vmem>>
    %dma_wait3A_1377 = tpu.memref_squeeze %dma_wait3A_1376 : memref<1x128xi32, #tpu.memory_space<vmem>> -> memref<128xi32, #tpu.memory_space<vmem>>
    %dma_wait3A_1378 = arith.constant 0 : i32
    %dma_wait3A_1379 = arith.constant 0 : i32
    %dma_wait3A_1380 = tpu.memref_slice %arg4[%dma_wait3A_1378, %dma_wait3A_1379] : memref<131072x128xf32, #tpu.memory_space<hbm>> -> memref<131072x128xf32, #tpu.memory_space<hbm>>
    tpu.wait_indirect_dma semaphore(%arg12 : memref<!tpu.dma_semaphore, #tpu.memory_space<semaphore_mem>>) src(%dma_wait3A_1380 : memref<131072x128xf32, #tpu.memory_space<hbm>>) dst(%dma_wait3A_1374 : memref<128x128xf32, #tpu.memory_space<vmem>>)
    %lt3A_1381 = arith.constant 23 : i32
    %lt3A_1382 = arith.cmpi slt, %lt3A_1381, %shift_right_arithmetic3A_232 : i32
    %convert_element_type3A_1383 = arith.extui %lt3A_1382 : i1 to i32
    %cond3A_1384 = arith.constant 23 : i32
    %cond3A_1385 = arith.constant 0 : i32
    %cond3A_1386 = arith.cmpi ne, %convert_element_type3A_1383, %cond3A_1385 : i32
    scf.if %cond3A_1386 {
      %min3A = arith.constant 31 : i32
      %min3A_1771 = arith.minsi %cond3A_1384, %min3A : i32
      %dma_start3A = arith.constant 2 : i32
      %dma_start3A_1772 = arith.constant 0 : i32
      %dma_start3A_1773 = arith.constant 0 : i32
      %dma_start3A_1774 = tpu.memref_slice %arg9[%dma_start3A, %dma_start3A_1772, %dma_start3A_1773] : memref<7x128x128xf32, #tpu.memory_space<vmem>> -> memref<1x128x128xf32, #tpu.memory_space<vmem>>
      %dma_start3A_1775 = tpu.memref_squeeze %dma_start3A_1774 : memref<1x128x128xf32, #tpu.memory_space<vmem>> -> memref<128x128xf32, #tpu.memory_space<vmem>>
      %dma_start3A_1776 = arith.constant 0 : i32
      %dma_start3A_1777 = tpu.memref_slice %arg7[%min3A_1771, %dma_start3A_1776] : memref<32x128xi32, #tpu.memory_space<vmem>> -> memref<1x128xi32, #tpu.memory_space<vmem>>
      %dma_start3A_1778 = tpu.memref_squeeze %dma_start3A_1777 : memref<1x128xi32, #tpu.memory_space<vmem>> -> memref<128xi32, #tpu.memory_space<vmem>>
      %dma_start3A_1779 = arith.constant 0 : i32
      %dma_start3A_1780 = arith.constant 0 : i32
      %dma_start3A_1781 = tpu.memref_slice %arg5[%dma_start3A_1779, %dma_start3A_1780] : memref<131072x128xf32, #tpu.memory_space<hbm>> -> memref<131072x128xf32, #tpu.memory_space<hbm>>
      tpu.enqueue_indirect_dma source(%dma_start3A_1775 : memref<128x128xf32, #tpu.memory_space<vmem>>) target(%dma_start3A_1781 : memref<131072x128xf32, #tpu.memory_space<hbm>>) offsets(%dma_start3A_1778 : memref<128xi32, #tpu.memory_space<vmem>>) semaphore(%arg19 : memref<!tpu.dma_semaphore, #tpu.memory_space<semaphore_mem>>)
    } else {
    }
    %not3A_1387 = arith.constant true
    %not3A_1388 = arith.xori %lt3A_1382, %not3A_1387 : i1
    %convert_element_type3A_1389 = arith.extui %not3A_1388 : i1 to i32
    %cond3A_1390 = arith.constant 23 : i32
    %cond3A_1391 = arith.constant 0 : i32
    %cond3A_1392 = arith.cmpi ne, %convert_element_type3A_1389, %cond3A_1391 : i32
    scf.if %cond3A_1392 {
      %sub3A_1771 = arith.subi %cond3A_1390, %shift_right_arithmetic3A_232 : i32
      %dma_start3A = arith.constant 2 : i32
      %dma_start3A_1772 = arith.constant 0 : i32
      %dma_start3A_1773 = arith.constant 0 : i32
      %dma_start3A_1774 = tpu.memref_slice %arg9[%dma_start3A, %dma_start3A_1772, %dma_start3A_1773] : memref<7x128x128xf32, #tpu.memory_space<vmem>> -> memref<1x128x128xf32, #tpu.memory_space<vmem>>
      %dma_start3A_1775 = tpu.memref_squeeze %dma_start3A_1774 : memref<1x128x128xf32, #tpu.memory_space<vmem>> -> memref<128x128xf32, #tpu.memory_space<vmem>>
      %dma_start3A_1776 = arith.constant 0 : i32
      %dma_start3A_1777 = tpu.memref_slice %arg8[%sub3A_1771, %dma_start3A_1776] : memref<32x128xi32, #tpu.memory_space<vmem>> -> memref<1x128xi32, #tpu.memory_space<vmem>>
      %dma_start3A_1778 = tpu.memref_squeeze %dma_start3A_1777 : memref<1x128xi32, #tpu.memory_space<vmem>> -> memref<128xi32, #tpu.memory_space<vmem>>
      %dma_start3A_1779 = arith.constant 0 : i32
      %dma_start3A_1780 = arith.constant 0 : i32
      %dma_start3A_1781 = tpu.memref_slice %arg5[%dma_start3A_1779, %dma_start3A_1780] : memref<131072x128xf32, #tpu.memory_space<hbm>> -> memref<131072x128xf32, #tpu.memory_space<hbm>>
      tpu.enqueue_indirect_dma source(%dma_start3A_1775 : memref<128x128xf32, #tpu.memory_space<vmem>>) target(%dma_start3A_1781 : memref<131072x128xf32, #tpu.memory_space<hbm>>) offsets(%dma_start3A_1778 : memref<128xi32, #tpu.memory_space<vmem>>) semaphore(%arg19 : memref<!tpu.dma_semaphore, #tpu.memory_space<semaphore_mem>>)
    } else {
    }
    %dma_wait3A_1393 = arith.constant 0 : i32
    %dma_wait3A_1394 = arith.constant 0 : i32
    %dma_wait3A_1395 = arith.constant 0 : i32
    %dma_wait3A_1396 = arith.constant 0 : i32
    %dma_wait3A_1397 = tpu.memref_slice %arg9[%dma_wait3A_1394, %dma_wait3A_1395, %dma_wait3A_1396] : memref<7x128x128xf32, #tpu.memory_space<vmem>> -> memref<1x128x128xf32, #tpu.memory_space<vmem>>
    %dma_wait3A_1398 = tpu.memref_squeeze %dma_wait3A_1397 : memref<1x128x128xf32, #tpu.memory_space<vmem>> -> memref<128x128xf32, #tpu.memory_space<vmem>>
    %dma_wait3A_1399 = arith.constant 0 : i32
    %dma_wait3A_1400 = tpu.memref_slice %arg7[%dma_wait3A_1393, %dma_wait3A_1399] : memref<32x128xi32, #tpu.memory_space<vmem>> -> memref<1x128xi32, #tpu.memory_space<vmem>>
    %dma_wait3A_1401 = tpu.memref_squeeze %dma_wait3A_1400 : memref<1x128xi32, #tpu.memory_space<vmem>> -> memref<128xi32, #tpu.memory_space<vmem>>
    %dma_wait3A_1402 = arith.constant 0 : i32
    %dma_wait3A_1403 = arith.constant 0 : i32
    %dma_wait3A_1404 = tpu.memref_slice %arg4[%dma_wait3A_1402, %dma_wait3A_1403] : memref<131072x128xf32, #tpu.memory_space<hbm>> -> memref<131072x128xf32, #tpu.memory_space<hbm>>
    tpu.wait_indirect_dma semaphore(%arg17 : memref<!tpu.dma_semaphore, #tpu.memory_space<semaphore_mem>>) src(%dma_wait3A_1404 : memref<131072x128xf32, #tpu.memory_space<hbm>>) dst(%dma_wait3A_1398 : memref<128x128xf32, #tpu.memory_space<vmem>>)
    %lt3A_1405 = arith.constant 28 : i32
    %lt3A_1406 = arith.cmpi slt, %lt3A_1405, %shift_right_arithmetic3A_232 : i32
    %convert_element_type3A_1407 = arith.extui %lt3A_1406 : i1 to i32
    %cond3A_1408 = arith.constant 28 : i32
    %cond3A_1409 = arith.constant 0 : i32
    %cond3A_1410 = arith.cmpi ne, %convert_element_type3A_1407, %cond3A_1409 : i32
    scf.if %cond3A_1410 {
      %min3A = arith.constant 31 : i32
      %min3A_1771 = arith.minsi %cond3A_1408, %min3A : i32
      %dma_start3A = arith.constant 0 : i32
      %dma_start3A_1772 = arith.constant 0 : i32
      %dma_start3A_1773 = arith.constant 0 : i32
      %dma_start3A_1774 = tpu.memref_slice %arg9[%dma_start3A, %dma_start3A_1772, %dma_start3A_1773] : memref<7x128x128xf32, #tpu.memory_space<vmem>> -> memref<1x128x128xf32, #tpu.memory_space<vmem>>
      %dma_start3A_1775 = tpu.memref_squeeze %dma_start3A_1774 : memref<1x128x128xf32, #tpu.memory_space<vmem>> -> memref<128x128xf32, #tpu.memory_space<vmem>>
      %dma_start3A_1776 = arith.constant 0 : i32
      %dma_start3A_1777 = tpu.memref_slice %arg7[%min3A_1771, %dma_start3A_1776] : memref<32x128xi32, #tpu.memory_space<vmem>> -> memref<1x128xi32, #tpu.memory_space<vmem>>
      %dma_start3A_1778 = tpu.memref_squeeze %dma_start3A_1777 : memref<1x128xi32, #tpu.memory_space<vmem>> -> memref<128xi32, #tpu.memory_space<vmem>>
      %dma_start3A_1779 = arith.constant 0 : i32
      %dma_start3A_1780 = arith.constant 0 : i32
      %dma_start3A_1781 = tpu.memref_slice %arg4[%dma_start3A_1779, %dma_start3A_1780] : memref<131072x128xf32, #tpu.memory_space<hbm>> -> memref<131072x128xf32, #tpu.memory_space<hbm>>
      tpu.enqueue_indirect_dma source(%dma_start3A_1781 : memref<131072x128xf32, #tpu.memory_space<hbm>>) target(%dma_start3A_1775 : memref<128x128xf32, #tpu.memory_space<vmem>>) offsets(%dma_start3A_1778 : memref<128xi32, #tpu.memory_space<vmem>>) semaphore(%arg10 : memref<!tpu.dma_semaphore, #tpu.memory_space<semaphore_mem>>)
    } else {
    }
    %not3A_1411 = arith.constant true
    %not3A_1412 = arith.xori %lt3A_1406, %not3A_1411 : i1
    %convert_element_type3A_1413 = arith.extui %not3A_1412 : i1 to i32
    %cond3A_1414 = arith.constant 28 : i32
    %cond3A_1415 = arith.constant 0 : i32
    %cond3A_1416 = arith.cmpi ne, %convert_element_type3A_1413, %cond3A_1415 : i32
    scf.if %cond3A_1416 {
      %sub3A_1771 = arith.subi %cond3A_1414, %shift_right_arithmetic3A_232 : i32
      %dma_start3A = arith.constant 0 : i32
      %dma_start3A_1772 = arith.constant 0 : i32
      %dma_start3A_1773 = arith.constant 0 : i32
      %dma_start3A_1774 = tpu.memref_slice %arg9[%dma_start3A, %dma_start3A_1772, %dma_start3A_1773] : memref<7x128x128xf32, #tpu.memory_space<vmem>> -> memref<1x128x128xf32, #tpu.memory_space<vmem>>
      %dma_start3A_1775 = tpu.memref_squeeze %dma_start3A_1774 : memref<1x128x128xf32, #tpu.memory_space<vmem>> -> memref<128x128xf32, #tpu.memory_space<vmem>>
      %dma_start3A_1776 = arith.constant 0 : i32
      %dma_start3A_1777 = tpu.memref_slice %arg8[%sub3A_1771, %dma_start3A_1776] : memref<32x128xi32, #tpu.memory_space<vmem>> -> memref<1x128xi32, #tpu.memory_space<vmem>>
      %dma_start3A_1778 = tpu.memref_squeeze %dma_start3A_1777 : memref<1x128xi32, #tpu.memory_space<vmem>> -> memref<128xi32, #tpu.memory_space<vmem>>
      %dma_start3A_1779 = arith.constant 0 : i32
      %dma_start3A_1780 = arith.constant 0 : i32
      %dma_start3A_1781 = tpu.memref_slice %arg2[%dma_start3A_1779, %dma_start3A_1780] : memref<131072x128xf32, #tpu.memory_space<hbm>> -> memref<131072x128xf32, #tpu.memory_space<hbm>>
      tpu.enqueue_indirect_dma source(%dma_start3A_1781 : memref<131072x128xf32, #tpu.memory_space<hbm>>) target(%dma_start3A_1775 : memref<128x128xf32, #tpu.memory_space<vmem>>) offsets(%dma_start3A_1778 : memref<128xi32, #tpu.memory_space<vmem>>) semaphore(%arg10 : memref<!tpu.dma_semaphore, #tpu.memory_space<semaphore_mem>>)
    } else {
    }
    %dma_wait3A_1417 = arith.constant 0 : i32
    %dma_wait3A_1418 = arith.constant 3 : i32
    %dma_wait3A_1419 = arith.constant 0 : i32
    %dma_wait3A_1420 = arith.constant 0 : i32
    %dma_wait3A_1421 = tpu.memref_slice %arg9[%dma_wait3A_1418, %dma_wait3A_1419, %dma_wait3A_1420] : memref<7x128x128xf32, #tpu.memory_space<vmem>> -> memref<1x128x128xf32, #tpu.memory_space<vmem>>
    %dma_wait3A_1422 = tpu.memref_squeeze %dma_wait3A_1421 : memref<1x128x128xf32, #tpu.memory_space<vmem>> -> memref<128x128xf32, #tpu.memory_space<vmem>>
    %dma_wait3A_1423 = arith.constant 0 : i32
    %dma_wait3A_1424 = tpu.memref_slice %arg7[%dma_wait3A_1417, %dma_wait3A_1423] : memref<32x128xi32, #tpu.memory_space<vmem>> -> memref<1x128xi32, #tpu.memory_space<vmem>>
    %dma_wait3A_1425 = tpu.memref_squeeze %dma_wait3A_1424 : memref<1x128xi32, #tpu.memory_space<vmem>> -> memref<128xi32, #tpu.memory_space<vmem>>
    %dma_wait3A_1426 = arith.constant 0 : i32
    %dma_wait3A_1427 = arith.constant 0 : i32
    %dma_wait3A_1428 = tpu.memref_slice %arg4[%dma_wait3A_1426, %dma_wait3A_1427] : memref<131072x128xf32, #tpu.memory_space<hbm>> -> memref<131072x128xf32, #tpu.memory_space<hbm>>
    tpu.wait_indirect_dma semaphore(%arg13 : memref<!tpu.dma_semaphore, #tpu.memory_space<semaphore_mem>>) src(%dma_wait3A_1428 : memref<131072x128xf32, #tpu.memory_space<hbm>>) dst(%dma_wait3A_1422 : memref<128x128xf32, #tpu.memory_space<vmem>>)
    %lt3A_1429 = arith.constant 24 : i32
    %lt3A_1430 = arith.cmpi slt, %lt3A_1429, %shift_right_arithmetic3A_232 : i32
    %convert_element_type3A_1431 = arith.extui %lt3A_1430 : i1 to i32
    %cond3A_1432 = arith.constant 24 : i32
    %cond3A_1433 = arith.constant 0 : i32
    %cond3A_1434 = arith.cmpi ne, %convert_element_type3A_1431, %cond3A_1433 : i32
    scf.if %cond3A_1434 {
      %min3A = arith.constant 31 : i32
      %min3A_1771 = arith.minsi %cond3A_1432, %min3A : i32
      %dma_start3A = arith.constant 3 : i32
      %dma_start3A_1772 = arith.constant 0 : i32
      %dma_start3A_1773 = arith.constant 0 : i32
      %dma_start3A_1774 = tpu.memref_slice %arg9[%dma_start3A, %dma_start3A_1772, %dma_start3A_1773] : memref<7x128x128xf32, #tpu.memory_space<vmem>> -> memref<1x128x128xf32, #tpu.memory_space<vmem>>
      %dma_start3A_1775 = tpu.memref_squeeze %dma_start3A_1774 : memref<1x128x128xf32, #tpu.memory_space<vmem>> -> memref<128x128xf32, #tpu.memory_space<vmem>>
      %dma_start3A_1776 = arith.constant 0 : i32
      %dma_start3A_1777 = tpu.memref_slice %arg7[%min3A_1771, %dma_start3A_1776] : memref<32x128xi32, #tpu.memory_space<vmem>> -> memref<1x128xi32, #tpu.memory_space<vmem>>
      %dma_start3A_1778 = tpu.memref_squeeze %dma_start3A_1777 : memref<1x128xi32, #tpu.memory_space<vmem>> -> memref<128xi32, #tpu.memory_space<vmem>>
      %dma_start3A_1779 = arith.constant 0 : i32
      %dma_start3A_1780 = arith.constant 0 : i32
      %dma_start3A_1781 = tpu.memref_slice %arg5[%dma_start3A_1779, %dma_start3A_1780] : memref<131072x128xf32, #tpu.memory_space<hbm>> -> memref<131072x128xf32, #tpu.memory_space<hbm>>
      tpu.enqueue_indirect_dma source(%dma_start3A_1775 : memref<128x128xf32, #tpu.memory_space<vmem>>) target(%dma_start3A_1781 : memref<131072x128xf32, #tpu.memory_space<hbm>>) offsets(%dma_start3A_1778 : memref<128xi32, #tpu.memory_space<vmem>>) semaphore(%arg20 : memref<!tpu.dma_semaphore, #tpu.memory_space<semaphore_mem>>)
    } else {
    }
    %not3A_1435 = arith.constant true
    %not3A_1436 = arith.xori %lt3A_1430, %not3A_1435 : i1
    %convert_element_type3A_1437 = arith.extui %not3A_1436 : i1 to i32
    %cond3A_1438 = arith.constant 24 : i32
    %cond3A_1439 = arith.constant 0 : i32
    %cond3A_1440 = arith.cmpi ne, %convert_element_type3A_1437, %cond3A_1439 : i32
    scf.if %cond3A_1440 {
      %sub3A_1771 = arith.subi %cond3A_1438, %shift_right_arithmetic3A_232 : i32
      %dma_start3A = arith.constant 3 : i32
      %dma_start3A_1772 = arith.constant 0 : i32
      %dma_start3A_1773 = arith.constant 0 : i32
      %dma_start3A_1774 = tpu.memref_slice %arg9[%dma_start3A, %dma_start3A_1772, %dma_start3A_1773] : memref<7x128x128xf32, #tpu.memory_space<vmem>> -> memref<1x128x128xf32, #tpu.memory_space<vmem>>
      %dma_start3A_1775 = tpu.memref_squeeze %dma_start3A_1774 : memref<1x128x128xf32, #tpu.memory_space<vmem>> -> memref<128x128xf32, #tpu.memory_space<vmem>>
      %dma_start3A_1776 = arith.constant 0 : i32
      %dma_start3A_1777 = tpu.memref_slice %arg8[%sub3A_1771, %dma_start3A_1776] : memref<32x128xi32, #tpu.memory_space<vmem>> -> memref<1x128xi32, #tpu.memory_space<vmem>>
      %dma_start3A_1778 = tpu.memref_squeeze %dma_start3A_1777 : memref<1x128xi32, #tpu.memory_space<vmem>> -> memref<128xi32, #tpu.memory_space<vmem>>
      %dma_start3A_1779 = arith.constant 0 : i32
      %dma_start3A_1780 = arith.constant 0 : i32
      %dma_start3A_1781 = tpu.memref_slice %arg5[%dma_start3A_1779, %dma_start3A_1780] : memref<131072x128xf32, #tpu.memory_space<hbm>> -> memref<131072x128xf32, #tpu.memory_space<hbm>>
      tpu.enqueue_indirect_dma source(%dma_start3A_1775 : memref<128x128xf32, #tpu.memory_space<vmem>>) target(%dma_start3A_1781 : memref<131072x128xf32, #tpu.memory_space<hbm>>) offsets(%dma_start3A_1778 : memref<128xi32, #tpu.memory_space<vmem>>) semaphore(%arg20 : memref<!tpu.dma_semaphore, #tpu.memory_space<semaphore_mem>>)
    } else {
    }
    %dma_wait3A_1441 = arith.constant 0 : i32
    %dma_wait3A_1442 = arith.constant 1 : i32
    %dma_wait3A_1443 = arith.constant 0 : i32
    %dma_wait3A_1444 = arith.constant 0 : i32
    %dma_wait3A_1445 = tpu.memref_slice %arg9[%dma_wait3A_1442, %dma_wait3A_1443, %dma_wait3A_1444] : memref<7x128x128xf32, #tpu.memory_space<vmem>> -> memref<1x128x128xf32, #tpu.memory_space<vmem>>
    %dma_wait3A_1446 = tpu.memref_squeeze %dma_wait3A_1445 : memref<1x128x128xf32, #tpu.memory_space<vmem>> -> memref<128x128xf32, #tpu.memory_space<vmem>>
    %dma_wait3A_1447 = arith.constant 0 : i32
    %dma_wait3A_1448 = tpu.memref_slice %arg7[%dma_wait3A_1441, %dma_wait3A_1447] : memref<32x128xi32, #tpu.memory_space<vmem>> -> memref<1x128xi32, #tpu.memory_space<vmem>>
    %dma_wait3A_1449 = tpu.memref_squeeze %dma_wait3A_1448 : memref<1x128xi32, #tpu.memory_space<vmem>> -> memref<128xi32, #tpu.memory_space<vmem>>
    %dma_wait3A_1450 = arith.constant 0 : i32
    %dma_wait3A_1451 = arith.constant 0 : i32
    %dma_wait3A_1452 = tpu.memref_slice %arg4[%dma_wait3A_1450, %dma_wait3A_1451] : memref<131072x128xf32, #tpu.memory_space<hbm>> -> memref<131072x128xf32, #tpu.memory_space<hbm>>
    tpu.wait_indirect_dma semaphore(%arg18 : memref<!tpu.dma_semaphore, #tpu.memory_space<semaphore_mem>>) src(%dma_wait3A_1452 : memref<131072x128xf32, #tpu.memory_space<hbm>>) dst(%dma_wait3A_1446 : memref<128x128xf32, #tpu.memory_space<vmem>>)
    %lt3A_1453 = arith.constant 29 : i32
    %lt3A_1454 = arith.cmpi slt, %lt3A_1453, %shift_right_arithmetic3A_232 : i32
    %convert_element_type3A_1455 = arith.extui %lt3A_1454 : i1 to i32
    %cond3A_1456 = arith.constant 29 : i32
    %cond3A_1457 = arith.constant 0 : i32
    %cond3A_1458 = arith.cmpi ne, %convert_element_type3A_1455, %cond3A_1457 : i32
    scf.if %cond3A_1458 {
      %min3A = arith.constant 31 : i32
      %min3A_1771 = arith.minsi %cond3A_1456, %min3A : i32
      %dma_start3A = arith.constant 1 : i32
      %dma_start3A_1772 = arith.constant 0 : i32
      %dma_start3A_1773 = arith.constant 0 : i32
      %dma_start3A_1774 = tpu.memref_slice %arg9[%dma_start3A, %dma_start3A_1772, %dma_start3A_1773] : memref<7x128x128xf32, #tpu.memory_space<vmem>> -> memref<1x128x128xf32, #tpu.memory_space<vmem>>
      %dma_start3A_1775 = tpu.memref_squeeze %dma_start3A_1774 : memref<1x128x128xf32, #tpu.memory_space<vmem>> -> memref<128x128xf32, #tpu.memory_space<vmem>>
      %dma_start3A_1776 = arith.constant 0 : i32
      %dma_start3A_1777 = tpu.memref_slice %arg7[%min3A_1771, %dma_start3A_1776] : memref<32x128xi32, #tpu.memory_space<vmem>> -> memref<1x128xi32, #tpu.memory_space<vmem>>
      %dma_start3A_1778 = tpu.memref_squeeze %dma_start3A_1777 : memref<1x128xi32, #tpu.memory_space<vmem>> -> memref<128xi32, #tpu.memory_space<vmem>>
      %dma_start3A_1779 = arith.constant 0 : i32
      %dma_start3A_1780 = arith.constant 0 : i32
      %dma_start3A_1781 = tpu.memref_slice %arg4[%dma_start3A_1779, %dma_start3A_1780] : memref<131072x128xf32, #tpu.memory_space<hbm>> -> memref<131072x128xf32, #tpu.memory_space<hbm>>
      tpu.enqueue_indirect_dma source(%dma_start3A_1781 : memref<131072x128xf32, #tpu.memory_space<hbm>>) target(%dma_start3A_1775 : memref<128x128xf32, #tpu.memory_space<vmem>>) offsets(%dma_start3A_1778 : memref<128xi32, #tpu.memory_space<vmem>>) semaphore(%arg11 : memref<!tpu.dma_semaphore, #tpu.memory_space<semaphore_mem>>)
    } else {
    }
    %not3A_1459 = arith.constant true
    %not3A_1460 = arith.xori %lt3A_1454, %not3A_1459 : i1
    %convert_element_type3A_1461 = arith.extui %not3A_1460 : i1 to i32
    %cond3A_1462 = arith.constant 29 : i32
    %cond3A_1463 = arith.constant 0 : i32
    %cond3A_1464 = arith.cmpi ne, %convert_element_type3A_1461, %cond3A_1463 : i32
    scf.if %cond3A_1464 {
      %sub3A_1771 = arith.subi %cond3A_1462, %shift_right_arithmetic3A_232 : i32
      %dma_start3A = arith.constant 1 : i32
      %dma_start3A_1772 = arith.constant 0 : i32
      %dma_start3A_1773 = arith.constant 0 : i32
      %dma_start3A_1774 = tpu.memref_slice %arg9[%dma_start3A, %dma_start3A_1772, %dma_start3A_1773] : memref<7x128x128xf32, #tpu.memory_space<vmem>> -> memref<1x128x128xf32, #tpu.memory_space<vmem>>
      %dma_start3A_1775 = tpu.memref_squeeze %dma_start3A_1774 : memref<1x128x128xf32, #tpu.memory_space<vmem>> -> memref<128x128xf32, #tpu.memory_space<vmem>>
      %dma_start3A_1776 = arith.constant 0 : i32
      %dma_start3A_1777 = tpu.memref_slice %arg8[%sub3A_1771, %dma_start3A_1776] : memref<32x128xi32, #tpu.memory_space<vmem>> -> memref<1x128xi32, #tpu.memory_space<vmem>>
      %dma_start3A_1778 = tpu.memref_squeeze %dma_start3A_1777 : memref<1x128xi32, #tpu.memory_space<vmem>> -> memref<128xi32, #tpu.memory_space<vmem>>
      %dma_start3A_1779 = arith.constant 0 : i32
      %dma_start3A_1780 = arith.constant 0 : i32
      %dma_start3A_1781 = tpu.memref_slice %arg2[%dma_start3A_1779, %dma_start3A_1780] : memref<131072x128xf32, #tpu.memory_space<hbm>> -> memref<131072x128xf32, #tpu.memory_space<hbm>>
      tpu.enqueue_indirect_dma source(%dma_start3A_1781 : memref<131072x128xf32, #tpu.memory_space<hbm>>) target(%dma_start3A_1775 : memref<128x128xf32, #tpu.memory_space<vmem>>) offsets(%dma_start3A_1778 : memref<128xi32, #tpu.memory_space<vmem>>) semaphore(%arg11 : memref<!tpu.dma_semaphore, #tpu.memory_space<semaphore_mem>>)
    } else {
    }
    %dma_wait3A_1465 = arith.constant 0 : i32
    %dma_wait3A_1466 = arith.constant 4 : i32
    %dma_wait3A_1467 = arith.constant 0 : i32
    %dma_wait3A_1468 = arith.constant 0 : i32
    %dma_wait3A_1469 = tpu.memref_slice %arg9[%dma_wait3A_1466, %dma_wait3A_1467, %dma_wait3A_1468] : memref<7x128x128xf32, #tpu.memory_space<vmem>> -> memref<1x128x128xf32, #tpu.memory_space<vmem>>
    %dma_wait3A_1470 = tpu.memref_squeeze %dma_wait3A_1469 : memref<1x128x128xf32, #tpu.memory_space<vmem>> -> memref<128x128xf32, #tpu.memory_space<vmem>>
    %dma_wait3A_1471 = arith.constant 0 : i32
    %dma_wait3A_1472 = tpu.memref_slice %arg7[%dma_wait3A_1465, %dma_wait3A_1471] : memref<32x128xi32, #tpu.memory_space<vmem>> -> memref<1x128xi32, #tpu.memory_space<vmem>>
    %dma_wait3A_1473 = tpu.memref_squeeze %dma_wait3A_1472 : memref<1x128xi32, #tpu.memory_space<vmem>> -> memref<128xi32, #tpu.memory_space<vmem>>
    %dma_wait3A_1474 = arith.constant 0 : i32
    %dma_wait3A_1475 = arith.constant 0 : i32
    %dma_wait3A_1476 = tpu.memref_slice %arg4[%dma_wait3A_1474, %dma_wait3A_1475] : memref<131072x128xf32, #tpu.memory_space<hbm>> -> memref<131072x128xf32, #tpu.memory_space<hbm>>
    tpu.wait_indirect_dma semaphore(%arg14 : memref<!tpu.dma_semaphore, #tpu.memory_space<semaphore_mem>>) src(%dma_wait3A_1476 : memref<131072x128xf32, #tpu.memory_space<hbm>>) dst(%dma_wait3A_1470 : memref<128x128xf32, #tpu.memory_space<vmem>>)
    %lt3A_1477 = arith.constant 25 : i32
    %lt3A_1478 = arith.cmpi slt, %lt3A_1477, %shift_right_arithmetic3A_232 : i32
    %convert_element_type3A_1479 = arith.extui %lt3A_1478 : i1 to i32
    %cond3A_1480 = arith.constant 25 : i32
    %cond3A_1481 = arith.constant 0 : i32
    %cond3A_1482 = arith.cmpi ne, %convert_element_type3A_1479, %cond3A_1481 : i32
    scf.if %cond3A_1482 {
      %min3A = arith.constant 31 : i32
      %min3A_1771 = arith.minsi %cond3A_1480, %min3A : i32
      %dma_start3A = arith.constant 4 : i32
      %dma_start3A_1772 = arith.constant 0 : i32
      %dma_start3A_1773 = arith.constant 0 : i32
      %dma_start3A_1774 = tpu.memref_slice %arg9[%dma_start3A, %dma_start3A_1772, %dma_start3A_1773] : memref<7x128x128xf32, #tpu.memory_space<vmem>> -> memref<1x128x128xf32, #tpu.memory_space<vmem>>
      %dma_start3A_1775 = tpu.memref_squeeze %dma_start3A_1774 : memref<1x128x128xf32, #tpu.memory_space<vmem>> -> memref<128x128xf32, #tpu.memory_space<vmem>>
      %dma_start3A_1776 = arith.constant 0 : i32
      %dma_start3A_1777 = tpu.memref_slice %arg7[%min3A_1771, %dma_start3A_1776] : memref<32x128xi32, #tpu.memory_space<vmem>> -> memref<1x128xi32, #tpu.memory_space<vmem>>
      %dma_start3A_1778 = tpu.memref_squeeze %dma_start3A_1777 : memref<1x128xi32, #tpu.memory_space<vmem>> -> memref<128xi32, #tpu.memory_space<vmem>>
      %dma_start3A_1779 = arith.constant 0 : i32
      %dma_start3A_1780 = arith.constant 0 : i32
      %dma_start3A_1781 = tpu.memref_slice %arg5[%dma_start3A_1779, %dma_start3A_1780] : memref<131072x128xf32, #tpu.memory_space<hbm>> -> memref<131072x128xf32, #tpu.memory_space<hbm>>
      tpu.enqueue_indirect_dma source(%dma_start3A_1775 : memref<128x128xf32, #tpu.memory_space<vmem>>) target(%dma_start3A_1781 : memref<131072x128xf32, #tpu.memory_space<hbm>>) offsets(%dma_start3A_1778 : memref<128xi32, #tpu.memory_space<vmem>>) semaphore(%arg21 : memref<!tpu.dma_semaphore, #tpu.memory_space<semaphore_mem>>)
    } else {
    }
    %not3A_1483 = arith.constant true
    %not3A_1484 = arith.xori %lt3A_1478, %not3A_1483 : i1
    %convert_element_type3A_1485 = arith.extui %not3A_1484 : i1 to i32
    %cond3A_1486 = arith.constant 25 : i32
    %cond3A_1487 = arith.constant 0 : i32
    %cond3A_1488 = arith.cmpi ne, %convert_element_type3A_1485, %cond3A_1487 : i32
    scf.if %cond3A_1488 {
      %sub3A_1771 = arith.subi %cond3A_1486, %shift_right_arithmetic3A_232 : i32
      %dma_start3A = arith.constant 4 : i32
      %dma_start3A_1772 = arith.constant 0 : i32
      %dma_start3A_1773 = arith.constant 0 : i32
      %dma_start3A_1774 = tpu.memref_slice %arg9[%dma_start3A, %dma_start3A_1772, %dma_start3A_1773] : memref<7x128x128xf32, #tpu.memory_space<vmem>> -> memref<1x128x128xf32, #tpu.memory_space<vmem>>
      %dma_start3A_1775 = tpu.memref_squeeze %dma_start3A_1774 : memref<1x128x128xf32, #tpu.memory_space<vmem>> -> memref<128x128xf32, #tpu.memory_space<vmem>>
      %dma_start3A_1776 = arith.constant 0 : i32
      %dma_start3A_1777 = tpu.memref_slice %arg8[%sub3A_1771, %dma_start3A_1776] : memref<32x128xi32, #tpu.memory_space<vmem>> -> memref<1x128xi32, #tpu.memory_space<vmem>>
      %dma_start3A_1778 = tpu.memref_squeeze %dma_start3A_1777 : memref<1x128xi32, #tpu.memory_space<vmem>> -> memref<128xi32, #tpu.memory_space<vmem>>
      %dma_start3A_1779 = arith.constant 0 : i32
      %dma_start3A_1780 = arith.constant 0 : i32
      %dma_start3A_1781 = tpu.memref_slice %arg5[%dma_start3A_1779, %dma_start3A_1780] : memref<131072x128xf32, #tpu.memory_space<hbm>> -> memref<131072x128xf32, #tpu.memory_space<hbm>>
      tpu.enqueue_indirect_dma source(%dma_start3A_1775 : memref<128x128xf32, #tpu.memory_space<vmem>>) target(%dma_start3A_1781 : memref<131072x128xf32, #tpu.memory_space<hbm>>) offsets(%dma_start3A_1778 : memref<128xi32, #tpu.memory_space<vmem>>) semaphore(%arg21 : memref<!tpu.dma_semaphore, #tpu.memory_space<semaphore_mem>>)
    } else {
    }
    %dma_wait3A_1489 = arith.constant 0 : i32
    %dma_wait3A_1490 = arith.constant 2 : i32
    %dma_wait3A_1491 = arith.constant 0 : i32
    %dma_wait3A_1492 = arith.constant 0 : i32
    %dma_wait3A_1493 = tpu.memref_slice %arg9[%dma_wait3A_1490, %dma_wait3A_1491, %dma_wait3A_1492] : memref<7x128x128xf32, #tpu.memory_space<vmem>> -> memref<1x128x128xf32, #tpu.memory_space<vmem>>
    %dma_wait3A_1494 = tpu.memref_squeeze %dma_wait3A_1493 : memref<1x128x128xf32, #tpu.memory_space<vmem>> -> memref<128x128xf32, #tpu.memory_space<vmem>>
    %dma_wait3A_1495 = arith.constant 0 : i32
    %dma_wait3A_1496 = tpu.memref_slice %arg7[%dma_wait3A_1489, %dma_wait3A_1495] : memref<32x128xi32, #tpu.memory_space<vmem>> -> memref<1x128xi32, #tpu.memory_space<vmem>>
    %dma_wait3A_1497 = tpu.memref_squeeze %dma_wait3A_1496 : memref<1x128xi32, #tpu.memory_space<vmem>> -> memref<128xi32, #tpu.memory_space<vmem>>
    %dma_wait3A_1498 = arith.constant 0 : i32
    %dma_wait3A_1499 = arith.constant 0 : i32
    %dma_wait3A_1500 = tpu.memref_slice %arg4[%dma_wait3A_1498, %dma_wait3A_1499] : memref<131072x128xf32, #tpu.memory_space<hbm>> -> memref<131072x128xf32, #tpu.memory_space<hbm>>
    tpu.wait_indirect_dma semaphore(%arg19 : memref<!tpu.dma_semaphore, #tpu.memory_space<semaphore_mem>>) src(%dma_wait3A_1500 : memref<131072x128xf32, #tpu.memory_space<hbm>>) dst(%dma_wait3A_1494 : memref<128x128xf32, #tpu.memory_space<vmem>>)
    %lt3A_1501 = arith.constant 30 : i32
    %lt3A_1502 = arith.cmpi slt, %lt3A_1501, %shift_right_arithmetic3A_232 : i32
    %convert_element_type3A_1503 = arith.extui %lt3A_1502 : i1 to i32
    %cond3A_1504 = arith.constant 30 : i32
    %cond3A_1505 = arith.constant 0 : i32
    %cond3A_1506 = arith.cmpi ne, %convert_element_type3A_1503, %cond3A_1505 : i32
    scf.if %cond3A_1506 {
      %min3A = arith.constant 31 : i32
      %min3A_1771 = arith.minsi %cond3A_1504, %min3A : i32
      %dma_start3A = arith.constant 2 : i32
      %dma_start3A_1772 = arith.constant 0 : i32
      %dma_start3A_1773 = arith.constant 0 : i32
      %dma_start3A_1774 = tpu.memref_slice %arg9[%dma_start3A, %dma_start3A_1772, %dma_start3A_1773] : memref<7x128x128xf32, #tpu.memory_space<vmem>> -> memref<1x128x128xf32, #tpu.memory_space<vmem>>
      %dma_start3A_1775 = tpu.memref_squeeze %dma_start3A_1774 : memref<1x128x128xf32, #tpu.memory_space<vmem>> -> memref<128x128xf32, #tpu.memory_space<vmem>>
      %dma_start3A_1776 = arith.constant 0 : i32
      %dma_start3A_1777 = tpu.memref_slice %arg7[%min3A_1771, %dma_start3A_1776] : memref<32x128xi32, #tpu.memory_space<vmem>> -> memref<1x128xi32, #tpu.memory_space<vmem>>
      %dma_start3A_1778 = tpu.memref_squeeze %dma_start3A_1777 : memref<1x128xi32, #tpu.memory_space<vmem>> -> memref<128xi32, #tpu.memory_space<vmem>>
      %dma_start3A_1779 = arith.constant 0 : i32
      %dma_start3A_1780 = arith.constant 0 : i32
      %dma_start3A_1781 = tpu.memref_slice %arg4[%dma_start3A_1779, %dma_start3A_1780] : memref<131072x128xf32, #tpu.memory_space<hbm>> -> memref<131072x128xf32, #tpu.memory_space<hbm>>
      tpu.enqueue_indirect_dma source(%dma_start3A_1781 : memref<131072x128xf32, #tpu.memory_space<hbm>>) target(%dma_start3A_1775 : memref<128x128xf32, #tpu.memory_space<vmem>>) offsets(%dma_start3A_1778 : memref<128xi32, #tpu.memory_space<vmem>>) semaphore(%arg12 : memref<!tpu.dma_semaphore, #tpu.memory_space<semaphore_mem>>)
    } else {
    }
    %not3A_1507 = arith.constant true
    %not3A_1508 = arith.xori %lt3A_1502, %not3A_1507 : i1
    %convert_element_type3A_1509 = arith.extui %not3A_1508 : i1 to i32
    %cond3A_1510 = arith.constant 30 : i32
    %cond3A_1511 = arith.constant 0 : i32
    %cond3A_1512 = arith.cmpi ne, %convert_element_type3A_1509, %cond3A_1511 : i32
    scf.if %cond3A_1512 {
      %sub3A_1771 = arith.subi %cond3A_1510, %shift_right_arithmetic3A_232 : i32
      %dma_start3A = arith.constant 2 : i32
      %dma_start3A_1772 = arith.constant 0 : i32
      %dma_start3A_1773 = arith.constant 0 : i32
      %dma_start3A_1774 = tpu.memref_slice %arg9[%dma_start3A, %dma_start3A_1772, %dma_start3A_1773] : memref<7x128x128xf32, #tpu.memory_space<vmem>> -> memref<1x128x128xf32, #tpu.memory_space<vmem>>
      %dma_start3A_1775 = tpu.memref_squeeze %dma_start3A_1774 : memref<1x128x128xf32, #tpu.memory_space<vmem>> -> memref<128x128xf32, #tpu.memory_space<vmem>>
      %dma_start3A_1776 = arith.constant 0 : i32
      %dma_start3A_1777 = tpu.memref_slice %arg8[%sub3A_1771, %dma_start3A_1776] : memref<32x128xi32, #tpu.memory_space<vmem>> -> memref<1x128xi32, #tpu.memory_space<vmem>>
      %dma_start3A_1778 = tpu.memref_squeeze %dma_start3A_1777 : memref<1x128xi32, #tpu.memory_space<vmem>> -> memref<128xi32, #tpu.memory_space<vmem>>
      %dma_start3A_1779 = arith.constant 0 : i32
      %dma_start3A_1780 = arith.constant 0 : i32
      %dma_start3A_1781 = tpu.memref_slice %arg2[%dma_start3A_1779, %dma_start3A_1780] : memref<131072x128xf32, #tpu.memory_space<hbm>> -> memref<131072x128xf32, #tpu.memory_space<hbm>>
      tpu.enqueue_indirect_dma source(%dma_start3A_1781 : memref<131072x128xf32, #tpu.memory_space<hbm>>) target(%dma_start3A_1775 : memref<128x128xf32, #tpu.memory_space<vmem>>) offsets(%dma_start3A_1778 : memref<128xi32, #tpu.memory_space<vmem>>) semaphore(%arg12 : memref<!tpu.dma_semaphore, #tpu.memory_space<semaphore_mem>>)
    } else {
    }
    %dma_wait3A_1513 = arith.constant 0 : i32
    %dma_wait3A_1514 = arith.constant 5 : i32
    %dma_wait3A_1515 = arith.constant 0 : i32
    %dma_wait3A_1516 = arith.constant 0 : i32
    %dma_wait3A_1517 = tpu.memref_slice %arg9[%dma_wait3A_1514, %dma_wait3A_1515, %dma_wait3A_1516] : memref<7x128x128xf32, #tpu.memory_space<vmem>> -> memref<1x128x128xf32, #tpu.memory_space<vmem>>
    %dma_wait3A_1518 = tpu.memref_squeeze %dma_wait3A_1517 : memref<1x128x128xf32, #tpu.memory_space<vmem>> -> memref<128x128xf32, #tpu.memory_space<vmem>>
    %dma_wait3A_1519 = arith.constant 0 : i32
    %dma_wait3A_1520 = tpu.memref_slice %arg7[%dma_wait3A_1513, %dma_wait3A_1519] : memref<32x128xi32, #tpu.memory_space<vmem>> -> memref<1x128xi32, #tpu.memory_space<vmem>>
    %dma_wait3A_1521 = tpu.memref_squeeze %dma_wait3A_1520 : memref<1x128xi32, #tpu.memory_space<vmem>> -> memref<128xi32, #tpu.memory_space<vmem>>
    %dma_wait3A_1522 = arith.constant 0 : i32
    %dma_wait3A_1523 = arith.constant 0 : i32
    %dma_wait3A_1524 = tpu.memref_slice %arg4[%dma_wait3A_1522, %dma_wait3A_1523] : memref<131072x128xf32, #tpu.memory_space<hbm>> -> memref<131072x128xf32, #tpu.memory_space<hbm>>
    tpu.wait_indirect_dma semaphore(%arg15 : memref<!tpu.dma_semaphore, #tpu.memory_space<semaphore_mem>>) src(%dma_wait3A_1524 : memref<131072x128xf32, #tpu.memory_space<hbm>>) dst(%dma_wait3A_1518 : memref<128x128xf32, #tpu.memory_space<vmem>>)
    %lt3A_1525 = arith.constant 26 : i32
    %lt3A_1526 = arith.cmpi slt, %lt3A_1525, %shift_right_arithmetic3A_232 : i32
    %convert_element_type3A_1527 = arith.extui %lt3A_1526 : i1 to i32
    %cond3A_1528 = arith.constant 26 : i32
    %cond3A_1529 = arith.constant 0 : i32
    %cond3A_1530 = arith.cmpi ne, %convert_element_type3A_1527, %cond3A_1529 : i32
    scf.if %cond3A_1530 {
      %min3A = arith.constant 31 : i32
      %min3A_1771 = arith.minsi %cond3A_1528, %min3A : i32
      %dma_start3A = arith.constant 5 : i32
      %dma_start3A_1772 = arith.constant 0 : i32
      %dma_start3A_1773 = arith.constant 0 : i32
      %dma_start3A_1774 = tpu.memref_slice %arg9[%dma_start3A, %dma_start3A_1772, %dma_start3A_1773] : memref<7x128x128xf32, #tpu.memory_space<vmem>> -> memref<1x128x128xf32, #tpu.memory_space<vmem>>
      %dma_start3A_1775 = tpu.memref_squeeze %dma_start3A_1774 : memref<1x128x128xf32, #tpu.memory_space<vmem>> -> memref<128x128xf32, #tpu.memory_space<vmem>>
      %dma_start3A_1776 = arith.constant 0 : i32
      %dma_start3A_1777 = tpu.memref_slice %arg7[%min3A_1771, %dma_start3A_1776] : memref<32x128xi32, #tpu.memory_space<vmem>> -> memref<1x128xi32, #tpu.memory_space<vmem>>
      %dma_start3A_1778 = tpu.memref_squeeze %dma_start3A_1777 : memref<1x128xi32, #tpu.memory_space<vmem>> -> memref<128xi32, #tpu.memory_space<vmem>>
      %dma_start3A_1779 = arith.constant 0 : i32
      %dma_start3A_1780 = arith.constant 0 : i32
      %dma_start3A_1781 = tpu.memref_slice %arg5[%dma_start3A_1779, %dma_start3A_1780] : memref<131072x128xf32, #tpu.memory_space<hbm>> -> memref<131072x128xf32, #tpu.memory_space<hbm>>
      tpu.enqueue_indirect_dma source(%dma_start3A_1775 : memref<128x128xf32, #tpu.memory_space<vmem>>) target(%dma_start3A_1781 : memref<131072x128xf32, #tpu.memory_space<hbm>>) offsets(%dma_start3A_1778 : memref<128xi32, #tpu.memory_space<vmem>>) semaphore(%arg22 : memref<!tpu.dma_semaphore, #tpu.memory_space<semaphore_mem>>)
    } else {
    }
    %not3A_1531 = arith.constant true
    %not3A_1532 = arith.xori %lt3A_1526, %not3A_1531 : i1
    %convert_element_type3A_1533 = arith.extui %not3A_1532 : i1 to i32
    %cond3A_1534 = arith.constant 26 : i32
    %cond3A_1535 = arith.constant 0 : i32
    %cond3A_1536 = arith.cmpi ne, %convert_element_type3A_1533, %cond3A_1535 : i32
    scf.if %cond3A_1536 {
      %sub3A_1771 = arith.subi %cond3A_1534, %shift_right_arithmetic3A_232 : i32
      %dma_start3A = arith.constant 5 : i32
      %dma_start3A_1772 = arith.constant 0 : i32
      %dma_start3A_1773 = arith.constant 0 : i32
      %dma_start3A_1774 = tpu.memref_slice %arg9[%dma_start3A, %dma_start3A_1772, %dma_start3A_1773] : memref<7x128x128xf32, #tpu.memory_space<vmem>> -> memref<1x128x128xf32, #tpu.memory_space<vmem>>
      %dma_start3A_1775 = tpu.memref_squeeze %dma_start3A_1774 : memref<1x128x128xf32, #tpu.memory_space<vmem>> -> memref<128x128xf32, #tpu.memory_space<vmem>>
      %dma_start3A_1776 = arith.constant 0 : i32
      %dma_start3A_1777 = tpu.memref_slice %arg8[%sub3A_1771, %dma_start3A_1776] : memref<32x128xi32, #tpu.memory_space<vmem>> -> memref<1x128xi32, #tpu.memory_space<vmem>>
      %dma_start3A_1778 = tpu.memref_squeeze %dma_start3A_1777 : memref<1x128xi32, #tpu.memory_space<vmem>> -> memref<128xi32, #tpu.memory_space<vmem>>
      %dma_start3A_1779 = arith.constant 0 : i32
      %dma_start3A_1780 = arith.constant 0 : i32
      %dma_start3A_1781 = tpu.memref_slice %arg5[%dma_start3A_1779, %dma_start3A_1780] : memref<131072x128xf32, #tpu.memory_space<hbm>> -> memref<131072x128xf32, #tpu.memory_space<hbm>>
      tpu.enqueue_indirect_dma source(%dma_start3A_1775 : memref<128x128xf32, #tpu.memory_space<vmem>>) target(%dma_start3A_1781 : memref<131072x128xf32, #tpu.memory_space<hbm>>) offsets(%dma_start3A_1778 : memref<128xi32, #tpu.memory_space<vmem>>) semaphore(%arg22 : memref<!tpu.dma_semaphore, #tpu.memory_space<semaphore_mem>>)
    } else {
    }
    %dma_wait3A_1537 = arith.constant 0 : i32
    %dma_wait3A_1538 = arith.constant 3 : i32
    %dma_wait3A_1539 = arith.constant 0 : i32
    %dma_wait3A_1540 = arith.constant 0 : i32
    %dma_wait3A_1541 = tpu.memref_slice %arg9[%dma_wait3A_1538, %dma_wait3A_1539, %dma_wait3A_1540] : memref<7x128x128xf32, #tpu.memory_space<vmem>> -> memref<1x128x128xf32, #tpu.memory_space<vmem>>
    %dma_wait3A_1542 = tpu.memref_squeeze %dma_wait3A_1541 : memref<1x128x128xf32, #tpu.memory_space<vmem>> -> memref<128x128xf32, #tpu.memory_space<vmem>>
    %dma_wait3A_1543 = arith.constant 0 : i32
    %dma_wait3A_1544 = tpu.memref_slice %arg7[%dma_wait3A_1537, %dma_wait3A_1543] : memref<32x128xi32, #tpu.memory_space<vmem>> -> memref<1x128xi32, #tpu.memory_space<vmem>>
    %dma_wait3A_1545 = tpu.memref_squeeze %dma_wait3A_1544 : memref<1x128xi32, #tpu.memory_space<vmem>> -> memref<128xi32, #tpu.memory_space<vmem>>
    %dma_wait3A_1546 = arith.constant 0 : i32
    %dma_wait3A_1547 = arith.constant 0 : i32
    %dma_wait3A_1548 = tpu.memref_slice %arg4[%dma_wait3A_1546, %dma_wait3A_1547] : memref<131072x128xf32, #tpu.memory_space<hbm>> -> memref<131072x128xf32, #tpu.memory_space<hbm>>
    tpu.wait_indirect_dma semaphore(%arg20 : memref<!tpu.dma_semaphore, #tpu.memory_space<semaphore_mem>>) src(%dma_wait3A_1548 : memref<131072x128xf32, #tpu.memory_space<hbm>>) dst(%dma_wait3A_1542 : memref<128x128xf32, #tpu.memory_space<vmem>>)
    %lt3A_1549 = arith.constant 31 : i32
    %lt3A_1550 = arith.cmpi slt, %lt3A_1549, %shift_right_arithmetic3A_232 : i32
    %convert_element_type3A_1551 = arith.extui %lt3A_1550 : i1 to i32
    %cond3A_1552 = arith.constant 31 : i32
    %cond3A_1553 = arith.constant 0 : i32
    %cond3A_1554 = arith.cmpi ne, %convert_element_type3A_1551, %cond3A_1553 : i32
    scf.if %cond3A_1554 {
      %min3A = arith.constant 31 : i32
      %min3A_1771 = arith.minsi %cond3A_1552, %min3A : i32
      %dma_start3A = arith.constant 3 : i32
      %dma_start3A_1772 = arith.constant 0 : i32
      %dma_start3A_1773 = arith.constant 0 : i32
      %dma_start3A_1774 = tpu.memref_slice %arg9[%dma_start3A, %dma_start3A_1772, %dma_start3A_1773] : memref<7x128x128xf32, #tpu.memory_space<vmem>> -> memref<1x128x128xf32, #tpu.memory_space<vmem>>
      %dma_start3A_1775 = tpu.memref_squeeze %dma_start3A_1774 : memref<1x128x128xf32, #tpu.memory_space<vmem>> -> memref<128x128xf32, #tpu.memory_space<vmem>>
      %dma_start3A_1776 = arith.constant 0 : i32
      %dma_start3A_1777 = tpu.memref_slice %arg7[%min3A_1771, %dma_start3A_1776] : memref<32x128xi32, #tpu.memory_space<vmem>> -> memref<1x128xi32, #tpu.memory_space<vmem>>
      %dma_start3A_1778 = tpu.memref_squeeze %dma_start3A_1777 : memref<1x128xi32, #tpu.memory_space<vmem>> -> memref<128xi32, #tpu.memory_space<vmem>>
      %dma_start3A_1779 = arith.constant 0 : i32
      %dma_start3A_1780 = arith.constant 0 : i32
      %dma_start3A_1781 = tpu.memref_slice %arg4[%dma_start3A_1779, %dma_start3A_1780] : memref<131072x128xf32, #tpu.memory_space<hbm>> -> memref<131072x128xf32, #tpu.memory_space<hbm>>
      tpu.enqueue_indirect_dma source(%dma_start3A_1781 : memref<131072x128xf32, #tpu.memory_space<hbm>>) target(%dma_start3A_1775 : memref<128x128xf32, #tpu.memory_space<vmem>>) offsets(%dma_start3A_1778 : memref<128xi32, #tpu.memory_space<vmem>>) semaphore(%arg13 : memref<!tpu.dma_semaphore, #tpu.memory_space<semaphore_mem>>)
    } else {
    }
    %not3A_1555 = arith.constant true
    %not3A_1556 = arith.xori %lt3A_1550, %not3A_1555 : i1
    %convert_element_type3A_1557 = arith.extui %not3A_1556 : i1 to i32
    %cond3A_1558 = arith.constant 31 : i32
    %cond3A_1559 = arith.constant 0 : i32
    %cond3A_1560 = arith.cmpi ne, %convert_element_type3A_1557, %cond3A_1559 : i32
    scf.if %cond3A_1560 {
      %sub3A_1771 = arith.subi %cond3A_1558, %shift_right_arithmetic3A_232 : i32
      %dma_start3A = arith.constant 3 : i32
      %dma_start3A_1772 = arith.constant 0 : i32
      %dma_start3A_1773 = arith.constant 0 : i32
      %dma_start3A_1774 = tpu.memref_slice %arg9[%dma_start3A, %dma_start3A_1772, %dma_start3A_1773] : memref<7x128x128xf32, #tpu.memory_space<vmem>> -> memref<1x128x128xf32, #tpu.memory_space<vmem>>
      %dma_start3A_1775 = tpu.memref_squeeze %dma_start3A_1774 : memref<1x128x128xf32, #tpu.memory_space<vmem>> -> memref<128x128xf32, #tpu.memory_space<vmem>>
      %dma_start3A_1776 = arith.constant 0 : i32
      %dma_start3A_1777 = tpu.memref_slice %arg8[%sub3A_1771, %dma_start3A_1776] : memref<32x128xi32, #tpu.memory_space<vmem>> -> memref<1x128xi32, #tpu.memory_space<vmem>>
      %dma_start3A_1778 = tpu.memref_squeeze %dma_start3A_1777 : memref<1x128xi32, #tpu.memory_space<vmem>> -> memref<128xi32, #tpu.memory_space<vmem>>
      %dma_start3A_1779 = arith.constant 0 : i32
      %dma_start3A_1780 = arith.constant 0 : i32
      %dma_start3A_1781 = tpu.memref_slice %arg2[%dma_start3A_1779, %dma_start3A_1780] : memref<131072x128xf32, #tpu.memory_space<hbm>> -> memref<131072x128xf32, #tpu.memory_space<hbm>>
      tpu.enqueue_indirect_dma source(%dma_start3A_1781 : memref<131072x128xf32, #tpu.memory_space<hbm>>) target(%dma_start3A_1775 : memref<128x128xf32, #tpu.memory_space<vmem>>) offsets(%dma_start3A_1778 : memref<128xi32, #tpu.memory_space<vmem>>) semaphore(%arg13 : memref<!tpu.dma_semaphore, #tpu.memory_space<semaphore_mem>>)
    } else {
    }
    %dma_wait3A_1561 = arith.constant 0 : i32
    %dma_wait3A_1562 = arith.constant 6 : i32
    %dma_wait3A_1563 = arith.constant 0 : i32
    %dma_wait3A_1564 = arith.constant 0 : i32
    %dma_wait3A_1565 = tpu.memref_slice %arg9[%dma_wait3A_1562, %dma_wait3A_1563, %dma_wait3A_1564] : memref<7x128x128xf32, #tpu.memory_space<vmem>> -> memref<1x128x128xf32, #tpu.memory_space<vmem>>
    %dma_wait3A_1566 = tpu.memref_squeeze %dma_wait3A_1565 : memref<1x128x128xf32, #tpu.memory_space<vmem>> -> memref<128x128xf32, #tpu.memory_space<vmem>>
    %dma_wait3A_1567 = arith.constant 0 : i32
    %dma_wait3A_1568 = tpu.memref_slice %arg7[%dma_wait3A_1561, %dma_wait3A_1567] : memref<32x128xi32, #tpu.memory_space<vmem>> -> memref<1x128xi32, #tpu.memory_space<vmem>>
    %dma_wait3A_1569 = tpu.memref_squeeze %dma_wait3A_1568 : memref<1x128xi32, #tpu.memory_space<vmem>> -> memref<128xi32, #tpu.memory_space<vmem>>
    %dma_wait3A_1570 = arith.constant 0 : i32
    %dma_wait3A_1571 = arith.constant 0 : i32
    %dma_wait3A_1572 = tpu.memref_slice %arg4[%dma_wait3A_1570, %dma_wait3A_1571] : memref<131072x128xf32, #tpu.memory_space<hbm>> -> memref<131072x128xf32, #tpu.memory_space<hbm>>
    tpu.wait_indirect_dma semaphore(%arg16 : memref<!tpu.dma_semaphore, #tpu.memory_space<semaphore_mem>>) src(%dma_wait3A_1572 : memref<131072x128xf32, #tpu.memory_space<hbm>>) dst(%dma_wait3A_1566 : memref<128x128xf32, #tpu.memory_space<vmem>>)
    %lt3A_1573 = arith.constant 27 : i32
    %lt3A_1574 = arith.cmpi slt, %lt3A_1573, %shift_right_arithmetic3A_232 : i32
    %convert_element_type3A_1575 = arith.extui %lt3A_1574 : i1 to i32
    %cond3A_1576 = arith.constant 27 : i32
    %cond3A_1577 = arith.constant 0 : i32
    %cond3A_1578 = arith.cmpi ne, %convert_element_type3A_1575, %cond3A_1577 : i32
    scf.if %cond3A_1578 {
      %min3A = arith.constant 31 : i32
      %min3A_1771 = arith.minsi %cond3A_1576, %min3A : i32
      %dma_start3A = arith.constant 6 : i32
      %dma_start3A_1772 = arith.constant 0 : i32
      %dma_start3A_1773 = arith.constant 0 : i32
      %dma_start3A_1774 = tpu.memref_slice %arg9[%dma_start3A, %dma_start3A_1772, %dma_start3A_1773] : memref<7x128x128xf32, #tpu.memory_space<vmem>> -> memref<1x128x128xf32, #tpu.memory_space<vmem>>
      %dma_start3A_1775 = tpu.memref_squeeze %dma_start3A_1774 : memref<1x128x128xf32, #tpu.memory_space<vmem>> -> memref<128x128xf32, #tpu.memory_space<vmem>>
      %dma_start3A_1776 = arith.constant 0 : i32
      %dma_start3A_1777 = tpu.memref_slice %arg7[%min3A_1771, %dma_start3A_1776] : memref<32x128xi32, #tpu.memory_space<vmem>> -> memref<1x128xi32, #tpu.memory_space<vmem>>
      %dma_start3A_1778 = tpu.memref_squeeze %dma_start3A_1777 : memref<1x128xi32, #tpu.memory_space<vmem>> -> memref<128xi32, #tpu.memory_space<vmem>>
      %dma_start3A_1779 = arith.constant 0 : i32
      %dma_start3A_1780 = arith.constant 0 : i32
      %dma_start3A_1781 = tpu.memref_slice %arg5[%dma_start3A_1779, %dma_start3A_1780] : memref<131072x128xf32, #tpu.memory_space<hbm>> -> memref<131072x128xf32, #tpu.memory_space<hbm>>
      tpu.enqueue_indirect_dma source(%dma_start3A_1775 : memref<128x128xf32, #tpu.memory_space<vmem>>) target(%dma_start3A_1781 : memref<131072x128xf32, #tpu.memory_space<hbm>>) offsets(%dma_start3A_1778 : memref<128xi32, #tpu.memory_space<vmem>>) semaphore(%arg23 : memref<!tpu.dma_semaphore, #tpu.memory_space<semaphore_mem>>)
    } else {
    }
    %not3A_1579 = arith.constant true
    %not3A_1580 = arith.xori %lt3A_1574, %not3A_1579 : i1
    %convert_element_type3A_1581 = arith.extui %not3A_1580 : i1 to i32
    %cond3A_1582 = arith.constant 27 : i32
    %cond3A_1583 = arith.constant 0 : i32
    %cond3A_1584 = arith.cmpi ne, %convert_element_type3A_1581, %cond3A_1583 : i32
    scf.if %cond3A_1584 {
      %sub3A_1771 = arith.subi %cond3A_1582, %shift_right_arithmetic3A_232 : i32
      %dma_start3A = arith.constant 6 : i32
      %dma_start3A_1772 = arith.constant 0 : i32
      %dma_start3A_1773 = arith.constant 0 : i32
      %dma_start3A_1774 = tpu.memref_slice %arg9[%dma_start3A, %dma_start3A_1772, %dma_start3A_1773] : memref<7x128x128xf32, #tpu.memory_space<vmem>> -> memref<1x128x128xf32, #tpu.memory_space<vmem>>
      %dma_start3A_1775 = tpu.memref_squeeze %dma_start3A_1774 : memref<1x128x128xf32, #tpu.memory_space<vmem>> -> memref<128x128xf32, #tpu.memory_space<vmem>>
      %dma_start3A_1776 = arith.constant 0 : i32
      %dma_start3A_1777 = tpu.memref_slice %arg8[%sub3A_1771, %dma_start3A_1776] : memref<32x128xi32, #tpu.memory_space<vmem>> -> memref<1x128xi32, #tpu.memory_space<vmem>>
      %dma_start3A_1778 = tpu.memref_squeeze %dma_start3A_1777 : memref<1x128xi32, #tpu.memory_space<vmem>> -> memref<128xi32, #tpu.memory_space<vmem>>
      %dma_start3A_1779 = arith.constant 0 : i32
      %dma_start3A_1780 = arith.constant 0 : i32
      %dma_start3A_1781 = tpu.memref_slice %arg5[%dma_start3A_1779, %dma_start3A_1780] : memref<131072x128xf32, #tpu.memory_space<hbm>> -> memref<131072x128xf32, #tpu.memory_space<hbm>>
      tpu.enqueue_indirect_dma source(%dma_start3A_1775 : memref<128x128xf32, #tpu.memory_space<vmem>>) target(%dma_start3A_1781 : memref<131072x128xf32, #tpu.memory_space<hbm>>) offsets(%dma_start3A_1778 : memref<128xi32, #tpu.memory_space<vmem>>) semaphore(%arg23 : memref<!tpu.dma_semaphore, #tpu.memory_space<semaphore_mem>>)
    } else {
    }
    %dma_wait3A_1585 = arith.constant 0 : i32
    %dma_wait3A_1586 = arith.constant 0 : i32
    %dma_wait3A_1587 = arith.constant 0 : i32
    %dma_wait3A_1588 = arith.constant 0 : i32
    %dma_wait3A_1589 = tpu.memref_slice %arg9[%dma_wait3A_1586, %dma_wait3A_1587, %dma_wait3A_1588] : memref<7x128x128xf32, #tpu.memory_space<vmem>> -> memref<1x128x128xf32, #tpu.memory_space<vmem>>
    %dma_wait3A_1590 = tpu.memref_squeeze %dma_wait3A_1589 : memref<1x128x128xf32, #tpu.memory_space<vmem>> -> memref<128x128xf32, #tpu.memory_space<vmem>>
    %dma_wait3A_1591 = arith.constant 0 : i32
    %dma_wait3A_1592 = tpu.memref_slice %arg7[%dma_wait3A_1585, %dma_wait3A_1591] : memref<32x128xi32, #tpu.memory_space<vmem>> -> memref<1x128xi32, #tpu.memory_space<vmem>>
    %dma_wait3A_1593 = tpu.memref_squeeze %dma_wait3A_1592 : memref<1x128xi32, #tpu.memory_space<vmem>> -> memref<128xi32, #tpu.memory_space<vmem>>
    %dma_wait3A_1594 = arith.constant 0 : i32
    %dma_wait3A_1595 = arith.constant 0 : i32
    %dma_wait3A_1596 = tpu.memref_slice %arg4[%dma_wait3A_1594, %dma_wait3A_1595] : memref<131072x128xf32, #tpu.memory_space<hbm>> -> memref<131072x128xf32, #tpu.memory_space<hbm>>
    tpu.wait_indirect_dma semaphore(%arg10 : memref<!tpu.dma_semaphore, #tpu.memory_space<semaphore_mem>>) src(%dma_wait3A_1596 : memref<131072x128xf32, #tpu.memory_space<hbm>>) dst(%dma_wait3A_1590 : memref<128x128xf32, #tpu.memory_space<vmem>>)
    %lt3A_1597 = arith.constant 28 : i32
    %lt3A_1598 = arith.cmpi slt, %lt3A_1597, %shift_right_arithmetic3A_232 : i32
    %convert_element_type3A_1599 = arith.extui %lt3A_1598 : i1 to i32
    %cond3A_1600 = arith.constant 28 : i32
    %cond3A_1601 = arith.constant 0 : i32
    %cond3A_1602 = arith.cmpi ne, %convert_element_type3A_1599, %cond3A_1601 : i32
    scf.if %cond3A_1602 {
      %min3A = arith.constant 31 : i32
      %min3A_1771 = arith.minsi %cond3A_1600, %min3A : i32
      %dma_start3A = arith.constant 0 : i32
      %dma_start3A_1772 = arith.constant 0 : i32
      %dma_start3A_1773 = arith.constant 0 : i32
      %dma_start3A_1774 = tpu.memref_slice %arg9[%dma_start3A, %dma_start3A_1772, %dma_start3A_1773] : memref<7x128x128xf32, #tpu.memory_space<vmem>> -> memref<1x128x128xf32, #tpu.memory_space<vmem>>
      %dma_start3A_1775 = tpu.memref_squeeze %dma_start3A_1774 : memref<1x128x128xf32, #tpu.memory_space<vmem>> -> memref<128x128xf32, #tpu.memory_space<vmem>>
      %dma_start3A_1776 = arith.constant 0 : i32
      %dma_start3A_1777 = tpu.memref_slice %arg7[%min3A_1771, %dma_start3A_1776] : memref<32x128xi32, #tpu.memory_space<vmem>> -> memref<1x128xi32, #tpu.memory_space<vmem>>
      %dma_start3A_1778 = tpu.memref_squeeze %dma_start3A_1777 : memref<1x128xi32, #tpu.memory_space<vmem>> -> memref<128xi32, #tpu.memory_space<vmem>>
      %dma_start3A_1779 = arith.constant 0 : i32
      %dma_start3A_1780 = arith.constant 0 : i32
      %dma_start3A_1781 = tpu.memref_slice %arg5[%dma_start3A_1779, %dma_start3A_1780] : memref<131072x128xf32, #tpu.memory_space<hbm>> -> memref<131072x128xf32, #tpu.memory_space<hbm>>
      tpu.enqueue_indirect_dma source(%dma_start3A_1775 : memref<128x128xf32, #tpu.memory_space<vmem>>) target(%dma_start3A_1781 : memref<131072x128xf32, #tpu.memory_space<hbm>>) offsets(%dma_start3A_1778 : memref<128xi32, #tpu.memory_space<vmem>>) semaphore(%arg17 : memref<!tpu.dma_semaphore, #tpu.memory_space<semaphore_mem>>)
    } else {
    }
    %not3A_1603 = arith.constant true
    %not3A_1604 = arith.xori %lt3A_1598, %not3A_1603 : i1
    %convert_element_type3A_1605 = arith.extui %not3A_1604 : i1 to i32
    %cond3A_1606 = arith.constant 28 : i32
    %cond3A_1607 = arith.constant 0 : i32
    %cond3A_1608 = arith.cmpi ne, %convert_element_type3A_1605, %cond3A_1607 : i32
    scf.if %cond3A_1608 {
      %sub3A_1771 = arith.subi %cond3A_1606, %shift_right_arithmetic3A_232 : i32
      %dma_start3A = arith.constant 0 : i32
      %dma_start3A_1772 = arith.constant 0 : i32
      %dma_start3A_1773 = arith.constant 0 : i32
      %dma_start3A_1774 = tpu.memref_slice %arg9[%dma_start3A, %dma_start3A_1772, %dma_start3A_1773] : memref<7x128x128xf32, #tpu.memory_space<vmem>> -> memref<1x128x128xf32, #tpu.memory_space<vmem>>
      %dma_start3A_1775 = tpu.memref_squeeze %dma_start3A_1774 : memref<1x128x128xf32, #tpu.memory_space<vmem>> -> memref<128x128xf32, #tpu.memory_space<vmem>>
      %dma_start3A_1776 = arith.constant 0 : i32
      %dma_start3A_1777 = tpu.memref_slice %arg8[%sub3A_1771, %dma_start3A_1776] : memref<32x128xi32, #tpu.memory_space<vmem>> -> memref<1x128xi32, #tpu.memory_space<vmem>>
      %dma_start3A_1778 = tpu.memref_squeeze %dma_start3A_1777 : memref<1x128xi32, #tpu.memory_space<vmem>> -> memref<128xi32, #tpu.memory_space<vmem>>
      %dma_start3A_1779 = arith.constant 0 : i32
      %dma_start3A_1780 = arith.constant 0 : i32
      %dma_start3A_1781 = tpu.memref_slice %arg5[%dma_start3A_1779, %dma_start3A_1780] : memref<131072x128xf32, #tpu.memory_space<hbm>> -> memref<131072x128xf32, #tpu.memory_space<hbm>>
      tpu.enqueue_indirect_dma source(%dma_start3A_1775 : memref<128x128xf32, #tpu.memory_space<vmem>>) target(%dma_start3A_1781 : memref<131072x128xf32, #tpu.memory_space<hbm>>) offsets(%dma_start3A_1778 : memref<128xi32, #tpu.memory_space<vmem>>) semaphore(%arg17 : memref<!tpu.dma_semaphore, #tpu.memory_space<semaphore_mem>>)
    } else {
    }
    %dma_wait3A_1609 = arith.constant 0 : i32
    %dma_wait3A_1610 = arith.constant 1 : i32
    %dma_wait3A_1611 = arith.constant 0 : i32
    %dma_wait3A_1612 = arith.constant 0 : i32
    %dma_wait3A_1613 = tpu.memref_slice %arg9[%dma_wait3A_1610, %dma_wait3A_1611, %dma_wait3A_1612] : memref<7x128x128xf32, #tpu.memory_space<vmem>> -> memref<1x128x128xf32, #tpu.memory_space<vmem>>
    %dma_wait3A_1614 = tpu.memref_squeeze %dma_wait3A_1613 : memref<1x128x128xf32, #tpu.memory_space<vmem>> -> memref<128x128xf32, #tpu.memory_space<vmem>>
    %dma_wait3A_1615 = arith.constant 0 : i32
    %dma_wait3A_1616 = tpu.memref_slice %arg7[%dma_wait3A_1609, %dma_wait3A_1615] : memref<32x128xi32, #tpu.memory_space<vmem>> -> memref<1x128xi32, #tpu.memory_space<vmem>>
    %dma_wait3A_1617 = tpu.memref_squeeze %dma_wait3A_1616 : memref<1x128xi32, #tpu.memory_space<vmem>> -> memref<128xi32, #tpu.memory_space<vmem>>
    %dma_wait3A_1618 = arith.constant 0 : i32
    %dma_wait3A_1619 = arith.constant 0 : i32
    %dma_wait3A_1620 = tpu.memref_slice %arg4[%dma_wait3A_1618, %dma_wait3A_1619] : memref<131072x128xf32, #tpu.memory_space<hbm>> -> memref<131072x128xf32, #tpu.memory_space<hbm>>
    tpu.wait_indirect_dma semaphore(%arg11 : memref<!tpu.dma_semaphore, #tpu.memory_space<semaphore_mem>>) src(%dma_wait3A_1620 : memref<131072x128xf32, #tpu.memory_space<hbm>>) dst(%dma_wait3A_1614 : memref<128x128xf32, #tpu.memory_space<vmem>>)
    %lt3A_1621 = arith.constant 29 : i32
    %lt3A_1622 = arith.cmpi slt, %lt3A_1621, %shift_right_arithmetic3A_232 : i32
    %convert_element_type3A_1623 = arith.extui %lt3A_1622 : i1 to i32
    %cond3A_1624 = arith.constant 29 : i32
    %cond3A_1625 = arith.constant 0 : i32
    %cond3A_1626 = arith.cmpi ne, %convert_element_type3A_1623, %cond3A_1625 : i32
    scf.if %cond3A_1626 {
      %min3A = arith.constant 31 : i32
      %min3A_1771 = arith.minsi %cond3A_1624, %min3A : i32
      %dma_start3A = arith.constant 1 : i32
      %dma_start3A_1772 = arith.constant 0 : i32
      %dma_start3A_1773 = arith.constant 0 : i32
      %dma_start3A_1774 = tpu.memref_slice %arg9[%dma_start3A, %dma_start3A_1772, %dma_start3A_1773] : memref<7x128x128xf32, #tpu.memory_space<vmem>> -> memref<1x128x128xf32, #tpu.memory_space<vmem>>
      %dma_start3A_1775 = tpu.memref_squeeze %dma_start3A_1774 : memref<1x128x128xf32, #tpu.memory_space<vmem>> -> memref<128x128xf32, #tpu.memory_space<vmem>>
      %dma_start3A_1776 = arith.constant 0 : i32
      %dma_start3A_1777 = tpu.memref_slice %arg7[%min3A_1771, %dma_start3A_1776] : memref<32x128xi32, #tpu.memory_space<vmem>> -> memref<1x128xi32, #tpu.memory_space<vmem>>
      %dma_start3A_1778 = tpu.memref_squeeze %dma_start3A_1777 : memref<1x128xi32, #tpu.memory_space<vmem>> -> memref<128xi32, #tpu.memory_space<vmem>>
      %dma_start3A_1779 = arith.constant 0 : i32
      %dma_start3A_1780 = arith.constant 0 : i32
      %dma_start3A_1781 = tpu.memref_slice %arg5[%dma_start3A_1779, %dma_start3A_1780] : memref<131072x128xf32, #tpu.memory_space<hbm>> -> memref<131072x128xf32, #tpu.memory_space<hbm>>
      tpu.enqueue_indirect_dma source(%dma_start3A_1775 : memref<128x128xf32, #tpu.memory_space<vmem>>) target(%dma_start3A_1781 : memref<131072x128xf32, #tpu.memory_space<hbm>>) offsets(%dma_start3A_1778 : memref<128xi32, #tpu.memory_space<vmem>>) semaphore(%arg18 : memref<!tpu.dma_semaphore, #tpu.memory_space<semaphore_mem>>)
    } else {
    }
    %not3A_1627 = arith.constant true
    %not3A_1628 = arith.xori %lt3A_1622, %not3A_1627 : i1
    %convert_element_type3A_1629 = arith.extui %not3A_1628 : i1 to i32
    %cond3A_1630 = arith.constant 29 : i32
    %cond3A_1631 = arith.constant 0 : i32
    %cond3A_1632 = arith.cmpi ne, %convert_element_type3A_1629, %cond3A_1631 : i32
    scf.if %cond3A_1632 {
      %sub3A_1771 = arith.subi %cond3A_1630, %shift_right_arithmetic3A_232 : i32
      %dma_start3A = arith.constant 1 : i32
      %dma_start3A_1772 = arith.constant 0 : i32
      %dma_start3A_1773 = arith.constant 0 : i32
      %dma_start3A_1774 = tpu.memref_slice %arg9[%dma_start3A, %dma_start3A_1772, %dma_start3A_1773] : memref<7x128x128xf32, #tpu.memory_space<vmem>> -> memref<1x128x128xf32, #tpu.memory_space<vmem>>
      %dma_start3A_1775 = tpu.memref_squeeze %dma_start3A_1774 : memref<1x128x128xf32, #tpu.memory_space<vmem>> -> memref<128x128xf32, #tpu.memory_space<vmem>>
      %dma_start3A_1776 = arith.constant 0 : i32
      %dma_start3A_1777 = tpu.memref_slice %arg8[%sub3A_1771, %dma_start3A_1776] : memref<32x128xi32, #tpu.memory_space<vmem>> -> memref<1x128xi32, #tpu.memory_space<vmem>>
      %dma_start3A_1778 = tpu.memref_squeeze %dma_start3A_1777 : memref<1x128xi32, #tpu.memory_space<vmem>> -> memref<128xi32, #tpu.memory_space<vmem>>
      %dma_start3A_1779 = arith.constant 0 : i32
      %dma_start3A_1780 = arith.constant 0 : i32
      %dma_start3A_1781 = tpu.memref_slice %arg5[%dma_start3A_1779, %dma_start3A_1780] : memref<131072x128xf32, #tpu.memory_space<hbm>> -> memref<131072x128xf32, #tpu.memory_space<hbm>>
      tpu.enqueue_indirect_dma source(%dma_start3A_1775 : memref<128x128xf32, #tpu.memory_space<vmem>>) target(%dma_start3A_1781 : memref<131072x128xf32, #tpu.memory_space<hbm>>) offsets(%dma_start3A_1778 : memref<128xi32, #tpu.memory_space<vmem>>) semaphore(%arg18 : memref<!tpu.dma_semaphore, #tpu.memory_space<semaphore_mem>>)
    } else {
    }
    %dma_wait3A_1633 = arith.constant 0 : i32
    %dma_wait3A_1634 = arith.constant 2 : i32
    %dma_wait3A_1635 = arith.constant 0 : i32
    %dma_wait3A_1636 = arith.constant 0 : i32
    %dma_wait3A_1637 = tpu.memref_slice %arg9[%dma_wait3A_1634, %dma_wait3A_1635, %dma_wait3A_1636] : memref<7x128x128xf32, #tpu.memory_space<vmem>> -> memref<1x128x128xf32, #tpu.memory_space<vmem>>
    %dma_wait3A_1638 = tpu.memref_squeeze %dma_wait3A_1637 : memref<1x128x128xf32, #tpu.memory_space<vmem>> -> memref<128x128xf32, #tpu.memory_space<vmem>>
    %dma_wait3A_1639 = arith.constant 0 : i32
    %dma_wait3A_1640 = tpu.memref_slice %arg7[%dma_wait3A_1633, %dma_wait3A_1639] : memref<32x128xi32, #tpu.memory_space<vmem>> -> memref<1x128xi32, #tpu.memory_space<vmem>>
    %dma_wait3A_1641 = tpu.memref_squeeze %dma_wait3A_1640 : memref<1x128xi32, #tpu.memory_space<vmem>> -> memref<128xi32, #tpu.memory_space<vmem>>
    %dma_wait3A_1642 = arith.constant 0 : i32
    %dma_wait3A_1643 = arith.constant 0 : i32
    %dma_wait3A_1644 = tpu.memref_slice %arg4[%dma_wait3A_1642, %dma_wait3A_1643] : memref<131072x128xf32, #tpu.memory_space<hbm>> -> memref<131072x128xf32, #tpu.memory_space<hbm>>
    tpu.wait_indirect_dma semaphore(%arg12 : memref<!tpu.dma_semaphore, #tpu.memory_space<semaphore_mem>>) src(%dma_wait3A_1644 : memref<131072x128xf32, #tpu.memory_space<hbm>>) dst(%dma_wait3A_1638 : memref<128x128xf32, #tpu.memory_space<vmem>>)
    %lt3A_1645 = arith.constant 30 : i32
    %lt3A_1646 = arith.cmpi slt, %lt3A_1645, %shift_right_arithmetic3A_232 : i32
    %convert_element_type3A_1647 = arith.extui %lt3A_1646 : i1 to i32
    %cond3A_1648 = arith.constant 30 : i32
    %cond3A_1649 = arith.constant 0 : i32
    %cond3A_1650 = arith.cmpi ne, %convert_element_type3A_1647, %cond3A_1649 : i32
    scf.if %cond3A_1650 {
      %min3A = arith.constant 31 : i32
      %min3A_1771 = arith.minsi %cond3A_1648, %min3A : i32
      %dma_start3A = arith.constant 2 : i32
      %dma_start3A_1772 = arith.constant 0 : i32
      %dma_start3A_1773 = arith.constant 0 : i32
      %dma_start3A_1774 = tpu.memref_slice %arg9[%dma_start3A, %dma_start3A_1772, %dma_start3A_1773] : memref<7x128x128xf32, #tpu.memory_space<vmem>> -> memref<1x128x128xf32, #tpu.memory_space<vmem>>
      %dma_start3A_1775 = tpu.memref_squeeze %dma_start3A_1774 : memref<1x128x128xf32, #tpu.memory_space<vmem>> -> memref<128x128xf32, #tpu.memory_space<vmem>>
      %dma_start3A_1776 = arith.constant 0 : i32
      %dma_start3A_1777 = tpu.memref_slice %arg7[%min3A_1771, %dma_start3A_1776] : memref<32x128xi32, #tpu.memory_space<vmem>> -> memref<1x128xi32, #tpu.memory_space<vmem>>
      %dma_start3A_1778 = tpu.memref_squeeze %dma_start3A_1777 : memref<1x128xi32, #tpu.memory_space<vmem>> -> memref<128xi32, #tpu.memory_space<vmem>>
      %dma_start3A_1779 = arith.constant 0 : i32
      %dma_start3A_1780 = arith.constant 0 : i32
      %dma_start3A_1781 = tpu.memref_slice %arg5[%dma_start3A_1779, %dma_start3A_1780] : memref<131072x128xf32, #tpu.memory_space<hbm>> -> memref<131072x128xf32, #tpu.memory_space<hbm>>
      tpu.enqueue_indirect_dma source(%dma_start3A_1775 : memref<128x128xf32, #tpu.memory_space<vmem>>) target(%dma_start3A_1781 : memref<131072x128xf32, #tpu.memory_space<hbm>>) offsets(%dma_start3A_1778 : memref<128xi32, #tpu.memory_space<vmem>>) semaphore(%arg19 : memref<!tpu.dma_semaphore, #tpu.memory_space<semaphore_mem>>)
    } else {
    }
    %not3A_1651 = arith.constant true
    %not3A_1652 = arith.xori %lt3A_1646, %not3A_1651 : i1
    %convert_element_type3A_1653 = arith.extui %not3A_1652 : i1 to i32
    %cond3A_1654 = arith.constant 30 : i32
    %cond3A_1655 = arith.constant 0 : i32
    %cond3A_1656 = arith.cmpi ne, %convert_element_type3A_1653, %cond3A_1655 : i32
    scf.if %cond3A_1656 {
      %sub3A_1771 = arith.subi %cond3A_1654, %shift_right_arithmetic3A_232 : i32
      %dma_start3A = arith.constant 2 : i32
      %dma_start3A_1772 = arith.constant 0 : i32
      %dma_start3A_1773 = arith.constant 0 : i32
      %dma_start3A_1774 = tpu.memref_slice %arg9[%dma_start3A, %dma_start3A_1772, %dma_start3A_1773] : memref<7x128x128xf32, #tpu.memory_space<vmem>> -> memref<1x128x128xf32, #tpu.memory_space<vmem>>
      %dma_start3A_1775 = tpu.memref_squeeze %dma_start3A_1774 : memref<1x128x128xf32, #tpu.memory_space<vmem>> -> memref<128x128xf32, #tpu.memory_space<vmem>>
      %dma_start3A_1776 = arith.constant 0 : i32
      %dma_start3A_1777 = tpu.memref_slice %arg8[%sub3A_1771, %dma_start3A_1776] : memref<32x128xi32, #tpu.memory_space<vmem>> -> memref<1x128xi32, #tpu.memory_space<vmem>>
      %dma_start3A_1778 = tpu.memref_squeeze %dma_start3A_1777 : memref<1x128xi32, #tpu.memory_space<vmem>> -> memref<128xi32, #tpu.memory_space<vmem>>
      %dma_start3A_1779 = arith.constant 0 : i32
      %dma_start3A_1780 = arith.constant 0 : i32
      %dma_start3A_1781 = tpu.memref_slice %arg5[%dma_start3A_1779, %dma_start3A_1780] : memref<131072x128xf32, #tpu.memory_space<hbm>> -> memref<131072x128xf32, #tpu.memory_space<hbm>>
      tpu.enqueue_indirect_dma source(%dma_start3A_1775 : memref<128x128xf32, #tpu.memory_space<vmem>>) target(%dma_start3A_1781 : memref<131072x128xf32, #tpu.memory_space<hbm>>) offsets(%dma_start3A_1778 : memref<128xi32, #tpu.memory_space<vmem>>) semaphore(%arg19 : memref<!tpu.dma_semaphore, #tpu.memory_space<semaphore_mem>>)
    } else {
    }
    %dma_wait3A_1657 = arith.constant 0 : i32
    %dma_wait3A_1658 = arith.constant 3 : i32
    %dma_wait3A_1659 = arith.constant 0 : i32
    %dma_wait3A_1660 = arith.constant 0 : i32
    %dma_wait3A_1661 = tpu.memref_slice %arg9[%dma_wait3A_1658, %dma_wait3A_1659, %dma_wait3A_1660] : memref<7x128x128xf32, #tpu.memory_space<vmem>> -> memref<1x128x128xf32, #tpu.memory_space<vmem>>
    %dma_wait3A_1662 = tpu.memref_squeeze %dma_wait3A_1661 : memref<1x128x128xf32, #tpu.memory_space<vmem>> -> memref<128x128xf32, #tpu.memory_space<vmem>>
    %dma_wait3A_1663 = arith.constant 0 : i32
    %dma_wait3A_1664 = tpu.memref_slice %arg7[%dma_wait3A_1657, %dma_wait3A_1663] : memref<32x128xi32, #tpu.memory_space<vmem>> -> memref<1x128xi32, #tpu.memory_space<vmem>>
    %dma_wait3A_1665 = tpu.memref_squeeze %dma_wait3A_1664 : memref<1x128xi32, #tpu.memory_space<vmem>> -> memref<128xi32, #tpu.memory_space<vmem>>
    %dma_wait3A_1666 = arith.constant 0 : i32
    %dma_wait3A_1667 = arith.constant 0 : i32
    %dma_wait3A_1668 = tpu.memref_slice %arg4[%dma_wait3A_1666, %dma_wait3A_1667] : memref<131072x128xf32, #tpu.memory_space<hbm>> -> memref<131072x128xf32, #tpu.memory_space<hbm>>
    tpu.wait_indirect_dma semaphore(%arg13 : memref<!tpu.dma_semaphore, #tpu.memory_space<semaphore_mem>>) src(%dma_wait3A_1668 : memref<131072x128xf32, #tpu.memory_space<hbm>>) dst(%dma_wait3A_1662 : memref<128x128xf32, #tpu.memory_space<vmem>>)
    %lt3A_1669 = arith.constant 31 : i32
    %lt3A_1670 = arith.cmpi slt, %lt3A_1669, %shift_right_arithmetic3A_232 : i32
    %convert_element_type3A_1671 = arith.extui %lt3A_1670 : i1 to i32
    %cond3A_1672 = arith.constant 31 : i32
    %cond3A_1673 = arith.constant 0 : i32
    %cond3A_1674 = arith.cmpi ne, %convert_element_type3A_1671, %cond3A_1673 : i32
    scf.if %cond3A_1674 {
      %min3A = arith.constant 31 : i32
      %min3A_1771 = arith.minsi %cond3A_1672, %min3A : i32
      %dma_start3A = arith.constant 3 : i32
      %dma_start3A_1772 = arith.constant 0 : i32
      %dma_start3A_1773 = arith.constant 0 : i32
      %dma_start3A_1774 = tpu.memref_slice %arg9[%dma_start3A, %dma_start3A_1772, %dma_start3A_1773] : memref<7x128x128xf32, #tpu.memory_space<vmem>> -> memref<1x128x128xf32, #tpu.memory_space<vmem>>
      %dma_start3A_1775 = tpu.memref_squeeze %dma_start3A_1774 : memref<1x128x128xf32, #tpu.memory_space<vmem>> -> memref<128x128xf32, #tpu.memory_space<vmem>>
      %dma_start3A_1776 = arith.constant 0 : i32
      %dma_start3A_1777 = tpu.memref_slice %arg7[%min3A_1771, %dma_start3A_1776] : memref<32x128xi32, #tpu.memory_space<vmem>> -> memref<1x128xi32, #tpu.memory_space<vmem>>
      %dma_start3A_1778 = tpu.memref_squeeze %dma_start3A_1777 : memref<1x128xi32, #tpu.memory_space<vmem>> -> memref<128xi32, #tpu.memory_space<vmem>>
      %dma_start3A_1779 = arith.constant 0 : i32
      %dma_start3A_1780 = arith.constant 0 : i32
      %dma_start3A_1781 = tpu.memref_slice %arg5[%dma_start3A_1779, %dma_start3A_1780] : memref<131072x128xf32, #tpu.memory_space<hbm>> -> memref<131072x128xf32, #tpu.memory_space<hbm>>
      tpu.enqueue_indirect_dma source(%dma_start3A_1775 : memref<128x128xf32, #tpu.memory_space<vmem>>) target(%dma_start3A_1781 : memref<131072x128xf32, #tpu.memory_space<hbm>>) offsets(%dma_start3A_1778 : memref<128xi32, #tpu.memory_space<vmem>>) semaphore(%arg20 : memref<!tpu.dma_semaphore, #tpu.memory_space<semaphore_mem>>)
    } else {
    }
    %not3A_1675 = arith.constant true
    %not3A_1676 = arith.xori %lt3A_1670, %not3A_1675 : i1
    %convert_element_type3A_1677 = arith.extui %not3A_1676 : i1 to i32
    %cond3A_1678 = arith.constant 31 : i32
    %cond3A_1679 = arith.constant 0 : i32
    %cond3A_1680 = arith.cmpi ne, %convert_element_type3A_1677, %cond3A_1679 : i32
    scf.if %cond3A_1680 {
      %sub3A_1771 = arith.subi %cond3A_1678, %shift_right_arithmetic3A_232 : i32
      %dma_start3A = arith.constant 3 : i32
      %dma_start3A_1772 = arith.constant 0 : i32
      %dma_start3A_1773 = arith.constant 0 : i32
      %dma_start3A_1774 = tpu.memref_slice %arg9[%dma_start3A, %dma_start3A_1772, %dma_start3A_1773] : memref<7x128x128xf32, #tpu.memory_space<vmem>> -> memref<1x128x128xf32, #tpu.memory_space<vmem>>
      %dma_start3A_1775 = tpu.memref_squeeze %dma_start3A_1774 : memref<1x128x128xf32, #tpu.memory_space<vmem>> -> memref<128x128xf32, #tpu.memory_space<vmem>>
      %dma_start3A_1776 = arith.constant 0 : i32
      %dma_start3A_1777 = tpu.memref_slice %arg8[%sub3A_1771, %dma_start3A_1776] : memref<32x128xi32, #tpu.memory_space<vmem>> -> memref<1x128xi32, #tpu.memory_space<vmem>>
      %dma_start3A_1778 = tpu.memref_squeeze %dma_start3A_1777 : memref<1x128xi32, #tpu.memory_space<vmem>> -> memref<128xi32, #tpu.memory_space<vmem>>
      %dma_start3A_1779 = arith.constant 0 : i32
      %dma_start3A_1780 = arith.constant 0 : i32
      %dma_start3A_1781 = tpu.memref_slice %arg5[%dma_start3A_1779, %dma_start3A_1780] : memref<131072x128xf32, #tpu.memory_space<hbm>> -> memref<131072x128xf32, #tpu.memory_space<hbm>>
      tpu.enqueue_indirect_dma source(%dma_start3A_1775 : memref<128x128xf32, #tpu.memory_space<vmem>>) target(%dma_start3A_1781 : memref<131072x128xf32, #tpu.memory_space<hbm>>) offsets(%dma_start3A_1778 : memref<128xi32, #tpu.memory_space<vmem>>) semaphore(%arg20 : memref<!tpu.dma_semaphore, #tpu.memory_space<semaphore_mem>>)
    } else {
    }
    %dma_wait3A_1681 = arith.constant 0 : i32
    %dma_wait3A_1682 = arith.constant 4 : i32
    %dma_wait3A_1683 = arith.constant 0 : i32
    %dma_wait3A_1684 = arith.constant 0 : i32
    %dma_wait3A_1685 = tpu.memref_slice %arg9[%dma_wait3A_1682, %dma_wait3A_1683, %dma_wait3A_1684] : memref<7x128x128xf32, #tpu.memory_space<vmem>> -> memref<1x128x128xf32, #tpu.memory_space<vmem>>
    %dma_wait3A_1686 = tpu.memref_squeeze %dma_wait3A_1685 : memref<1x128x128xf32, #tpu.memory_space<vmem>> -> memref<128x128xf32, #tpu.memory_space<vmem>>
    %dma_wait3A_1687 = arith.constant 0 : i32
    %dma_wait3A_1688 = tpu.memref_slice %arg7[%dma_wait3A_1681, %dma_wait3A_1687] : memref<32x128xi32, #tpu.memory_space<vmem>> -> memref<1x128xi32, #tpu.memory_space<vmem>>
    %dma_wait3A_1689 = tpu.memref_squeeze %dma_wait3A_1688 : memref<1x128xi32, #tpu.memory_space<vmem>> -> memref<128xi32, #tpu.memory_space<vmem>>
    %dma_wait3A_1690 = arith.constant 0 : i32
    %dma_wait3A_1691 = arith.constant 0 : i32
    %dma_wait3A_1692 = tpu.memref_slice %arg4[%dma_wait3A_1690, %dma_wait3A_1691] : memref<131072x128xf32, #tpu.memory_space<hbm>> -> memref<131072x128xf32, #tpu.memory_space<hbm>>
    tpu.wait_indirect_dma semaphore(%arg21 : memref<!tpu.dma_semaphore, #tpu.memory_space<semaphore_mem>>) src(%dma_wait3A_1692 : memref<131072x128xf32, #tpu.memory_space<hbm>>) dst(%dma_wait3A_1686 : memref<128x128xf32, #tpu.memory_space<vmem>>)
    %dma_wait3A_1693 = arith.constant 0 : i32
    %dma_wait3A_1694 = arith.constant 5 : i32
    %dma_wait3A_1695 = arith.constant 0 : i32
    %dma_wait3A_1696 = arith.constant 0 : i32
    %dma_wait3A_1697 = tpu.memref_slice %arg9[%dma_wait3A_1694, %dma_wait3A_1695, %dma_wait3A_1696] : memref<7x128x128xf32, #tpu.memory_space<vmem>> -> memref<1x128x128xf32, #tpu.memory_space<vmem>>
    %dma_wait3A_1698 = tpu.memref_squeeze %dma_wait3A_1697 : memref<1x128x128xf32, #tpu.memory_space<vmem>> -> memref<128x128xf32, #tpu.memory_space<vmem>>
    %dma_wait3A_1699 = arith.constant 0 : i32
    %dma_wait3A_1700 = tpu.memref_slice %arg7[%dma_wait3A_1693, %dma_wait3A_1699] : memref<32x128xi32, #tpu.memory_space<vmem>> -> memref<1x128xi32, #tpu.memory_space<vmem>>
    %dma_wait3A_1701 = tpu.memref_squeeze %dma_wait3A_1700 : memref<1x128xi32, #tpu.memory_space<vmem>> -> memref<128xi32, #tpu.memory_space<vmem>>
    %dma_wait3A_1702 = arith.constant 0 : i32
    %dma_wait3A_1703 = arith.constant 0 : i32
    %dma_wait3A_1704 = tpu.memref_slice %arg4[%dma_wait3A_1702, %dma_wait3A_1703] : memref<131072x128xf32, #tpu.memory_space<hbm>> -> memref<131072x128xf32, #tpu.memory_space<hbm>>
    tpu.wait_indirect_dma semaphore(%arg22 : memref<!tpu.dma_semaphore, #tpu.memory_space<semaphore_mem>>) src(%dma_wait3A_1704 : memref<131072x128xf32, #tpu.memory_space<hbm>>) dst(%dma_wait3A_1698 : memref<128x128xf32, #tpu.memory_space<vmem>>)
    %dma_wait3A_1705 = arith.constant 0 : i32
    %dma_wait3A_1706 = arith.constant 6 : i32
    %dma_wait3A_1707 = arith.constant 0 : i32
    %dma_wait3A_1708 = arith.constant 0 : i32
    %dma_wait3A_1709 = tpu.memref_slice %arg9[%dma_wait3A_1706, %dma_wait3A_1707, %dma_wait3A_1708] : memref<7x128x128xf32, #tpu.memory_space<vmem>> -> memref<1x128x128xf32, #tpu.memory_space<vmem>>
    %dma_wait3A_1710 = tpu.memref_squeeze %dma_wait3A_1709 : memref<1x128x128xf32, #tpu.memory_space<vmem>> -> memref<128x128xf32, #tpu.memory_space<vmem>>
    %dma_wait3A_1711 = arith.constant 0 : i32
    %dma_wait3A_1712 = tpu.memref_slice %arg7[%dma_wait3A_1705, %dma_wait3A_1711] : memref<32x128xi32, #tpu.memory_space<vmem>> -> memref<1x128xi32, #tpu.memory_space<vmem>>
    %dma_wait3A_1713 = tpu.memref_squeeze %dma_wait3A_1712 : memref<1x128xi32, #tpu.memory_space<vmem>> -> memref<128xi32, #tpu.memory_space<vmem>>
    %dma_wait3A_1714 = arith.constant 0 : i32
    %dma_wait3A_1715 = arith.constant 0 : i32
    %dma_wait3A_1716 = tpu.memref_slice %arg4[%dma_wait3A_1714, %dma_wait3A_1715] : memref<131072x128xf32, #tpu.memory_space<hbm>> -> memref<131072x128xf32, #tpu.memory_space<hbm>>
    tpu.wait_indirect_dma semaphore(%arg23 : memref<!tpu.dma_semaphore, #tpu.memory_space<semaphore_mem>>) src(%dma_wait3A_1716 : memref<131072x128xf32, #tpu.memory_space<hbm>>) dst(%dma_wait3A_1710 : memref<128x128xf32, #tpu.memory_space<vmem>>)
    %dma_wait3A_1717 = arith.constant 0 : i32
    %dma_wait3A_1718 = arith.constant 0 : i32
    %dma_wait3A_1719 = arith.constant 0 : i32
    %dma_wait3A_1720 = arith.constant 0 : i32
    %dma_wait3A_1721 = tpu.memref_slice %arg9[%dma_wait3A_1718, %dma_wait3A_1719, %dma_wait3A_1720] : memref<7x128x128xf32, #tpu.memory_space<vmem>> -> memref<1x128x128xf32, #tpu.memory_space<vmem>>
    %dma_wait3A_1722 = tpu.memref_squeeze %dma_wait3A_1721 : memref<1x128x128xf32, #tpu.memory_space<vmem>> -> memref<128x128xf32, #tpu.memory_space<vmem>>
    %dma_wait3A_1723 = arith.constant 0 : i32
    %dma_wait3A_1724 = tpu.memref_slice %arg7[%dma_wait3A_1717, %dma_wait3A_1723] : memref<32x128xi32, #tpu.memory_space<vmem>> -> memref<1x128xi32, #tpu.memory_space<vmem>>
    %dma_wait3A_1725 = tpu.memref_squeeze %dma_wait3A_1724 : memref<1x128xi32, #tpu.memory_space<vmem>> -> memref<128xi32, #tpu.memory_space<vmem>>
    %dma_wait3A_1726 = arith.constant 0 : i32
    %dma_wait3A_1727 = arith.constant 0 : i32
    %dma_wait3A_1728 = tpu.memref_slice %arg4[%dma_wait3A_1726, %dma_wait3A_1727] : memref<131072x128xf32, #tpu.memory_space<hbm>> -> memref<131072x128xf32, #tpu.memory_space<hbm>>
    tpu.wait_indirect_dma semaphore(%arg17 : memref<!tpu.dma_semaphore, #tpu.memory_space<semaphore_mem>>) src(%dma_wait3A_1728 : memref<131072x128xf32, #tpu.memory_space<hbm>>) dst(%dma_wait3A_1722 : memref<128x128xf32, #tpu.memory_space<vmem>>)
    %dma_wait3A_1729 = arith.constant 0 : i32
    %dma_wait3A_1730 = arith.constant 1 : i32
    %dma_wait3A_1731 = arith.constant 0 : i32
    %dma_wait3A_1732 = arith.constant 0 : i32
    %dma_wait3A_1733 = tpu.memref_slice %arg9[%dma_wait3A_1730, %dma_wait3A_1731, %dma_wait3A_1732] : memref<7x128x128xf32, #tpu.memory_space<vmem>> -> memref<1x128x128xf32, #tpu.memory_space<vmem>>
    %dma_wait3A_1734 = tpu.memref_squeeze %dma_wait3A_1733 : memref<1x128x128xf32, #tpu.memory_space<vmem>> -> memref<128x128xf32, #tpu.memory_space<vmem>>
    %dma_wait3A_1735 = arith.constant 0 : i32
    %dma_wait3A_1736 = tpu.memref_slice %arg7[%dma_wait3A_1729, %dma_wait3A_1735] : memref<32x128xi32, #tpu.memory_space<vmem>> -> memref<1x128xi32, #tpu.memory_space<vmem>>
    %dma_wait3A_1737 = tpu.memref_squeeze %dma_wait3A_1736 : memref<1x128xi32, #tpu.memory_space<vmem>> -> memref<128xi32, #tpu.memory_space<vmem>>
    %dma_wait3A_1738 = arith.constant 0 : i32
    %dma_wait3A_1739 = arith.constant 0 : i32
    %dma_wait3A_1740 = tpu.memref_slice %arg4[%dma_wait3A_1738, %dma_wait3A_1739] : memref<131072x128xf32, #tpu.memory_space<hbm>> -> memref<131072x128xf32, #tpu.memory_space<hbm>>
    tpu.wait_indirect_dma semaphore(%arg18 : memref<!tpu.dma_semaphore, #tpu.memory_space<semaphore_mem>>) src(%dma_wait3A_1740 : memref<131072x128xf32, #tpu.memory_space<hbm>>) dst(%dma_wait3A_1734 : memref<128x128xf32, #tpu.memory_space<vmem>>)
    %dma_wait3A_1741 = arith.constant 0 : i32
    %dma_wait3A_1742 = arith.constant 2 : i32
    %dma_wait3A_1743 = arith.constant 0 : i32
    %dma_wait3A_1744 = arith.constant 0 : i32
    %dma_wait3A_1745 = tpu.memref_slice %arg9[%dma_wait3A_1742, %dma_wait3A_1743, %dma_wait3A_1744] : memref<7x128x128xf32, #tpu.memory_space<vmem>> -> memref<1x128x128xf32, #tpu.memory_space<vmem>>
    %dma_wait3A_1746 = tpu.memref_squeeze %dma_wait3A_1745 : memref<1x128x128xf32, #tpu.memory_space<vmem>> -> memref<128x128xf32, #tpu.memory_space<vmem>>
    %dma_wait3A_1747 = arith.constant 0 : i32
    %dma_wait3A_1748 = tpu.memref_slice %arg7[%dma_wait3A_1741, %dma_wait3A_1747] : memref<32x128xi32, #tpu.memory_space<vmem>> -> memref<1x128xi32, #tpu.memory_space<vmem>>
    %dma_wait3A_1749 = tpu.memref_squeeze %dma_wait3A_1748 : memref<1x128xi32, #tpu.memory_space<vmem>> -> memref<128xi32, #tpu.memory_space<vmem>>
    %dma_wait3A_1750 = arith.constant 0 : i32
    %dma_wait3A_1751 = arith.constant 0 : i32
    %dma_wait3A_1752 = tpu.memref_slice %arg4[%dma_wait3A_1750, %dma_wait3A_1751] : memref<131072x128xf32, #tpu.memory_space<hbm>> -> memref<131072x128xf32, #tpu.memory_space<hbm>>
    tpu.wait_indirect_dma semaphore(%arg19 : memref<!tpu.dma_semaphore, #tpu.memory_space<semaphore_mem>>) src(%dma_wait3A_1752 : memref<131072x128xf32, #tpu.memory_space<hbm>>) dst(%dma_wait3A_1746 : memref<128x128xf32, #tpu.memory_space<vmem>>)
    %dma_wait3A_1753 = arith.constant 0 : i32
    %dma_wait3A_1754 = arith.constant 3 : i32
    %dma_wait3A_1755 = arith.constant 0 : i32
    %dma_wait3A_1756 = arith.constant 0 : i32
    %dma_wait3A_1757 = tpu.memref_slice %arg9[%dma_wait3A_1754, %dma_wait3A_1755, %dma_wait3A_1756] : memref<7x128x128xf32, #tpu.memory_space<vmem>> -> memref<1x128x128xf32, #tpu.memory_space<vmem>>
    %dma_wait3A_1758 = tpu.memref_squeeze %dma_wait3A_1757 : memref<1x128x128xf32, #tpu.memory_space<vmem>> -> memref<128x128xf32, #tpu.memory_space<vmem>>
    %dma_wait3A_1759 = arith.constant 0 : i32
    %dma_wait3A_1760 = tpu.memref_slice %arg7[%dma_wait3A_1753, %dma_wait3A_1759] : memref<32x128xi32, #tpu.memory_space<vmem>> -> memref<1x128xi32, #tpu.memory_space<vmem>>
    %dma_wait3A_1761 = tpu.memref_squeeze %dma_wait3A_1760 : memref<1x128xi32, #tpu.memory_space<vmem>> -> memref<128xi32, #tpu.memory_space<vmem>>
    %dma_wait3A_1762 = arith.constant 0 : i32
    %dma_wait3A_1763 = arith.constant 0 : i32
    %dma_wait3A_1764 = tpu.memref_slice %arg4[%dma_wait3A_1762, %dma_wait3A_1763] : memref<131072x128xf32, #tpu.memory_space<hbm>> -> memref<131072x128xf32, #tpu.memory_space<hbm>>
    tpu.wait_indirect_dma semaphore(%arg20 : memref<!tpu.dma_semaphore, #tpu.memory_space<semaphore_mem>>) src(%dma_wait3A_1764 : memref<131072x128xf32, #tpu.memory_space<hbm>>) dst(%dma_wait3A_1758 : memref<128x128xf32, #tpu.memory_space<vmem>>)
    %and3A_1765 = arith.constant 127 : i32
    %and3A_1766 = arith.andi %reduce_max3A_224, %and3A_1765 : i32
    %ne3A = arith.constant 0 : i32
    %ne3A_1767 = arith.cmpi ne, %and3A_1766, %ne3A : i32
    %convert_element_type3A_1768 = arith.extui %ne3A_1767 : i1 to i32
    %cond3A_1769 = arith.constant 0 : i32
    %cond3A_1770 = arith.cmpi ne, %convert_element_type3A_1768, %cond3A_1769 : i32
    scf.if %cond3A_1770 {
      %lt3A_1771 = arith.constant 32 : i32
      %lt3A_1772 = arith.cmpi slt, %lt3A_1771, %shift_right_arithmetic3A_232 : i32
      %convert_element_type3A_1773 = arith.extui %lt3A_1772 : i1 to i32
      %cond3A_1774 = arith.constant 32 : i32
      %cond3A_1775 = arith.constant 0 : i32
      %cond3A_1776 = arith.cmpi ne, %convert_element_type3A_1773, %cond3A_1775 : i32
      scf.if %cond3A_1776 {
        %min3A = arith.constant 31 : i32
        %min3A_1819 = arith.minsi %cond3A_1774, %min3A : i32
        %dma_start3A = arith.constant 4 : i32
        %dma_start3A_1820 = arith.constant 0 : i32
        %dma_start3A_1821 = arith.constant 0 : i32
        %dma_start3A_1822 = tpu.memref_slice %arg9[%dma_start3A, %dma_start3A_1820, %dma_start3A_1821] : memref<7x128x128xf32, #tpu.memory_space<vmem>> -> memref<1x128x128xf32, #tpu.memory_space<vmem>>
        %dma_start3A_1823 = tpu.memref_squeeze %dma_start3A_1822 : memref<1x128x128xf32, #tpu.memory_space<vmem>> -> memref<128x128xf32, #tpu.memory_space<vmem>>
        %dma_start3A_1824 = arith.constant 0 : i32
        %dma_start3A_1825 = tpu.memref_slice %arg7[%min3A_1819, %dma_start3A_1824] : memref<32x128xi32, #tpu.memory_space<vmem>> -> memref<1x128xi32, #tpu.memory_space<vmem>>
        %dma_start3A_1826 = tpu.memref_squeeze %dma_start3A_1825 : memref<1x128xi32, #tpu.memory_space<vmem>> -> memref<128xi32, #tpu.memory_space<vmem>>
        %dma_start3A_1827 = arith.constant 0 : i32
        %dma_start3A_1828 = arith.constant 0 : i32
        %dma_start3A_1829 = tpu.memref_slice %arg4[%dma_start3A_1827, %dma_start3A_1828] : memref<131072x128xf32, #tpu.memory_space<hbm>> -> memref<131072x128xf32, #tpu.memory_space<hbm>>
        tpu.enqueue_indirect_dma source(%dma_start3A_1829 : memref<131072x128xf32, #tpu.memory_space<hbm>>) target(%dma_start3A_1823 : memref<128x128xf32, #tpu.memory_space<vmem>>) offsets(%dma_start3A_1826 : memref<128xi32, #tpu.memory_space<vmem>>) semaphore(%arg14 : memref<!tpu.dma_semaphore, #tpu.memory_space<semaphore_mem>>)
      } else {
      }
      %not3A_1777 = arith.constant true
      %not3A_1778 = arith.xori %lt3A_1772, %not3A_1777 : i1
      %convert_element_type3A_1779 = arith.extui %not3A_1778 : i1 to i32
      %cond3A_1780 = arith.constant 32 : i32
      %cond3A_1781 = arith.constant 0 : i32
      %cond3A_1782 = arith.cmpi ne, %convert_element_type3A_1779, %cond3A_1781 : i32
      scf.if %cond3A_1782 {
        %sub3A_1819 = arith.subi %cond3A_1780, %shift_right_arithmetic3A_232 : i32
        %dma_start3A = arith.constant 4 : i32
        %dma_start3A_1820 = arith.constant 0 : i32
        %dma_start3A_1821 = arith.constant 0 : i32
        %dma_start3A_1822 = tpu.memref_slice %arg9[%dma_start3A, %dma_start3A_1820, %dma_start3A_1821] : memref<7x128x128xf32, #tpu.memory_space<vmem>> -> memref<1x128x128xf32, #tpu.memory_space<vmem>>
        %dma_start3A_1823 = tpu.memref_squeeze %dma_start3A_1822 : memref<1x128x128xf32, #tpu.memory_space<vmem>> -> memref<128x128xf32, #tpu.memory_space<vmem>>
        %dma_start3A_1824 = arith.constant 0 : i32
        %dma_start3A_1825 = tpu.memref_slice %arg8[%sub3A_1819, %dma_start3A_1824] : memref<32x128xi32, #tpu.memory_space<vmem>> -> memref<1x128xi32, #tpu.memory_space<vmem>>
        %dma_start3A_1826 = tpu.memref_squeeze %dma_start3A_1825 : memref<1x128xi32, #tpu.memory_space<vmem>> -> memref<128xi32, #tpu.memory_space<vmem>>
        %dma_start3A_1827 = arith.constant 0 : i32
        %dma_start3A_1828 = arith.constant 0 : i32
        %dma_start3A_1829 = tpu.memref_slice %arg2[%dma_start3A_1827, %dma_start3A_1828] : memref<131072x128xf32, #tpu.memory_space<hbm>> -> memref<131072x128xf32, #tpu.memory_space<hbm>>
        tpu.enqueue_indirect_dma source(%dma_start3A_1829 : memref<131072x128xf32, #tpu.memory_space<hbm>>) target(%dma_start3A_1823 : memref<128x128xf32, #tpu.memory_space<vmem>>) offsets(%dma_start3A_1826 : memref<128xi32, #tpu.memory_space<vmem>>) semaphore(%arg14 : memref<!tpu.dma_semaphore, #tpu.memory_space<semaphore_mem>>)
      } else {
      }
      %dma_wait3A_1783 = arith.constant 0 : i32
      %dma_wait3A_1784 = arith.constant 4 : i32
      %dma_wait3A_1785 = arith.constant 0 : i32
      %dma_wait3A_1786 = arith.constant 0 : i32
      %dma_wait3A_1787 = tpu.memref_slice %arg9[%dma_wait3A_1784, %dma_wait3A_1785, %dma_wait3A_1786] : memref<7x128x128xf32, #tpu.memory_space<vmem>> -> memref<1x128x128xf32, #tpu.memory_space<vmem>>
      %dma_wait3A_1788 = tpu.memref_squeeze %dma_wait3A_1787 : memref<1x128x128xf32, #tpu.memory_space<vmem>> -> memref<128x128xf32, #tpu.memory_space<vmem>>
      %dma_wait3A_1789 = arith.constant 0 : i32
      %dma_wait3A_1790 = tpu.memref_slice %arg7[%dma_wait3A_1783, %dma_wait3A_1789] : memref<32x128xi32, #tpu.memory_space<vmem>> -> memref<1x128xi32, #tpu.memory_space<vmem>>
      %dma_wait3A_1791 = tpu.memref_squeeze %dma_wait3A_1790 : memref<1x128xi32, #tpu.memory_space<vmem>> -> memref<128xi32, #tpu.memory_space<vmem>>
      %dma_wait3A_1792 = arith.constant 0 : i32
      %dma_wait3A_1793 = arith.constant 0 : i32
      %dma_wait3A_1794 = tpu.memref_slice %arg4[%dma_wait3A_1792, %dma_wait3A_1793] : memref<131072x128xf32, #tpu.memory_space<hbm>> -> memref<131072x128xf32, #tpu.memory_space<hbm>>
      tpu.wait_indirect_dma semaphore(%arg14 : memref<!tpu.dma_semaphore, #tpu.memory_space<semaphore_mem>>) src(%dma_wait3A_1794 : memref<131072x128xf32, #tpu.memory_space<hbm>>) dst(%dma_wait3A_1788 : memref<128x128xf32, #tpu.memory_space<vmem>>)
      %lt3A_1795 = arith.constant 32 : i32
      %lt3A_1796 = arith.cmpi slt, %lt3A_1795, %shift_right_arithmetic3A_232 : i32
      %convert_element_type3A_1797 = arith.extui %lt3A_1796 : i1 to i32
      %cond3A_1798 = arith.constant 32 : i32
      %cond3A_1799 = arith.constant 0 : i32
      %cond3A_1800 = arith.cmpi ne, %convert_element_type3A_1797, %cond3A_1799 : i32
      scf.if %cond3A_1800 {
        %min3A = arith.constant 31 : i32
        %min3A_1819 = arith.minsi %cond3A_1798, %min3A : i32
        %dma_start3A = arith.constant 4 : i32
        %dma_start3A_1820 = arith.constant 0 : i32
        %dma_start3A_1821 = arith.constant 0 : i32
        %dma_start3A_1822 = tpu.memref_slice %arg9[%dma_start3A, %dma_start3A_1820, %dma_start3A_1821] : memref<7x128x128xf32, #tpu.memory_space<vmem>> -> memref<1x128x128xf32, #tpu.memory_space<vmem>>
        %dma_start3A_1823 = tpu.memref_squeeze %dma_start3A_1822 : memref<1x128x128xf32, #tpu.memory_space<vmem>> -> memref<128x128xf32, #tpu.memory_space<vmem>>
        %dma_start3A_1824 = arith.constant 0 : i32
        %dma_start3A_1825 = tpu.memref_slice %arg7[%min3A_1819, %dma_start3A_1824] : memref<32x128xi32, #tpu.memory_space<vmem>> -> memref<1x128xi32, #tpu.memory_space<vmem>>
        %dma_start3A_1826 = tpu.memref_squeeze %dma_start3A_1825 : memref<1x128xi32, #tpu.memory_space<vmem>> -> memref<128xi32, #tpu.memory_space<vmem>>
        %dma_start3A_1827 = arith.constant 0 : i32
        %dma_start3A_1828 = arith.constant 0 : i32
        %dma_start3A_1829 = tpu.memref_slice %arg5[%dma_start3A_1827, %dma_start3A_1828] : memref<131072x128xf32, #tpu.memory_space<hbm>> -> memref<131072x128xf32, #tpu.memory_space<hbm>>
        tpu.enqueue_indirect_dma source(%dma_start3A_1823 : memref<128x128xf32, #tpu.memory_space<vmem>>) target(%dma_start3A_1829 : memref<131072x128xf32, #tpu.memory_space<hbm>>) offsets(%dma_start3A_1826 : memref<128xi32, #tpu.memory_space<vmem>>) semaphore(%arg21 : memref<!tpu.dma_semaphore, #tpu.memory_space<semaphore_mem>>)
      } else {
      }
      %not3A_1801 = arith.constant true
      %not3A_1802 = arith.xori %lt3A_1796, %not3A_1801 : i1
      %convert_element_type3A_1803 = arith.extui %not3A_1802 : i1 to i32
      %cond3A_1804 = arith.constant 32 : i32
      %cond3A_1805 = arith.constant 0 : i32
      %cond3A_1806 = arith.cmpi ne, %convert_element_type3A_1803, %cond3A_1805 : i32
      scf.if %cond3A_1806 {
        %sub3A_1819 = arith.subi %cond3A_1804, %shift_right_arithmetic3A_232 : i32
        %dma_start3A = arith.constant 4 : i32
        %dma_start3A_1820 = arith.constant 0 : i32
        %dma_start3A_1821 = arith.constant 0 : i32
        %dma_start3A_1822 = tpu.memref_slice %arg9[%dma_start3A, %dma_start3A_1820, %dma_start3A_1821] : memref<7x128x128xf32, #tpu.memory_space<vmem>> -> memref<1x128x128xf32, #tpu.memory_space<vmem>>
        %dma_start3A_1823 = tpu.memref_squeeze %dma_start3A_1822 : memref<1x128x128xf32, #tpu.memory_space<vmem>> -> memref<128x128xf32, #tpu.memory_space<vmem>>
        %dma_start3A_1824 = arith.constant 0 : i32
        %dma_start3A_1825 = tpu.memref_slice %arg8[%sub3A_1819, %dma_start3A_1824] : memref<32x128xi32, #tpu.memory_space<vmem>> -> memref<1x128xi32, #tpu.memory_space<vmem>>
        %dma_start3A_1826 = tpu.memref_squeeze %dma_start3A_1825 : memref<1x128xi32, #tpu.memory_space<vmem>> -> memref<128xi32, #tpu.memory_space<vmem>>
        %dma_start3A_1827 = arith.constant 0 : i32
        %dma_start3A_1828 = arith.constant 0 : i32
        %dma_start3A_1829 = tpu.memref_slice %arg5[%dma_start3A_1827, %dma_start3A_1828] : memref<131072x128xf32, #tpu.memory_space<hbm>> -> memref<131072x128xf32, #tpu.memory_space<hbm>>
        tpu.enqueue_indirect_dma source(%dma_start3A_1823 : memref<128x128xf32, #tpu.memory_space<vmem>>) target(%dma_start3A_1829 : memref<131072x128xf32, #tpu.memory_space<hbm>>) offsets(%dma_start3A_1826 : memref<128xi32, #tpu.memory_space<vmem>>) semaphore(%arg21 : memref<!tpu.dma_semaphore, #tpu.memory_space<semaphore_mem>>)
      } else {
      }
      %dma_wait3A_1807 = arith.constant 0 : i32
      %dma_wait3A_1808 = arith.constant 4 : i32
      %dma_wait3A_1809 = arith.constant 0 : i32
      %dma_wait3A_1810 = arith.constant 0 : i32
      %dma_wait3A_1811 = tpu.memref_slice %arg9[%dma_wait3A_1808, %dma_wait3A_1809, %dma_wait3A_1810] : memref<7x128x128xf32, #tpu.memory_space<vmem>> -> memref<1x128x128xf32, #tpu.memory_space<vmem>>
      %dma_wait3A_1812 = tpu.memref_squeeze %dma_wait3A_1811 : memref<1x128x128xf32, #tpu.memory_space<vmem>> -> memref<128x128xf32, #tpu.memory_space<vmem>>
      %dma_wait3A_1813 = arith.constant 0 : i32
      %dma_wait3A_1814 = tpu.memref_slice %arg7[%dma_wait3A_1807, %dma_wait3A_1813] : memref<32x128xi32, #tpu.memory_space<vmem>> -> memref<1x128xi32, #tpu.memory_space<vmem>>
      %dma_wait3A_1815 = tpu.memref_squeeze %dma_wait3A_1814 : memref<1x128xi32, #tpu.memory_space<vmem>> -> memref<128xi32, #tpu.memory_space<vmem>>
      %dma_wait3A_1816 = arith.constant 0 : i32
      %dma_wait3A_1817 = arith.constant 0 : i32
      %dma_wait3A_1818 = tpu.memref_slice %arg4[%dma_wait3A_1816, %dma_wait3A_1817] : memref<131072x128xf32, #tpu.memory_space<hbm>> -> memref<131072x128xf32, #tpu.memory_space<hbm>>
      tpu.wait_indirect_dma semaphore(%arg21 : memref<!tpu.dma_semaphore, #tpu.memory_space<semaphore_mem>>) src(%dma_wait3A_1818 : memref<131072x128xf32, #tpu.memory_space<hbm>>) dst(%dma_wait3A_1812 : memref<128x128xf32, #tpu.memory_space<vmem>>)
    } else {
    }
    return
  }
}

</mosaic_0001>

<sc_bundles>
// kernel: _sc_call.3.cloned.1.call-start
scs
__scs_entry_jumppad:
0x0: {  	(pc) =	sbr.rel $0x88, $3  }
0x1: {  	(tag) =	ssettag $0x0;
	lr =	simm.s32 $0x1  }
0x2: {  	[smem:$0x3F9E] =	sst lr;
	_ =	strace $0xD0000000  }
0x3: {  	_ = 	snop  }
0x4: {  	_ = 	snop  }
0x5: {  	_ = 	snop  }
0x6: {  	_ = 	snop  }
0x7: {  	_ = 	snop  }
__scs_overlays_trampoline_lowered:
0x8: {  	[smem:$0x3FAD] =	sst s0  }
0x9: {  	[smem:$0x3FAE] =	sst s1  }
0xa: {  	[smem:$0x3FAF] =	sst s2  }
0xb: {  	[smem:$0x3FB0] =	sst s3  }
0xc: {  	[smem:$0x3FB1] =	sst s4  }
0xd: {  	[smem:$0x3FB2] =	sst s5  }
0xe: {  	[smem:$0x3FB3] =	sst s6  }
0xf: {  	[smem:$0x3FB4] =	sst s7  }
0x10: {  	[smem:$0x3FB5] =	sst s8  }
0x11: {  	[smem:$0x3FB6] =	sst s9;
	s0 =	simm.s32 @!p0 $0x0  }
0x12: {  	s1 =	sld [smem:$0x3F9C];
	s0 =	simm.s32 @p0 $0x1  }
0x13: {  	[smem:$0x3FB7] =	sst s0;
	s0 =	simm.s32 @!p1 $0x0  }
0x14: {  	s2 =	sld [smem:$0x3F9B];
	s0 =	simm.s32 @p1 $0x1  }
0x15: {  	[smem:$0x3FB8] =	sst s0;
	s0 =	simm.s32 @!p2 $0x0  }
0x16: {  	s3 =	sld [smem:$0x3FDB];
	s0 =	simm.s32 @p2 $0x1  }
0x17: {  	s4 =	simm.s32 $0x1BF5;
	[smem:$0x3FBA] =	sst s0  }
0x18: {  	s0 =	sld [smem:$0x3F9D];
	_ =	swait.ge [sflag:s4], $0x0  }
0x19: {  	s7 =	sld [smem:$0x3F9E]  }
0x1a: {  	s8 =	sadd.s32 $0xFFFFE003, lr  }
0x1b: {  	s9 =	sadd.s32 $0xFFFFFEF7, lr;
	s5 =	simm.s32 $0xFFFFFFFF;
	p2 =	slt.u32 s8, $0xFFFFF086  }
0x1c: {  	p1 =	slt.u32 s9, $0xF7A;
	s5 =	simm.s32 @!p2 $0x0  }
0x1d: {  	s5 =	simm.s32 @p1 $0x1;
	p0 =	seq.s32 s7, s2  }
0x1e: {  	s7 =	smul.u32 @!p0 $0xF7A, s2;
	p2 =	seq.s32 @!p0 s5, $0x0  }
0x1f: {  	s9 =	smul.u32 $0xF7A, s1;
	s8 =	simm.s32 @!p0 $0x1BF5;
	p2 =	por !p2, p0  }
0x20: {  	[sflag:s8] =	ssyncset.s32 @!p0 $0xFFFFF086;
	s6 =	sadd.s32 @!p0 s3, s7;
	s7 =	simm.s32 @!p0 $0x108  }
0x21: {  	s3 =	sadd.s32 s3, s9;
	s6 =	sadd.s32 @!p0 $0x88, s6;
	s7 =	simm.s32 @p2 $0x1082  }
0x22: {  	[simem:s7], [sflag:s8] =	dma.local @!p0 [hbm:s6], $0xF7A  }
0x23: {  	s9 =	sor.u32 $0xD0000000, s2;
	s6 =	simm.s32 $0x108;
	_ =	swait.ge @!p0 [sflag:s8], $0x0  }
0x24: {  	s3 =	sadd.s32 $0x88, s3;
	s6 =	simm.s32 @!p1 $0x1082;
	[sflag:s4] =	ssyncset.s32 $0xFFFFF086  }
0x25: {  	[simem:s6], [sflag:s4] =	dma.local [hbm:s3], $0xF7A  }
0x26: {  	[smem:$0x3F9E] =	sst s1;
	(tag) =	ssettag s2;
	_ =	strace s9  }
0x27: {  	s1 =	sld [smem:$0x3FAE]  }
0x28: {  	s2 =	sld [smem:$0x3FAF]  }
0x29: {  	s4 =	sld [smem:$0x3FB1]  }
0x2a: {  	p0 =	seq.s32 s5, $0x0;
	s5 =	sld [smem:$0x3FB2]  }
0x2b: {  	s6 =	sld [smem:$0x3FB3]  }
0x2c: {  	s7 =	sld [smem:$0x3FB4]  }
0x2d: {  	s3 =	simm.s32 $0x108;
	s8 =	sld [smem:$0x3FB5]  }
0x2e: {  	s3 =	simm.s32 @!p0 $0x1082;
	s9 =	sld [smem:$0x3FB6]  }
0x2f: {  	lr =	sadd.s32 s0, s3;
	s0 =	sld [smem:$0x3FAD]  }
0x30: {  	s3 =	sld [smem:$0x3FB0]  }
0x31: {  	[smem:$0x3FB9] =	sst s10  }
0x32: {  	s10 =	sld [smem:$0x3FB7];
	_ =	sdelay $0x3  }
0x33: {  	p0 =	seq.s32 s10, $0x1;
	s10 =	sld [smem:$0x3FB9];
	_ =	sdelay $0x3  }
0x34: {  	[smem:$0x3FB9] =	sst s10  }
0x35: {  	s10 =	sld [smem:$0x3FB8];
	_ =	sdelay $0x3  }
0x36: {  	p1 =	seq.s32 s10, $0x1;
	s10 =	sld [smem:$0x3FB9];
	_ =	sdelay $0x3  }
0x37: {  	[smem:$0x3FB9] =	sst s10  }
0x38: {  	s10 =	sld [smem:$0x3FBA]  }
0x39: {  	_ = 	snop;
	(pc) =	sbr.ind lr, $3  }
0x3a: {  	_ = 	snop  }
0x3b: {  	_ = 	snop  }
0x3c: {  	p2 =	seq.s32 s10, $0x1;
	s10 =	sld [smem:$0x3FB9]  }
0x3d: {  	_ =	shalt  }
0x3e: {  	_ =	shalt  }
0x3f: {  	_ =	shalt  }
0x40: {  	_ =	shalt  }
0x41: {  	_ =	shalt  }
0x42: {  	_ =	shalt  }
0x43: {  	_ =	shalt  }
0x44: {  	_ =	shalt  }
0x45: {  	_ =	shalt  }
0x46: {  	_ =	shalt  }
0x47: {  	_ =	shalt  }
0x48: {  	_ =	shalt  }
0x49: {  	_ =	shalt  }
0x4a: {  	_ =	shalt  }
0x4b: {  	_ =	shalt  }
0x4c: {  	_ =	shalt  }
0x4d: {  	_ =	shalt  }
0x4e: {  	_ =	shalt  }
0x4f: {  	_ =	shalt  }
0x50: {  	_ =	shalt  }
0x51: {  	_ =	shalt  }
0x52: {  	_ =	shalt  }
0x53: {  	_ =	shalt  }
0x54: {  	_ =	shalt  }
0x55: {  	_ =	shalt  }
0x56: {  	_ =	shalt  }
0x57: {  	_ =	shalt  }
0x58: {  	_ =	shalt  }
0x59: {  	_ =	shalt  }
0x5a: {  	_ =	shalt  }
0x5b: {  	_ =	shalt  }
0x5c: {  	_ =	shalt  }
0x5d: {  	_ =	shalt  }
0x5e: {  	_ =	shalt  }
0x5f: {  	_ =	shalt  }
0x60: {  	_ =	shalt  }
0x61: {  	_ =	shalt  }
0x62: {  	_ =	shalt  }
0x63: {  	_ =	shalt  }
0x64: {  	_ =	shalt  }
0x65: {  	_ =	shalt  }
0x66: {  	_ =	shalt  }
0x67: {  	_ =	shalt  }
0x68: {  	_ =	shalt  }
0x69: {  	_ =	shalt  }
0x6a: {  	_ =	shalt  }
0x6b: {  	_ =	shalt  }
0x6c: {  	_ =	shalt  }
0x6d: {  	_ =	shalt  }
0x6e: {  	_ =	shalt  }
0x6f: {  	_ =	shalt  }
0x70: {  	_ =	shalt  }
0x71: {  	_ =	shalt  }
0x72: {  	_ =	shalt  }
0x73: {  	_ =	shalt  }
0x74: {  	_ =	shalt  }
0x75: {  	_ =	shalt  }
0x76: {  	_ =	shalt  }
0x77: {  	_ =	shalt  }
0x78: {  	_ =	shalt  }
0x79: {  	_ =	shalt  }
0x7a: {  	_ =	shalt  }
0x7b: {  	_ =	shalt  }
0x7c: {  	_ =	shalt  }
0x7d: {  	_ =	shalt  }
0x7e: {  	_ =	shalt  }
0x7f: {  	_ =	shalt  }
0x80: {  	_ =	shalt  }
0x81: {  	_ =	shalt  }
0x82: {  	_ =	shalt  }
0x83: {  	_ =	shalt  }
0x84: {  	_ =	shalt  }
0x85: {  	_ =	shalt  }
0x86: {  	_ =	shalt  }
0x87: {  	_ =	shalt  }
.Lfunc_end0:
.L_simem_size_0:
called_computation_lowered:
.L_overlay_start_0:
0x88: {  	s2 =	sld [smem:$0x3FD9]  }
0x89: {  	s3 =	sld [smem:$0x3FFE];
	_ =	sdelay $0x1  }
0x8a: {  	s1 =	srdreg.scid  }
0x8b: {  	s0 =	sand.u32 $0x1, s1  }
0x8c: {  	s18 =	sshll.u32 s0, $0xA;
	s2 =	sadd.s32 s3, s2  }
0x8d: {  	s2 =	sadd.s32 s2, s18  }
0x8e: {  	[smem:$0x3FC5] =	sst s2  }
0x8f: {  	_ = 	snop  }
0x90: {  	s2 =	sld [smem:$0x3FC9]  }
0x91: {  	s19 =	sld [smem:$0x3FC8]  }
0x92: {  	s4 =	sld [smem:$0x3FC7]  }
0x93: {  	s5 =	sld [smem:$0x3FD0];
	(tm) =	ssettm $0x1  }
0x94: {  	s6 =	sld [smem:$0x3FFB];
	_ =	sdelay $0x3  }
0x95: {  	_ =	strace s6  }
0x96: {  	s6 =	sld [smem:$0x3FFC];
	_ =	sdelay $0x3  }
0x97: {  	_ =	strace s6  }
0x98: {  	s6 =	sld [smem:$0x3FFD];
	_ =	sdelay $0x3  }
0x99: {  	_ =	strace s6  }
0x9a: {  	_ =	strace $0x8FFFFFFF  }
0x9b: {  	s20 =	sld [smem:$0x3FDB];
	_ =	sdelay $0x1  }
0x9c: {  	s7 =	simm.s32 $_scs_section_size  }
0x9d: {  	s8 =	simm.s32 $_size__tile_overlayer_lowered;
	s9 =	simm.s32 $_tile_overlayer_lowered  }
0x9e: {  	s23 =	simm.s32 $0x1BFF;
	s22 =	sshll.u32 s9, $0x1;
	s6 =	sadd.s32 s7, s20  }
0x9f: {  	s10 =	simm.s32 $0x0;
	s21 =	sshll.u32 s8, $0x1;
	s8 =	sadd.s32 s22, s6  }
0xa0: {  	[timem:s10], [sflag:s23] =	dma.local [hbm:s8], s21  }
0xa1: {  	_ =	swait.ge [sflag:s23], s21  }
0xa2: {  	s7 =	ssub.s32 $0x0, s21;
	[sflag:s23] =	ssyncset.done $0x0  }
0xa3: {  	[sflag:s23] =	ssyncadd.s32 s7;
	_ =	sdelay $0x1  }
0xa4: {  	s24 =	simm.s32 $0x1B8B  }
0xa5: {  	_ =	swait.ge [sflag:s24], $0x1  }
0xa6: {  	[sflag:s24] =	ssyncset.done $0x0  }
0xa7: {  	s25 =	simm.s32 $0x1B8E;
	[sflag:s24] =	ssyncadd.s32 $0xFFFFFFFF  }
0xa8: {  	s26 =	simm.s32 $execute0_lowered;
	[smem:$0x3FD2] =	sst s25  }
0xa9: {  	s7 =	sshll.u32 s26, $0x1;
	_ =	strace $0x80000046;
	[dreg:$0x1] =	wrdreg $0xFFFFFFFF  }
0xaa: {  	s28 =	simm.s32 $_size_execute0_lowered;
	s6 =	sadd.s32 s6, s7;
	[dreg:$0x0] =	wrdreg $0x0  }
0xab: {  	s7 =	sshll.u32 s28, $0x1;
	[dreg:$0x2] =	wrdreg s6  }
0xac: {  	[dreg:$0x3] =	wrdreg s7  }
0xad: {  	[dreg:$0x4] =	wrdreg $0xC0  }
0xae: {  	_ =	task [dreg:s10], $0x5FFFF  }
0xaf: {  	[dreg:$0x1] =	wrdreg $0xFFFFFFFF  }
0xb0: {  	[dreg:$0x0] =	wrdreg $0x60  }
0xb1: {  	[dreg:$0x2] =	wrdreg s2  }
0xb2: {  	[dreg:$0x3] =	wrdreg s19  }
0xb3: {  	[dreg:$0x4] =	wrdreg s4  }
0xb4: {  	[dreg:$0x5] =	wrdreg s5  }
0xb5: {  	[dreg:$0x6] =	wrdreg $0x9  }
0xb6: {  	_ =	task.clear_ibuf [dreg:s10], $0x7FFFF;
	_ =	strace $0x90000046  }
0xb7: {  	s29 =	simm.s32 $0x9;
	_ =	strace $0x80000048  }
0xb8: {  	_ =	swait.ge [sflag:s29], $0x1  }
0xb9: {  	[sflag:s29] =	ssyncadd.s32 $0xFFFFFFFF  }
0xba: {  	_ =	strace $0x90000048  }
0xbb: {  	_ =	sfence  }
0xbc: {  	s30 =	sld [smem:$0x0];
	_ =	sdelay $0x2  }
0xbd: {  	s31 =	sshll.u32 s1, $0xD;
	s1 =	sshrl.u32 s1, $0x2  }
0xbe: {  	s3 =	sand.u32 $0x4000, s31;
	s1 =	sadd.s32 s1, s30  }
0xbf: {  	s0 =	sor.u32 s3, s0;
	s1 =	sshll.u32 s1, $0x11  }
0xc0: {  	s0 =	sor.u32 s1, s0  }
0xc1: {  	s0 =	sadd.s32 $0x8F2B, s0  }
0xc2: {  	[sflag:s0] =	ssyncadd.remote.s32 $0x1  }
0xc3: {  	_ =	sfence.sel $0xFFFF  }
0xc4: {  	[dreg:$0x0] =	wrdreg $0xFFFFFFFF;
	(pc) =	sbr.abs _section_cstart, $3  }
0xc5: {  	[dreg:$0x1] =	wrdreg $0xFFFFFFFF  }
0xc6: {  	_ =	task.clear_ibuf [dreg:s10], $0x2FFFF;
	_ =	strace $0x9FFFFFFF  }
0xc7: {  	(tm) =	ssettm $0x7FFFFFFF  }
tec
execute0_lowered:
.L_overlay_start_1:
0x0: {  	(tag) =	ssettag $0x1  }
0x1: {  	s1 =	rddreg [dreg:$0x0]  }
0x2: {  	s0 =	rddreg [dreg:$0x1]  }
0x3: {  	s2 =	rddreg [dreg:$0x2]  }
0x4: {  	s4 =	rddreg [dreg:$0x3];
	s3 =	srdreg.scid  }
0x5: {  	s7 =	simm.s32 $0x0;
	s6 =	stileid.u32;
	s10 =	simm.s32 $0x1000  }
0x6: {  	s11 =	simm.s32 $0x2000;
	s12 =	simm.s32 $0x3000;
	s13 =	simm.s32 $0x80  }
0x7: {  	s21 =	simm.s32 $0x7000;
	s17 =	simm.s32 $0xB000;
	s19 =	simm.s32 $0xF000  }
0x8: {  	s28 =	simm.s32 $0x13000;
	s22 =	simm.s32 $0x1;
	s29 =	simm.s32 $0x3  }
0x9: {  	s30 =	simm.s32 $0x8;
	s31 =	simm.s32 $0x4;
	s18 =	simm.s32 $0x7  }
0xa: {  	s16 =	simm.s32 $0xC;
	s14 =	simm.s32 $0xD;
	s3 =	sand.u32 $0x1, s3  }
0xb: {  	s6 =	sshll.u32 s6, $0xD;
	[smem:$0x7FF] =	sst s7;
	s7 =	simm.s32 $0x0  }
0xc: {  	s5 =	ssub.s32 $0x2, s3;
	s3 =	sshll.u32 s3, $0xC;
	_ =	strace $0x80000047  }
0xd: {  	s23 =	sshrl.u32 s5, $0x1;
	s6 =	sor.u32 s3, s6;
	s3 =	simm.s32 $0xB  }
0xe: {  	v0 =	vlaneseq.u32;
	s24 =	ssub.s32 s5, s23;
	[dreg:$0x5] =	wrdreg s6;
	s25 =	sshrl.u32 s6, $0x3  }
0xf: {  	v1 =	vimm.s32 $0x1;
	v2 =	vor.u32 $0x10, v0;
	s5 =	simm.s32 $0xE;
	s0 =	sadd.s32 s0, s25;
	s26 =	smax.u32 s24, $0x1  }
0x10: {  	v3 =	vor.u32 $0x20, v0;
	v4 =	vor.u32 $0x30, v0;
	v5 =	vor.u32 $0x40, v0;
	s24 =	simm.s32 $0x17000;
	s25 =	simm.s32 $0x2;
	[dreg:$0x6] =	wrdreg s0  }
0x11: {  	v6 =	vor.u32 $0x50, v0;
	v7 =	vor.u32 $0x60, v0;
	v8 =	vor.u32 $0x70, v0;
	[dreg:$0x7] =	wrdreg s26;
	s26 =	simm.s32 $0x9;
	s0 =	simm.s32 $0xA  }
.LBB2_1:
0x12: {  	s6 =	simm.s32 $0x0;
	s8 =	rddreg [dreg:$0x6];
	s20 =	simm.s32 $0xF  }
0x13: {  	[tilespmem:s6], [sflag:$0xF] =	stream.linear.gather [hbm4b:s8+s6], $0x1000, $0x38;
	[tilespmem:$0x1F000] =	vst v63  }
0x14: {  	_ =	swait.ge [sflag:s20], $0x1000  }
0x15: {  	[sflag:s20] =	ssyncset.done $0x0  }
0x16: {  	s23 =	simm.s32 $0x0;
	[sflag:s20] =	ssyncadd.s32 $0xFFFFF000  }
0x17: {  	v9 =	vld [tilespmem:s23+$0x0];
	_ =	sdelay $0x4  }
0x18: {  	(xrf0) =	vadd.scan.msk.s32 $0xffff, v9  }
0x19: {  	v10 =	vsub.s32 $0x1, v9  }
0x1a: {  	(xrf0) =	vadd.scan.msk.s32 $0xffff, v10;
	_ =	sdelay $0x3  }
0x1b: {  	v15 =	vimm.s32 $0x0;
	v10, _, _ =	vpop (xrf0)  }
0x1c: {  	vm1 =	veq.s32 v1, v9;
	v10 =	vadd.s32 v10, v15  }
0x1d: {  	s9 =	rddreg [dreg:$0x5];
	vm0 =	veq.s32 v9, $0x0;
	v9, _, _ =	vpop (xrf0);
	v16 =	vadd.s32 $0xFFFFFFFF, v10  }
0x1e: {  	v13 =	vor.u32 s9, v0;
	v17 =	vmpcnt.ones.xlane vm1;
	v9 =	vadd.s32 v9, v15  }
0x1f: {  	v11 =	vnsel vm1, $0x40000000, v13;
	v10 =	vimm.s32 $0x40000000;
	v14 =	vadd.s32 $0xFFFFFFFF, v9  }
0x20: {  	v9 =	vnsel vm0, $0x40000000, v13;
	vm2 =	vlt.s32 v10, v11  }
0x21: {  	v18 =	vsub.s32 v15, v17;
	vm3 =	vlt.s32 v10, v9;
	v11 =	vsel vm2, v10, v11  }
0x22: {  	s8 =	simm.s32 $0x40;
	s20 =	simm.s32 $0x80;
	v12 =	vsel vm3, v10, v9;
	v10 =	vadd.s32 $0x10, v18;
	v9 =	vadd.s32 v15, v17;
	[tilespmem:v16+s10+$0x0] =	vst.idx.msk vm1, v13  }
.LBB2_2:
0x23: {  	s6 =	sshra.s32 s8, $0x2  }
0x24: {  	[tilespmem:v14+s11+$0x0] =	vst.idx.msk vm0, v13;
	s9 =	sadd.s32 $0x10, s9;
	s8 =	smov.u32 s20;
	s23 =	sadd.s32 $0x40, s20  }
0x25: {  	p0 =	sne.s32 s20, $0x3FC0;
	v14 =	vld [tilespmem:s6+$0x0];
	_ =	sdelay $0x4  }
0x26: {  	v13 =	vsub.s32 $0x1, v14;
	(xrf0) =	vadd.scan.msk.s32 $0xffff, v14  }
0x27: {  	(xrf0) =	vadd.scan.msk.s32 $0xffff, v13;
	_ =	sdelay $0x4  }
0x28: {  	v13 =	vor.u32 s9, v0;
	v15, _, _ =	vpop (xrf0)  }
0x29: {  	vm1 =	veq.s32 v1, v14;
	vm0 =	veq.s32 v14, $0x0;
	v15 =	vadd.s32 v15, v9;
	v14, _, _ =	vpop (xrf0)  }
0x2a: {  	v16 =	vmpcnt.ones.xlane vm1;
	v15 =	vadd.s32 $0xFFFFFFFF, v15;
	v14 =	vadd.s32 v14, v10  }
.Ltmp0:
0x2b: {  	v17 =	vnsel vm1, $0x40000000, v13;
	v18 =	vnsel vm0, $0x40000000, v13;
	v14 =	vadd.s32 $0xFFFFFFFF, v14;
	(pc) =	sbr.rel @p0 .LBB2_2-.Ltmp0, $4  }
0x2c: {  	vm2 =	vlt.s32 v11, v17;
	vm3 =	vlt.s32 v12, v18;
	v10 =	vsub.s32 v10, v16  }
0x2d: {  	v11 =	vsel vm2, v11, v17;
	v12 =	vsel vm3, v12, v18;
	v10 =	vadd.s32 $0x10, v10  }
0x2e: {  	v9 =	vadd.s32 v9, v16  }
0x2f: {  	s20 =	smov.u32 s23;
	[tilespmem:v15+s10+$0x0] =	vst.idx.msk vm1, v13  }
0x30: {  	_ =	sdelay $0x4  }
0x31: {  	s6 =	sshra.s32 s8, $0x2;
	[tilespmem:v14+s11+$0x0] =	vst.idx.msk vm0, v13  }
0x32: {  	v13 =	vld [tilespmem:s6+$0x0];
	_ =	sdelay $0x3  }
0x33: {  	s9 =	sadd.s32 $0x10, s9  }
0x34: {  	v45 =	vor.u32 s9, v0;
	vm1 =	veq.s32 v1, v13  }
0x35: {  	vm9 =	veq.s32 v13, $0x0;
	v15 =	vnsel vm1, $0x40000000, v45  }
0x36: {  	v16 =	vnsel vm9, $0x40000000, v45;
	vm2 =	vlt.s32 v11, v15  }
0x37: {  	v17 =	vsub.s32 $0x1, v13;
	(xrf0) =	vadd.scan.msk.s32 $0xffff, v13;
	vm3 =	vlt.s32 v12, v16;
	v11 =	vsel vm2, v11, v15  }
0x38: {  	(xrf0) =	vadd.scan.msk.s32 $0xffff, v17;
	v12 =	vsel vm3, v12, v16;
	v11 =	vxor.u32 $0x80000000, v11  }
0x39: {  	(xrf0) =	vmin.scan.msk.u32 $0xffff, v11;
	v11 =	vxor.u32 $0x80000000, v12  }
0x3a: {  	(xrf0) =	vmin.scan.msk.u32 $0xffff, v11;
	_ =	sdelay $0x2  }
0x3b: {  	v11, _, _ =	vpop (xrf0)  }
0x3c: {  	v46, _, _ =	vpop (xrf0)  }
0x3d: {  	v49 =	vmpcnt.ones.xlane vm1;
	v47, _, _ =	vpop (xrf0)  }
0x3e: {  	(v2sf) =	vpush v47, $0xF;
	v48, _, _ =	vpop (xrf0)  }
0x3f: {  	v50 =	vadd.s32 v9, v49;
	(v2sf) =	vpush v48, $0xF  }
0x40: {  	v51 =	vxor.u32 $0x80000000, v50  }
0x41: {  	(xrf0) =	vmax.scan.msk.u32 $0xffff, v51;
	_ =	sdelay $0x4  }
0x42: {  	v52 =	vadd.s32 $0x7F, v50;
	v54 =	vadd.s32 v0, v50  }
0x43: {  	v9 =	vadd.s32 v11, v9;
	v11 =	vadd.s32 v46, v10;
	v10 =	vsub.s32 v10, v49;
	v19, _, _ =	vpop (xrf0)  }
0x44: {  	v12 =	vand.u32 $0xFFFFFF80, v52;
	v10 =	vadd.s32 $0x10, v10;
	(v2sf) =	vpush v19, $0xF  }
0x45: {  	vm10 =	vlt.s32 v54, v12;
	v9 =	vadd.s32 $0xFFFFFFFF, v9;
	v53 =	vadd.s32 $0x7F, v10  }
0x46: {  	v11 =	vadd.s32 $0xFFFFFFFF, v11;
	v55 =	vadd.s32 v0, v10;
	v13 =	vand.u32 $0xFFFFFF80, v53  }
0x47: {  	v18 =	vadd.s32 v2, v50;
	vm11 =	vlt.s32 v55, v13  }
0x48: {  	vm4 =	vlt.s32 v18, v12;
	v20 =	vadd.s32 v2, v10  }
0x49: {  	v56 =	vadd.s32 v3, v50;
	vm5 =	vlt.s32 v20, v13;
	s15 =	spop (v2sf)  }
0x4a: {  	vm12 =	vlt.s32 v56, v12;
	[tilespmem:v9+s10+$0x0] =	vst.idx.msk vm1, v45;
	v9 =	vadd.s32 v3, v10;
	s20 =	spop (v2sf);
	s6 =	sxor.u32 $0x80000000, s15  }
0x4b: {  	v57 =	vadd.s32 v4, v50;
	[tilespmem:v11+s11+$0x0] =	vst.idx.msk vm9, v45;
	vm13 =	vlt.s32 v9, v13;
	v11 =	vmov s6;
	s23 =	sxor.u32 $0x80000000, s20  }
0x4c: {  	vm14 =	vlt.s32 v57, v12;
	v58 =	vadd.s32 v4, v10;
	v21 =	vmov s23;
	[tilespmem:v54+s10+$0x0] =	vst.idx.msk vm10, v11  }
0x4d: {  	v59 =	vadd.s32 v5, v50;
	vm15 =	vlt.s32 v58, v13;
	[tilespmem:v55+s11+$0x0] =	vst.idx.msk vm11, v21  }
0x4e: {  	vm8 =	vlt.s32 v59, v12;
	v60 =	vadd.s32 v5, v10;
	[tilespmem:v18+s10+$0x0] =	vst.idx.msk vm4, v11  }
0x4f: {  	v61 =	vadd.s32 v6, v50;
	vm9 =	vlt.s32 v60, v13;
	[tilespmem:v20+s11+$0x0] =	vst.idx.msk vm5, v21  }
0x50: {  	v62 =	vadd.s32 v6, v10;
	vm10 =	vlt.s32 v61, v12;
	[tilespmem:v56+s10+$0x0] =	vst.idx.msk vm12, v11  }
0x51: {  	vm11 =	vlt.s32 v62, v13;
	[tilespmem:v9+s11+$0x0] =	vst.idx.msk vm13, v21;
	v9 =	vadd.s32 v7, v50  }
0x52: {  	v63 =	vadd.s32 v7, v10;
	[tilespmem:v57+s10+$0x0] =	vst.idx.msk vm14, v11;
	vm12 =	vlt.s32 v9, v12  }
0x53: {  	v15 =	vadd.s32 v8, v50;
	s8 =	spop (v2sf);
	vm13 =	vlt.s32 v63, v13;
	[tilespmem:v58+s11+$0x0] =	vst.idx.msk vm15, v21  }
0x54: {  	v10 =	vadd.s32 v8, v10;
	s23 =	sadd.s32 $0x8000007F, s8;
	vm14 =	vlt.s32 v15, v12;
	[tilespmem:v59+s10+$0x0] =	vst.idx.msk vm8, v11  }
0x55: {  	s9 =	sshra.s32 s23, $0x7;
	vm15 =	vlt.s32 v10, v13;
	[tilespmem:v60+s11+$0x0] =	vst.idx.msk vm9, v21  }
0x56: {  	p0 =	sgt.s32 s9, $0x0;
	[tilespmem:v61+s10+$0x0] =	vst.idx.msk vm10, v11  }
.Ltmp1:
0x57: {  	[tilespmem:v62+s11+$0x0] =	vst.idx.msk vm11, v21;
	(pc) =	sbr.rel @!p0 .LBB2_4-.Ltmp1, $4  }
0x58: {  	[tilespmem:v9+s10+$0x0] =	vst.idx.msk vm12, v11  }
0x59: {  	[tilespmem:v63+s11+$0x0] =	vst.idx.msk vm13, v21  }
0x5a: {  	[tilespmem:v15+s10+$0x0] =	vst.idx.msk vm14, v11  }
0x5b: {  	[tilespmem:v10+s11+$0x0] =	vst.idx.msk vm15, v21  }
0x5c: {  	p1 =	sne.s32 s9, $0x1  }
.Ltmp2:
0x5d: {  	_ = 	snop;
	(pc) =	sbr.rel @!p1 .LBB2_6-.Ltmp2, $3  }
0x5e: {  	_ =	sdelay $0x1  }
0x5f: {  	s20 =	simm.s32 $0x80  }
0x60: {  	[tilespmem:s12], [sflag:$0x1] =	stream.indirect.gather [hbm4b:s2+s20], $0x80, s10, s20, $0xb8;
	[tilespmem:$0x1F000] =	vst v63  }
0x61: {  	p1 =	sgt.u32 s9, $0x2  }
.Ltmp3:
0x62: {  	_ = 	snop;
	(pc) =	sbr.rel @!p1 .LBB2_8-.Ltmp3, $3  }
0x63: {  	_ =	sdelay $0x1  }
0x64: {  	s6 =	simm.s32 $0x1080  }
0x65: {  	[tilespmem:s21], [sflag:$0x2] =	stream.indirect.gather [hbm4b:s2+s13], $0x80, s6, s13, $0xb8;
	[tilespmem:$0x1F000] =	vst v63  }
0x66: {  	p1 =	sne.s32 s9, $0x3  }
.Ltmp4:
0x67: {  	_ = 	snop;
	(pc) =	sbr.rel @p1 .LBB2_13-.Ltmp4, $3  }
0x68: {  	_ =	sdelay $0x1  }
0x69: {  	s6 =	simm.s32 $0x1100  }
0x6a: {  	[tilespmem:s17], [sflag:$0x3] =	stream.indirect.gather [hbm4b:s2+s13], $0x80, s6, s13, $0xb8;
	[tilespmem:$0x1F000] =	vst v63  }
.Ltmp5:
0x6b: {  	(pc) =	sbr.rel .LBB2_12-.Ltmp5, $2  }
0x6c: {  	_ =	sdelay $0x2  }
0x6d: {  	p1 =	por $0x1, $0x1;
	s20 =	simm.s32 $0x180;
	p4 =	por $0x1, $0x1  }
.LBB2_4:
0x6e: {  	s20 =	sand.u32 $0xFFFFFF80, s23  }
0x6f: {  	s6 =	ssub.s32 $0x2000, s20  }
0x70: {  	[tilespmem:s12], [sflag:$0x1] =	stream.indirect.gather [hbm4b:s1+s13], $0x80, s6, s13, $0xb8;
	[tilespmem:$0x1F000] =	vst v63  }
.LBB2_6:
0x71: {  	s6 =	ssub.s32 $0x2080, s20;
	p1 =	por $0x0, $0x0  }
0x72: {  	[tilespmem:s21], [sflag:$0x2] =	stream.indirect.gather [hbm4b:s1+s13], $0x80, s6, s13, $0xb8;
	[tilespmem:$0x1F000] =	vst v63  }
.LBB2_9:
0x73: {  	s6 =	ssub.s32 $0x2100, s20;
	p4 =	por $0x0, $0x0  }
0x74: {  	[tilespmem:s17], [sflag:$0x3] =	stream.indirect.gather [hbm4b:s1+s13], $0x80, s6, s13, $0xb8;
	[tilespmem:$0x1F000] =	vst v63  }
.LBB2_12:
0x75: {  	s6 =	ssub.s32 $0x2180, s20;
	p3 =	por $0x0, $0x0  }
0x76: {  	[tilespmem:s19], [sflag:$0x4] =	stream.indirect.gather [hbm4b:s1+s13], $0x80, s6, s13, $0xb8;
	[tilespmem:$0x1F000] =	vst v63  }
.LBB2_15:
0x77: {  	s6 =	ssub.s32 $0x2200, s20  }
0x78: {  	[tilespmem:s28], [sflag:$0x5] =	stream.indirect.gather [hbm4b:s1+s13], $0x80, s6, s13, $0xb8;
	[tilespmem:$0x1F000] =	vst v63  }
0x79: {  	_ =	swait.ge [sflag:s22], $0x4000  }
0x7a: {  	s17 =	simm.s32 $0x1B000;
	s6 =	ssub.s32 $0x2000, s20;
	[sflag:s22] =	ssyncset.done $0x0  }
0x7b: {  	s6 =	simm.s32 @p0 $0x1000;
	p0 =	por $0x0, $0x0;
	[sflag:s22] =	ssyncadd.s32 $0xFFFFC000  }
0x7c: {  	[hbm4b:s4+s13] =	stream.indirect.scatter [tilespmem:s12], [sflag:$0x8], $0x80, s6, s13, $0xb8;
	[tilespmem:$0x1F000] =	vst v63  }
.LBB2_18:
0x7d: {  	s6 =	ssub.s32 $0x2280, s20  }
0x7e: {  	[tilespmem:s24], [sflag:$0x6] =	stream.indirect.gather [hbm4b:s1+s13], $0x80, s6, s13, $0xb8;
	[tilespmem:$0x1F000] =	vst v63  }
0x7f: {  	s15 =	simm.s32 @!p1 $0x80;
	_ =	swait.ge [sflag:s25], $0x4000  }
0x80: {  	s21 =	simm.s32 @!p1 $0x7000;
	p5 =	por @!p1 $0x0, $0x0;
	[sflag:s25] =	ssyncset.done $0x0  }
0x81: {  	p2 =	por @p1 $0x0, $0x0;
	s6 =	ssub.s32 @!p1 $0x2080, s20;
	[sflag:s25] =	ssyncadd.s32 $0xFFFFC000  }
0x82: {  	[hbm4b:s4+s15] =	stream.indirect.scatter @!p1 [tilespmem:s21], [sflag:$0x9], $0x80, s6, s15, $0xb8;
	[tilespmem:$0x1F000] =	vst v63  }
0x83: {  	s6 =	simm.s32 @p1 $0x80;
	s15 =	simm.s32 @p1 $0x1080;
	s21 =	simm.s32 @p1 $0x7000  }
0x84: {  	[hbm4b:s4+s6] =	stream.indirect.scatter @p1 [tilespmem:s21], [sflag:$0x9], $0x80, s15, s6, $0xb8;
	[tilespmem:$0x1F000] =	vst v63  }
0x85: {  	p2 =	por @!p1 p5, p5;
	s21 =	simm.s32 $0x7000  }
.LBB2_21:
0x86: {  	s6 =	ssub.s32 $0x2300, s20  }
0x87: {  	[tilespmem:s17], [sflag:$0x7] =	stream.indirect.gather [hbm4b:s1+s13], $0x80, s6, s13, $0xb8;
	[tilespmem:$0x1F000] =	vst v63  }
0x88: {  	s20 =	ssub.s32 @!p4 $0x2100, s20;
	_ =	swait.ge [sflag:s29], $0x4000  }
0x89: {  	p5 =	por @!p4 $0x0, $0x0;
	p1 =	por $0x0, $0x0;
	[sflag:s29] =	ssyncset.done $0x0  }
0x8a: {  	s20 =	simm.s32 @p4 $0x1100;
	p1 =	por @!p4 p5, p5;
	[sflag:s29] =	ssyncadd.s32 $0xFFFFC000  }
.LBB2_22:
0x8b: {  	s22 =	simm.s32 $0xB000  }
0x8c: {  	[hbm4b:s4+s13] =	stream.indirect.scatter [tilespmem:s22], [sflag:$0xA], $0x80, s20, s13, $0xb8;
	[tilespmem:$0x1F000] =	vst v63  }
0x8d: {  	p4 =	slt.s32 s9, $0x8;
	_ =	swait.ge [sflag:s30], $0x4000  }
0x8e: {  	s6 =	sand.u32 @p4 $0xFFFFFF80, s23;
	s15 =	simm.s32 @p4 $0x80;
	[sflag:s30] =	ssyncset.done $0x0  }
0x8f: {  	s20 =	simm.s32 @p4 $0x3000;
	s6 =	ssub.s32 @p4 $0x2380, s6;
	[sflag:s30] =	ssyncadd.s32 $0xFFFFC000  }
0x90: {  	[tilespmem:s20], [sflag:$0x1] =	stream.indirect.gather @p4 [hbm4b:s1+s15], $0x80, s6, s15, $0xb8;
	[tilespmem:$0x1F000] =	vst v63  }
0x91: {  	s6 =	simm.s32 @!p4 $0x80;
	s15 =	simm.s32 @!p4 $0x1380;
	s20 =	simm.s32 @!p4 $0x3000  }
0x92: {  	[tilespmem:s20], [sflag:$0x1] =	stream.indirect.gather @!p4 [hbm4b:s2+s6], $0x80, s15, s6, $0xb8;
	[tilespmem:$0x1F000] =	vst v63  }
0x93: {  	s23 =	sand.u32 $0xFFFFFF80, s23;
	_ =	swait.ge [sflag:s31], $0x4000  }
0x94: {  	s6 =	ssub.s32 $0x2180, s23;
	[sflag:s31] =	ssyncset.done $0x0  }
0x95: {  	s6 =	simm.s32 @p3 $0x1180;
	[sflag:s31] =	ssyncadd.s32 $0xFFFFC000  }
0x96: {  	[hbm4b:s4+s13] =	stream.indirect.scatter [tilespmem:s19], [sflag:$0xB], $0x80, s6, s13, $0xb8;
	[tilespmem:$0x1F000] =	vst v63  }
0x97: {  	p3 =	slt.s32 s9, $0x9;
	_ =	swait.ge [sflag:s26], $0x4000  }
0x98: {  	s12 =	simm.s32 $0x5;
	s15 =	simm.s32 @p3 $0x80;
	[sflag:s26] =	ssyncset.done $0x0  }
0x99: {  	s20 =	simm.s32 @p3 $0x7000;
	s6 =	ssub.s32 @p3 $0x2400, s23;
	[sflag:s26] =	ssyncadd.s32 $0xFFFFC000  }
0x9a: {  	[tilespmem:s20], [sflag:$0x2] =	stream.indirect.gather @p3 [hbm4b:s1+s15], $0x80, s6, s15, $0xb8;
	[tilespmem:$0x1F000] =	vst v63  }
0x9b: {  	s6 =	simm.s32 @!p3 $0x80;
	s15 =	simm.s32 @!p3 $0x1400;
	s20 =	simm.s32 @!p3 $0x7000  }
0x9c: {  	[tilespmem:s20], [sflag:$0x2] =	stream.indirect.gather @!p3 [hbm4b:s2+s6], $0x80, s15, s6, $0xb8;
	[tilespmem:$0x1F000] =	vst v63  }
0x9d: {  	_ =	swait.ge [sflag:s12], $0x4000  }
0x9e: {  	s6 =	ssub.s32 $0x2200, s23;
	[sflag:s12] =	ssyncset.done $0x0  }
0x9f: {  	s24 =	simm.s32 $0x13000;
	s6 =	simm.s32 @p0 $0x1200;
	[sflag:s12] =	ssyncadd.s32 $0xFFFFC000  }
0xa0: {  	[hbm4b:s4+s13] =	stream.indirect.scatter [tilespmem:s24], [sflag:$0xC], $0x80, s6, s13, $0xb8;
	[tilespmem:$0x1F000] =	vst v63  }
0xa1: {  	p0 =	slt.s32 s9, $0xA;
	_ =	swait.ge [sflag:s0], $0x4000  }
0xa2: {  	s15 =	simm.s32 @p0 $0x80;
	[sflag:s0] =	ssyncset.done $0x0  }
0xa3: {  	s20 =	simm.s32 @p0 $0xB000;
	s6 =	ssub.s32 @p0 $0x2480, s23;
	[sflag:s0] =	ssyncadd.s32 $0xFFFFC000  }
0xa4: {  	[tilespmem:s20], [sflag:$0x3] =	stream.indirect.gather @p0 [hbm4b:s1+s15], $0x80, s6, s15, $0xb8;
	[tilespmem:$0x1F000] =	vst v63  }
0xa5: {  	s6 =	simm.s32 @!p0 $0x80;
	s15 =	simm.s32 @!p0 $0x1480;
	s20 =	simm.s32 @!p0 $0xB000  }
0xa6: {  	[tilespmem:s20], [sflag:$0x3] =	stream.indirect.gather @!p0 [hbm4b:s2+s6], $0x80, s15, s6, $0xb8;
	[tilespmem:$0x1F000] =	vst v63  }
0xa7: {  	s20 =	simm.s32 $0x6  }
0xa8: {  	_ =	swait.ge [sflag:s20], $0x4000  }
0xa9: {  	s6 =	ssub.s32 $0x2280, s23;
	[sflag:s20] =	ssyncset.done $0x0  }
0xaa: {  	s12 =	simm.s32 $0x17000;
	s6 =	simm.s32 @p2 $0x1280;
	[sflag:s20] =	ssyncadd.s32 $0xFFFFC000  }
0xab: {  	[hbm4b:s4+s13] =	stream.indirect.scatter [tilespmem:s12], [sflag:$0xD], $0x80, s6, s13, $0xb8;
	[tilespmem:$0x1F000] =	vst v63  }
0xac: {  	p0 =	slt.s32 s9, $0xB;
	_ =	swait.ge [sflag:s3], $0x4000  }
0xad: {  	s15 =	simm.s32 @p0 $0x80;
	[sflag:s3] =	ssyncset.done $0x0  }
0xae: {  	s20 =	simm.s32 @p0 $0xF000;
	s6 =	ssub.s32 @p0 $0x2500, s23;
	[sflag:s3] =	ssyncadd.s32 $0xFFFFC000  }
0xaf: {  	[tilespmem:s20], [sflag:$0x4] =	stream.indirect.gather @p0 [hbm4b:s1+s15], $0x80, s6, s15, $0xb8;
	[tilespmem:$0x1F000] =	vst v63  }
0xb0: {  	s6 =	simm.s32 @!p0 $0x80;
	s15 =	simm.s32 @!p0 $0x1500;
	s20 =	simm.s32 @!p0 $0xF000  }
0xb1: {  	[tilespmem:s20], [sflag:$0x4] =	stream.indirect.gather @!p0 [hbm4b:s2+s6], $0x80, s15, s6, $0xb8;
	[tilespmem:$0x1F000] =	vst v63  }
0xb2: {  	_ =	swait.ge [sflag:s18], $0x4000  }
0xb3: {  	s6 =	ssub.s32 $0x2300, s23;
	[sflag:s18] =	ssyncset.done $0x0  }
0xb4: {  	s6 =	simm.s32 @p1 $0x1300;
	[sflag:s18] =	ssyncadd.s32 $0xFFFFC000  }
0xb5: {  	[hbm4b:s4+s13] =	stream.indirect.scatter [tilespmem:s17], [sflag:$0xE], $0x80, s6, s13, $0xb8;
	[tilespmem:$0x1F000] =	vst v63  }
0xb6: {  	p0 =	slt.s32 s9, $0xC;
	_ =	swait.ge [sflag:s16], $0x4000  }
0xb7: {  	s15 =	simm.s32 @p0 $0x80;
	[sflag:s16] =	ssyncset.done $0x0  }
0xb8: {  	s20 =	simm.s32 @p0 $0x13000;
	s6 =	ssub.s32 @p0 $0x2580, s23;
	[sflag:s16] =	ssyncadd.s32 $0xFFFFC000  }
0xb9: {  	[tilespmem:s20], [sflag:$0x5] =	stream.indirect.gather @p0 [hbm4b:s1+s15], $0x80, s6, s15, $0xb8;
	[tilespmem:$0x1F000] =	vst v63  }
0xba: {  	s6 =	simm.s32 @p0 $0x1  }
0xbb: {  	_ =	swait.ge @p0 [sflag:s6], $0x4000  }
0xbc: {  	p1 =	sgt.s32 @p0 s9, $0x7;
	s15 =	simm.s32 @!p0 $0x1580;
	[sflag:s6] =	ssyncset.done @p0 $0x0  }
0xbd: {  	s20 =	simm.s32 @!p0 $0x13000;
	[sflag:s6] =	ssyncadd.s32 @p0 $0xFFFFC000;
	s6 =	simm.s32 @!p0 $0x80  }
0xbe: {  	[tilespmem:s20], [sflag:$0x5] =	stream.indirect.gather @!p0 [hbm4b:s2+s6], $0x80, s15, s6, $0xb8;
	[tilespmem:$0x1F000] =	vst v63  }
0xbf: {  	p2 =	por p1, !p0;
	s6 =	simm.s32 @!p0 $0x1  }
0xc0: {  	p1 =	por !p1, !p0;
	s15 =	ssub.s32 @!p2 $0x2380, s23;
	_ =	swait.ge @!p0 [sflag:s6], $0x4000  }
0xc1: {  	s15 =	simm.s32 @!p1 $0x1380;
	[sflag:s6] =	ssyncset.done @!p0 $0x0  }
0xc2: {  	s28 =	simm.s32 $0x3000;
	s15 =	simm.s32 @!p0 $0x1380;
	[sflag:s6] =	ssyncadd.s32 @!p0 $0xFFFFC000  }
0xc3: {  	[hbm4b:s4+s13] =	stream.indirect.scatter [tilespmem:s28], [sflag:$0x8], $0x80, s15, s13, $0xb8;
	[tilespmem:$0x1F000] =	vst v63  }
0xc4: {  	p0 =	slt.s32 s9, $0xD;
	_ =	swait.ge [sflag:s14], $0x4000  }
0xc5: {  	s6 =	ssub.s32 @p0 $0x2600, s23;
	[sflag:s14] =	ssyncset.done $0x0  }
0xc6: {  	s15 =	simm.s32 @p0 $0x80;
	s20 =	simm.s32 @p0 $0x17000;
	[sflag:s14] =	ssyncadd.s32 $0xFFFFC000  }
0xc7: {  	[tilespmem:s20], [sflag:$0x6] =	stream.indirect.gather @p0 [hbm4b:s1+s15], $0x80, s6, s15, $0xb8;
	[tilespmem:$0x1F000] =	vst v63  }
0xc8: {  	s6 =	simm.s32 @p0 $0x2  }
0xc9: {  	_ =	swait.ge @p0 [sflag:s6], $0x4000  }
0xca: {  	p1 =	sgt.s32 @p0 s9, $0x8;
	s15 =	simm.s32 @!p0 $0x1600;
	[sflag:s6] =	ssyncset.done @p0 $0x0  }
0xcb: {  	s20 =	simm.s32 @!p0 $0x17000;
	[sflag:s6] =	ssyncadd.s32 @p0 $0xFFFFC000;
	s6 =	simm.s32 @!p0 $0x80  }
0xcc: {  	[tilespmem:s20], [sflag:$0x6] =	stream.indirect.gather @!p0 [hbm4b:s2+s6], $0x80, s15, s6, $0xb8;
	[tilespmem:$0x1F000] =	vst v63  }
0xcd: {  	p2 =	por p1, !p0;
	s6 =	simm.s32 @!p0 $0x2  }
0xce: {  	p1 =	por !p1, !p0;
	s15 =	ssub.s32 @!p2 $0x2400, s23;
	_ =	swait.ge @!p0 [sflag:s6], $0x4000  }
0xcf: {  	s15 =	simm.s32 @!p1 $0x1400;
	[sflag:s6] =	ssyncset.done @!p0 $0x0  }
0xd0: {  	s15 =	simm.s32 @!p0 $0x1400;
	[sflag:s6] =	ssyncadd.s32 @!p0 $0xFFFFC000  }
0xd1: {  	[hbm4b:s4+s13] =	stream.indirect.scatter [tilespmem:s21], [sflag:$0x9], $0x80, s15, s13, $0xb8;
	[tilespmem:$0x1F000] =	vst v63  }
0xd2: {  	p0 =	slt.s32 s9, $0xE;
	_ =	swait.ge [sflag:s5], $0x4000  }
0xd3: {  	s6 =	ssub.s32 @p0 $0x2680, s23;
	[sflag:s5] =	ssyncset.done $0x0  }
0xd4: {  	s15 =	simm.s32 @p0 $0x80;
	s20 =	simm.s32 @p0 $0x1B000;
	[sflag:s5] =	ssyncadd.s32 $0xFFFFC000  }
0xd5: {  	[tilespmem:s20], [sflag:$0x7] =	stream.indirect.gather @p0 [hbm4b:s1+s15], $0x80, s6, s15, $0xb8;
	[tilespmem:$0x1F000] =	vst v63  }
0xd6: {  	s6 =	simm.s32 @p0 $0x3  }
0xd7: {  	_ =	swait.ge @p0 [sflag:s6], $0x4000  }
0xd8: {  	p1 =	sgt.s32 @p0 s9, $0x9;
	s15 =	simm.s32 @!p0 $0x1680;
	[sflag:s6] =	ssyncset.done @p0 $0x0  }
0xd9: {  	s20 =	simm.s32 @!p0 $0x1B000;
	[sflag:s6] =	ssyncadd.s32 @p0 $0xFFFFC000;
	s6 =	simm.s32 @!p0 $0x80  }
0xda: {  	[tilespmem:s20], [sflag:$0x7] =	stream.indirect.gather @!p0 [hbm4b:s2+s6], $0x80, s15, s6, $0xb8;
	[tilespmem:$0x1F000] =	vst v63  }
0xdb: {  	p2 =	por p1, !p0;
	s6 =	simm.s32 @!p0 $0x3  }
0xdc: {  	p1 =	por !p1, !p0;
	s15 =	ssub.s32 @!p2 $0x2480, s23;
	_ =	swait.ge @!p0 [sflag:s6], $0x4000  }
0xdd: {  	s15 =	simm.s32 @!p1 $0x1480;
	[sflag:s6] =	ssyncset.done @!p0 $0x0  }
0xde: {  	s15 =	simm.s32 @!p0 $0x1480;
	[sflag:s6] =	ssyncadd.s32 @!p0 $0xFFFFC000  }
0xdf: {  	[hbm4b:s4+s13] =	stream.indirect.scatter [tilespmem:s22], [sflag:$0xA], $0x80, s15, s13, $0xb8;
	[tilespmem:$0x1F000] =	vst v63  }
0xe0: {  	p0 =	slt.s32 s9, $0xF;
	_ =	swait.ge [sflag:s30], $0x4000  }
0xe1: {  	s6 =	ssub.s32 @p0 $0x2700, s23;
	[sflag:s30] =	ssyncset.done $0x0  }
0xe2: {  	s15 =	simm.s32 @p0 $0x80;
	s20 =	simm.s32 @p0 $0x3000;
	[sflag:s30] =	ssyncadd.s32 $0xFFFFC000  }
0xe3: {  	[tilespmem:s20], [sflag:$0x1] =	stream.indirect.gather @p0 [hbm4b:s1+s15], $0x80, s6, s15, $0xb8;
	[tilespmem:$0x1F000] =	vst v63  }
0xe4: {  	s6 =	simm.s32 @p0 $0x4  }
0xe5: {  	_ =	swait.ge @p0 [sflag:s6], $0x4000  }
0xe6: {  	p1 =	sgt.s32 @p0 s9, $0xA;
	s15 =	simm.s32 @!p0 $0x1700;
	[sflag:s6] =	ssyncset.done @p0 $0x0  }
0xe7: {  	s20 =	simm.s32 @!p0 $0x3000;
	[sflag:s6] =	ssyncadd.s32 @p0 $0xFFFFC000;
	s6 =	simm.s32 @!p0 $0x80  }
0xe8: {  	[tilespmem:s20], [sflag:$0x1] =	stream.indirect.gather @!p0 [hbm4b:s2+s6], $0x80, s15, s6, $0xb8;
	[tilespmem:$0x1F000] =	vst v63  }
0xe9: {  	p2 =	por p1, !p0;
	s6 =	simm.s32 @!p0 $0x4  }
0xea: {  	p1 =	por !p1, !p0;
	s15 =	ssub.s32 @!p2 $0x2500, s23;
	_ =	swait.ge @!p0 [sflag:s6], $0x4000  }
0xeb: {  	s15 =	simm.s32 @!p1 $0x1500;
	[sflag:s6] =	ssyncset.done @!p0 $0x0  }
0xec: {  	s15 =	simm.s32 @!p0 $0x1500;
	[sflag:s6] =	ssyncadd.s32 @!p0 $0xFFFFC000  }
0xed: {  	[hbm4b:s4+s13] =	stream.indirect.scatter [tilespmem:s19], [sflag:$0xB], $0x80, s15, s13, $0xb8;
	[tilespmem:$0x1F000] =	vst v63  }
0xee: {  	p0 =	slt.s32 s9, $0x10;
	_ =	swait.ge [sflag:s26], $0x4000  }
0xef: {  	s6 =	ssub.s32 @p0 $0x2780, s23;
	[sflag:s26] =	ssyncset.done $0x0  }
0xf0: {  	s15 =	simm.s32 @p0 $0x80;
	s20 =	simm.s32 @p0 $0x7000;
	[sflag:s26] =	ssyncadd.s32 $0xFFFFC000  }
0xf1: {  	[tilespmem:s20], [sflag:$0x2] =	stream.indirect.gather @p0 [hbm4b:s1+s15], $0x80, s6, s15, $0xb8;
	[tilespmem:$0x1F000] =	vst v63  }
0xf2: {  	s6 =	simm.s32 @p0 $0x5  }
0xf3: {  	_ =	swait.ge @p0 [sflag:s6], $0x4000  }
0xf4: {  	p1 =	sgt.s32 @p0 s9, $0xB;
	s15 =	simm.s32 @!p0 $0x1780;
	[sflag:s6] =	ssyncset.done @p0 $0x0  }
0xf5: {  	s20 =	simm.s32 @!p0 $0x7000;
	[sflag:s6] =	ssyncadd.s32 @p0 $0xFFFFC000;
	s6 =	simm.s32 @!p0 $0x80  }
0xf6: {  	[tilespmem:s20], [sflag:$0x2] =	stream.indirect.gather @!p0 [hbm4b:s2+s6], $0x80, s15, s6, $0xb8;
	[tilespmem:$0x1F000] =	vst v63  }
0xf7: {  	p2 =	por p1, !p0;
	s6 =	simm.s32 @!p0 $0x5  }
0xf8: {  	p1 =	por !p1, !p0;
	s15 =	ssub.s32 @!p2 $0x2580, s23;
	_ =	swait.ge @!p0 [sflag:s6], $0x4000  }
0xf9: {  	s15 =	simm.s32 @!p1 $0x1580;
	[sflag:s6] =	ssyncset.done @!p0 $0x0  }
0xfa: {  	s15 =	simm.s32 @!p0 $0x1580;
	[sflag:s6] =	ssyncadd.s32 @!p0 $0xFFFFC000  }
0xfb: {  	[hbm4b:s4+s13] =	stream.indirect.scatter [tilespmem:s24], [sflag:$0xC], $0x80, s15, s13, $0xb8;
	[tilespmem:$0x1F000] =	vst v63  }
0xfc: {  	p0 =	slt.s32 s9, $0x11;
	_ =	swait.ge [sflag:s0], $0x4000  }
0xfd: {  	s6 =	ssub.s32 @p0 $0x2800, s23;
	[sflag:s0] =	ssyncset.done $0x0  }
0xfe: {  	s15 =	simm.s32 @p0 $0x80;
	s20 =	simm.s32 @p0 $0xB000;
	[sflag:s0] =	ssyncadd.s32 $0xFFFFC000  }
0xff: {  	[tilespmem:s20], [sflag:$0x3] =	stream.indirect.gather @p0 [hbm4b:s1+s15], $0x80, s6, s15, $0xb8;
	[tilespmem:$0x1F000] =	vst v63  }
0x100: {  	s6 =	simm.s32 @p0 $0x6  }
0x101: {  	_ =	swait.ge @p0 [sflag:s6], $0x4000  }
0x102: {  	p1 =	sgt.s32 @p0 s9, $0xC;
	s15 =	simm.s32 @!p0 $0x1800;
	[sflag:s6] =	ssyncset.done @p0 $0x0  }
0x103: {  	s20 =	simm.s32 @!p0 $0xB000;
	[sflag:s6] =	ssyncadd.s32 @p0 $0xFFFFC000;
	s6 =	simm.s32 @!p0 $0x80  }
0x104: {  	[tilespmem:s20], [sflag:$0x3] =	stream.indirect.gather @!p0 [hbm4b:s2+s6], $0x80, s15, s6, $0xb8;
	[tilespmem:$0x1F000] =	vst v63  }
0x105: {  	p2 =	por p1, !p0;
	s6 =	simm.s32 @!p0 $0x6  }
0x106: {  	p1 =	por !p1, !p0;
	s15 =	ssub.s32 @!p2 $0x2600, s23;
	_ =	swait.ge @!p0 [sflag:s6], $0x4000  }
0x107: {  	s15 =	simm.s32 @!p1 $0x1600;
	[sflag:s6] =	ssyncset.done @!p0 $0x0  }
0x108: {  	s15 =	simm.s32 @!p0 $0x1600;
	[sflag:s6] =	ssyncadd.s32 @!p0 $0xFFFFC000  }
0x109: {  	[hbm4b:s4+s13] =	stream.indirect.scatter [tilespmem:s12], [sflag:$0xD], $0x80, s15, s13, $0xb8;
	[tilespmem:$0x1F000] =	vst v63  }
0x10a: {  	p0 =	slt.s32 s9, $0x12;
	_ =	swait.ge [sflag:s3], $0x4000  }
0x10b: {  	s6 =	ssub.s32 @p0 $0x2880, s23;
	[sflag:s3] =	ssyncset.done $0x0  }
0x10c: {  	s15 =	simm.s32 @p0 $0x80;
	s20 =	simm.s32 @p0 $0xF000;
	[sflag:s3] =	ssyncadd.s32 $0xFFFFC000  }
0x10d: {  	[tilespmem:s20], [sflag:$0x4] =	stream.indirect.gather @p0 [hbm4b:s1+s15], $0x80, s6, s15, $0xb8;
	[tilespmem:$0x1F000] =	vst v63  }
0x10e: {  	s6 =	simm.s32 @p0 $0x7  }
0x10f: {  	_ =	swait.ge @p0 [sflag:s6], $0x4000  }
0x110: {  	p1 =	sgt.s32 @p0 s9, $0xD;
	s15 =	simm.s32 @!p0 $0x1880;
	[sflag:s6] =	ssyncset.done @p0 $0x0  }
0x111: {  	s20 =	simm.s32 @!p0 $0xF000;
	[sflag:s6] =	ssyncadd.s32 @p0 $0xFFFFC000;
	s6 =	simm.s32 @!p0 $0x80  }
0x112: {  	[tilespmem:s20], [sflag:$0x4] =	stream.indirect.gather @!p0 [hbm4b:s2+s6], $0x80, s15, s6, $0xb8;
	[tilespmem:$0x1F000] =	vst v63  }
0x113: {  	p2 =	por p1, !p0;
	s6 =	simm.s32 @!p0 $0x7  }
0x114: {  	p1 =	por !p1, !p0;
	s15 =	ssub.s32 @!p2 $0x2680, s23;
	_ =	swait.ge @!p0 [sflag:s6], $0x4000  }
0x115: {  	s15 =	simm.s32 @!p1 $0x1680;
	[sflag:s6] =	ssyncset.done @!p0 $0x0  }
0x116: {  	s17 =	simm.s32 $0x1B000;
	s15 =	simm.s32 @!p0 $0x1680;
	[sflag:s6] =	ssyncadd.s32 @!p0 $0xFFFFC000  }
0x117: {  	[hbm4b:s4+s13] =	stream.indirect.scatter [tilespmem:s17], [sflag:$0xE], $0x80, s15, s13, $0xb8;
	[tilespmem:$0x1F000] =	vst v63  }
0x118: {  	p0 =	slt.s32 s9, $0x13;
	_ =	swait.ge [sflag:s16], $0x4000  }
0x119: {  	s6 =	ssub.s32 @p0 $0x2900, s23;
	[sflag:s16] =	ssyncset.done $0x0  }
0x11a: {  	s15 =	simm.s32 @p0 $0x80;
	s20 =	simm.s32 @p0 $0x13000;
	[sflag:s16] =	ssyncadd.s32 $0xFFFFC000  }
0x11b: {  	[tilespmem:s20], [sflag:$0x5] =	stream.indirect.gather @p0 [hbm4b:s1+s15], $0x80, s6, s15, $0xb8;
	[tilespmem:$0x1F000] =	vst v63  }
0x11c: {  	s6 =	simm.s32 @p0 $0x1  }
0x11d: {  	_ =	swait.ge @p0 [sflag:s6], $0x4000  }
0x11e: {  	p1 =	sgt.s32 @p0 s9, $0xE;
	s15 =	simm.s32 @!p0 $0x1900;
	[sflag:s6] =	ssyncset.done @p0 $0x0  }
0x11f: {  	s20 =	simm.s32 @!p0 $0x13000;
	[sflag:s6] =	ssyncadd.s32 @p0 $0xFFFFC000;
	s6 =	simm.s32 @!p0 $0x80  }
0x120: {  	[tilespmem:s20], [sflag:$0x5] =	stream.indirect.gather @!p0 [hbm4b:s2+s6], $0x80, s15, s6, $0xb8;
	[tilespmem:$0x1F000] =	vst v63  }
0x121: {  	p2 =	por p1, !p0;
	s6 =	simm.s32 @!p0 $0x1  }
0x122: {  	p1 =	por !p1, !p0;
	s15 =	ssub.s32 @!p2 $0x2700, s23;
	_ =	swait.ge @!p0 [sflag:s6], $0x4000  }
0x123: {  	s15 =	simm.s32 @!p1 $0x1700;
	[sflag:s6] =	ssyncset.done @!p0 $0x0  }
0x124: {  	s15 =	simm.s32 @!p0 $0x1700;
	[sflag:s6] =	ssyncadd.s32 @!p0 $0xFFFFC000  }
0x125: {  	[hbm4b:s4+s13] =	stream.indirect.scatter [tilespmem:s28], [sflag:$0x8], $0x80, s15, s13, $0xb8;
	[tilespmem:$0x1F000] =	vst v63  }
0x126: {  	p0 =	slt.s32 s9, $0x14;
	_ =	swait.ge [sflag:s14], $0x4000  }
0x127: {  	s6 =	ssub.s32 @p0 $0x2980, s23;
	[sflag:s14] =	ssyncset.done $0x0  }
0x128: {  	s15 =	simm.s32 @p0 $0x80;
	s20 =	simm.s32 @p0 $0x17000;
	[sflag:s14] =	ssyncadd.s32 $0xFFFFC000  }
0x129: {  	[tilespmem:s20], [sflag:$0x6] =	stream.indirect.gather @p0 [hbm4b:s1+s15], $0x80, s6, s15, $0xb8;
	[tilespmem:$0x1F000] =	vst v63  }
0x12a: {  	s6 =	simm.s32 @p0 $0x2  }
0x12b: {  	_ =	swait.ge @p0 [sflag:s6], $0x4000  }
0x12c: {  	p1 =	sgt.s32 @p0 s9, $0xF;
	s15 =	simm.s32 @!p0 $0x1980;
	[sflag:s6] =	ssyncset.done @p0 $0x0  }
0x12d: {  	s20 =	simm.s32 @!p0 $0x17000;
	[sflag:s6] =	ssyncadd.s32 @p0 $0xFFFFC000;
	s6 =	simm.s32 @!p0 $0x80  }
0x12e: {  	[tilespmem:s20], [sflag:$0x6] =	stream.indirect.gather @!p0 [hbm4b:s2+s6], $0x80, s15, s6, $0xb8;
	[tilespmem:$0x1F000] =	vst v63  }
0x12f: {  	p2 =	por p1, !p0;
	s6 =	simm.s32 @!p0 $0x2  }
0x130: {  	p1 =	por !p1, !p0;
	s15 =	ssub.s32 @!p2 $0x2780, s23;
	_ =	swait.ge @!p0 [sflag:s6], $0x4000  }
0x131: {  	s15 =	simm.s32 @!p1 $0x1780;
	[sflag:s6] =	ssyncset.done @!p0 $0x0  }
0x132: {  	s15 =	simm.s32 @!p0 $0x1780;
	[sflag:s6] =	ssyncadd.s32 @!p0 $0xFFFFC000  }
0x133: {  	[hbm4b:s4+s13] =	stream.indirect.scatter [tilespmem:s21], [sflag:$0x9], $0x80, s15, s13, $0xb8;
	[tilespmem:$0x1F000] =	vst v63  }
0x134: {  	p0 =	slt.s32 s9, $0x15;
	_ =	swait.ge [sflag:s5], $0x4000  }
0x135: {  	s6 =	ssub.s32 @p0 $0x2A00, s23;
	[sflag:s5] =	ssyncset.done $0x0  }
0x136: {  	s15 =	simm.s32 @p0 $0x80;
	s20 =	simm.s32 @p0 $0x1B000;
	[sflag:s5] =	ssyncadd.s32 $0xFFFFC000  }
0x137: {  	[tilespmem:s20], [sflag:$0x7] =	stream.indirect.gather @p0 [hbm4b:s1+s15], $0x80, s6, s15, $0xb8;
	[tilespmem:$0x1F000] =	vst v63  }
0x138: {  	s6 =	simm.s32 @p0 $0x3  }
0x139: {  	_ =	swait.ge @p0 [sflag:s6], $0x4000  }
0x13a: {  	p1 =	sgt.s32 @p0 s9, $0x10;
	s15 =	simm.s32 @!p0 $0x1A00;
	[sflag:s6] =	ssyncset.done @p0 $0x0  }
0x13b: {  	s20 =	simm.s32 @!p0 $0x1B000;
	[sflag:s6] =	ssyncadd.s32 @p0 $0xFFFFC000;
	s6 =	simm.s32 @!p0 $0x80  }
0x13c: {  	[tilespmem:s20], [sflag:$0x7] =	stream.indirect.gather @!p0 [hbm4b:s2+s6], $0x80, s15, s6, $0xb8;
	[tilespmem:$0x1F000] =	vst v63  }
0x13d: {  	p2 =	por p1, !p0;
	s6 =	simm.s32 @!p0 $0x3  }
0x13e: {  	p1 =	por !p1, !p0;
	s15 =	ssub.s32 @!p2 $0x2800, s23;
	_ =	swait.ge @!p0 [sflag:s6], $0x4000  }
0x13f: {  	s15 =	simm.s32 @!p1 $0x1800;
	[sflag:s6] =	ssyncset.done @!p0 $0x0  }
0x140: {  	s15 =	simm.s32 @!p0 $0x1800;
	[sflag:s6] =	ssyncadd.s32 @!p0 $0xFFFFC000  }
0x141: {  	[hbm4b:s4+s13] =	stream.indirect.scatter [tilespmem:s22], [sflag:$0xA], $0x80, s15, s13, $0xb8;
	[tilespmem:$0x1F000] =	vst v63  }
0x142: {  	p0 =	slt.s32 s9, $0x16;
	_ =	swait.ge [sflag:s30], $0x4000  }
0x143: {  	s6 =	ssub.s32 @p0 $0x2A80, s23;
	[sflag:s30] =	ssyncset.done $0x0  }
0x144: {  	s15 =	simm.s32 @p0 $0x80;
	s20 =	simm.s32 @p0 $0x3000;
	[sflag:s30] =	ssyncadd.s32 $0xFFFFC000  }
0x145: {  	[tilespmem:s20], [sflag:$0x1] =	stream.indirect.gather @p0 [hbm4b:s1+s15], $0x80, s6, s15, $0xb8;
	[tilespmem:$0x1F000] =	vst v63  }
0x146: {  	s6 =	simm.s32 @p0 $0x4  }
0x147: {  	_ =	swait.ge @p0 [sflag:s6], $0x4000  }
0x148: {  	p1 =	sgt.s32 @p0 s9, $0x11;
	s15 =	simm.s32 @!p0 $0x1A80;
	[sflag:s6] =	ssyncset.done @p0 $0x0  }
0x149: {  	s20 =	simm.s32 @!p0 $0x3000;
	[sflag:s6] =	ssyncadd.s32 @p0 $0xFFFFC000;
	s6 =	simm.s32 @!p0 $0x80  }
0x14a: {  	[tilespmem:s20], [sflag:$0x1] =	stream.indirect.gather @!p0 [hbm4b:s2+s6], $0x80, s15, s6, $0xb8;
	[tilespmem:$0x1F000] =	vst v63  }
0x14b: {  	p2 =	por p1, !p0;
	s6 =	simm.s32 @!p0 $0x4  }
0x14c: {  	p1 =	por !p1, !p0;
	s15 =	ssub.s32 @!p2 $0x2880, s23;
	_ =	swait.ge @!p0 [sflag:s6], $0x4000  }
0x14d: {  	s15 =	simm.s32 @!p1 $0x1880;
	[sflag:s6] =	ssyncset.done @!p0 $0x0  }
0x14e: {  	s15 =	simm.s32 @!p0 $0x1880;
	[sflag:s6] =	ssyncadd.s32 @!p0 $0xFFFFC000  }
0x14f: {  	[hbm4b:s4+s13] =	stream.indirect.scatter [tilespmem:s19], [sflag:$0xB], $0x80, s15, s13, $0xb8;
	[tilespmem:$0x1F000] =	vst v63  }
0x150: {  	p0 =	slt.s32 s9, $0x17;
	_ =	swait.ge [sflag:s26], $0x4000  }
0x151: {  	s6 =	ssub.s32 @p0 $0x2B00, s23;
	[sflag:s26] =	ssyncset.done $0x0  }
0x152: {  	s15 =	simm.s32 @p0 $0x80;
	s20 =	simm.s32 @p0 $0x7000;
	[sflag:s26] =	ssyncadd.s32 $0xFFFFC000  }
0x153: {  	[tilespmem:s20], [sflag:$0x2] =	stream.indirect.gather @p0 [hbm4b:s1+s15], $0x80, s6, s15, $0xb8;
	[tilespmem:$0x1F000] =	vst v63  }
0x154: {  	s6 =	simm.s32 @p0 $0x5  }
0x155: {  	_ =	swait.ge @p0 [sflag:s6], $0x4000  }
0x156: {  	p1 =	sgt.s32 @p0 s9, $0x12;
	s15 =	simm.s32 @!p0 $0x1B00;
	[sflag:s6] =	ssyncset.done @p0 $0x0  }
0x157: {  	s20 =	simm.s32 @!p0 $0x7000;
	[sflag:s6] =	ssyncadd.s32 @p0 $0xFFFFC000;
	s6 =	simm.s32 @!p0 $0x80  }
0x158: {  	[tilespmem:s20], [sflag:$0x2] =	stream.indirect.gather @!p0 [hbm4b:s2+s6], $0x80, s15, s6, $0xb8;
	[tilespmem:$0x1F000] =	vst v63  }
0x159: {  	p2 =	por p1, !p0;
	s6 =	simm.s32 @!p0 $0x5  }
0x15a: {  	p1 =	por !p1, !p0;
	s15 =	ssub.s32 @!p2 $0x2900, s23;
	_ =	swait.ge @!p0 [sflag:s6], $0x4000  }
0x15b: {  	s15 =	simm.s32 @!p1 $0x1900;
	[sflag:s6] =	ssyncset.done @!p0 $0x0  }
0x15c: {  	s15 =	simm.s32 @!p0 $0x1900;
	[sflag:s6] =	ssyncadd.s32 @!p0 $0xFFFFC000  }
0x15d: {  	[hbm4b:s4+s13] =	stream.indirect.scatter [tilespmem:s24], [sflag:$0xC], $0x80, s15, s13, $0xb8;
	[tilespmem:$0x1F000] =	vst v63  }
0x15e: {  	p0 =	slt.s32 s9, $0x18;
	_ =	swait.ge [sflag:s0], $0x4000  }
0x15f: {  	s6 =	ssub.s32 @p0 $0x2B80, s23;
	[sflag:s0] =	ssyncset.done $0x0  }
0x160: {  	s15 =	simm.s32 @p0 $0x80;
	s20 =	simm.s32 @p0 $0xB000;
	[sflag:s0] =	ssyncadd.s32 $0xFFFFC000  }
0x161: {  	[tilespmem:s20], [sflag:$0x3] =	stream.indirect.gather @p0 [hbm4b:s1+s15], $0x80, s6, s15, $0xb8;
	[tilespmem:$0x1F000] =	vst v63  }
0x162: {  	s6 =	simm.s32 @p0 $0x6  }
0x163: {  	_ =	swait.ge @p0 [sflag:s6], $0x4000  }
0x164: {  	p1 =	sgt.s32 @p0 s9, $0x13;
	s15 =	simm.s32 @!p0 $0x1B80;
	[sflag:s6] =	ssyncset.done @p0 $0x0  }
0x165: {  	s20 =	simm.s32 @!p0 $0xB000;
	[sflag:s6] =	ssyncadd.s32 @p0 $0xFFFFC000;
	s6 =	simm.s32 @!p0 $0x80  }
0x166: {  	[tilespmem:s20], [sflag:$0x3] =	stream.indirect.gather @!p0 [hbm4b:s2+s6], $0x80, s15, s6, $0xb8;
	[tilespmem:$0x1F000] =	vst v63  }
0x167: {  	p2 =	por p1, !p0;
	s6 =	simm.s32 @!p0 $0x6  }
0x168: {  	p1 =	por !p1, !p0;
	s15 =	ssub.s32 @!p2 $0x2980, s23;
	_ =	swait.ge @!p0 [sflag:s6], $0x4000  }
0x169: {  	s15 =	simm.s32 @!p1 $0x1980;
	[sflag:s6] =	ssyncset.done @!p0 $0x0  }
0x16a: {  	s15 =	simm.s32 @!p0 $0x1980;
	[sflag:s6] =	ssyncadd.s32 @!p0 $0xFFFFC000  }
0x16b: {  	[hbm4b:s4+s13] =	stream.indirect.scatter [tilespmem:s12], [sflag:$0xD], $0x80, s15, s13, $0xb8;
	[tilespmem:$0x1F000] =	vst v63  }
0x16c: {  	p0 =	slt.s32 s9, $0x19;
	_ =	swait.ge [sflag:s3], $0x4000  }
0x16d: {  	s6 =	ssub.s32 @p0 $0x2C00, s23;
	[sflag:s3] =	ssyncset.done $0x0  }
0x16e: {  	s15 =	simm.s32 @p0 $0x80;
	s20 =	simm.s32 @p0 $0xF000;
	[sflag:s3] =	ssyncadd.s32 $0xFFFFC000  }
0x16f: {  	[tilespmem:s20], [sflag:$0x4] =	stream.indirect.gather @p0 [hbm4b:s1+s15], $0x80, s6, s15, $0xb8;
	[tilespmem:$0x1F000] =	vst v63  }
0x170: {  	s6 =	simm.s32 @p0 $0x7  }
0x171: {  	_ =	swait.ge @p0 [sflag:s6], $0x4000  }
0x172: {  	p1 =	sgt.s32 @p0 s9, $0x14;
	s15 =	simm.s32 @!p0 $0x1C00;
	[sflag:s6] =	ssyncset.done @p0 $0x0  }
0x173: {  	s20 =	simm.s32 @!p0 $0xF000;
	[sflag:s6] =	ssyncadd.s32 @p0 $0xFFFFC000;
	s6 =	simm.s32 @!p0 $0x80  }
0x174: {  	[tilespmem:s20], [sflag:$0x4] =	stream.indirect.gather @!p0 [hbm4b:s2+s6], $0x80, s15, s6, $0xb8;
	[tilespmem:$0x1F000] =	vst v63  }
0x175: {  	p2 =	por p1, !p0;
	s6 =	simm.s32 @!p0 $0x7  }
0x176: {  	p1 =	por !p1, !p0;
	s15 =	ssub.s32 @!p2 $0x2A00, s23;
	_ =	swait.ge @!p0 [sflag:s6], $0x4000  }
0x177: {  	s15 =	simm.s32 @!p1 $0x1A00;
	[sflag:s6] =	ssyncset.done @!p0 $0x0  }
0x178: {  	s15 =	simm.s32 @!p0 $0x1A00;
	[sflag:s6] =	ssyncadd.s32 @!p0 $0xFFFFC000  }
0x179: {  	[hbm4b:s4+s13] =	stream.indirect.scatter [tilespmem:s17], [sflag:$0xE], $0x80, s15, s13, $0xb8;
	[tilespmem:$0x1F000] =	vst v63  }
0x17a: {  	p0 =	slt.s32 s9, $0x1A;
	_ =	swait.ge [sflag:s16], $0x4000  }
0x17b: {  	s6 =	ssub.s32 @p0 $0x2C80, s23;
	[sflag:s16] =	ssyncset.done $0x0  }
0x17c: {  	s15 =	simm.s32 @p0 $0x80;
	s20 =	simm.s32 @p0 $0x13000;
	[sflag:s16] =	ssyncadd.s32 $0xFFFFC000  }
0x17d: {  	[tilespmem:s20], [sflag:$0x5] =	stream.indirect.gather @p0 [hbm4b:s1+s15], $0x80, s6, s15, $0xb8;
	[tilespmem:$0x1F000] =	vst v63  }
0x17e: {  	s6 =	simm.s32 @p0 $0x1  }
0x17f: {  	_ =	swait.ge @p0 [sflag:s6], $0x4000  }
0x180: {  	p1 =	sgt.s32 @p0 s9, $0x15;
	s15 =	simm.s32 @!p0 $0x1C80;
	[sflag:s6] =	ssyncset.done @p0 $0x0  }
0x181: {  	s20 =	simm.s32 @!p0 $0x13000;
	[sflag:s6] =	ssyncadd.s32 @p0 $0xFFFFC000;
	s6 =	simm.s32 @!p0 $0x80  }
0x182: {  	[tilespmem:s20], [sflag:$0x5] =	stream.indirect.gather @!p0 [hbm4b:s2+s6], $0x80, s15, s6, $0xb8;
	[tilespmem:$0x1F000] =	vst v63  }
0x183: {  	p2 =	por p1, !p0;
	s6 =	simm.s32 @!p0 $0x1  }
0x184: {  	p1 =	por !p1, !p0;
	s15 =	ssub.s32 @!p2 $0x2A80, s23;
	_ =	swait.ge @!p0 [sflag:s6], $0x4000  }
0x185: {  	s15 =	simm.s32 @!p1 $0x1A80;
	[sflag:s6] =	ssyncset.done @!p0 $0x0  }
0x186: {  	s15 =	simm.s32 @!p0 $0x1A80;
	[sflag:s6] =	ssyncadd.s32 @!p0 $0xFFFFC000  }
0x187: {  	[hbm4b:s4+s13] =	stream.indirect.scatter [tilespmem:s28], [sflag:$0x8], $0x80, s15, s13, $0xb8;
	[tilespmem:$0x1F000] =	vst v63  }
0x188: {  	p0 =	slt.s32 s9, $0x1B;
	_ =	swait.ge [sflag:s14], $0x4000  }
0x189: {  	s6 =	ssub.s32 @p0 $0x2D00, s23;
	[sflag:s14] =	ssyncset.done $0x0  }
0x18a: {  	s15 =	simm.s32 @p0 $0x80;
	s20 =	simm.s32 @p0 $0x17000;
	[sflag:s14] =	ssyncadd.s32 $0xFFFFC000  }
0x18b: {  	[tilespmem:s20], [sflag:$0x6] =	stream.indirect.gather @p0 [hbm4b:s1+s15], $0x80, s6, s15, $0xb8;
	[tilespmem:$0x1F000] =	vst v63  }
0x18c: {  	s6 =	simm.s32 @p0 $0x2  }
0x18d: {  	_ =	swait.ge @p0 [sflag:s6], $0x4000  }
0x18e: {  	p1 =	sgt.s32 @p0 s9, $0x16;
	s15 =	simm.s32 @!p0 $0x1D00;
	[sflag:s6] =	ssyncset.done @p0 $0x0  }
0x18f: {  	s20 =	simm.s32 @!p0 $0x17000;
	[sflag:s6] =	ssyncadd.s32 @p0 $0xFFFFC000;
	s6 =	simm.s32 @!p0 $0x80  }
0x190: {  	[tilespmem:s20], [sflag:$0x6] =	stream.indirect.gather @!p0 [hbm4b:s2+s6], $0x80, s15, s6, $0xb8;
	[tilespmem:$0x1F000] =	vst v63  }
0x191: {  	p2 =	por p1, !p0;
	s6 =	simm.s32 @!p0 $0x2  }
0x192: {  	p1 =	por !p1, !p0;
	s15 =	ssub.s32 @!p2 $0x2B00, s23;
	_ =	swait.ge @!p0 [sflag:s6], $0x4000  }
0x193: {  	s15 =	simm.s32 @!p1 $0x1B00;
	[sflag:s6] =	ssyncset.done @!p0 $0x0  }
0x194: {  	s15 =	simm.s32 @!p0 $0x1B00;
	[sflag:s6] =	ssyncadd.s32 @!p0 $0xFFFFC000  }
0x195: {  	[hbm4b:s4+s13] =	stream.indirect.scatter [tilespmem:s21], [sflag:$0x9], $0x80, s15, s13, $0xb8;
	[tilespmem:$0x1F000] =	vst v63  }
0x196: {  	p0 =	slt.s32 s9, $0x1C;
	_ =	swait.ge [sflag:s5], $0x4000  }
0x197: {  	s6 =	ssub.s32 @p0 $0x2D80, s23;
	[sflag:s5] =	ssyncset.done $0x0  }
0x198: {  	s15 =	simm.s32 @p0 $0x80;
	s20 =	simm.s32 @p0 $0x1B000;
	[sflag:s5] =	ssyncadd.s32 $0xFFFFC000  }
0x199: {  	[tilespmem:s20], [sflag:$0x7] =	stream.indirect.gather @p0 [hbm4b:s1+s15], $0x80, s6, s15, $0xb8;
	[tilespmem:$0x1F000] =	vst v63  }
0x19a: {  	s6 =	simm.s32 @p0 $0x3  }
0x19b: {  	_ =	swait.ge @p0 [sflag:s6], $0x4000  }
0x19c: {  	p1 =	sgt.s32 @p0 s9, $0x17;
	s15 =	simm.s32 @!p0 $0x1D80;
	[sflag:s6] =	ssyncset.done @p0 $0x0  }
0x19d: {  	s20 =	simm.s32 @!p0 $0x1B000;
	[sflag:s6] =	ssyncadd.s32 @p0 $0xFFFFC000;
	s6 =	simm.s32 @!p0 $0x80  }
0x19e: {  	[tilespmem:s20], [sflag:$0x7] =	stream.indirect.gather @!p0 [hbm4b:s2+s6], $0x80, s15, s6, $0xb8;
	[tilespmem:$0x1F000] =	vst v63  }
0x19f: {  	p2 =	por p1, !p0;
	s6 =	simm.s32 @!p0 $0x3  }
0x1a0: {  	p1 =	por !p1, !p0;
	s15 =	ssub.s32 @!p2 $0x2B80, s23;
	_ =	swait.ge @!p0 [sflag:s6], $0x4000  }
0x1a1: {  	s15 =	simm.s32 @!p1 $0x1B80;
	[sflag:s6] =	ssyncset.done @!p0 $0x0  }
0x1a2: {  	s17 =	simm.s32 $0xB000;
	s15 =	simm.s32 @!p0 $0x1B80;
	[sflag:s6] =	ssyncadd.s32 @!p0 $0xFFFFC000  }
0x1a3: {  	[hbm4b:s4+s13] =	stream.indirect.scatter [tilespmem:s17], [sflag:$0xA], $0x80, s15, s13, $0xb8;
	[tilespmem:$0x1F000] =	vst v63  }
0x1a4: {  	p0 =	slt.s32 s9, $0x1D;
	_ =	swait.ge [sflag:s30], $0x4000  }
0x1a5: {  	s6 =	ssub.s32 @p0 $0x2E00, s23;
	[sflag:s30] =	ssyncset.done $0x0  }
0x1a6: {  	s15 =	simm.s32 @p0 $0x80;
	s20 =	simm.s32 @p0 $0x3000;
	[sflag:s30] =	ssyncadd.s32 $0xFFFFC000  }
0x1a7: {  	[tilespmem:s20], [sflag:$0x1] =	stream.indirect.gather @p0 [hbm4b:s1+s15], $0x80, s6, s15, $0xb8;
	[tilespmem:$0x1F000] =	vst v63  }
0x1a8: {  	s6 =	simm.s32 @p0 $0x4  }
0x1a9: {  	_ =	swait.ge @p0 [sflag:s6], $0x4000  }
0x1aa: {  	p1 =	sgt.s32 @p0 s9, $0x18;
	s15 =	simm.s32 @!p0 $0x1E00;
	[sflag:s6] =	ssyncset.done @p0 $0x0  }
0x1ab: {  	s20 =	simm.s32 @!p0 $0x3000;
	[sflag:s6] =	ssyncadd.s32 @p0 $0xFFFFC000;
	s6 =	simm.s32 @!p0 $0x80  }
0x1ac: {  	[tilespmem:s20], [sflag:$0x1] =	stream.indirect.gather @!p0 [hbm4b:s2+s6], $0x80, s15, s6, $0xb8;
	[tilespmem:$0x1F000] =	vst v63  }
0x1ad: {  	p2 =	por p1, !p0;
	s6 =	simm.s32 @!p0 $0x4  }
0x1ae: {  	p1 =	por !p1, !p0;
	s15 =	ssub.s32 @!p2 $0x2C00, s23;
	_ =	swait.ge @!p0 [sflag:s6], $0x4000  }
0x1af: {  	s15 =	simm.s32 @!p1 $0x1C00;
	[sflag:s6] =	ssyncset.done @!p0 $0x0  }
0x1b0: {  	s15 =	simm.s32 @!p0 $0x1C00;
	[sflag:s6] =	ssyncadd.s32 @!p0 $0xFFFFC000  }
0x1b1: {  	[hbm4b:s4+s13] =	stream.indirect.scatter [tilespmem:s19], [sflag:$0xB], $0x80, s15, s13, $0xb8;
	[tilespmem:$0x1F000] =	vst v63  }
0x1b2: {  	p0 =	slt.s32 s9, $0x1E;
	_ =	swait.ge [sflag:s26], $0x4000  }
0x1b3: {  	s6 =	ssub.s32 @p0 $0x2E80, s23;
	[sflag:s26] =	ssyncset.done $0x0  }
0x1b4: {  	s15 =	simm.s32 @p0 $0x80;
	s20 =	simm.s32 @p0 $0x7000;
	[sflag:s26] =	ssyncadd.s32 $0xFFFFC000  }
0x1b5: {  	[tilespmem:s20], [sflag:$0x2] =	stream.indirect.gather @p0 [hbm4b:s1+s15], $0x80, s6, s15, $0xb8;
	[tilespmem:$0x1F000] =	vst v63  }
0x1b6: {  	s6 =	simm.s32 @p0 $0x5  }
0x1b7: {  	_ =	swait.ge @p0 [sflag:s6], $0x4000  }
0x1b8: {  	p1 =	sgt.s32 @p0 s9, $0x19;
	s15 =	simm.s32 @!p0 $0x1E80;
	[sflag:s6] =	ssyncset.done @p0 $0x0  }
0x1b9: {  	s20 =	simm.s32 @!p0 $0x7000;
	[sflag:s6] =	ssyncadd.s32 @p0 $0xFFFFC000;
	s6 =	simm.s32 @!p0 $0x80  }
0x1ba: {  	[tilespmem:s20], [sflag:$0x2] =	stream.indirect.gather @!p0 [hbm4b:s2+s6], $0x80, s15, s6, $0xb8;
	[tilespmem:$0x1F000] =	vst v63  }
0x1bb: {  	p2 =	por p1, !p0;
	s6 =	simm.s32 @!p0 $0x5  }
0x1bc: {  	p1 =	por !p1, !p0;
	s15 =	ssub.s32 @!p2 $0x2C80, s23;
	_ =	swait.ge @!p0 [sflag:s6], $0x4000  }
0x1bd: {  	s15 =	simm.s32 @!p1 $0x1C80;
	[sflag:s6] =	ssyncset.done @!p0 $0x0  }
0x1be: {  	s15 =	simm.s32 @!p0 $0x1C80;
	[sflag:s6] =	ssyncadd.s32 @!p0 $0xFFFFC000  }
0x1bf: {  	[hbm4b:s4+s13] =	stream.indirect.scatter [tilespmem:s24], [sflag:$0xC], $0x80, s15, s13, $0xb8;
	[tilespmem:$0x1F000] =	vst v63  }
0x1c0: {  	p0 =	slt.s32 s9, $0x1F;
	_ =	swait.ge [sflag:s0], $0x4000  }
0x1c1: {  	s6 =	ssub.s32 @p0 $0x2F00, s23;
	[sflag:s0] =	ssyncset.done $0x0  }
0x1c2: {  	s15 =	simm.s32 @p0 $0x80;
	s20 =	simm.s32 @p0 $0xB000;
	[sflag:s0] =	ssyncadd.s32 $0xFFFFC000  }
0x1c3: {  	[tilespmem:s20], [sflag:$0x3] =	stream.indirect.gather @p0 [hbm4b:s1+s15], $0x80, s6, s15, $0xb8;
	[tilespmem:$0x1F000] =	vst v63  }
0x1c4: {  	s6 =	simm.s32 @p0 $0x6  }
0x1c5: {  	_ =	swait.ge @p0 [sflag:s6], $0x4000  }
0x1c6: {  	p1 =	sgt.s32 @p0 s9, $0x1A;
	s15 =	simm.s32 @!p0 $0x1F00;
	[sflag:s6] =	ssyncset.done @p0 $0x0  }
0x1c7: {  	s20 =	simm.s32 @!p0 $0xB000;
	[sflag:s6] =	ssyncadd.s32 @p0 $0xFFFFC000;
	s6 =	simm.s32 @!p0 $0x80  }
0x1c8: {  	[tilespmem:s20], [sflag:$0x3] =	stream.indirect.gather @!p0 [hbm4b:s2+s6], $0x80, s15, s6, $0xb8;
	[tilespmem:$0x1F000] =	vst v63  }
0x1c9: {  	p2 =	por p1, !p0;
	s6 =	simm.s32 @!p0 $0x6  }
0x1ca: {  	p1 =	por !p1, !p0;
	s15 =	ssub.s32 @!p2 $0x2D00, s23;
	_ =	swait.ge @!p0 [sflag:s6], $0x4000  }
0x1cb: {  	s15 =	simm.s32 @!p1 $0x1D00;
	[sflag:s6] =	ssyncset.done @!p0 $0x0  }
0x1cc: {  	s15 =	simm.s32 @!p0 $0x1D00;
	[sflag:s6] =	ssyncadd.s32 @!p0 $0xFFFFC000;
	p0 =	slt.s32 s9, $0x20  }
.Ltmp6:
0x1cd: {  	_ = 	snop;
	(pc) =	sbr.rel @p0 .LBB2_28-.Ltmp6, $4  }
0x1ce: {  	[hbm4b:s4+s13] =	stream.indirect.scatter [tilespmem:s12], [sflag:$0xD], $0x80, s15, s13, $0xb8;
	[tilespmem:$0x1F000] =	vst v63  }
0x1cf: {  	_ =	swait.ge [sflag:s3], $0x4000  }
0x1d0: {  	s22 =	simm.s32 $0x1B000;
	[sflag:s3] =	ssyncset.done $0x0  }
0x1d1: {  	s28 =	simm.s32 $0x13000;
	s24 =	simm.s32 $0x17000;
	[sflag:s3] =	ssyncadd.s32 $0xFFFFC000  }
.Ltmp7:
0x1d2: {  	s6 =	simm.s32 $0x1F80;
	(pc) =	sbr.rel .LBB2_24-.Ltmp7, $4  }
0x1d3: {  	[tilespmem:s19], [sflag:$0x4] =	stream.indirect.gather [hbm4b:s2+s13], $0x80, s6, s13, $0xb8;
	[tilespmem:$0x1F000] =	vst v63  }
0x1d4: {  	_ =	swait.ge [sflag:s18], $0x4000  }
0x1d5: {  	[sflag:s18] =	ssyncset.done $0x0  }
0x1d6: {  	[sflag:s18] =	ssyncadd.s32 $0xFFFFC000  }
.LBB2_28:
0x1d7: {  	p0 =	sgt.s32 s9, $0x1B  }
.Ltmp8:
0x1d8: {  	s6 =	ssub.s32 $0x2F80, s23;
	(pc) =	sbr.rel @!p0 .LBB2_29-.Ltmp8, $4  }
0x1d9: {  	[tilespmem:s19], [sflag:$0x4] =	stream.indirect.gather [hbm4b:s1+s13], $0x80, s6, s13, $0xb8;
	[tilespmem:$0x1F000] =	vst v63  }
0x1da: {  	_ =	swait.ge [sflag:s18], $0x4000  }
0x1db: {  	[sflag:s18] =	ssyncset.done $0x0  }
0x1dc: {  	[sflag:s18] =	ssyncadd.s32 $0xFFFFC000  }
.LBB2_24:
0x1dd: {  	s6 =	simm.s32 $0x1D80;
	p0 =	sgt.s32 s9, $0x1C  }
0x1de: {  	[hbm4b:s4+s13] =	stream.indirect.scatter [tilespmem:s22], [sflag:$0xE], $0x80, s6, s13, $0xb8;
	[tilespmem:$0x1F000] =	vst v63  }
.Ltmp9:
0x1df: {  	_ = 	snop;
	(pc) =	sbr.rel @!p0 .LBB2_30-.Ltmp9, $4  }
0x1e0: {  	s22 =	simm.s32 $0x1  }
0x1e1: {  	_ =	swait.ge [sflag:s22], $0x4000  }
0x1e2: {  	[sflag:s22] =	ssyncset.done $0x0  }
0x1e3: {  	s20 =	simm.s32 $0xE00;
	s12 =	simm.s32 $0x3000;
	[sflag:s22] =	ssyncadd.s32 $0xFFFFC000  }
0x1e4: {  	p0 =	sgt.s32 s9, $0x1D  }
.Ltmp10:
0x1e5: {  	s6 =	simm.s32 $0x1E00;
	(pc) =	sbr.rel @!p0 .LBB2_31-.Ltmp10, $4  }
0x1e6: {  	[hbm4b:s4+s13] =	stream.indirect.scatter [tilespmem:s12], [sflag:$0x8], $0x80, s6, s13, $0xb8;
	[tilespmem:$0x1F000] =	vst v63  }
0x1e7: {  	_ =	swait.ge [sflag:s25], $0x4000  }
0x1e8: {  	[sflag:s25] =	ssyncset.done $0x0  }
0x1e9: {  	s20 =	simm.s32 $0xE80;
	[sflag:s25] =	ssyncadd.s32 $0xFFFFC000  }
0x1ea: {  	p0 =	sgt.s32 s9, $0x1E  }
.Ltmp11:
0x1eb: {  	s6 =	simm.s32 $0x1E80;
	(pc) =	sbr.rel @!p0 .LBB2_32-.Ltmp11, $4  }
0x1ec: {  	[hbm4b:s4+s13] =	stream.indirect.scatter [tilespmem:s21], [sflag:$0x9], $0x80, s6, s13, $0xb8;
	[tilespmem:$0x1F000] =	vst v63  }
0x1ed: {  	_ =	swait.ge [sflag:s29], $0x4000  }
0x1ee: {  	[sflag:s29] =	ssyncset.done $0x0  }
0x1ef: {  	s20 =	simm.s32 $0xF00;
	[sflag:s29] =	ssyncadd.s32 $0xFFFFC000  }
0x1f0: {  	s6 =	simm.s32 $0x1F00;
	p0 =	sgt.s32 s9, $0x1F  }
0x1f1: {  	[hbm4b:s4+s13] =	stream.indirect.scatter [tilespmem:s17], [sflag:$0xA], $0x80, s6, s13, $0xb8;
	[tilespmem:$0x1F000] =	vst v63  }
.Ltmp12:
0x1f2: {  	_ = 	snop;
	(pc) =	sbr.rel @p0 .LBB2_34-.Ltmp12, $4  }
.Ltmp13:
0x1f3: {  	_ = 	snop;
	(pc) =	sbr.rel @!p0 .LBB2_33-.Ltmp13, $4  }
0x1f4: {  	_ =	swait.ge [sflag:s31], $0x4000  }
0x1f5: {  	[sflag:s31] =	ssyncset.done $0x0  }
0x1f6: {  	s20 =	simm.s32 $0x0;
	s6 =	simm.s32 $0x1F80;
	[sflag:s31] =	ssyncadd.s32 $0xFFFFC000  }
0x1f7: {  	_ = 	snop  }
.LBB2_29:
0x1f8: {  	s6 =	ssub.s32 $0x2D80, s23  }
0x1f9: {  	[hbm4b:s4+s13] =	stream.indirect.scatter [tilespmem:s22], [sflag:$0xE], $0x80, s6, s13, $0xb8;
	[tilespmem:$0x1F000] =	vst v63  }
0x1fa: {  	s22 =	simm.s32 $0x1  }
0x1fb: {  	_ =	swait.ge [sflag:s22], $0x4000  }
0x1fc: {  	[sflag:s22] =	ssyncset.done $0x0  }
0x1fd: {  	s20 =	smov.u32 s23;
	s12 =	simm.s32 $0x3000;
	[sflag:s22] =	ssyncadd.s32 $0xFFFFC000  }
.LBB2_30:
0x1fe: {  	s6 =	ssub.s32 $0x2E00, s20  }
0x1ff: {  	[hbm4b:s4+s13] =	stream.indirect.scatter [tilespmem:s12], [sflag:$0x8], $0x80, s6, s13, $0xb8;
	[tilespmem:$0x1F000] =	vst v63  }
0x200: {  	_ =	swait.ge [sflag:s25], $0x4000  }
0x201: {  	[sflag:s25] =	ssyncset.done $0x0  }
0x202: {  	[sflag:s25] =	ssyncadd.s32 $0xFFFFC000  }
.LBB2_31:
0x203: {  	s6 =	ssub.s32 $0x2E80, s20  }
0x204: {  	[hbm4b:s4+s13] =	stream.indirect.scatter [tilespmem:s21], [sflag:$0x9], $0x80, s6, s13, $0xb8;
	[tilespmem:$0x1F000] =	vst v63  }
0x205: {  	_ =	swait.ge [sflag:s29], $0x4000  }
0x206: {  	[sflag:s29] =	ssyncset.done $0x0  }
0x207: {  	[sflag:s29] =	ssyncadd.s32 $0xFFFFC000  }
.LBB2_32:
0x208: {  	s6 =	ssub.s32 $0x2F00, s20  }
0x209: {  	[hbm4b:s4+s13] =	stream.indirect.scatter [tilespmem:s17], [sflag:$0xA], $0x80, s6, s13, $0xb8;
	[tilespmem:$0x1F000] =	vst v63  }
0x20a: {  	_ =	swait.ge [sflag:s31], $0x4000  }
0x20b: {  	[sflag:s31] =	ssyncset.done $0x0  }
0x20c: {  	s20 =	ssub.s32 $0xF80, s20;
	[sflag:s31] =	ssyncadd.s32 $0xFFFFC000  }
.LBB2_33:
0x20d: {  	s6 =	sadd.s32 $0x2000, s20  }
.LBB2_34:
0x20e: {  	[hbm4b:s4+s13] =	stream.indirect.scatter [tilespmem:s19], [sflag:$0xB], $0x80, s6, s13, $0xb8;
	[tilespmem:$0x1F000] =	vst v63  }
0x20f: {  	_ =	swait.ge [sflag:s16], $0x4000  }
0x210: {  	[sflag:s16] =	ssyncset.done $0x0  }
0x211: {  	[sflag:s16] =	ssyncadd.s32 $0xFFFFC000  }
0x212: {  	_ =	swait.ge [sflag:s14], $0x4000  }
0x213: {  	[sflag:s14] =	ssyncset.done $0x0  }
0x214: {  	[sflag:s14] =	ssyncadd.s32 $0xFFFFC000  }
0x215: {  	_ =	swait.ge [sflag:s5], $0x4000  }
0x216: {  	[sflag:s5] =	ssyncset.done $0x0  }
0x217: {  	[sflag:s5] =	ssyncadd.s32 $0xFFFFC000  }
0x218: {  	_ =	swait.ge [sflag:s30], $0x4000  }
0x219: {  	[sflag:s30] =	ssyncset.done $0x0  }
0x21a: {  	[sflag:s30] =	ssyncadd.s32 $0xFFFFC000  }
0x21b: {  	_ =	swait.ge [sflag:s26], $0x4000  }
0x21c: {  	[sflag:s26] =	ssyncset.done $0x0  }
0x21d: {  	[sflag:s26] =	ssyncadd.s32 $0xFFFFC000  }
0x21e: {  	s20 =	sand.u32 $0x7F, s8;
	_ =	swait.ge [sflag:s0], $0x4000  }
0x21f: {  	p0 =	seq.s32 s20, $0x0;
	[sflag:s0] =	ssyncset.done $0x0  }
0x220: {  	p1 =	slt.s32 @!p0 s9, $0x21;
	[sflag:s0] =	ssyncadd.s32 $0xFFFFC000  }
0x221: {  	p2 =	por !p1, p0;
	_ =	swait.ge [sflag:s3], $0x4000  }
0x222: {  	p1 =	por p1, p0;
	s6 =	ssub.s32 @!p2 $0x3000, s23;
	[sflag:s3] =	ssyncset.done $0x0  }
0x223: {  	s8 =	simm.s32 @!p2 $0x80;
	s9 =	simm.s32 @!p2 $0x13000;
	[sflag:s3] =	ssyncadd.s32 $0xFFFFC000  }
0x224: {  	[tilespmem:s9], [sflag:$0x5] =	stream.indirect.gather @!p2 [hbm4b:s1+s8], $0x80, s6, s8, $0xb8;
	[tilespmem:$0x1F000] =	vst v63  }
0x225: {  	s15 =	simm.s32 @!p1 $0x13000;
	s8 =	simm.s32 @!p1 $0x80;
	s9 =	simm.s32 @!p1 $0x1F80  }
0x226: {  	[tilespmem:s15], [sflag:$0x5] =	stream.indirect.gather @!p1 [hbm4b:s2+s8], $0x80, s9, s8, $0xb8;
	[tilespmem:$0x1F000] =	vst v63  }
0x227: {  	s8 =	simm.s32 @!p0 $0x5  }
0x228: {  	_ =	swait.ge @!p0 [sflag:s8], $0x4000  }
0x229: {  	s6 =	simm.s32 @p2 $0x1F80;
	[sflag:s8] =	ssyncset.done @!p0 $0x0  }
0x22a: {  	s9 =	simm.s32 @!p0 $0x13000;
	[sflag:s8] =	ssyncadd.s32 @!p0 $0xFFFFC000;
	s8 =	simm.s32 @!p0 $0x80  }
0x22b: {  	[hbm4b:s4+s8] =	stream.indirect.scatter @!p0 [tilespmem:s9], [sflag:$0xC], $0x80, s6, s8, $0xb8;
	[tilespmem:$0x1F000] =	vst v63  }
0x22c: {  	s6 =	simm.s32 @!p0 $0xC  }
0x22d: {  	_ =	swait.ge @!p0 [sflag:s6], $0x4000  }
0x22e: {  	s7 =	sadd.s32 $0x1, s7;
	s23 =	rddreg [dreg:$0x7]  }
0x22f: {  	p1 =	sne.s32 s7, s23  }
.Ltmp14:
0x230: {  	_ = 	snop;
	(pc) =	sbr.rel @p1 .LBB2_1-.Ltmp14, $4  }
.Ltmp15:
0x231: {  	_ = 	snop;
	(pc) =	sbr.rel @!p1 .LBB2_35-.Ltmp15, $4  }
0x232: {  	_ = 	snop  }
0x233: {  	[sflag:s6] =	ssyncset.done @!p0 $0x0  }
0x234: {  	[sflag:s6] =	ssyncadd.s32 @!p0 $0xFFFFC000  }
0x235: {  	_ = 	snop  }
.LBB2_8:
.Ltmp16:
0x236: {  	(pc) =	sbr.rel .LBB2_9-.Ltmp16, $2  }
0x237: {  	_ =	sdelay $0x2  }
0x238: {  	s20 =	sand.u32 $0xFFFFFF80, s23;
	p1 =	por $0x1, $0x1  }
.LBB2_13:
0x239: {  	p1 =	sgt.u32 s9, $0x4  }
.Ltmp17:
0x23a: {  	_ = 	snop;
	(pc) =	sbr.rel @!p1 .LBB2_14-.Ltmp17, $3  }
0x23b: {  	_ =	sdelay $0x1  }
0x23c: {  	s6 =	simm.s32 $0x1180  }
0x23d: {  	[tilespmem:s19], [sflag:$0x4] =	stream.indirect.gather [hbm4b:s2+s13], $0x80, s6, s13, $0xb8;
	[tilespmem:$0x1F000] =	vst v63  }
0x23e: {  	s6 =	simm.s32 $0x1200;
	p0 =	sne.s32 s9, $0x5  }
0x23f: {  	[tilespmem:s28], [sflag:$0x5] =	stream.indirect.gather [hbm4b:s2+s13], $0x80, s6, s13, $0xb8;
	[tilespmem:$0x1F000] =	vst v63  }
.Ltmp18:
0x240: {  	_ = 	snop;
	(pc) =	sbr.rel @p0 .LBB2_19-.Ltmp18, $4  }
0x241: {  	_ =	swait.ge [sflag:s22], $0x4000  }
0x242: {  	[sflag:s22] =	ssyncset.done $0x0  }
0x243: {  	[sflag:s22] =	ssyncadd.s32 $0xFFFFC000  }
0x244: {  	[hbm4b:s4+s13] =	stream.indirect.scatter [tilespmem:s12], [sflag:$0x8], $0x80, s10, s13, $0xb8;
	[tilespmem:$0x1F000] =	vst v63  }
.Ltmp19:
0x245: {  	(pc) =	sbr.rel .LBB2_18-.Ltmp19, $3  }
0x246: {  	_ =	sdelay $0x1  }
0x247: {  	p0 =	por $0x1, $0x1;
	s20 =	simm.s32 $0x280;
	p4 =	por $0x1, $0x1  }
0x248: {  	p1 =	por $0x1, $0x1;
	p3 =	por $0x1, $0x1;
	s17 =	simm.s32 $0x1B000  }
.LBB2_14:
.Ltmp20:
0x249: {  	(pc) =	sbr.rel .LBB2_15-.Ltmp20, $3  }
0x24a: {  	_ =	sdelay $0x1  }
0x24b: {  	s20 =	sand.u32 $0xFFFFFF80, s23  }
0x24c: {  	p4 =	por $0x1, $0x1;
	p1 =	por $0x1, $0x1;
	p3 =	por $0x1, $0x1  }
.LBB2_19:
0x24d: {  	s6 =	simm.s32 $0x1280;
	p0 =	sgt.u32 s9, $0x6  }
0x24e: {  	[tilespmem:s24], [sflag:$0x6] =	stream.indirect.gather [hbm4b:s2+s13], $0x80, s6, s13, $0xb8;
	[tilespmem:$0x1F000] =	vst v63  }
.Ltmp21:
0x24f: {  	_ = 	snop;
	(pc) =	sbr.rel @!p0 .LBB2_20-.Ltmp21, $4  }
0x250: {  	_ =	swait.ge [sflag:s25], $0x4000  }
0x251: {  	[sflag:s25] =	ssyncset.done $0x0  }
0x252: {  	s28 =	simm.s32 $0x1080;
	s17 =	simm.s32 $0x1B000;
	[sflag:s25] =	ssyncadd.s32 $0xFFFFC000  }
0x253: {  	[hbm4b:s4+s13] =	stream.indirect.scatter [tilespmem:s21], [sflag:$0x9], $0x80, s28, s13, $0xb8;
	[tilespmem:$0x1F000] =	vst v63  }
.Ltmp22:
0x254: {  	s6 =	simm.s32 $0x1300;
	(pc) =	sbr.rel .LBB2_22-.Ltmp22, $4  }
0x255: {  	[tilespmem:s17], [sflag:$0x7] =	stream.indirect.gather [hbm4b:s2+s13], $0x80, s6, s13, $0xb8;
	[tilespmem:$0x1F000] =	vst v63  }
0x256: {  	p3 =	por $0x1, $0x1;
	_ =	swait.ge [sflag:s29], $0x4000  }
0x257: {  	s20 =	simm.s32 $0x1100;
	p0 =	por $0x1, $0x1;
	[sflag:s29] =	ssyncset.done $0x0  }
0x258: {  	p2 =	por $0x1, $0x1;
	p1 =	por $0x1, $0x1;
	[sflag:s29] =	ssyncadd.s32 $0xFFFFC000  }
.LBB2_20:
.Ltmp23:
0x259: {  	(pc) =	sbr.rel .LBB2_21-.Ltmp23, $3  }
0x25a: {  	_ =	sdelay $0x1  }
0x25b: {  	s20 =	sand.u32 $0xFFFFFF80, s23;
	p2 =	por $0x1, $0x1  }
0x25c: {  	p0 =	por $0x1, $0x1;
	p4 =	por $0x1, $0x1;
	p3 =	por $0x1, $0x1  }
.LBB2_35:
0x25d: {  	_ =	sfence.sel $0x180000  }
0x25e: {  	[bflag:$0x0] =	sbarrier.arrive $0xFFFF  }
0x25f: {  	_ =	strace $0x90000047  }
0x260: {  	s0 =	stileid.u32;
	[bflag:$0x2] =	sbarrier.arrive $0xFFFF  }
0x261: {  	p0 =	sne.s32 s0, $0x0;
	s0 =	rddreg [dreg:$0x4]  }
0x262: {  	s0 =	sadd.s32 @!p0 $0x100000, s0  }
0x263: {  	[sflag:s0] =	ssyncadd.tile.s32 @!p0 $0x1;
	_ =	shalt  }
.Lfunc_end2:
_tile_overlayer_lowered:
.L_overlay_start_2:
0x264: {  	(tag) =	ssettag $0x2  }
0x265: {  	s0 =	rddreg [dreg:$0x0];
	s2 =	stileid.u32  }
0x266: {  	s1 =	rddreg [dreg:$0x1];
	p0 =	sne.s32 s2, $0x0  }
0x267: {  	s3 =	rddreg [dreg:$0x2];
	[bflag:$0x3] =	sbarrier.arrive $0xFFFF;
	s2 =	simm.s32 @!p0 $0x1C0F  }
0x268: {  	[timem:s3], [sflag:s2] =	dma.local @!p0 [hbm:s0], s1  }
0x269: {  	s0 =	simm.s32 @!p0 $0xF  }
0x26a: {  	_ =	swait.ge @!p0 [sflag:s0], s1  }
0x26b: {  	s1 =	ssub.s32 @!p0 $0x0, s1;
	[sflag:s0] =	ssyncset.done @!p0 $0x0  }
0x26c: {  	[sflag:s0] =	ssyncadd.s32 @!p0 s1  }
0x26d: {  	[bflag:$0x3] =	sbarrier.arrive $0xFFFF  }
0x26e: {  	_ =	shalt  }

</sc_bundles>
